<compile_context>
chip_gen: v7x
topology: tpu7x:2x2x1
jax: 0.10.2.dev20260603
libtpu: 0.0.44.dev20260713+nightly
codegen_flags: <defaults>
</compile_context>

<pallas_src>
import functools

import jax
import jax.numpy as jnp
from jax import lax
from jax.experimental import pallas as pl
from jax.experimental.pallas import tpu as pltpu
from jax.experimental.pallas import tpu_sc as plsc

N = 10000
NP = 10240
E = 320000
EP = 327680
PAD = EP - E
EPR = EP // 128
NC = 2
NS = 16
NW = NC * NS
RT = NP // NS
CH = 64
IB = 8
BR = 1024
F32 = jnp.float32

_mesh = functools.partial(
    plsc.VectorSubcoreMesh, core_axis_name="c", subcore_axis_name="s")



def _zero_rows(buf, nrows, width, dtype=F32):
  z = jnp.zeros((16,), dtype)
  def f(i, _):
    for k in range(width // 16):
      buf[i, pl.ds(k * 16, 16)] = z
    return 0
  lax.fori_loop(0, nrows, f, 0, unroll=False)


def _deg_body(dst_hbm, out_hbm, idx_v, hist_v):
  c = lax.axis_index("c")
  s = lax.axis_index("s")
  wid = c * NS + s
  nch = EP // NW // 128
  zi = jnp.zeros((16,), jnp.int32)
  def fz(i, _):
    hist_v[pl.ds(i * 16, 16)] = zi
    return 0
  lax.fori_loop(0, NP // 16, fz, 0, unroll=False)
  pltpu.sync_copy(dst_hbm.at[pl.ds(wid * nch, nch)], idx_v)
  cal, _ = plsc.scan_count(jnp.zeros((16,), jnp.int32))
  corr = 16 - jnp.max(cal)
  def step(i, _):
    ivs = [idx_v[i, pl.ds(k * 16, 16)] for k in range(8)]
    cls = [plsc.scan_count(iv) for iv in ivs]
    for iv, (cnt, last) in zip(ivs, cls):
      plsc.addupdate_scatter(hist_v, [iv], cnt + corr, mask=last)
    return 0
  lax.fori_loop(0, nch, step, 0, unroll=False)
  pltpu.sync_copy(hist_v, out_hbm.at[wid])


def _sc_degree(dst2d):
  nch = EP // NW // 128
  return pl.kernel(
      _deg_body,
      out_type=jax.ShapeDtypeStruct((NW, NP), jnp.int32),
      mesh=_mesh(),
      compiler_params=pltpu.CompilerParams(needs_layout_passes=False),
      scratch_types=[
          pltpu.VMEM((nch, 128), jnp.int32),
          pltpu.VMEM((NP,), jnp.int32),
      ],
  )(dst2d)


def _spmm_body(nch, conv1, src_hbm, dst_hbm, tab_hbm, out_hbm,
               sidx, didx, b0, b1, b2, b3, acc_sh,
               g0, g1, g2, g3, s0, s1, s2, s3, isem_s, isem_d):
  c = lax.axis_index("c")
  s = lax.axis_index("s")
  if conv1:
    sbase = c * (EP // CH) + s * nch
    dbase = s * nch
  else:
    sbase = (c * NS + s) * nch
    dbase = sbase
  bufs = (b0, b1, b2, b3)
  gsems = (g0, g1, g2, g3)
  ssems = (s0, s1, s2, s3)
  nst = nch // IB

  def load_idx(bank, t, wait):
    a = pltpu.make_async_copy(
        src_hbm.at[pl.ds(sbase + t * IB, IB)], sidx.at[pl.ds(bank * IB, IB)],
        isem_s)
    b = pltpu.make_async_copy(
        dst_hbm.at[pl.ds(dbase + t * IB, IB)], didx.at[pl.ds(bank * IB, IB)],
        isem_d)
    if wait:
      a.wait()
      b.wait()
    else:
      a.start()
      b.start()

  def gather(row, bi, wait):
    d = pltpu.make_async_copy(tab_hbm.at[sidx.at[row]], bufs[bi], gsems[bi])
    if wait:
      d.wait()
    else:
      d.start()

  load_idx(0, 0, wait=False)
  load_idx(0, 0, wait=True)
  load_idx(1, 1, wait=False)
  for q in range(3):
    gather(q, q, wait=False)
  _zero_rows(b3, CH, 128)
  for k in range(RT // CH):
    pltpu.sync_copy(b3, acc_sh.at[pl.ds(s * RT + k * CH, CH)])
  plsc.subcore_barrier()

  def stage_pair(tp, _):
    for bank in (0, 1):
      t = tp * 2 + bank
      nb = 1 - bank
      for ql in range(IB):
        bq = ql % 4
        rq = bank * IB + ql
        pb = (ql - 1) % 4
        gather(rq, bq, wait=True)
        pltpu.async_copy(bufs[bq], acc_sh.at[didx.at[rq]], ssems[bq],
                         add=True)
        if ql == 0:
          @pl.when(t >= 1)
          def _():
            pltpu.make_async_copy(
                bufs[pb], acc_sh.at[didx.at[rq]], ssems[pb]).wait()
          @pl.when(jnp.logical_and(t >= 1, t + 1 < nst))
          def _():
            load_idx(nb, t + 1, wait=False)
        else:
          pltpu.make_async_copy(
              bufs[pb], acc_sh.at[didx.at[rq]], ssems[pb]).wait()
        if ql == IB - 4:
          @pl.when(t + 1 < nst)
          def _():
            load_idx(nb, t + 1, wait=True)
        if ql < IB - 3:
          gather(rq + 3, pb, wait=False)
        else:
          @pl.when(t + 1 < nst)
          def _():
            gather(nb * IB + ql + 3 - IB, pb, wait=False)
    return 0
  lax.fori_loop(0, nst // 2, stage_pair, 0, unroll=False)
  pltpu.make_async_copy(
      bufs[(IB - 1) % 4], acc_sh.at[didx.at[0]], ssems[(IB - 1) % 4]).wait()
  plsc.subcore_barrier()
  obase = c * NP + s * RT
  pltpu.sync_copy(acc_sh.at[pl.ds(s * RT, RT)],
                  out_hbm.at[pl.ds(obase, RT)])


def _sc_spmm(src2d, dst2d, table, conv1):
  nch = EP // NS // CH if conv1 else EP // NW // CH
  body = functools.partial(_spmm_body, nch, conv1)
  return pl.kernel(
      body,
      out_type=jax.ShapeDtypeStruct((NC * NP, 128), F32),
      mesh=_mesh(),
      scratch_types=[
          pltpu.VMEM((2 * IB, CH), jnp.int32),
          pltpu.VMEM((2 * IB, CH), jnp.int32),
          pltpu.VMEM((CH, 128), F32),
          pltpu.VMEM((CH, 128), F32),
          pltpu.VMEM((CH, 128), F32),
          pltpu.VMEM((CH, 128), F32),
          pltpu.VMEM_SHARED((NP, 128), F32),
          pltpu.SemaphoreType.DMA,
          pltpu.SemaphoreType.DMA,
          pltpu.SemaphoreType.DMA,
          pltpu.SemaphoreType.DMA,
          pltpu.SemaphoreType.DMA,
          pltpu.SemaphoreType.DMA,
          pltpu.SemaphoreType.DMA,
          pltpu.SemaphoreType.DMA,
          pltpu.SemaphoreType.DMA,
          pltpu.SemaphoreType.DMA,
      ],
  )(src2d, dst2d, table)


def _edge_body(a_hbm, c_hbm, src_hbm, dst_hbm, y_hbm,
               a_v, c_v, si, di, y_v):
  c = lax.axis_index("c")
  s = lax.axis_index("s")
  wid = c * NS + s
  ept = E // NW
  pltpu.sync_copy(a_hbm, a_v)
  pltpu.sync_copy(c_hbm, c_v)
  pltpu.sync_copy(src_hbm.at[pl.ds(wid * ept, ept)], si)
  pltpu.sync_copy(dst_hbm.at[pl.ds(wid * ept, ept)], di)
  def step(i, _):
    ts = []
    for k in range(5):
      iv = si[pl.ds(i * 80 + k * 16, 16)]
      jv = di[pl.ds(i * 80 + k * 16, 16)]
      av = plsc.load_gather(a_v, [iv])
      cv = plsc.load_gather(c_v, [jv])
      ts.append(av + cv)
    es = [jnp.exp(-t) for t in ts]
    for k, e in enumerate(es):
      y_v[pl.ds(i * 80 + k * 16, 16)] = 1.0 / (1.0 + e)
    return 0
  lax.fori_loop(0, ept // 80, step, 0, unroll=False)
  pltpu.sync_copy(y_v, y_hbm.at[pl.ds(wid * ept, ept)])


def _sc_edge(a, cc, src1d, dst1d):
  ept = E // NW
  return pl.kernel(
      _edge_body,
      out_type=jax.ShapeDtypeStruct((E,), F32),
      mesh=_mesh(),
      compiler_params=pltpu.CompilerParams(needs_layout_passes=False),
      scratch_types=[
          pltpu.VMEM((NP,), F32),
          pltpu.VMEM((NP,), F32),
          pltpu.VMEM((ept,), jnp.int32),
          pltpu.VMEM((ept,), jnp.int32),
          pltpu.VMEM((ept,), F32),
      ],
  )(a, cc, src1d, dst1d)



def _dinv_block(degw, i):
  deg = jnp.sum(degw, axis=0).astype(F32)[:, None] + 1.0
  rows = i * BR + lax.broadcasted_iota(jnp.int32, (BR, 1), 0)
  return jnp.where(rows < N, lax.rsqrt(deg), 0.0)


def _tc1_body(x_ref, we_ref, be_ref, wg1_ref, degw_ref, o_ref):
  i = pl.program_id(0)
  h0 = jnp.maximum(x_ref[...] @ we_ref[...] + be_ref[...][None, :], 0.0)
  hw1 = h0 @ wg1_ref[...]
  dinv = _dinv_block(degw_ref[...], i)
  g1 = dinv * hw1
  o_ref[0] = g1[:, :128]
  o_ref[1] = g1[:, 128:]


def _tc2_body(s1_ref, g1_ref, degw_ref, bg1_ref, wg2_ref, o_ref):
  i = pl.program_id(0)
  dinv = _dinv_block(degw_ref[...], i)
  t = s1_ref[...] + g1_ref[...]
  pre = jnp.concatenate([t[0], t[1]], axis=1)
  h1 = jnp.maximum(dinv * pre + bg1_ref[...][None, :], 0.0)
  o_ref[...] = dinv * (h1 @ wg2_ref[...])


def _tc3_body(s2_ref, g2_ref, degw_ref, bg2_ref, wsw_ref, bsw_ref,
              wv_ref, bv_ref, ac_ref, v_ref):
  i = pl.program_id(0)
  dinv = _dinv_block(degw_ref[...], i)
  pre = s2_ref[0] + s2_ref[1] + g2_ref[...]
  h2 = jnp.maximum(dinv * pre + bg2_ref[...][None, :], 0.0)
  a = h2 @ wsw_ref[:128, :] + bsw_ref[...][None, :]
  cc = h2 @ wsw_ref[128:, :]
  vr = jax.nn.sigmoid(h2 @ wv_ref[...] + bv_ref[...][None, :])
  v = 0.9 + 0.2 * vr
  ac_ref[0] = a
  ac_ref[1] = cc
  v_ref[...] = v * v


def _row_spec(shape):
  nd = len(shape)
  return pl.BlockSpec(shape, lambda i, _n=nd: (0,) * _n)


def _tc1(x_pad, W_enc, b_enc, W_g1, degw):
  return pl.pallas_call(
      _tc1_body,
      grid=(NP // BR,),
      in_specs=[
          pl.BlockSpec((BR, 128), lambda i: (i, 0)),
          _row_spec((128, 256)),
          _row_spec((256,)),
          _row_spec((256, 256)),
          pl.BlockSpec((NW, BR), lambda i: (0, i)),
      ],
      out_specs=pl.BlockSpec((2, BR, 128), lambda i: (0, i, 0)),
      out_shape=jax.ShapeDtypeStruct((2, NP, 128), F32),
  )(x_pad, W_enc, b_enc, W_g1, degw)


def _tc2(s1, g1, degw, b_g1, W_g2):
  return pl.pallas_call(
      _tc2_body,
      grid=(NP // BR,),
      in_specs=[
          pl.BlockSpec((2, BR, 128), lambda i: (0, i, 0)),
          pl.BlockSpec((2, BR, 128), lambda i: (0, i, 0)),
          pl.BlockSpec((NW, BR), lambda i: (0, i)),
          _row_spec((256,)),
          _row_spec((256, 128)),
      ],
      out_specs=pl.BlockSpec((BR, 128), lambda i: (i, 0)),
      out_shape=jax.ShapeDtypeStruct((NP, 128), F32),
  )(s1, g1, degw, b_g1, W_g2)


def _tc3(s2, g2, degw, b_g2, W_sw, b_sw, W_v, b_v):
  return pl.pallas_call(
      _tc3_body,
      grid=(NP // BR,),
      in_specs=[
          pl.BlockSpec((2, BR, 128), lambda i: (0, i, 0)),
          pl.BlockSpec((BR, 128), lambda i: (i, 0)),
          pl.BlockSpec((NW, BR), lambda i: (0, i)),
          _row_spec((128,)),
          _row_spec((256, 1)),
          _row_spec((1,)),
          _row_spec((128, 1)),
          _row_spec((1,)),
      ],
      out_specs=[
          pl.BlockSpec((2, BR, 1), lambda i: (0, i, 0)),
          pl.BlockSpec((BR, 1), lambda i: (i, 0)),
      ],
      out_shape=[
          jax.ShapeDtypeStruct((2, NP, 1), F32),
          jax.ShapeDtypeStruct((NP, 1), F32),
      ],
  )(s2, g2, degw, b_g2, W_sw, b_sw, W_v, b_v)



def kernel(x, edge_index, W_enc, b_enc, W_g1, b_g1, W_g2, b_g2,
           W_sw, b_sw, W_v, b_v):
  src = edge_index[0]
  dst = edge_index[1]
  pad = N + (jnp.arange(PAD, dtype=jnp.int32) % (NP - N))
  srcp = jnp.concatenate([src, pad])
  dstp = jnp.concatenate([dst, pad])
  src2d = srcp.reshape(EP // CH, CH)
  dst2d = dstp.reshape(EP // CH, CH)
  dst2d_deg = dstp.reshape(EPR, 128)
  src2d_c = jnp.concatenate([src2d, src2d + NP], axis=0)
  x_pad = jnp.pad(x, ((0, NP - N), (0, 0)))

  degw = _sc_degree(dst2d_deg)
  g1 = _tc1(x_pad, W_enc, b_enc, W_g1, degw)
  s1 = _sc_spmm(src2d_c, dst2d, g1.reshape(NC * NP, 128), conv1=True)
  g2 = _tc2(s1.reshape(2, NP, 128), g1, degw, b_g1, W_g2)
  s2 = _sc_spmm(src2d, dst2d, g2, conv1=False)
  ac, v = _tc3(s2.reshape(2, NP, 128), g2, degw, b_g2, W_sw, b_sw, W_v, b_v)
  a = ac[0, :, 0]
  cc = ac[1, :, 0]
  y_warm = _sc_edge(a, cc, srcp, dstp)
  v_warm = v[:N, 0]
  return (y_warm, v_warm)

# --- scband reference (transcript-rebuilt; emitter-appended) ---
"""Pipeline reference for scband-cvx-19284403159778 (READ-ONLY COPY).

The authoritative reference and input builder live on the scoring server;
editing this copy changes nothing except your own understanding.
"""

import jax, jax.numpy as jnp
import numpy as np

N = 10000
E = 320000
D_IN = 128
H = 256
LATENT = 128


def setup_inputs(seed: int = 0) -> dict:
    key = jax.random.key(seed)
    ks = jax.random.split(key, 14)
    x = jax.random.normal(ks[0], (N, D_IN), dtype=jnp.float32)
    edge_index = jax.random.randint(ks[1], (2, E), 0, N, dtype=jnp.int32)
    def lin(k, fan_in, fan_out):
        return jax.random.normal(k, (fan_in, fan_out), dtype=jnp.float32) * (1.0 / np.sqrt(fan_in))
    W_enc = lin(ks[2], D_IN, H)
    b_enc = jnp.zeros((H,), dtype=jnp.float32)
    W_g1 = lin(ks[3], H, H)
    b_g1 = jnp.zeros((H,), dtype=jnp.float32)
    W_g2 = lin(ks[4], H, LATENT)
    b_g2 = jnp.zeros((LATENT,), dtype=jnp.float32)
    W_sw = lin(ks[5], 2 * LATENT, 1)
    b_sw = jnp.zeros((1,), dtype=jnp.float32)
    W_v = lin(ks[6], LATENT, 1)
    b_v = jnp.zeros((1,), dtype=jnp.float32)
    return {"x": x, "edge_index": edge_index, "W_enc": W_enc, "b_enc": b_enc,
            "W_g1": W_g1, "b_g1": b_g1, "W_g2": W_g2, "b_g2": b_g2,
            "W_sw": W_sw, "b_sw": b_sw, "W_v": W_v, "b_v": b_v}


def _gcn_conv(h, edge_index, W, b):
    # PyG-style GCNConv: add self loops, symmetric normalization, scatter-add aggregation.
    n = h.shape[0]
    loop = jnp.arange(n, dtype=edge_index.dtype)
    src = jnp.concatenate([edge_index[0], loop])
    dst = jnp.concatenate([edge_index[1], loop])
    deg = jnp.zeros((n,), dtype=h.dtype).at[dst].add(1.0)
    dinv = jnp.where(deg > 0, 1.0 / jnp.sqrt(deg), 0.0)
    hw = h @ W
    norm = (dinv[src] * dinv[dst])[:, None]
    msg = jnp.take(hw, src, axis=0) * norm
    out = jax.ops.segment_sum(msg, dst, num_segments=n)
    return out + b


def reference(x, edge_index, W_enc, b_enc, W_g1, b_g1, W_g2, b_g2, W_sw, b_sw, W_v, b_v):
    h = jax.nn.relu(x @ W_enc + b_enc)
    h = jax.nn.relu(_gcn_conv(h, edge_index, W_g1, b_g1))
    h = jax.nn.relu(_gcn_conv(h, edge_index, W_g2, b_g2))
    src = edge_index[0]
    dst = edge_index[1]
    edge_emb = jnp.concatenate([jnp.take(h, src, axis=0), jnp.take(h, dst, axis=0)], axis=1)
    y_warm = jax.nn.sigmoid(edge_emb @ W_sw + b_sw)[:, 0]
    v_raw = jax.nn.sigmoid(h @ W_v + b_v)[:, 0]
    v_warm = (0.9 + (1.1 - 0.9) * v_raw) ** 2
    # cvx_layer solve is an external non-differentiable optimization; the warm-start
    # tensors (y_warm, v_warm) are the module's learned outputs.
    return (y_warm, v_warm)

if __name__ == "__main__":
    import jax
    _d = setup_inputs()
    print(jax.jit(kernel)(*tuple(_d.values())))

</pallas_src>

<mosaic_0001>
#map = affine_map<(d0, d1) -> (0, 0)>
module attributes {stable_mosaic.version = 14 : i64} {
  func.func @_spmm_body(%arg0: i32, %arg1: i32, %arg2: memref<10240x64xi32, #tpu.memory_space<hbm>>, %arg3: memref<5120x64xi32, #tpu.memory_space<hbm>>, %arg4: memref<20480x128xf32, #tpu.memory_space<hbm>>, %arg5: memref<20480x128xf32, #tpu.memory_space<hbm>>, %arg6: memref<16x64xi32, #tpu.memory_space<vmem>>, %arg7: memref<16x64xi32, #tpu.memory_space<vmem>>, %arg8: memref<64x128xf32, #tpu.memory_space<vmem>>, %arg9: memref<64x128xf32, #tpu.memory_space<vmem>>, %arg10: memref<64x128xf32, #tpu.memory_space<vmem>>, %arg11: memref<64x128xf32, #tpu.memory_space<vmem>>, %arg12: memref<10240x128xf32, #tpu.memory_space<vmem_shared>>, %arg13: memref<!tpu.dma_semaphore, #tpu.memory_space<semaphore_mem>>, %arg14: memref<!tpu.dma_semaphore, #tpu.memory_space<semaphore_mem>>, %arg15: memref<!tpu.dma_semaphore, #tpu.memory_space<semaphore_mem>>, %arg16: memref<!tpu.dma_semaphore, #tpu.memory_space<semaphore_mem>>, %arg17: memref<!tpu.dma_semaphore, #tpu.memory_space<semaphore_mem>>, %arg18: memref<!tpu.dma_semaphore, #tpu.memory_space<semaphore_mem>>, %arg19: memref<!tpu.dma_semaphore, #tpu.memory_space<semaphore_mem>>, %arg20: memref<!tpu.dma_semaphore, #tpu.memory_space<semaphore_mem>>, %arg21: memref<!tpu.dma_semaphore, #tpu.memory_space<semaphore_mem>>, %arg22: memref<!tpu.dma_semaphore, #tpu.memory_space<semaphore_mem>>) attributes {dimension_semantics = [#tpu.dimension_semantics<core_parallel>, #tpu.dimension_semantics<subcore_parallel>], iteration_bounds = array<i64: 2, 16>, scalar_prefetch = 0 : i64, scratch_operands = 17 : i64, tpu.core_type = #tpu.core_type<sc_vector_subcore>, window_params = [{transform_indices = #map}, {transform_indices = #map}, {transform_indices = #map}, {transform_indices = #map}]} {
    %mul3A = arith.constant 5120 : i32
    %mul3A_0 = arith.muli %arg0, %mul3A : i32
    %mul3A_1 = arith.constant 320 : i32
    %mul3A_2 = arith.muli %arg1, %mul3A_1 : i32
    %add3A = arith.addi %mul3A_0, %mul3A_2 : i32
    %mul3A_3 = arith.constant 320 : i32
    %mul3A_4 = arith.muli %arg1, %mul3A_3 : i32
    %add3A_5 = arith.constant 0 : i32
    %add3A_6 = arith.addi %add3A, %add3A_5 : i32
    %add3A_7 = arith.constant 0 : i32
    %add3A_8 = arith.addi %mul3A_4, %add3A_7 : i32
    %dma_start3A = arith.constant 0 : i32
    %dma_start3A_9 = arith.constant 0 : i32
    %dma_start3A_10 = tpu.memref_slice %arg6[%dma_start3A, %dma_start3A_9] : memref<16x64xi32, #tpu.memory_space<vmem>> -> memref<8x64xi32, #tpu.memory_space<vmem>>
    %dma_start3A_11 = arith.constant 0 : i32
    %dma_start3A_12 = tpu.memref_slice %arg2[%add3A_6, %dma_start3A_11] : memref<10240x64xi32, #tpu.memory_space<hbm>> -> memref<8x64xi32, #tpu.memory_space<hbm>>
    %dma_start3A_13 = arith.constant 0 : i32
    %dma_start3A_14 = arith.constant 0 : i32
    %dma_start3A_15 = tpu.memref_slice %arg6[%dma_start3A_13, %dma_start3A_14] : memref<16x64xi32, #tpu.memory_space<vmem>> -> memref<8x64xi32, #tpu.memory_space<vmem>>
    %dma_start3A_16 = arith.constant 0 : i32
    %dma_start3A_17 = tpu.memref_slice %arg2[%add3A_6, %dma_start3A_16] : memref<10240x64xi32, #tpu.memory_space<hbm>> -> memref<8x64xi32, #tpu.memory_space<hbm>>
    tpu.enqueue_dma source(%dma_start3A_17 : memref<8x64xi32, #tpu.memory_space<hbm>>) target(%dma_start3A_15 : memref<8x64xi32, #tpu.memory_space<vmem>>) target_semaphore(%arg21 : memref<!tpu.dma_semaphore, #tpu.memory_space<semaphore_mem>>)
    %dma_start3A_18 = arith.constant 0 : i32
    %dma_start3A_19 = arith.constant 0 : i32
    %dma_start3A_20 = tpu.memref_slice %arg7[%dma_start3A_18, %dma_start3A_19] : memref<16x64xi32, #tpu.memory_space<vmem>> -> memref<8x64xi32, #tpu.memory_space<vmem>>
    %dma_start3A_21 = arith.constant 0 : i32
    %dma_start3A_22 = tpu.memref_slice %arg3[%add3A_8, %dma_start3A_21] : memref<5120x64xi32, #tpu.memory_space<hbm>> -> memref<8x64xi32, #tpu.memory_space<hbm>>
    %dma_start3A_23 = arith.constant 0 : i32
    %dma_start3A_24 = arith.constant 0 : i32
    %dma_start3A_25 = tpu.memref_slice %arg7[%dma_start3A_23, %dma_start3A_24] : memref<16x64xi32, #tpu.memory_space<vmem>> -> memref<8x64xi32, #tpu.memory_space<vmem>>
    %dma_start3A_26 = arith.constant 0 : i32
    %dma_start3A_27 = tpu.memref_slice %arg3[%add3A_8, %dma_start3A_26] : memref<5120x64xi32, #tpu.memory_space<hbm>> -> memref<8x64xi32, #tpu.memory_space<hbm>>
    tpu.enqueue_dma source(%dma_start3A_27 : memref<8x64xi32, #tpu.memory_space<hbm>>) target(%dma_start3A_25 : memref<8x64xi32, #tpu.memory_space<vmem>>) target_semaphore(%arg22 : memref<!tpu.dma_semaphore, #tpu.memory_space<semaphore_mem>>)
    %add3A_28 = arith.constant 0 : i32
    %add3A_29 = arith.addi %add3A, %add3A_28 : i32
    %add3A_30 = arith.constant 0 : i32
    %add3A_31 = arith.addi %mul3A_4, %add3A_30 : i32
    %dma_wait3A = arith.constant 0 : i32
    %dma_wait3A_32 = arith.constant 0 : i32
    %dma_wait3A_33 = tpu.memref_slice %arg6[%dma_wait3A, %dma_wait3A_32] : memref<16x64xi32, #tpu.memory_space<vmem>> -> memref<8x64xi32, #tpu.memory_space<vmem>>
    %dma_wait3A_34 = arith.constant 0 : i32
    %dma_wait3A_35 = tpu.memref_slice %arg2[%add3A_29, %dma_wait3A_34] : memref<10240x64xi32, #tpu.memory_space<hbm>> -> memref<8x64xi32, #tpu.memory_space<hbm>>
    %dma_wait3A_36 = arith.constant 0 : i32
    %dma_wait3A_37 = arith.constant 0 : i32
    %dma_wait3A_38 = tpu.memref_slice %arg6[%dma_wait3A_36, %dma_wait3A_37] : memref<16x64xi32, #tpu.memory_space<vmem>> -> memref<8x64xi32, #tpu.memory_space<vmem>>
    %dma_wait3A_39 = arith.constant 0 : i32
    %dma_wait3A_40 = tpu.memref_slice %arg2[%add3A_29, %dma_wait3A_39] : memref<10240x64xi32, #tpu.memory_space<hbm>> -> memref<8x64xi32, #tpu.memory_space<hbm>>
    tpu.wait_dma2 semaphore(%arg21 : memref<!tpu.dma_semaphore, #tpu.memory_space<semaphore_mem>>) src(%dma_wait3A_40 : memref<8x64xi32, #tpu.memory_space<hbm>>) dst(%dma_wait3A_38 : memref<8x64xi32, #tpu.memory_space<vmem>>)
    %dma_wait3A_41 = arith.constant 0 : i32
    %dma_wait3A_42 = arith.constant 0 : i32
    %dma_wait3A_43 = tpu.memref_slice %arg7[%dma_wait3A_41, %dma_wait3A_42] : memref<16x64xi32, #tpu.memory_space<vmem>> -> memref<8x64xi32, #tpu.memory_space<vmem>>
    %dma_wait3A_44 = arith.constant 0 : i32
    %dma_wait3A_45 = tpu.memref_slice %arg3[%add3A_31, %dma_wait3A_44] : memref<5120x64xi32, #tpu.memory_space<hbm>> -> memref<8x64xi32, #tpu.memory_space<hbm>>
    %dma_wait3A_46 = arith.constant 0 : i32
    %dma_wait3A_47 = arith.constant 0 : i32
    %dma_wait3A_48 = tpu.memref_slice %arg7[%dma_wait3A_46, %dma_wait3A_47] : memref<16x64xi32, #tpu.memory_space<vmem>> -> memref<8x64xi32, #tpu.memory_space<vmem>>
    %dma_wait3A_49 = arith.constant 0 : i32
    %dma_wait3A_50 = tpu.memref_slice %arg3[%add3A_31, %dma_wait3A_49] : memref<5120x64xi32, #tpu.memory_space<hbm>> -> memref<8x64xi32, #tpu.memory_space<hbm>>
    tpu.wait_dma2 semaphore(%arg22 : memref<!tpu.dma_semaphore, #tpu.memory_space<semaphore_mem>>) src(%dma_wait3A_50 : memref<8x64xi32, #tpu.memory_space<hbm>>) dst(%dma_wait3A_48 : memref<8x64xi32, #tpu.memory_space<vmem>>)
    %add3A_51 = arith.constant 8 : i32
    %add3A_52 = arith.addi %add3A, %add3A_51 : i32
    %add3A_53 = arith.constant 8 : i32
    %add3A_54 = arith.addi %mul3A_4, %add3A_53 : i32
    %dma_start3A_55 = arith.constant 8 : i32
    %dma_start3A_56 = arith.constant 0 : i32
    %dma_start3A_57 = tpu.memref_slice %arg6[%dma_start3A_55, %dma_start3A_56] : memref<16x64xi32, #tpu.memory_space<vmem>> -> memref<8x64xi32, #tpu.memory_space<vmem>>
    %dma_start3A_58 = arith.constant 0 : i32
    %dma_start3A_59 = tpu.memref_slice %arg2[%add3A_52, %dma_start3A_58] : memref<10240x64xi32, #tpu.memory_space<hbm>> -> memref<8x64xi32, #tpu.memory_space<hbm>>
    %dma_start3A_60 = arith.constant 8 : i32
    %dma_start3A_61 = arith.constant 0 : i32
    %dma_start3A_62 = tpu.memref_slice %arg6[%dma_start3A_60, %dma_start3A_61] : memref<16x64xi32, #tpu.memory_space<vmem>> -> memref<8x64xi32, #tpu.memory_space<vmem>>
    %dma_start3A_63 = arith.constant 0 : i32
    %dma_start3A_64 = tpu.memref_slice %arg2[%add3A_52, %dma_start3A_63] : memref<10240x64xi32, #tpu.memory_space<hbm>> -> memref<8x64xi32, #tpu.memory_space<hbm>>
    tpu.enqueue_dma source(%dma_start3A_64 : memref<8x64xi32, #tpu.memory_space<hbm>>) target(%dma_start3A_62 : memref<8x64xi32, #tpu.memory_space<vmem>>) target_semaphore(%arg21 : memref<!tpu.dma_semaphore, #tpu.memory_space<semaphore_mem>>)
    %dma_start3A_65 = arith.constant 8 : i32
    %dma_start3A_66 = arith.constant 0 : i32
    %dma_start3A_67 = tpu.memref_slice %arg7[%dma_start3A_65, %dma_start3A_66] : memref<16x64xi32, #tpu.memory_space<vmem>> -> memref<8x64xi32, #tpu.memory_space<vmem>>
    %dma_start3A_68 = arith.constant 0 : i32
    %dma_start3A_69 = tpu.memref_slice %arg3[%add3A_54, %dma_start3A_68] : memref<5120x64xi32, #tpu.memory_space<hbm>> -> memref<8x64xi32, #tpu.memory_space<hbm>>
    %dma_start3A_70 = arith.constant 8 : i32
    %dma_start3A_71 = arith.constant 0 : i32
    %dma_start3A_72 = tpu.memref_slice %arg7[%dma_start3A_70, %dma_start3A_71] : memref<16x64xi32, #tpu.memory_space<vmem>> -> memref<8x64xi32, #tpu.memory_space<vmem>>
    %dma_start3A_73 = arith.constant 0 : i32
    %dma_start3A_74 = tpu.memref_slice %arg3[%add3A_54, %dma_start3A_73] : memref<5120x64xi32, #tpu.memory_space<hbm>> -> memref<8x64xi32, #tpu.memory_space<hbm>>
    tpu.enqueue_dma source(%dma_start3A_74 : memref<8x64xi32, #tpu.memory_space<hbm>>) target(%dma_start3A_72 : memref<8x64xi32, #tpu.memory_space<vmem>>) target_semaphore(%arg22 : memref<!tpu.dma_semaphore, #tpu.memory_space<semaphore_mem>>)
    %dma_start3A_75 = arith.constant 0 : i32
    %dma_start3A_76 = arith.constant 0 : i32
    %dma_start3A_77 = tpu.memref_slice %arg6[%dma_start3A_75, %dma_start3A_76] : memref<16x64xi32, #tpu.memory_space<vmem>> -> memref<1x64xi32, #tpu.memory_space<vmem>>
    %dma_start3A_78 = tpu.memref_squeeze %dma_start3A_77 : memref<1x64xi32, #tpu.memory_space<vmem>> -> memref<64xi32, #tpu.memory_space<vmem>>
    %dma_start3A_79 = arith.constant 0 : i32
    %dma_start3A_80 = arith.constant 0 : i32
    %dma_start3A_81 = tpu.memref_slice %arg4[%dma_start3A_79, %dma_start3A_80] : memref<20480x128xf32, #tpu.memory_space<hbm>> -> memref<20480x128xf32, #tpu.memory_space<hbm>>
    tpu.enqueue_indirect_dma source(%dma_start3A_81 : memref<20480x128xf32, #tpu.memory_space<hbm>>) target(%arg8 : memref<64x128xf32, #tpu.memory_space<vmem>>) offsets(%dma_start3A_78 : memref<64xi32, #tpu.memory_space<vmem>>) semaphore(%arg13 : memref<!tpu.dma_semaphore, #tpu.memory_space<semaphore_mem>>)
    %dma_start3A_82 = arith.constant 1 : i32
    %dma_start3A_83 = arith.constant 0 : i32
    %dma_start3A_84 = tpu.memref_slice %arg6[%dma_start3A_82, %dma_start3A_83] : memref<16x64xi32, #tpu.memory_space<vmem>> -> memref<1x64xi32, #tpu.memory_space<vmem>>
    %dma_start3A_85 = tpu.memref_squeeze %dma_start3A_84 : memref<1x64xi32, #tpu.memory_space<vmem>> -> memref<64xi32, #tpu.memory_space<vmem>>
    %dma_start3A_86 = arith.constant 0 : i32
    %dma_start3A_87 = arith.constant 0 : i32
    %dma_start3A_88 = tpu.memref_slice %arg4[%dma_start3A_86, %dma_start3A_87] : memref<20480x128xf32, #tpu.memory_space<hbm>> -> memref<20480x128xf32, #tpu.memory_space<hbm>>
    tpu.enqueue_indirect_dma source(%dma_start3A_88 : memref<20480x128xf32, #tpu.memory_space<hbm>>) target(%arg9 : memref<64x128xf32, #tpu.memory_space<vmem>>) offsets(%dma_start3A_85 : memref<64xi32, #tpu.memory_space<vmem>>) semaphore(%arg14 : memref<!tpu.dma_semaphore, #tpu.memory_space<semaphore_mem>>)
    %dma_start3A_89 = arith.constant 2 : i32
    %dma_start3A_90 = arith.constant 0 : i32
    %dma_start3A_91 = tpu.memref_slice %arg6[%dma_start3A_89, %dma_start3A_90] : memref<16x64xi32, #tpu.memory_space<vmem>> -> memref<1x64xi32, #tpu.memory_space<vmem>>
    %dma_start3A_92 = tpu.memref_squeeze %dma_start3A_91 : memref<1x64xi32, #tpu.memory_space<vmem>> -> memref<64xi32, #tpu.memory_space<vmem>>
    %dma_start3A_93 = arith.constant 0 : i32
    %dma_start3A_94 = arith.constant 0 : i32
    %dma_start3A_95 = tpu.memref_slice %arg4[%dma_start3A_93, %dma_start3A_94] : memref<20480x128xf32, #tpu.memory_space<hbm>> -> memref<20480x128xf32, #tpu.memory_space<hbm>>
    tpu.enqueue_indirect_dma source(%dma_start3A_95 : memref<20480x128xf32, #tpu.memory_space<hbm>>) target(%arg10 : memref<64x128xf32, #tpu.memory_space<vmem>>) offsets(%dma_start3A_92 : memref<64xi32, #tpu.memory_space<vmem>>) semaphore(%arg15 : memref<!tpu.dma_semaphore, #tpu.memory_space<semaphore_mem>>)
    %broadcast_in_dim3A = arith.constant 0.000000e+00 : f32
    %broadcast_in_dim3A_96 = vector.broadcast %broadcast_in_dim3A : f32 to vector<16xf32>
    %scan3A = arith.constant 0 : i32
    %scan3A_97 = arith.constant 0 : i32
    %scan3A_98 = arith.constant 64 : i32
    %scan3A_99 = arith.addi %scan3A_97, %scan3A_98 : i32
    %scan3A_100 = arith.constant 1 : i32
    %scan3A_101 = scf.for %scan3A_165 = %scan3A_97 to %scan3A_99 step %scan3A_100 iter_args(%scan3A_166 = %scan3A) -> (i32)  : i32 {
      %swap3A = arith.index_cast %scan3A_165 : i32 to index
      %swap3A_167 = arith.constant 0 : index
      %swap3A_168 = tpu.vector_load %arg11[%swap3A, %swap3A_167] {strides = array<i32>} : memref<64x128xf32, #tpu.memory_space<vmem>>, vector<1x16xf32>,
      %swap3A_169 = vector.shape_cast %swap3A_168 : vector<1x16xf32> to vector<16xf32>
      %swap3A_170 = vector.shape_cast %broadcast_in_dim3A_96 : vector<16xf32> to vector<1x16xf32>
      tpu.vector_store %arg11[%swap3A, %swap3A_167], %swap3A_170 {strides = array<i32>} : memref<64x128xf32, #tpu.memory_space<vmem>>, vector<1x16xf32>,
      %swap3A_171 = arith.index_cast %scan3A_165 : i32 to index
      %swap3A_172 = arith.constant 16 : index
      %swap3A_173 = tpu.vector_load %arg11[%swap3A_171, %swap3A_172] {strides = array<i32>} : memref<64x128xf32, #tpu.memory_space<vmem>>, vector<1x16xf32>,
      %swap3A_174 = vector.shape_cast %swap3A_173 : vector<1x16xf32> to vector<16xf32>
      %swap3A_175 = vector.shape_cast %broadcast_in_dim3A_96 : vector<16xf32> to vector<1x16xf32>
      tpu.vector_store %arg11[%swap3A_171, %swap3A_172], %swap3A_175 {strides = array<i32>} : memref<64x128xf32, #tpu.memory_space<vmem>>, vector<1x16xf32>,
      %swap3A_176 = arith.index_cast %scan3A_165 : i32 to index
      %swap3A_177 = arith.constant 32 : index
      %swap3A_178 = tpu.vector_load %arg11[%swap3A_176, %swap3A_177] {strides = array<i32>} : memref<64x128xf32, #tpu.memory_space<vmem>>, vector<1x16xf32>,
      %swap3A_179 = vector.shape_cast %swap3A_178 : vector<1x16xf32> to vector<16xf32>
      %swap3A_180 = vector.shape_cast %broadcast_in_dim3A_96 : vector<16xf32> to vector<1x16xf32>
      tpu.vector_store %arg11[%swap3A_176, %swap3A_177], %swap3A_180 {strides = array<i32>} : memref<64x128xf32, #tpu.memory_space<vmem>>, vector<1x16xf32>,
      %swap3A_181 = arith.index_cast %scan3A_165 : i32 to index
      %swap3A_182 = arith.constant 48 : index
      %swap3A_183 = tpu.vector_load %arg11[%swap3A_181, %swap3A_182] {strides = array<i32>} : memref<64x128xf32, #tpu.memory_space<vmem>>, vector<1x16xf32>,
      %swap3A_184 = vector.shape_cast %swap3A_183 : vector<1x16xf32> to vector<16xf32>
      %swap3A_185 = vector.shape_cast %broadcast_in_dim3A_96 : vector<16xf32> to vector<1x16xf32>
      tpu.vector_store %arg11[%swap3A_181, %swap3A_182], %swap3A_185 {strides = array<i32>} : memref<64x128xf32, #tpu.memory_space<vmem>>, vector<1x16xf32>,
      %swap3A_186 = arith.index_cast %scan3A_165 : i32 to index
      %swap3A_187 = arith.constant 64 : index
      %swap3A_188 = tpu.vector_load %arg11[%swap3A_186, %swap3A_187] {strides = array<i32>} : memref<64x128xf32, #tpu.memory_space<vmem>>, vector<1x16xf32>,
      %swap3A_189 = vector.shape_cast %swap3A_188 : vector<1x16xf32> to vector<16xf32>
      %swap3A_190 = vector.shape_cast %broadcast_in_dim3A_96 : vector<16xf32> to vector<1x16xf32>
      tpu.vector_store %arg11[%swap3A_186, %swap3A_187], %swap3A_190 {strides = array<i32>} : memref<64x128xf32, #tpu.memory_space<vmem>>, vector<1x16xf32>,
      %swap3A_191 = arith.index_cast %scan3A_165 : i32 to index
      %swap3A_192 = arith.constant 80 : index
      %swap3A_193 = tpu.vector_load %arg11[%swap3A_191, %swap3A_192] {strides = array<i32>} : memref<64x128xf32, #tpu.memory_space<vmem>>, vector<1x16xf32>,
      %swap3A_194 = vector.shape_cast %swap3A_193 : vector<1x16xf32> to vector<16xf32>
      %swap3A_195 = vector.shape_cast %broadcast_in_dim3A_96 : vector<16xf32> to vector<1x16xf32>
      tpu.vector_store %arg11[%swap3A_191, %swap3A_192], %swap3A_195 {strides = array<i32>} : memref<64x128xf32, #tpu.memory_space<vmem>>, vector<1x16xf32>,
      %swap3A_196 = arith.index_cast %scan3A_165 : i32 to index
      %swap3A_197 = arith.constant 96 : index
      %swap3A_198 = tpu.vector_load %arg11[%swap3A_196, %swap3A_197] {strides = array<i32>} : memref<64x128xf32, #tpu.memory_space<vmem>>, vector<1x16xf32>,
      %swap3A_199 = vector.shape_cast %swap3A_198 : vector<1x16xf32> to vector<16xf32>
      %swap3A_200 = vector.shape_cast %broadcast_in_dim3A_96 : vector<16xf32> to vector<1x16xf32>
      tpu.vector_store %arg11[%swap3A_196, %swap3A_197], %swap3A_200 {strides = array<i32>} : memref<64x128xf32, #tpu.memory_space<vmem>>, vector<1x16xf32>,
      %swap3A_201 = arith.index_cast %scan3A_165 : i32 to index
      %swap3A_202 = arith.constant 112 : index
      %swap3A_203 = tpu.vector_load %arg11[%swap3A_201, %swap3A_202] {strides = array<i32>} : memref<64x128xf32, #tpu.memory_space<vmem>>, vector<1x16xf32>,
      %swap3A_204 = vector.shape_cast %swap3A_203 : vector<1x16xf32> to vector<16xf32>
      %swap3A_205 = vector.shape_cast %broadcast_in_dim3A_96 : vector<16xf32> to vector<1x16xf32>
      tpu.vector_store %arg11[%swap3A_201, %swap3A_202], %swap3A_205 {strides = array<i32>} : memref<64x128xf32, #tpu.memory_space<vmem>>, vector<1x16xf32>,
      %scan3A_206 = arith.constant 0 : i32
      scf.yield %scan3A_206 : i32
    }
    %scan3A_102 = arith.constant 64 : i32
    %mul3A_103 = arith.constant 640 : i32
    %mul3A_104 = arith.muli %arg1, %mul3A_103 : i32
    %add3A_105 = arith.constant 0 : i32
    %add3A_106 = arith.addi %mul3A_104, %add3A_105 : i32
    "tpu.region"() ({
      %run_scoped3A = tpu.sem_alloc : memref<!tpu.dma_semaphore, #tpu.memory_space<semaphore_mem>>
      %dma_start3A_165 = arith.constant 0 : i32
      %dma_start3A_166 = tpu.memref_slice %arg12[%add3A_106, %dma_start3A_165] : memref<10240x128xf32, #tpu.memory_space<vmem_shared>> -> memref<64x128xf32, #tpu.memory_space<vmem_shared>>
      %dma_start3A_167 = arith.constant 0 : i32
      %dma_start3A_168 = tpu.memref_slice %arg12[%add3A_106, %dma_start3A_167] : memref<10240x128xf32, #tpu.memory_space<vmem_shared>> -> memref<64x128xf32, #tpu.memory_space<vmem_shared>>
      tpu.enqueue_dma source(%arg11 : memref<64x128xf32, #tpu.memory_space<vmem>>) target(%dma_start3A_168 : memref<64x128xf32, #tpu.memory_space<vmem_shared>>) target_semaphore(%run_scoped3A : memref<!tpu.dma_semaphore, #tpu.memory_space<semaphore_mem>>)
      %dma_wait3A_169 = arith.constant 0 : i32
      %dma_wait3A_170 = tpu.memref_slice %arg12[%add3A_106, %dma_wait3A_169] : memref<10240x128xf32, #tpu.memory_space<vmem_shared>> -> memref<64x128xf32, #tpu.memory_space<vmem_shared>>
      %dma_wait3A_171 = arith.constant 0 : i32
      %dma_wait3A_172 = tpu.memref_slice %arg12[%add3A_106, %dma_wait3A_171] : memref<10240x128xf32, #tpu.memory_space<vmem_shared>> -> memref<64x128xf32, #tpu.memory_space<vmem_shared>>
      tpu.wait_dma2 semaphore(%run_scoped3A : memref<!tpu.dma_semaphore, #tpu.memory_space<semaphore_mem>>) src(%arg11 : memref<64x128xf32, #tpu.memory_space<vmem>>) dst(%dma_wait3A_172 : memref<64x128xf32, #tpu.memory_space<vmem_shared>>)
      tpu.yield
    }) : () -> ()
    %mul3A_107 = arith.constant 640 : i32
    %mul3A_108 = arith.muli %arg1, %mul3A_107 : i32
    %add3A_109 = arith.constant 64 : i32
    %add3A_110 = arith.addi %mul3A_108, %add3A_109 : i32
    "tpu.region"() ({
      %run_scoped3A = tpu.sem_alloc : memref<!tpu.dma_semaphore, #tpu.memory_space<semaphore_mem>>
      %dma_start3A_165 = arith.constant 0 : i32
      %dma_start3A_166 = tpu.memref_slice %arg12[%add3A_110, %dma_start3A_165] : memref<10240x128xf32, #tpu.memory_space<vmem_shared>> -> memref<64x128xf32, #tpu.memory_space<vmem_shared>>
      %dma_start3A_167 = arith.constant 0 : i32
      %dma_start3A_168 = tpu.memref_slice %arg12[%add3A_110, %dma_start3A_167] : memref<10240x128xf32, #tpu.memory_space<vmem_shared>> -> memref<64x128xf32, #tpu.memory_space<vmem_shared>>
      tpu.enqueue_dma source(%arg11 : memref<64x128xf32, #tpu.memory_space<vmem>>) target(%dma_start3A_168 : memref<64x128xf32, #tpu.memory_space<vmem_shared>>) target_semaphore(%run_scoped3A : memref<!tpu.dma_semaphore, #tpu.memory_space<semaphore_mem>>)
      %dma_wait3A_169 = arith.constant 0 : i32
      %dma_wait3A_170 = tpu.memref_slice %arg12[%add3A_110, %dma_wait3A_169] : memref<10240x128xf32, #tpu.memory_space<vmem_shared>> -> memref<64x128xf32, #tpu.memory_space<vmem_shared>>
      %dma_wait3A_171 = arith.constant 0 : i32
      %dma_wait3A_172 = tpu.memref_slice %arg12[%add3A_110, %dma_wait3A_171] : memref<10240x128xf32, #tpu.memory_space<vmem_shared>> -> memref<64x128xf32, #tpu.memory_space<vmem_shared>>
      tpu.wait_dma2 semaphore(%run_scoped3A : memref<!tpu.dma_semaphore, #tpu.memory_space<semaphore_mem>>) src(%arg11 : memref<64x128xf32, #tpu.memory_space<vmem>>) dst(%dma_wait3A_172 : memref<64x128xf32, #tpu.memory_space<vmem_shared>>)
      tpu.yield
    }) : () -> ()
    %mul3A_111 = arith.constant 640 : i32
    %mul3A_112 = arith.muli %arg1, %mul3A_111 : i32
    %add3A_113 = arith.constant 128 : i32
    %add3A_114 = arith.addi %mul3A_112, %add3A_113 : i32
    "tpu.region"() ({
      %run_scoped3A = tpu.sem_alloc : memref<!tpu.dma_semaphore, #tpu.memory_space<semaphore_mem>>
      %dma_start3A_165 = arith.constant 0 : i32
      %dma_start3A_166 = tpu.memref_slice %arg12[%add3A_114, %dma_start3A_165] : memref<10240x128xf32, #tpu.memory_space<vmem_shared>> -> memref<64x128xf32, #tpu.memory_space<vmem_shared>>
      %dma_start3A_167 = arith.constant 0 : i32
      %dma_start3A_168 = tpu.memref_slice %arg12[%add3A_114, %dma_start3A_167] : memref<10240x128xf32, #tpu.memory_space<vmem_shared>> -> memref<64x128xf32, #tpu.memory_space<vmem_shared>>
      tpu.enqueue_dma source(%arg11 : memref<64x128xf32, #tpu.memory_space<vmem>>) target(%dma_start3A_168 : memref<64x128xf32, #tpu.memory_space<vmem_shared>>) target_semaphore(%run_scoped3A : memref<!tpu.dma_semaphore, #tpu.memory_space<semaphore_mem>>)
      %dma_wait3A_169 = arith.constant 0 : i32
      %dma_wait3A_170 = tpu.memref_slice %arg12[%add3A_114, %dma_wait3A_169] : memref<10240x128xf32, #tpu.memory_space<vmem_shared>> -> memref<64x128xf32, #tpu.memory_space<vmem_shared>>
      %dma_wait3A_171 = arith.constant 0 : i32
      %dma_wait3A_172 = tpu.memref_slice %arg12[%add3A_114, %dma_wait3A_171] : memref<10240x128xf32, #tpu.memory_space<vmem_shared>> -> memref<64x128xf32, #tpu.memory_space<vmem_shared>>
      tpu.wait_dma2 semaphore(%run_scoped3A : memref<!tpu.dma_semaphore, #tpu.memory_space<semaphore_mem>>) src(%arg11 : memref<64x128xf32, #tpu.memory_space<vmem>>) dst(%dma_wait3A_172 : memref<64x128xf32, #tpu.memory_space<vmem_shared>>)
      tpu.yield
    }) : () -> ()
    %mul3A_115 = arith.constant 640 : i32
    %mul3A_116 = arith.muli %arg1, %mul3A_115 : i32
    %add3A_117 = arith.constant 192 : i32
    %add3A_118 = arith.addi %mul3A_116, %add3A_117 : i32
    "tpu.region"() ({
      %run_scoped3A = tpu.sem_alloc : memref<!tpu.dma_semaphore, #tpu.memory_space<semaphore_mem>>
      %dma_start3A_165 = arith.constant 0 : i32
      %dma_start3A_166 = tpu.memref_slice %arg12[%add3A_118, %dma_start3A_165] : memref<10240x128xf32, #tpu.memory_space<vmem_shared>> -> memref<64x128xf32, #tpu.memory_space<vmem_shared>>
      %dma_start3A_167 = arith.constant 0 : i32
      %dma_start3A_168 = tpu.memref_slice %arg12[%add3A_118, %dma_start3A_167] : memref<10240x128xf32, #tpu.memory_space<vmem_shared>> -> memref<64x128xf32, #tpu.memory_space<vmem_shared>>
      tpu.enqueue_dma source(%arg11 : memref<64x128xf32, #tpu.memory_space<vmem>>) target(%dma_start3A_168 : memref<64x128xf32, #tpu.memory_space<vmem_shared>>) target_semaphore(%run_scoped3A : memref<!tpu.dma_semaphore, #tpu.memory_space<semaphore_mem>>)
      %dma_wait3A_169 = arith.constant 0 : i32
      %dma_wait3A_170 = tpu.memref_slice %arg12[%add3A_118, %dma_wait3A_169] : memref<10240x128xf32, #tpu.memory_space<vmem_shared>> -> memref<64x128xf32, #tpu.memory_space<vmem_shared>>
      %dma_wait3A_171 = arith.constant 0 : i32
      %dma_wait3A_172 = tpu.memref_slice %arg12[%add3A_118, %dma_wait3A_171] : memref<10240x128xf32, #tpu.memory_space<vmem_shared>> -> memref<64x128xf32, #tpu.memory_space<vmem_shared>>
      tpu.wait_dma2 semaphore(%run_scoped3A : memref<!tpu.dma_semaphore, #tpu.memory_space<semaphore_mem>>) src(%arg11 : memref<64x128xf32, #tpu.memory_space<vmem>>) dst(%dma_wait3A_172 : memref<64x128xf32, #tpu.memory_space<vmem_shared>>)
      tpu.yield
    }) : () -> ()
    %mul3A_119 = arith.constant 640 : i32
    %mul3A_120 = arith.muli %arg1, %mul3A_119 : i32
    %add3A_121 = arith.constant 256 : i32
    %add3A_122 = arith.addi %mul3A_120, %add3A_121 : i32
    "tpu.region"() ({
      %run_scoped3A = tpu.sem_alloc : memref<!tpu.dma_semaphore, #tpu.memory_space<semaphore_mem>>
      %dma_start3A_165 = arith.constant 0 : i32
      %dma_start3A_166 = tpu.memref_slice %arg12[%add3A_122, %dma_start3A_165] : memref<10240x128xf32, #tpu.memory_space<vmem_shared>> -> memref<64x128xf32, #tpu.memory_space<vmem_shared>>
      %dma_start3A_167 = arith.constant 0 : i32
      %dma_start3A_168 = tpu.memref_slice %arg12[%add3A_122, %dma_start3A_167] : memref<10240x128xf32, #tpu.memory_space<vmem_shared>> -> memref<64x128xf32, #tpu.memory_space<vmem_shared>>
      tpu.enqueue_dma source(%arg11 : memref<64x128xf32, #tpu.memory_space<vmem>>) target(%dma_start3A_168 : memref<64x128xf32, #tpu.memory_space<vmem_shared>>) target_semaphore(%run_scoped3A : memref<!tpu.dma_semaphore, #tpu.memory_space<semaphore_mem>>)
      %dma_wait3A_169 = arith.constant 0 : i32
      %dma_wait3A_170 = tpu.memref_slice %arg12[%add3A_122, %dma_wait3A_169] : memref<10240x128xf32, #tpu.memory_space<vmem_shared>> -> memref<64x128xf32, #tpu.memory_space<vmem_shared>>
      %dma_wait3A_171 = arith.constant 0 : i32
      %dma_wait3A_172 = tpu.memref_slice %arg12[%add3A_122, %dma_wait3A_171] : memref<10240x128xf32, #tpu.memory_space<vmem_shared>> -> memref<64x128xf32, #tpu.memory_space<vmem_shared>>
      tpu.wait_dma2 semaphore(%run_scoped3A : memref<!tpu.dma_semaphore, #tpu.memory_space<semaphore_mem>>) src(%arg11 : memref<64x128xf32, #tpu.memory_space<vmem>>) dst(%dma_wait3A_172 : memref<64x128xf32, #tpu.memory_space<vmem_shared>>)
      tpu.yield
    }) : () -> ()
    %mul3A_123 = arith.constant 640 : i32
    %mul3A_124 = arith.muli %arg1, %mul3A_123 : i32
    %add3A_125 = arith.constant 320 : i32
    %add3A_126 = arith.addi %mul3A_124, %add3A_125 : i32
    "tpu.region"() ({
      %run_scoped3A = tpu.sem_alloc : memref<!tpu.dma_semaphore, #tpu.memory_space<semaphore_mem>>
      %dma_start3A_165 = arith.constant 0 : i32
      %dma_start3A_166 = tpu.memref_slice %arg12[%add3A_126, %dma_start3A_165] : memref<10240x128xf32, #tpu.memory_space<vmem_shared>> -> memref<64x128xf32, #tpu.memory_space<vmem_shared>>
      %dma_start3A_167 = arith.constant 0 : i32
      %dma_start3A_168 = tpu.memref_slice %arg12[%add3A_126, %dma_start3A_167] : memref<10240x128xf32, #tpu.memory_space<vmem_shared>> -> memref<64x128xf32, #tpu.memory_space<vmem_shared>>
      tpu.enqueue_dma source(%arg11 : memref<64x128xf32, #tpu.memory_space<vmem>>) target(%dma_start3A_168 : memref<64x128xf32, #tpu.memory_space<vmem_shared>>) target_semaphore(%run_scoped3A : memref<!tpu.dma_semaphore, #tpu.memory_space<semaphore_mem>>)
      %dma_wait3A_169 = arith.constant 0 : i32
      %dma_wait3A_170 = tpu.memref_slice %arg12[%add3A_126, %dma_wait3A_169] : memref<10240x128xf32, #tpu.memory_space<vmem_shared>> -> memref<64x128xf32, #tpu.memory_space<vmem_shared>>
      %dma_wait3A_171 = arith.constant 0 : i32
      %dma_wait3A_172 = tpu.memref_slice %arg12[%add3A_126, %dma_wait3A_171] : memref<10240x128xf32, #tpu.memory_space<vmem_shared>> -> memref<64x128xf32, #tpu.memory_space<vmem_shared>>
      tpu.wait_dma2 semaphore(%run_scoped3A : memref<!tpu.dma_semaphore, #tpu.memory_space<semaphore_mem>>) src(%arg11 : memref<64x128xf32, #tpu.memory_space<vmem>>) dst(%dma_wait3A_172 : memref<64x128xf32, #tpu.memory_space<vmem_shared>>)
      tpu.yield
    }) : () -> ()
    %mul3A_127 = arith.constant 640 : i32
    %mul3A_128 = arith.muli %arg1, %mul3A_127 : i32
    %add3A_129 = arith.constant 384 : i32
    %add3A_130 = arith.addi %mul3A_128, %add3A_129 : i32
    "tpu.region"() ({
      %run_scoped3A = tpu.sem_alloc : memref<!tpu.dma_semaphore, #tpu.memory_space<semaphore_mem>>
      %dma_start3A_165 = arith.constant 0 : i32
      %dma_start3A_166 = tpu.memref_slice %arg12[%add3A_130, %dma_start3A_165] : memref<10240x128xf32, #tpu.memory_space<vmem_shared>> -> memref<64x128xf32, #tpu.memory_space<vmem_shared>>
      %dma_start3A_167 = arith.constant 0 : i32
      %dma_start3A_168 = tpu.memref_slice %arg12[%add3A_130, %dma_start3A_167] : memref<10240x128xf32, #tpu.memory_space<vmem_shared>> -> memref<64x128xf32, #tpu.memory_space<vmem_shared>>
      tpu.enqueue_dma source(%arg11 : memref<64x128xf32, #tpu.memory_space<vmem>>) target(%dma_start3A_168 : memref<64x128xf32, #tpu.memory_space<vmem_shared>>) target_semaphore(%run_scoped3A : memref<!tpu.dma_semaphore, #tpu.memory_space<semaphore_mem>>)
      %dma_wait3A_169 = arith.constant 0 : i32
      %dma_wait3A_170 = tpu.memref_slice %arg12[%add3A_130, %dma_wait3A_169] : memref<10240x128xf32, #tpu.memory_space<vmem_shared>> -> memref<64x128xf32, #tpu.memory_space<vmem_shared>>
      %dma_wait3A_171 = arith.constant 0 : i32
      %dma_wait3A_172 = tpu.memref_slice %arg12[%add3A_130, %dma_wait3A_171] : memref<10240x128xf32, #tpu.memory_space<vmem_shared>> -> memref<64x128xf32, #tpu.memory_space<vmem_shared>>
      tpu.wait_dma2 semaphore(%run_scoped3A : memref<!tpu.dma_semaphore, #tpu.memory_space<semaphore_mem>>) src(%arg11 : memref<64x128xf32, #tpu.memory_space<vmem>>) dst(%dma_wait3A_172 : memref<64x128xf32, #tpu.memory_space<vmem_shared>>)
      tpu.yield
    }) : () -> ()
    %mul3A_131 = arith.constant 640 : i32
    %mul3A_132 = arith.muli %arg1, %mul3A_131 : i32
    %add3A_133 = arith.constant 448 : i32
    %add3A_134 = arith.addi %mul3A_132, %add3A_133 : i32
    "tpu.region"() ({
      %run_scoped3A = tpu.sem_alloc : memref<!tpu.dma_semaphore, #tpu.memory_space<semaphore_mem>>
      %dma_start3A_165 = arith.constant 0 : i32
      %dma_start3A_166 = tpu.memref_slice %arg12[%add3A_134, %dma_start3A_165] : memref<10240x128xf32, #tpu.memory_space<vmem_shared>> -> memref<64x128xf32, #tpu.memory_space<vmem_shared>>
      %dma_start3A_167 = arith.constant 0 : i32
      %dma_start3A_168 = tpu.memref_slice %arg12[%add3A_134, %dma_start3A_167] : memref<10240x128xf32, #tpu.memory_space<vmem_shared>> -> memref<64x128xf32, #tpu.memory_space<vmem_shared>>
      tpu.enqueue_dma source(%arg11 : memref<64x128xf32, #tpu.memory_space<vmem>>) target(%dma_start3A_168 : memref<64x128xf32, #tpu.memory_space<vmem_shared>>) target_semaphore(%run_scoped3A : memref<!tpu.dma_semaphore, #tpu.memory_space<semaphore_mem>>)
      %dma_wait3A_169 = arith.constant 0 : i32
      %dma_wait3A_170 = tpu.memref_slice %arg12[%add3A_134, %dma_wait3A_169] : memref<10240x128xf32, #tpu.memory_space<vmem_shared>> -> memref<64x128xf32, #tpu.memory_space<vmem_shared>>
      %dma_wait3A_171 = arith.constant 0 : i32
      %dma_wait3A_172 = tpu.memref_slice %arg12[%add3A_134, %dma_wait3A_171] : memref<10240x128xf32, #tpu.memory_space<vmem_shared>> -> memref<64x128xf32, #tpu.memory_space<vmem_shared>>
      tpu.wait_dma2 semaphore(%run_scoped3A : memref<!tpu.dma_semaphore, #tpu.memory_space<semaphore_mem>>) src(%arg11 : memref<64x128xf32, #tpu.memory_space<vmem>>) dst(%dma_wait3A_172 : memref<64x128xf32, #tpu.memory_space<vmem_shared>>)
      tpu.yield
    }) : () -> ()
    %mul3A_135 = arith.constant 640 : i32
    %mul3A_136 = arith.muli %arg1, %mul3A_135 : i32
    %add3A_137 = arith.constant 512 : i32
    %add3A_138 = arith.addi %mul3A_136, %add3A_137 : i32
    "tpu.region"() ({
      %run_scoped3A = tpu.sem_alloc : memref<!tpu.dma_semaphore, #tpu.memory_space<semaphore_mem>>
      %dma_start3A_165 = arith.constant 0 : i32
      %dma_start3A_166 = tpu.memref_slice %arg12[%add3A_138, %dma_start3A_165] : memref<10240x128xf32, #tpu.memory_space<vmem_shared>> -> memref<64x128xf32, #tpu.memory_space<vmem_shared>>
      %dma_start3A_167 = arith.constant 0 : i32
      %dma_start3A_168 = tpu.memref_slice %arg12[%add3A_138, %dma_start3A_167] : memref<10240x128xf32, #tpu.memory_space<vmem_shared>> -> memref<64x128xf32, #tpu.memory_space<vmem_shared>>
      tpu.enqueue_dma source(%arg11 : memref<64x128xf32, #tpu.memory_space<vmem>>) target(%dma_start3A_168 : memref<64x128xf32, #tpu.memory_space<vmem_shared>>) target_semaphore(%run_scoped3A : memref<!tpu.dma_semaphore, #tpu.memory_space<semaphore_mem>>)
      %dma_wait3A_169 = arith.constant 0 : i32
      %dma_wait3A_170 = tpu.memref_slice %arg12[%add3A_138, %dma_wait3A_169] : memref<10240x128xf32, #tpu.memory_space<vmem_shared>> -> memref<64x128xf32, #tpu.memory_space<vmem_shared>>
      %dma_wait3A_171 = arith.constant 0 : i32
      %dma_wait3A_172 = tpu.memref_slice %arg12[%add3A_138, %dma_wait3A_171] : memref<10240x128xf32, #tpu.memory_space<vmem_shared>> -> memref<64x128xf32, #tpu.memory_space<vmem_shared>>
      tpu.wait_dma2 semaphore(%run_scoped3A : memref<!tpu.dma_semaphore, #tpu.memory_space<semaphore_mem>>) src(%arg11 : memref<64x128xf32, #tpu.memory_space<vmem>>) dst(%dma_wait3A_172 : memref<64x128xf32, #tpu.memory_space<vmem_shared>>)
      tpu.yield
    }) : () -> ()
    %mul3A_139 = arith.constant 640 : i32
    %mul3A_140 = arith.muli %arg1, %mul3A_139 : i32
    %add3A_141 = arith.constant 576 : i32
    %add3A_142 = arith.addi %mul3A_140, %add3A_141 : i32
    "tpu.region"() ({
      %run_scoped3A = tpu.sem_alloc : memref<!tpu.dma_semaphore, #tpu.memory_space<semaphore_mem>>
      %dma_start3A_165 = arith.constant 0 : i32
      %dma_start3A_166 = tpu.memref_slice %arg12[%add3A_142, %dma_start3A_165] : memref<10240x128xf32, #tpu.memory_space<vmem_shared>> -> memref<64x128xf32, #tpu.memory_space<vmem_shared>>
      %dma_start3A_167 = arith.constant 0 : i32
      %dma_start3A_168 = tpu.memref_slice %arg12[%add3A_142, %dma_start3A_167] : memref<10240x128xf32, #tpu.memory_space<vmem_shared>> -> memref<64x128xf32, #tpu.memory_space<vmem_shared>>
      tpu.enqueue_dma source(%arg11 : memref<64x128xf32, #tpu.memory_space<vmem>>) target(%dma_start3A_168 : memref<64x128xf32, #tpu.memory_space<vmem_shared>>) target_semaphore(%run_scoped3A : memref<!tpu.dma_semaphore, #tpu.memory_space<semaphore_mem>>)
      %dma_wait3A_169 = arith.constant 0 : i32
      %dma_wait3A_170 = tpu.memref_slice %arg12[%add3A_142, %dma_wait3A_169] : memref<10240x128xf32, #tpu.memory_space<vmem_shared>> -> memref<64x128xf32, #tpu.memory_space<vmem_shared>>
      %dma_wait3A_171 = arith.constant 0 : i32
      %dma_wait3A_172 = tpu.memref_slice %arg12[%add3A_142, %dma_wait3A_171] : memref<10240x128xf32, #tpu.memory_space<vmem_shared>> -> memref<64x128xf32, #tpu.memory_space<vmem_shared>>
      tpu.wait_dma2 semaphore(%run_scoped3A : memref<!tpu.dma_semaphore, #tpu.memory_space<semaphore_mem>>) src(%arg11 : memref<64x128xf32, #tpu.memory_space<vmem>>) dst(%dma_wait3A_172 : memref<64x128xf32, #tpu.memory_space<vmem_shared>>)
      tpu.yield
    }) : () -> ()
    %barrier3A = arith.constant 0 : index
    tpu.barrier barrier_id(%barrier3A)
    %scan3A_143 = arith.constant 0 : i32
    %scan3A_144 = arith.constant 0 : i32
    %scan3A_145 = arith.constant 20 : i32
    %scan3A_146 = arith.addi %scan3A_144, %scan3A_145 : i32
    %scan3A_147 = arith.constant 1 : i32
    %scan3A_148 = scf.for %scan3A_165 = %scan3A_144 to %scan3A_146 step %scan3A_147 iter_args(%scan3A_166 = %scan3A_143) -> (i32)  : i32 {
      %mul3A_167 = arith.constant 2 : i32
      %mul3A_168 = arith.muli %scan3A_165, %mul3A_167 : i32
      %add3A_169 = arith.constant 0 : i32
      %add3A_170 = arith.addi %mul3A_168, %add3A_169 : i32
      %dma_wait3A_171 = arith.constant 0 : i32
      %dma_wait3A_172 = arith.constant 0 : i32
      %dma_wait3A_173 = tpu.memref_slice %arg6[%dma_wait3A_171, %dma_wait3A_172] : memref<16x64xi32, #tpu.memory_space<vmem>> -> memref<1x64xi32, #tpu.memory_space<vmem>>
      %dma_wait3A_174 = tpu.memref_squeeze %dma_wait3A_173 : memref<1x64xi32, #tpu.memory_space<vmem>> -> memref<64xi32, #tpu.memory_space<vmem>>
      %dma_wait3A_175 = arith.constant 0 : i32
      %dma_wait3A_176 = arith.constant 0 : i32
      %dma_wait3A_177 = tpu.memref_slice %arg4[%dma_wait3A_175, %dma_wait3A_176] : memref<20480x128xf32, #tpu.memory_space<hbm>> -> memref<20480x128xf32, #tpu.memory_space<hbm>>
      tpu.wait_indirect_dma semaphore(%arg13 : memref<!tpu.dma_semaphore, #tpu.memory_space<semaphore_mem>>) src(%dma_wait3A_177 : memref<20480x128xf32, #tpu.memory_space<hbm>>) dst(%arg8 : memref<64x128xf32, #tpu.memory_space<vmem>>)
      %dma_start3A_178 = arith.constant 0 : i32
      %dma_start3A_179 = arith.constant 0 : i32
      %dma_start3A_180 = tpu.memref_slice %arg7[%dma_start3A_178, %dma_start3A_179] : memref<16x64xi32, #tpu.memory_space<vmem>> -> memref<1x64xi32, #tpu.memory_space<vmem>>
      %dma_start3A_181 = tpu.memref_squeeze %dma_start3A_180 : memref<1x64xi32, #tpu.memory_space<vmem>> -> memref<64xi32, #tpu.memory_space<vmem>>
      %dma_start3A_182 = arith.constant 0 : i32
      %dma_start3A_183 = arith.constant 0 : i32
      %dma_start3A_184 = tpu.memref_slice %arg12[%dma_start3A_182, %dma_start3A_183] : memref<10240x128xf32, #tpu.memory_space<vmem_shared>> -> memref<10240x128xf32, #tpu.memory_space<vmem_shared>>
      tpu.enqueue_indirect_dma source(%arg8 : memref<64x128xf32, #tpu.memory_space<vmem>>) target(%dma_start3A_184 : memref<10240x128xf32, #tpu.memory_space<vmem_shared>>) offsets(%dma_start3A_181 : memref<64xi32, #tpu.memory_space<vmem>>) semaphore(%arg17 : memref<!tpu.dma_semaphore, #tpu.memory_space<semaphore_mem>>) {add = true}
      %ge3A = arith.constant 1 : i32
      %ge3A_185 = arith.cmpi sge, %add3A_170, %ge3A : i32
      %convert_element_type3A = arith.extui %ge3A_185 : i1 to i32
      %cond3A = arith.constant 0 : i32
      %cond3A_186 = arith.cmpi ne, %convert_element_type3A, %cond3A : i32
      scf.if %cond3A_186 {
        %dma_wait3A_649 = arith.constant 0 : i32
        %dma_wait3A_650 = arith.constant 0 : i32
        %dma_wait3A_651 = tpu.memref_slice %arg7[%dma_wait3A_649, %dma_wait3A_650] : memref<16x64xi32, #tpu.memory_space<vmem>> -> memref<1x64xi32, #tpu.memory_space<vmem>>
        %dma_wait3A_652 = tpu.memref_squeeze %dma_wait3A_651 : memref<1x64xi32, #tpu.memory_space<vmem>> -> memref<64xi32, #tpu.memory_space<vmem>>
        %dma_wait3A_653 = arith.constant 0 : i32
        %dma_wait3A_654 = arith.constant 0 : i32
        %dma_wait3A_655 = tpu.memref_slice %arg12[%dma_wait3A_653, %dma_wait3A_654] : memref<10240x128xf32, #tpu.memory_space<vmem_shared>> -> memref<10240x128xf32, #tpu.memory_space<vmem_shared>>
        tpu.wait_indirect_dma semaphore(%arg20 : memref<!tpu.dma_semaphore, #tpu.memory_space<semaphore_mem>>) src(%arg11 : memref<64x128xf32, #tpu.memory_space<vmem>>) dst(%dma_wait3A_655 : memref<10240x128xf32, #tpu.memory_space<vmem_shared>>)
      } else {
      }
      %ge3A_187 = arith.constant 1 : i32
      %ge3A_188 = arith.cmpi sge, %add3A_170, %ge3A_187 : i32
      %add3A_189 = arith.constant 1 : i32
      %add3A_190 = arith.addi %add3A_170, %add3A_189 : i32
      %lt3A = arith.constant 40 : i32
      %lt3A_191 = arith.cmpi slt, %add3A_190, %lt3A : i32
      %and3A = arith.andi %ge3A_188, %lt3A_191 : i1
      %convert_element_type3A_192 = arith.extui %and3A : i1 to i32
      %cond3A_193 = arith.constant 0 : i32
      %cond3A_194 = arith.cmpi ne, %convert_element_type3A_192, %cond3A_193 : i32
      scf.if %cond3A_194 {
        %add3A_649 = arith.constant 1 : i32
        %add3A_650 = arith.addi %add3A_170, %add3A_649 : i32
        %mul3A_651 = arith.constant 8 : i32
        %mul3A_652 = arith.muli %add3A_650, %mul3A_651 : i32
        %add3A_653 = arith.addi %add3A, %mul3A_652 : i32
        %mul3A_654 = arith.constant 8 : i32
        %mul3A_655 = arith.muli %add3A_650, %mul3A_654 : i32
        %add3A_656 = arith.addi %mul3A_4, %mul3A_655 : i32
        %dma_start3A_657 = arith.constant 8 : i32
        %dma_start3A_658 = arith.constant 0 : i32
        %dma_start3A_659 = tpu.memref_slice %arg6[%dma_start3A_657, %dma_start3A_658] : memref<16x64xi32, #tpu.memory_space<vmem>> -> memref<8x64xi32, #tpu.memory_space<vmem>>
        %dma_start3A_660 = arith.constant 0 : i32
        %dma_start3A_661 = tpu.memref_slice %arg2[%add3A_653, %dma_start3A_660] : memref<10240x64xi32, #tpu.memory_space<hbm>> -> memref<8x64xi32, #tpu.memory_space<hbm>>
        %dma_start3A_662 = arith.constant 8 : i32
        %dma_start3A_663 = arith.constant 0 : i32
        %dma_start3A_664 = tpu.memref_slice %arg6[%dma_start3A_662, %dma_start3A_663] : memref<16x64xi32, #tpu.memory_space<vmem>> -> memref<8x64xi32, #tpu.memory_space<vmem>>
        %dma_start3A_665 = arith.constant 0 : i32
        %dma_start3A_666 = tpu.memref_slice %arg2[%add3A_653, %dma_start3A_665] : memref<10240x64xi32, #tpu.memory_space<hbm>> -> memref<8x64xi32, #tpu.memory_space<hbm>>
        tpu.enqueue_dma source(%dma_start3A_666 : memref<8x64xi32, #tpu.memory_space<hbm>>) target(%dma_start3A_664 : memref<8x64xi32, #tpu.memory_space<vmem>>) target_semaphore(%arg21 : memref<!tpu.dma_semaphore, #tpu.memory_space<semaphore_mem>>)
        %dma_start3A_667 = arith.constant 8 : i32
        %dma_start3A_668 = arith.constant 0 : i32
        %dma_start3A_669 = tpu.memref_slice %arg7[%dma_start3A_667, %dma_start3A_668] : memref<16x64xi32, #tpu.memory_space<vmem>> -> memref<8x64xi32, #tpu.memory_space<vmem>>
        %dma_start3A_670 = arith.constant 0 : i32
        %dma_start3A_671 = tpu.memref_slice %arg3[%add3A_656, %dma_start3A_670] : memref<5120x64xi32, #tpu.memory_space<hbm>> -> memref<8x64xi32, #tpu.memory_space<hbm>>
        %dma_start3A_672 = arith.constant 8 : i32
        %dma_start3A_673 = arith.constant 0 : i32
        %dma_start3A_674 = tpu.memref_slice %arg7[%dma_start3A_672, %dma_start3A_673] : memref<16x64xi32, #tpu.memory_space<vmem>> -> memref<8x64xi32, #tpu.memory_space<vmem>>
        %dma_start3A_675 = arith.constant 0 : i32
        %dma_start3A_676 = tpu.memref_slice %arg3[%add3A_656, %dma_start3A_675] : memref<5120x64xi32, #tpu.memory_space<hbm>> -> memref<8x64xi32, #tpu.memory_space<hbm>>
        tpu.enqueue_dma source(%dma_start3A_676 : memref<8x64xi32, #tpu.memory_space<hbm>>) target(%dma_start3A_674 : memref<8x64xi32, #tpu.memory_space<vmem>>) target_semaphore(%arg22 : memref<!tpu.dma_semaphore, #tpu.memory_space<semaphore_mem>>)
      } else {
      }
      %dma_start3A_195 = arith.constant 3 : i32
      %dma_start3A_196 = arith.constant 0 : i32
      %dma_start3A_197 = tpu.memref_slice %arg6[%dma_start3A_195, %dma_start3A_196] : memref<16x64xi32, #tpu.memory_space<vmem>> -> memref<1x64xi32, #tpu.memory_space<vmem>>
      %dma_start3A_198 = tpu.memref_squeeze %dma_start3A_197 : memref<1x64xi32, #tpu.memory_space<vmem>> -> memref<64xi32, #tpu.memory_space<vmem>>
      %dma_start3A_199 = arith.constant 0 : i32
      %dma_start3A_200 = arith.constant 0 : i32
      %dma_start3A_201 = tpu.memref_slice %arg4[%dma_start3A_199, %dma_start3A_200] : memref<20480x128xf32, #tpu.memory_space<hbm>> -> memref<20480x128xf32, #tpu.memory_space<hbm>>
      tpu.enqueue_indirect_dma source(%dma_start3A_201 : memref<20480x128xf32, #tpu.memory_space<hbm>>) target(%arg11 : memref<64x128xf32, #tpu.memory_space<vmem>>) offsets(%dma_start3A_198 : memref<64xi32, #tpu.memory_space<vmem>>) semaphore(%arg16 : memref<!tpu.dma_semaphore, #tpu.memory_space<semaphore_mem>>)
      %dma_wait3A_202 = arith.constant 1 : i32
      %dma_wait3A_203 = arith.constant 0 : i32
      %dma_wait3A_204 = tpu.memref_slice %arg6[%dma_wait3A_202, %dma_wait3A_203] : memref<16x64xi32, #tpu.memory_space<vmem>> -> memref<1x64xi32, #tpu.memory_space<vmem>>
      %dma_wait3A_205 = tpu.memref_squeeze %dma_wait3A_204 : memref<1x64xi32, #tpu.memory_space<vmem>> -> memref<64xi32, #tpu.memory_space<vmem>>
      %dma_wait3A_206 = arith.constant 0 : i32
      %dma_wait3A_207 = arith.constant 0 : i32
      %dma_wait3A_208 = tpu.memref_slice %arg4[%dma_wait3A_206, %dma_wait3A_207] : memref<20480x128xf32, #tpu.memory_space<hbm>> -> memref<20480x128xf32, #tpu.memory_space<hbm>>
      tpu.wait_indirect_dma semaphore(%arg14 : memref<!tpu.dma_semaphore, #tpu.memory_space<semaphore_mem>>) src(%dma_wait3A_208 : memref<20480x128xf32, #tpu.memory_space<hbm>>) dst(%arg9 : memref<64x128xf32, #tpu.memory_space<vmem>>)
      %dma_start3A_209 = arith.constant 1 : i32
      %dma_start3A_210 = arith.constant 0 : i32
      %dma_start3A_211 = tpu.memref_slice %arg7[%dma_start3A_209, %dma_start3A_210] : memref<16x64xi32, #tpu.memory_space<vmem>> -> memref<1x64xi32, #tpu.memory_space<vmem>>
      %dma_start3A_212 = tpu.memref_squeeze %dma_start3A_211 : memref<1x64xi32, #tpu.memory_space<vmem>> -> memref<64xi32, #tpu.memory_space<vmem>>
      %dma_start3A_213 = arith.constant 0 : i32
      %dma_start3A_214 = arith.constant 0 : i32
      %dma_start3A_215 = tpu.memref_slice %arg12[%dma_start3A_213, %dma_start3A_214] : memref<10240x128xf32, #tpu.memory_space<vmem_shared>> -> memref<10240x128xf32, #tpu.memory_space<vmem_shared>>
      tpu.enqueue_indirect_dma source(%arg9 : memref<64x128xf32, #tpu.memory_space<vmem>>) target(%dma_start3A_215 : memref<10240x128xf32, #tpu.memory_space<vmem_shared>>) offsets(%dma_start3A_212 : memref<64xi32, #tpu.memory_space<vmem>>) semaphore(%arg18 : memref<!tpu.dma_semaphore, #tpu.memory_space<semaphore_mem>>) {add = true}
      %dma_wait3A_216 = arith.constant 1 : i32
      %dma_wait3A_217 = arith.constant 0 : i32
      %dma_wait3A_218 = tpu.memref_slice %arg7[%dma_wait3A_216, %dma_wait3A_217] : memref<16x64xi32, #tpu.memory_space<vmem>> -> memref<1x64xi32, #tpu.memory_space<vmem>>
      %dma_wait3A_219 = tpu.memref_squeeze %dma_wait3A_218 : memref<1x64xi32, #tpu.memory_space<vmem>> -> memref<64xi32, #tpu.memory_space<vmem>>
      %dma_wait3A_220 = arith.constant 0 : i32
      %dma_wait3A_221 = arith.constant 0 : i32
      %dma_wait3A_222 = tpu.memref_slice %arg12[%dma_wait3A_220, %dma_wait3A_221] : memref<10240x128xf32, #tpu.memory_space<vmem_shared>> -> memref<10240x128xf32, #tpu.memory_space<vmem_shared>>
      tpu.wait_indirect_dma semaphore(%arg17 : memref<!tpu.dma_semaphore, #tpu.memory_space<semaphore_mem>>) src(%arg8 : memref<64x128xf32, #tpu.memory_space<vmem>>) dst(%dma_wait3A_222 : memref<10240x128xf32, #tpu.memory_space<vmem_shared>>)
      %dma_start3A_223 = arith.constant 4 : i32
      %dma_start3A_224 = arith.constant 0 : i32
      %dma_start3A_225 = tpu.memref_slice %arg6[%dma_start3A_223, %dma_start3A_224] : memref<16x64xi32, #tpu.memory_space<vmem>> -> memref<1x64xi32, #tpu.memory_space<vmem>>
      %dma_start3A_226 = tpu.memref_squeeze %dma_start3A_225 : memref<1x64xi32, #tpu.memory_space<vmem>> -> memref<64xi32, #tpu.memory_space<vmem>>
      %dma_start3A_227 = arith.constant 0 : i32
      %dma_start3A_228 = arith.constant 0 : i32
      %dma_start3A_229 = tpu.memref_slice %arg4[%dma_start3A_227, %dma_start3A_228] : memref<20480x128xf32, #tpu.memory_space<hbm>> -> memref<20480x128xf32, #tpu.memory_space<hbm>>
      tpu.enqueue_indirect_dma source(%dma_start3A_229 : memref<20480x128xf32, #tpu.memory_space<hbm>>) target(%arg8 : memref<64x128xf32, #tpu.memory_space<vmem>>) offsets(%dma_start3A_226 : memref<64xi32, #tpu.memory_space<vmem>>) semaphore(%arg13 : memref<!tpu.dma_semaphore, #tpu.memory_space<semaphore_mem>>)
      %dma_wait3A_230 = arith.constant 2 : i32
      %dma_wait3A_231 = arith.constant 0 : i32
      %dma_wait3A_232 = tpu.memref_slice %arg6[%dma_wait3A_230, %dma_wait3A_231] : memref<16x64xi32, #tpu.memory_space<vmem>> -> memref<1x64xi32, #tpu.memory_space<vmem>>
      %dma_wait3A_233 = tpu.memref_squeeze %dma_wait3A_232 : memref<1x64xi32, #tpu.memory_space<vmem>> -> memref<64xi32, #tpu.memory_space<vmem>>
      %dma_wait3A_234 = arith.constant 0 : i32
      %dma_wait3A_235 = arith.constant 0 : i32
      %dma_wait3A_236 = tpu.memref_slice %arg4[%dma_wait3A_234, %dma_wait3A_235] : memref<20480x128xf32, #tpu.memory_space<hbm>> -> memref<20480x128xf32, #tpu.memory_space<hbm>>
      tpu.wait_indirect_dma semaphore(%arg15 : memref<!tpu.dma_semaphore, #tpu.memory_space<semaphore_mem>>) src(%dma_wait3A_236 : memref<20480x128xf32, #tpu.memory_space<hbm>>) dst(%arg10 : memref<64x128xf32, #tpu.memory_space<vmem>>)
      %dma_start3A_237 = arith.constant 2 : i32
      %dma_start3A_238 = arith.constant 0 : i32
      %dma_start3A_239 = tpu.memref_slice %arg7[%dma_start3A_237, %dma_start3A_238] : memref<16x64xi32, #tpu.memory_space<vmem>> -> memref<1x64xi32, #tpu.memory_space<vmem>>
      %dma_start3A_240 = tpu.memref_squeeze %dma_start3A_239 : memref<1x64xi32, #tpu.memory_space<vmem>> -> memref<64xi32, #tpu.memory_space<vmem>>
      %dma_start3A_241 = arith.constant 0 : i32
      %dma_start3A_242 = arith.constant 0 : i32
      %dma_start3A_243 = tpu.memref_slice %arg12[%dma_start3A_241, %dma_start3A_242] : memref<10240x128xf32, #tpu.memory_space<vmem_shared>> -> memref<10240x128xf32, #tpu.memory_space<vmem_shared>>
      tpu.enqueue_indirect_dma source(%arg10 : memref<64x128xf32, #tpu.memory_space<vmem>>) target(%dma_start3A_243 : memref<10240x128xf32, #tpu.memory_space<vmem_shared>>) offsets(%dma_start3A_240 : memref<64xi32, #tpu.memory_space<vmem>>) semaphore(%arg19 : memref<!tpu.dma_semaphore, #tpu.memory_space<semaphore_mem>>) {add = true}
      %dma_wait3A_244 = arith.constant 2 : i32
      %dma_wait3A_245 = arith.constant 0 : i32
      %dma_wait3A_246 = tpu.memref_slice %arg7[%dma_wait3A_244, %dma_wait3A_245] : memref<16x64xi32, #tpu.memory_space<vmem>> -> memref<1x64xi32, #tpu.memory_space<vmem>>
      %dma_wait3A_247 = tpu.memref_squeeze %dma_wait3A_246 : memref<1x64xi32, #tpu.memory_space<vmem>> -> memref<64xi32, #tpu.memory_space<vmem>>
      %dma_wait3A_248 = arith.constant 0 : i32
      %dma_wait3A_249 = arith.constant 0 : i32
      %dma_wait3A_250 = tpu.memref_slice %arg12[%dma_wait3A_248, %dma_wait3A_249] : memref<10240x128xf32, #tpu.memory_space<vmem_shared>> -> memref<10240x128xf32, #tpu.memory_space<vmem_shared>>
      tpu.wait_indirect_dma semaphore(%arg18 : memref<!tpu.dma_semaphore, #tpu.memory_space<semaphore_mem>>) src(%arg9 : memref<64x128xf32, #tpu.memory_space<vmem>>) dst(%dma_wait3A_250 : memref<10240x128xf32, #tpu.memory_space<vmem_shared>>)
      %dma_start3A_251 = arith.constant 5 : i32
      %dma_start3A_252 = arith.constant 0 : i32
      %dma_start3A_253 = tpu.memref_slice %arg6[%dma_start3A_251, %dma_start3A_252] : memref<16x64xi32, #tpu.memory_space<vmem>> -> memref<1x64xi32, #tpu.memory_space<vmem>>
      %dma_start3A_254 = tpu.memref_squeeze %dma_start3A_253 : memref<1x64xi32, #tpu.memory_space<vmem>> -> memref<64xi32, #tpu.memory_space<vmem>>
      %dma_start3A_255 = arith.constant 0 : i32
      %dma_start3A_256 = arith.constant 0 : i32
      %dma_start3A_257 = tpu.memref_slice %arg4[%dma_start3A_255, %dma_start3A_256] : memref<20480x128xf32, #tpu.memory_space<hbm>> -> memref<20480x128xf32, #tpu.memory_space<hbm>>
      tpu.enqueue_indirect_dma source(%dma_start3A_257 : memref<20480x128xf32, #tpu.memory_space<hbm>>) target(%arg9 : memref<64x128xf32, #tpu.memory_space<vmem>>) offsets(%dma_start3A_254 : memref<64xi32, #tpu.memory_space<vmem>>) semaphore(%arg14 : memref<!tpu.dma_semaphore, #tpu.memory_space<semaphore_mem>>)
      %dma_wait3A_258 = arith.constant 3 : i32
      %dma_wait3A_259 = arith.constant 0 : i32
      %dma_wait3A_260 = tpu.memref_slice %arg6[%dma_wait3A_258, %dma_wait3A_259] : memref<16x64xi32, #tpu.memory_space<vmem>> -> memref<1x64xi32, #tpu.memory_space<vmem>>
      %dma_wait3A_261 = tpu.memref_squeeze %dma_wait3A_260 : memref<1x64xi32, #tpu.memory_space<vmem>> -> memref<64xi32, #tpu.memory_space<vmem>>
      %dma_wait3A_262 = arith.constant 0 : i32
      %dma_wait3A_263 = arith.constant 0 : i32
      %dma_wait3A_264 = tpu.memref_slice %arg4[%dma_wait3A_262, %dma_wait3A_263] : memref<20480x128xf32, #tpu.memory_space<hbm>> -> memref<20480x128xf32, #tpu.memory_space<hbm>>
      tpu.wait_indirect_dma semaphore(%arg16 : memref<!tpu.dma_semaphore, #tpu.memory_space<semaphore_mem>>) src(%dma_wait3A_264 : memref<20480x128xf32, #tpu.memory_space<hbm>>) dst(%arg11 : memref<64x128xf32, #tpu.memory_space<vmem>>)
      %dma_start3A_265 = arith.constant 3 : i32
      %dma_start3A_266 = arith.constant 0 : i32
      %dma_start3A_267 = tpu.memref_slice %arg7[%dma_start3A_265, %dma_start3A_266] : memref<16x64xi32, #tpu.memory_space<vmem>> -> memref<1x64xi32, #tpu.memory_space<vmem>>
      %dma_start3A_268 = tpu.memref_squeeze %dma_start3A_267 : memref<1x64xi32, #tpu.memory_space<vmem>> -> memref<64xi32, #tpu.memory_space<vmem>>
      %dma_start3A_269 = arith.constant 0 : i32
      %dma_start3A_270 = arith.constant 0 : i32
      %dma_start3A_271 = tpu.memref_slice %arg12[%dma_start3A_269, %dma_start3A_270] : memref<10240x128xf32, #tpu.memory_space<vmem_shared>> -> memref<10240x128xf32, #tpu.memory_space<vmem_shared>>
      tpu.enqueue_indirect_dma source(%arg11 : memref<64x128xf32, #tpu.memory_space<vmem>>) target(%dma_start3A_271 : memref<10240x128xf32, #tpu.memory_space<vmem_shared>>) offsets(%dma_start3A_268 : memref<64xi32, #tpu.memory_space<vmem>>) semaphore(%arg20 : memref<!tpu.dma_semaphore, #tpu.memory_space<semaphore_mem>>) {add = true}
      %dma_wait3A_272 = arith.constant 3 : i32
      %dma_wait3A_273 = arith.constant 0 : i32
      %dma_wait3A_274 = tpu.memref_slice %arg7[%dma_wait3A_272, %dma_wait3A_273] : memref<16x64xi32, #tpu.memory_space<vmem>> -> memref<1x64xi32, #tpu.memory_space<vmem>>
      %dma_wait3A_275 = tpu.memref_squeeze %dma_wait3A_274 : memref<1x64xi32, #tpu.memory_space<vmem>> -> memref<64xi32, #tpu.memory_space<vmem>>
      %dma_wait3A_276 = arith.constant 0 : i32
      %dma_wait3A_277 = arith.constant 0 : i32
      %dma_wait3A_278 = tpu.memref_slice %arg12[%dma_wait3A_276, %dma_wait3A_277] : memref<10240x128xf32, #tpu.memory_space<vmem_shared>> -> memref<10240x128xf32, #tpu.memory_space<vmem_shared>>
      tpu.wait_indirect_dma semaphore(%arg19 : memref<!tpu.dma_semaphore, #tpu.memory_space<semaphore_mem>>) src(%arg10 : memref<64x128xf32, #tpu.memory_space<vmem>>) dst(%dma_wait3A_278 : memref<10240x128xf32, #tpu.memory_space<vmem_shared>>)
      %dma_start3A_279 = arith.constant 6 : i32
      %dma_start3A_280 = arith.constant 0 : i32
      %dma_start3A_281 = tpu.memref_slice %arg6[%dma_start3A_279, %dma_start3A_280] : memref<16x64xi32, #tpu.memory_space<vmem>> -> memref<1x64xi32, #tpu.memory_space<vmem>>
      %dma_start3A_282 = tpu.memref_squeeze %dma_start3A_281 : memref<1x64xi32, #tpu.memory_space<vmem>> -> memref<64xi32, #tpu.memory_space<vmem>>
      %dma_start3A_283 = arith.constant 0 : i32
      %dma_start3A_284 = arith.constant 0 : i32
      %dma_start3A_285 = tpu.memref_slice %arg4[%dma_start3A_283, %dma_start3A_284] : memref<20480x128xf32, #tpu.memory_space<hbm>> -> memref<20480x128xf32, #tpu.memory_space<hbm>>
      tpu.enqueue_indirect_dma source(%dma_start3A_285 : memref<20480x128xf32, #tpu.memory_space<hbm>>) target(%arg10 : memref<64x128xf32, #tpu.memory_space<vmem>>) offsets(%dma_start3A_282 : memref<64xi32, #tpu.memory_space<vmem>>) semaphore(%arg15 : memref<!tpu.dma_semaphore, #tpu.memory_space<semaphore_mem>>)
      %dma_wait3A_286 = arith.constant 4 : i32
      %dma_wait3A_287 = arith.constant 0 : i32
      %dma_wait3A_288 = tpu.memref_slice %arg6[%dma_wait3A_286, %dma_wait3A_287] : memref<16x64xi32, #tpu.memory_space<vmem>> -> memref<1x64xi32, #tpu.memory_space<vmem>>
      %dma_wait3A_289 = tpu.memref_squeeze %dma_wait3A_288 : memref<1x64xi32, #tpu.memory_space<vmem>> -> memref<64xi32, #tpu.memory_space<vmem>>
      %dma_wait3A_290 = arith.constant 0 : i32
      %dma_wait3A_291 = arith.constant 0 : i32
      %dma_wait3A_292 = tpu.memref_slice %arg4[%dma_wait3A_290, %dma_wait3A_291] : memref<20480x128xf32, #tpu.memory_space<hbm>> -> memref<20480x128xf32, #tpu.memory_space<hbm>>
      tpu.wait_indirect_dma semaphore(%arg13 : memref<!tpu.dma_semaphore, #tpu.memory_space<semaphore_mem>>) src(%dma_wait3A_292 : memref<20480x128xf32, #tpu.memory_space<hbm>>) dst(%arg8 : memref<64x128xf32, #tpu.memory_space<vmem>>)
      %dma_start3A_293 = arith.constant 4 : i32
      %dma_start3A_294 = arith.constant 0 : i32
      %dma_start3A_295 = tpu.memref_slice %arg7[%dma_start3A_293, %dma_start3A_294] : memref<16x64xi32, #tpu.memory_space<vmem>> -> memref<1x64xi32, #tpu.memory_space<vmem>>
      %dma_start3A_296 = tpu.memref_squeeze %dma_start3A_295 : memref<1x64xi32, #tpu.memory_space<vmem>> -> memref<64xi32, #tpu.memory_space<vmem>>
      %dma_start3A_297 = arith.constant 0 : i32
      %dma_start3A_298 = arith.constant 0 : i32
      %dma_start3A_299 = tpu.memref_slice %arg12[%dma_start3A_297, %dma_start3A_298] : memref<10240x128xf32, #tpu.memory_space<vmem_shared>> -> memref<10240x128xf32, #tpu.memory_space<vmem_shared>>
      tpu.enqueue_indirect_dma source(%arg8 : memref<64x128xf32, #tpu.memory_space<vmem>>) target(%dma_start3A_299 : memref<10240x128xf32, #tpu.memory_space<vmem_shared>>) offsets(%dma_start3A_296 : memref<64xi32, #tpu.memory_space<vmem>>) semaphore(%arg17 : memref<!tpu.dma_semaphore, #tpu.memory_space<semaphore_mem>>) {add = true}
      %dma_wait3A_300 = arith.constant 4 : i32
      %dma_wait3A_301 = arith.constant 0 : i32
      %dma_wait3A_302 = tpu.memref_slice %arg7[%dma_wait3A_300, %dma_wait3A_301] : memref<16x64xi32, #tpu.memory_space<vmem>> -> memref<1x64xi32, #tpu.memory_space<vmem>>
      %dma_wait3A_303 = tpu.memref_squeeze %dma_wait3A_302 : memref<1x64xi32, #tpu.memory_space<vmem>> -> memref<64xi32, #tpu.memory_space<vmem>>
      %dma_wait3A_304 = arith.constant 0 : i32
      %dma_wait3A_305 = arith.constant 0 : i32
      %dma_wait3A_306 = tpu.memref_slice %arg12[%dma_wait3A_304, %dma_wait3A_305] : memref<10240x128xf32, #tpu.memory_space<vmem_shared>> -> memref<10240x128xf32, #tpu.memory_space<vmem_shared>>
      tpu.wait_indirect_dma semaphore(%arg20 : memref<!tpu.dma_semaphore, #tpu.memory_space<semaphore_mem>>) src(%arg11 : memref<64x128xf32, #tpu.memory_space<vmem>>) dst(%dma_wait3A_306 : memref<10240x128xf32, #tpu.memory_space<vmem_shared>>)
      %add3A_307 = arith.constant 1 : i32
      %add3A_308 = arith.addi %add3A_170, %add3A_307 : i32
      %lt3A_309 = arith.constant 40 : i32
      %lt3A_310 = arith.cmpi slt, %add3A_308, %lt3A_309 : i32
      %convert_element_type3A_311 = arith.extui %lt3A_310 : i1 to i32
      %cond3A_312 = arith.constant 0 : i32
      %cond3A_313 = arith.cmpi ne, %convert_element_type3A_311, %cond3A_312 : i32
      scf.if %cond3A_313 {
        %add3A_649 = arith.constant 1 : i32
        %add3A_650 = arith.addi %add3A_170, %add3A_649 : i32
        %mul3A_651 = arith.constant 8 : i32
        %mul3A_652 = arith.muli %add3A_650, %mul3A_651 : i32
        %add3A_653 = arith.addi %add3A, %mul3A_652 : i32
        %mul3A_654 = arith.constant 8 : i32
        %mul3A_655 = arith.muli %add3A_650, %mul3A_654 : i32
        %add3A_656 = arith.addi %mul3A_4, %mul3A_655 : i32
        %dma_wait3A_657 = arith.constant 8 : i32
        %dma_wait3A_658 = arith.constant 0 : i32
        %dma_wait3A_659 = tpu.memref_slice %arg6[%dma_wait3A_657, %dma_wait3A_658] : memref<16x64xi32, #tpu.memory_space<vmem>> -> memref<8x64xi32, #tpu.memory_space<vmem>>
        %dma_wait3A_660 = arith.constant 0 : i32
        %dma_wait3A_661 = tpu.memref_slice %arg2[%add3A_653, %dma_wait3A_660] : memref<10240x64xi32, #tpu.memory_space<hbm>> -> memref<8x64xi32, #tpu.memory_space<hbm>>
        %dma_wait3A_662 = arith.constant 8 : i32
        %dma_wait3A_663 = arith.constant 0 : i32
        %dma_wait3A_664 = tpu.memref_slice %arg6[%dma_wait3A_662, %dma_wait3A_663] : memref<16x64xi32, #tpu.memory_space<vmem>> -> memref<8x64xi32, #tpu.memory_space<vmem>>
        %dma_wait3A_665 = arith.constant 0 : i32
        %dma_wait3A_666 = tpu.memref_slice %arg2[%add3A_653, %dma_wait3A_665] : memref<10240x64xi32, #tpu.memory_space<hbm>> -> memref<8x64xi32, #tpu.memory_space<hbm>>
        tpu.wait_dma2 semaphore(%arg21 : memref<!tpu.dma_semaphore, #tpu.memory_space<semaphore_mem>>) src(%dma_wait3A_666 : memref<8x64xi32, #tpu.memory_space<hbm>>) dst(%dma_wait3A_664 : memref<8x64xi32, #tpu.memory_space<vmem>>)
        %dma_wait3A_667 = arith.constant 8 : i32
        %dma_wait3A_668 = arith.constant 0 : i32
        %dma_wait3A_669 = tpu.memref_slice %arg7[%dma_wait3A_667, %dma_wait3A_668] : memref<16x64xi32, #tpu.memory_space<vmem>> -> memref<8x64xi32, #tpu.memory_space<vmem>>
        %dma_wait3A_670 = arith.constant 0 : i32
        %dma_wait3A_671 = tpu.memref_slice %arg3[%add3A_656, %dma_wait3A_670] : memref<5120x64xi32, #tpu.memory_space<hbm>> -> memref<8x64xi32, #tpu.memory_space<hbm>>
        %dma_wait3A_672 = arith.constant 8 : i32
        %dma_wait3A_673 = arith.constant 0 : i32
        %dma_wait3A_674 = tpu.memref_slice %arg7[%dma_wait3A_672, %dma_wait3A_673] : memref<16x64xi32, #tpu.memory_space<vmem>> -> memref<8x64xi32, #tpu.memory_space<vmem>>
        %dma_wait3A_675 = arith.constant 0 : i32
        %dma_wait3A_676 = tpu.memref_slice %arg3[%add3A_656, %dma_wait3A_675] : memref<5120x64xi32, #tpu.memory_space<hbm>> -> memref<8x64xi32, #tpu.memory_space<hbm>>
        tpu.wait_dma2 semaphore(%arg22 : memref<!tpu.dma_semaphore, #tpu.memory_space<semaphore_mem>>) src(%dma_wait3A_676 : memref<8x64xi32, #tpu.memory_space<hbm>>) dst(%dma_wait3A_674 : memref<8x64xi32, #tpu.memory_space<vmem>>)
      } else {
      }
      %dma_start3A_314 = arith.constant 7 : i32
      %dma_start3A_315 = arith.constant 0 : i32
      %dma_start3A_316 = tpu.memref_slice %arg6[%dma_start3A_314, %dma_start3A_315] : memref<16x64xi32, #tpu.memory_space<vmem>> -> memref<1x64xi32, #tpu.memory_space<vmem>>
      %dma_start3A_317 = tpu.memref_squeeze %dma_start3A_316 : memref<1x64xi32, #tpu.memory_space<vmem>> -> memref<64xi32, #tpu.memory_space<vmem>>
      %dma_start3A_318 = arith.constant 0 : i32
      %dma_start3A_319 = arith.constant 0 : i32
      %dma_start3A_320 = tpu.memref_slice %arg4[%dma_start3A_318, %dma_start3A_319] : memref<20480x128xf32, #tpu.memory_space<hbm>> -> memref<20480x128xf32, #tpu.memory_space<hbm>>
      tpu.enqueue_indirect_dma source(%dma_start3A_320 : memref<20480x128xf32, #tpu.memory_space<hbm>>) target(%arg11 : memref<64x128xf32, #tpu.memory_space<vmem>>) offsets(%dma_start3A_317 : memref<64xi32, #tpu.memory_space<vmem>>) semaphore(%arg16 : memref<!tpu.dma_semaphore, #tpu.memory_space<semaphore_mem>>)
      %dma_wait3A_321 = arith.constant 5 : i32
      %dma_wait3A_322 = arith.constant 0 : i32
      %dma_wait3A_323 = tpu.memref_slice %arg6[%dma_wait3A_321, %dma_wait3A_322] : memref<16x64xi32, #tpu.memory_space<vmem>> -> memref<1x64xi32, #tpu.memory_space<vmem>>
      %dma_wait3A_324 = tpu.memref_squeeze %dma_wait3A_323 : memref<1x64xi32, #tpu.memory_space<vmem>> -> memref<64xi32, #tpu.memory_space<vmem>>
      %dma_wait3A_325 = arith.constant 0 : i32
      %dma_wait3A_326 = arith.constant 0 : i32
      %dma_wait3A_327 = tpu.memref_slice %arg4[%dma_wait3A_325, %dma_wait3A_326] : memref<20480x128xf32, #tpu.memory_space<hbm>> -> memref<20480x128xf32, #tpu.memory_space<hbm>>
      tpu.wait_indirect_dma semaphore(%arg14 : memref<!tpu.dma_semaphore, #tpu.memory_space<semaphore_mem>>) src(%dma_wait3A_327 : memref<20480x128xf32, #tpu.memory_space<hbm>>) dst(%arg9 : memref<64x128xf32, #tpu.memory_space<vmem>>)
      %dma_start3A_328 = arith.constant 5 : i32
      %dma_start3A_329 = arith.constant 0 : i32
      %dma_start3A_330 = tpu.memref_slice %arg7[%dma_start3A_328, %dma_start3A_329] : memref<16x64xi32, #tpu.memory_space<vmem>> -> memref<1x64xi32, #tpu.memory_space<vmem>>
      %dma_start3A_331 = tpu.memref_squeeze %dma_start3A_330 : memref<1x64xi32, #tpu.memory_space<vmem>> -> memref<64xi32, #tpu.memory_space<vmem>>
      %dma_start3A_332 = arith.constant 0 : i32
      %dma_start3A_333 = arith.constant 0 : i32
      %dma_start3A_334 = tpu.memref_slice %arg12[%dma_start3A_332, %dma_start3A_333] : memref<10240x128xf32, #tpu.memory_space<vmem_shared>> -> memref<10240x128xf32, #tpu.memory_space<vmem_shared>>
      tpu.enqueue_indirect_dma source(%arg9 : memref<64x128xf32, #tpu.memory_space<vmem>>) target(%dma_start3A_334 : memref<10240x128xf32, #tpu.memory_space<vmem_shared>>) offsets(%dma_start3A_331 : memref<64xi32, #tpu.memory_space<vmem>>) semaphore(%arg18 : memref<!tpu.dma_semaphore, #tpu.memory_space<semaphore_mem>>) {add = true}
      %dma_wait3A_335 = arith.constant 5 : i32
      %dma_wait3A_336 = arith.constant 0 : i32
      %dma_wait3A_337 = tpu.memref_slice %arg7[%dma_wait3A_335, %dma_wait3A_336] : memref<16x64xi32, #tpu.memory_space<vmem>> -> memref<1x64xi32, #tpu.memory_space<vmem>>
      %dma_wait3A_338 = tpu.memref_squeeze %dma_wait3A_337 : memref<1x64xi32, #tpu.memory_space<vmem>> -> memref<64xi32, #tpu.memory_space<vmem>>
      %dma_wait3A_339 = arith.constant 0 : i32
      %dma_wait3A_340 = arith.constant 0 : i32
      %dma_wait3A_341 = tpu.memref_slice %arg12[%dma_wait3A_339, %dma_wait3A_340] : memref<10240x128xf32, #tpu.memory_space<vmem_shared>> -> memref<10240x128xf32, #tpu.memory_space<vmem_shared>>
      tpu.wait_indirect_dma semaphore(%arg17 : memref<!tpu.dma_semaphore, #tpu.memory_space<semaphore_mem>>) src(%arg8 : memref<64x128xf32, #tpu.memory_space<vmem>>) dst(%dma_wait3A_341 : memref<10240x128xf32, #tpu.memory_space<vmem_shared>>)
      %add3A_342 = arith.constant 1 : i32
      %add3A_343 = arith.addi %add3A_170, %add3A_342 : i32
      %lt3A_344 = arith.constant 40 : i32
      %lt3A_345 = arith.cmpi slt, %add3A_343, %lt3A_344 : i32
      %convert_element_type3A_346 = arith.extui %lt3A_345 : i1 to i32
      %cond3A_347 = arith.constant 0 : i32
      %cond3A_348 = arith.cmpi ne, %convert_element_type3A_346, %cond3A_347 : i32
      scf.if %cond3A_348 {
        %dma_start3A_649 = arith.constant 8 : i32
        %dma_start3A_650 = arith.constant 0 : i32
        %dma_start3A_651 = tpu.memref_slice %arg6[%dma_start3A_649, %dma_start3A_650] : memref<16x64xi32, #tpu.memory_space<vmem>> -> memref<1x64xi32, #tpu.memory_space<vmem>>
        %dma_start3A_652 = tpu.memref_squeeze %dma_start3A_651 : memref<1x64xi32, #tpu.memory_space<vmem>> -> memref<64xi32, #tpu.memory_space<vmem>>
        %dma_start3A_653 = arith.constant 0 : i32
        %dma_start3A_654 = arith.constant 0 : i32
        %dma_start3A_655 = tpu.memref_slice %arg4[%dma_start3A_653, %dma_start3A_654] : memref<20480x128xf32, #tpu.memory_space<hbm>> -> memref<20480x128xf32, #tpu.memory_space<hbm>>
        tpu.enqueue_indirect_dma source(%dma_start3A_655 : memref<20480x128xf32, #tpu.memory_space<hbm>>) target(%arg8 : memref<64x128xf32, #tpu.memory_space<vmem>>) offsets(%dma_start3A_652 : memref<64xi32, #tpu.memory_space<vmem>>) semaphore(%arg13 : memref<!tpu.dma_semaphore, #tpu.memory_space<semaphore_mem>>)
      } else {
      }
      %dma_wait3A_349 = arith.constant 6 : i32
      %dma_wait3A_350 = arith.constant 0 : i32
      %dma_wait3A_351 = tpu.memref_slice %arg6[%dma_wait3A_349, %dma_wait3A_350] : memref<16x64xi32, #tpu.memory_space<vmem>> -> memref<1x64xi32, #tpu.memory_space<vmem>>
      %dma_wait3A_352 = tpu.memref_squeeze %dma_wait3A_351 : memref<1x64xi32, #tpu.memory_space<vmem>> -> memref<64xi32, #tpu.memory_space<vmem>>
      %dma_wait3A_353 = arith.constant 0 : i32
      %dma_wait3A_354 = arith.constant 0 : i32
      %dma_wait3A_355 = tpu.memref_slice %arg4[%dma_wait3A_353, %dma_wait3A_354] : memref<20480x128xf32, #tpu.memory_space<hbm>> -> memref<20480x128xf32, #tpu.memory_space<hbm>>
      tpu.wait_indirect_dma semaphore(%arg15 : memref<!tpu.dma_semaphore, #tpu.memory_space<semaphore_mem>>) src(%dma_wait3A_355 : memref<20480x128xf32, #tpu.memory_space<hbm>>) dst(%arg10 : memref<64x128xf32, #tpu.memory_space<vmem>>)
      %dma_start3A_356 = arith.constant 6 : i32
      %dma_start3A_357 = arith.constant 0 : i32
      %dma_start3A_358 = tpu.memref_slice %arg7[%dma_start3A_356, %dma_start3A_357] : memref<16x64xi32, #tpu.memory_space<vmem>> -> memref<1x64xi32, #tpu.memory_space<vmem>>
      %dma_start3A_359 = tpu.memref_squeeze %dma_start3A_358 : memref<1x64xi32, #tpu.memory_space<vmem>> -> memref<64xi32, #tpu.memory_space<vmem>>
      %dma_start3A_360 = arith.constant 0 : i32
      %dma_start3A_361 = arith.constant 0 : i32
      %dma_start3A_362 = tpu.memref_slice %arg12[%dma_start3A_360, %dma_start3A_361] : memref<10240x128xf32, #tpu.memory_space<vmem_shared>> -> memref<10240x128xf32, #tpu.memory_space<vmem_shared>>
      tpu.enqueue_indirect_dma source(%arg10 : memref<64x128xf32, #tpu.memory_space<vmem>>) target(%dma_start3A_362 : memref<10240x128xf32, #tpu.memory_space<vmem_shared>>) offsets(%dma_start3A_359 : memref<64xi32, #tpu.memory_space<vmem>>) semaphore(%arg19 : memref<!tpu.dma_semaphore, #tpu.memory_space<semaphore_mem>>) {add = true}
      %dma_wait3A_363 = arith.constant 6 : i32
      %dma_wait3A_364 = arith.constant 0 : i32
      %dma_wait3A_365 = tpu.memref_slice %arg7[%dma_wait3A_363, %dma_wait3A_364] : memref<16x64xi32, #tpu.memory_space<vmem>> -> memref<1x64xi32, #tpu.memory_space<vmem>>
      %dma_wait3A_366 = tpu.memref_squeeze %dma_wait3A_365 : memref<1x64xi32, #tpu.memory_space<vmem>> -> memref<64xi32, #tpu.memory_space<vmem>>
      %dma_wait3A_367 = arith.constant 0 : i32
      %dma_wait3A_368 = arith.constant 0 : i32
      %dma_wait3A_369 = tpu.memref_slice %arg12[%dma_wait3A_367, %dma_wait3A_368] : memref<10240x128xf32, #tpu.memory_space<vmem_shared>> -> memref<10240x128xf32, #tpu.memory_space<vmem_shared>>
      tpu.wait_indirect_dma semaphore(%arg18 : memref<!tpu.dma_semaphore, #tpu.memory_space<semaphore_mem>>) src(%arg9 : memref<64x128xf32, #tpu.memory_space<vmem>>) dst(%dma_wait3A_369 : memref<10240x128xf32, #tpu.memory_space<vmem_shared>>)
      %add3A_370 = arith.constant 1 : i32
      %add3A_371 = arith.addi %add3A_170, %add3A_370 : i32
      %lt3A_372 = arith.constant 40 : i32
      %lt3A_373 = arith.cmpi slt, %add3A_371, %lt3A_372 : i32
      %convert_element_type3A_374 = arith.extui %lt3A_373 : i1 to i32
      %cond3A_375 = arith.constant 0 : i32
      %cond3A_376 = arith.cmpi ne, %convert_element_type3A_374, %cond3A_375 : i32
      scf.if %cond3A_376 {
        %dma_start3A_649 = arith.constant 9 : i32
        %dma_start3A_650 = arith.constant 0 : i32
        %dma_start3A_651 = tpu.memref_slice %arg6[%dma_start3A_649, %dma_start3A_650] : memref<16x64xi32, #tpu.memory_space<vmem>> -> memref<1x64xi32, #tpu.memory_space<vmem>>
        %dma_start3A_652 = tpu.memref_squeeze %dma_start3A_651 : memref<1x64xi32, #tpu.memory_space<vmem>> -> memref<64xi32, #tpu.memory_space<vmem>>
        %dma_start3A_653 = arith.constant 0 : i32
        %dma_start3A_654 = arith.constant 0 : i32
        %dma_start3A_655 = tpu.memref_slice %arg4[%dma_start3A_653, %dma_start3A_654] : memref<20480x128xf32, #tpu.memory_space<hbm>> -> memref<20480x128xf32, #tpu.memory_space<hbm>>
        tpu.enqueue_indirect_dma source(%dma_start3A_655 : memref<20480x128xf32, #tpu.memory_space<hbm>>) target(%arg9 : memref<64x128xf32, #tpu.memory_space<vmem>>) offsets(%dma_start3A_652 : memref<64xi32, #tpu.memory_space<vmem>>) semaphore(%arg14 : memref<!tpu.dma_semaphore, #tpu.memory_space<semaphore_mem>>)
      } else {
      }
      %dma_wait3A_377 = arith.constant 7 : i32
      %dma_wait3A_378 = arith.constant 0 : i32
      %dma_wait3A_379 = tpu.memref_slice %arg6[%dma_wait3A_377, %dma_wait3A_378] : memref<16x64xi32, #tpu.memory_space<vmem>> -> memref<1x64xi32, #tpu.memory_space<vmem>>
      %dma_wait3A_380 = tpu.memref_squeeze %dma_wait3A_379 : memref<1x64xi32, #tpu.memory_space<vmem>> -> memref<64xi32, #tpu.memory_space<vmem>>
      %dma_wait3A_381 = arith.constant 0 : i32
      %dma_wait3A_382 = arith.constant 0 : i32
      %dma_wait3A_383 = tpu.memref_slice %arg4[%dma_wait3A_381, %dma_wait3A_382] : memref<20480x128xf32, #tpu.memory_space<hbm>> -> memref<20480x128xf32, #tpu.memory_space<hbm>>
      tpu.wait_indirect_dma semaphore(%arg16 : memref<!tpu.dma_semaphore, #tpu.memory_space<semaphore_mem>>) src(%dma_wait3A_383 : memref<20480x128xf32, #tpu.memory_space<hbm>>) dst(%arg11 : memref<64x128xf32, #tpu.memory_space<vmem>>)
      %dma_start3A_384 = arith.constant 7 : i32
      %dma_start3A_385 = arith.constant 0 : i32
      %dma_start3A_386 = tpu.memref_slice %arg7[%dma_start3A_384, %dma_start3A_385] : memref<16x64xi32, #tpu.memory_space<vmem>> -> memref<1x64xi32, #tpu.memory_space<vmem>>
      %dma_start3A_387 = tpu.memref_squeeze %dma_start3A_386 : memref<1x64xi32, #tpu.memory_space<vmem>> -> memref<64xi32, #tpu.memory_space<vmem>>
      %dma_start3A_388 = arith.constant 0 : i32
      %dma_start3A_389 = arith.constant 0 : i32
      %dma_start3A_390 = tpu.memref_slice %arg12[%dma_start3A_388, %dma_start3A_389] : memref<10240x128xf32, #tpu.memory_space<vmem_shared>> -> memref<10240x128xf32, #tpu.memory_space<vmem_shared>>
      tpu.enqueue_indirect_dma source(%arg11 : memref<64x128xf32, #tpu.memory_space<vmem>>) target(%dma_start3A_390 : memref<10240x128xf32, #tpu.memory_space<vmem_shared>>) offsets(%dma_start3A_387 : memref<64xi32, #tpu.memory_space<vmem>>) semaphore(%arg20 : memref<!tpu.dma_semaphore, #tpu.memory_space<semaphore_mem>>) {add = true}
      %dma_wait3A_391 = arith.constant 7 : i32
      %dma_wait3A_392 = arith.constant 0 : i32
      %dma_wait3A_393 = tpu.memref_slice %arg7[%dma_wait3A_391, %dma_wait3A_392] : memref<16x64xi32, #tpu.memory_space<vmem>> -> memref<1x64xi32, #tpu.memory_space<vmem>>
      %dma_wait3A_394 = tpu.memref_squeeze %dma_wait3A_393 : memref<1x64xi32, #tpu.memory_space<vmem>> -> memref<64xi32, #tpu.memory_space<vmem>>
      %dma_wait3A_395 = arith.constant 0 : i32
      %dma_wait3A_396 = arith.constant 0 : i32
      %dma_wait3A_397 = tpu.memref_slice %arg12[%dma_wait3A_395, %dma_wait3A_396] : memref<10240x128xf32, #tpu.memory_space<vmem_shared>> -> memref<10240x128xf32, #tpu.memory_space<vmem_shared>>
      tpu.wait_indirect_dma semaphore(%arg19 : memref<!tpu.dma_semaphore, #tpu.memory_space<semaphore_mem>>) src(%arg10 : memref<64x128xf32, #tpu.memory_space<vmem>>) dst(%dma_wait3A_397 : memref<10240x128xf32, #tpu.memory_space<vmem_shared>>)
      %add3A_398 = arith.constant 1 : i32
      %add3A_399 = arith.addi %add3A_170, %add3A_398 : i32
      %lt3A_400 = arith.constant 40 : i32
      %lt3A_401 = arith.cmpi slt, %add3A_399, %lt3A_400 : i32
      %convert_element_type3A_402 = arith.extui %lt3A_401 : i1 to i32
      %cond3A_403 = arith.constant 0 : i32
      %cond3A_404 = arith.cmpi ne, %convert_element_type3A_402, %cond3A_403 : i32
      scf.if %cond3A_404 {
        %dma_start3A_649 = arith.constant 10 : i32
        %dma_start3A_650 = arith.constant 0 : i32
        %dma_start3A_651 = tpu.memref_slice %arg6[%dma_start3A_649, %dma_start3A_650] : memref<16x64xi32, #tpu.memory_space<vmem>> -> memref<1x64xi32, #tpu.memory_space<vmem>>
        %dma_start3A_652 = tpu.memref_squeeze %dma_start3A_651 : memref<1x64xi32, #tpu.memory_space<vmem>> -> memref<64xi32, #tpu.memory_space<vmem>>
        %dma_start3A_653 = arith.constant 0 : i32
        %dma_start3A_654 = arith.constant 0 : i32
        %dma_start3A_655 = tpu.memref_slice %arg4[%dma_start3A_653, %dma_start3A_654] : memref<20480x128xf32, #tpu.memory_space<hbm>> -> memref<20480x128xf32, #tpu.memory_space<hbm>>
        tpu.enqueue_indirect_dma source(%dma_start3A_655 : memref<20480x128xf32, #tpu.memory_space<hbm>>) target(%arg10 : memref<64x128xf32, #tpu.memory_space<vmem>>) offsets(%dma_start3A_652 : memref<64xi32, #tpu.memory_space<vmem>>) semaphore(%arg15 : memref<!tpu.dma_semaphore, #tpu.memory_space<semaphore_mem>>)
      } else {
      }
      %mul3A_405 = arith.constant 2 : i32
      %mul3A_406 = arith.muli %scan3A_165, %mul3A_405 : i32
      %add3A_407 = arith.constant 1 : i32
      %add3A_408 = arith.addi %mul3A_406, %add3A_407 : i32
      %dma_wait3A_409 = arith.constant 8 : i32
      %dma_wait3A_410 = arith.constant 0 : i32
      %dma_wait3A_411 = tpu.memref_slice %arg6[%dma_wait3A_409, %dma_wait3A_410] : memref<16x64xi32, #tpu.memory_space<vmem>> -> memref<1x64xi32, #tpu.memory_space<vmem>>
      %dma_wait3A_412 = tpu.memref_squeeze %dma_wait3A_411 : memref<1x64xi32, #tpu.memory_space<vmem>> -> memref<64xi32, #tpu.memory_space<vmem>>
      %dma_wait3A_413 = arith.constant 0 : i32
      %dma_wait3A_414 = arith.constant 0 : i32
      %dma_wait3A_415 = tpu.memref_slice %arg4[%dma_wait3A_413, %dma_wait3A_414] : memref<20480x128xf32, #tpu.memory_space<hbm>> -> memref<20480x128xf32, #tpu.memory_space<hbm>>
      tpu.wait_indirect_dma semaphore(%arg13 : memref<!tpu.dma_semaphore, #tpu.memory_space<semaphore_mem>>) src(%dma_wait3A_415 : memref<20480x128xf32, #tpu.memory_space<hbm>>) dst(%arg8 : memref<64x128xf32, #tpu.memory_space<vmem>>)
      %dma_start3A_416 = arith.constant 8 : i32
      %dma_start3A_417 = arith.constant 0 : i32
      %dma_start3A_418 = tpu.memref_slice %arg7[%dma_start3A_416, %dma_start3A_417] : memref<16x64xi32, #tpu.memory_space<vmem>> -> memref<1x64xi32, #tpu.memory_space<vmem>>
      %dma_start3A_419 = tpu.memref_squeeze %dma_start3A_418 : memref<1x64xi32, #tpu.memory_space<vmem>> -> memref<64xi32, #tpu.memory_space<vmem>>
      %dma_start3A_420 = arith.constant 0 : i32
      %dma_start3A_421 = arith.constant 0 : i32
      %dma_start3A_422 = tpu.memref_slice %arg12[%dma_start3A_420, %dma_start3A_421] : memref<10240x128xf32, #tpu.memory_space<vmem_shared>> -> memref<10240x128xf32, #tpu.memory_space<vmem_shared>>
      tpu.enqueue_indirect_dma source(%arg8 : memref<64x128xf32, #tpu.memory_space<vmem>>) target(%dma_start3A_422 : memref<10240x128xf32, #tpu.memory_space<vmem_shared>>) offsets(%dma_start3A_419 : memref<64xi32, #tpu.memory_space<vmem>>) semaphore(%arg17 : memref<!tpu.dma_semaphore, #tpu.memory_space<semaphore_mem>>) {add = true}
      %ge3A_423 = arith.constant 1 : i32
      %ge3A_424 = arith.cmpi sge, %add3A_408, %ge3A_423 : i32
      %convert_element_type3A_425 = arith.extui %ge3A_424 : i1 to i32
      %cond3A_426 = arith.constant 0 : i32
      %cond3A_427 = arith.cmpi ne, %convert_element_type3A_425, %cond3A_426 : i32
      scf.if %cond3A_427 {
        %dma_wait3A_649 = arith.constant 8 : i32
        %dma_wait3A_650 = arith.constant 0 : i32
        %dma_wait3A_651 = tpu.memref_slice %arg7[%dma_wait3A_649, %dma_wait3A_650] : memref<16x64xi32, #tpu.memory_space<vmem>> -> memref<1x64xi32, #tpu.memory_space<vmem>>
        %dma_wait3A_652 = tpu.memref_squeeze %dma_wait3A_651 : memref<1x64xi32, #tpu.memory_space<vmem>> -> memref<64xi32, #tpu.memory_space<vmem>>
        %dma_wait3A_653 = arith.constant 0 : i32
        %dma_wait3A_654 = arith.constant 0 : i32
        %dma_wait3A_655 = tpu.memref_slice %arg12[%dma_wait3A_653, %dma_wait3A_654] : memref<10240x128xf32, #tpu.memory_space<vmem_shared>> -> memref<10240x128xf32, #tpu.memory_space<vmem_shared>>
        tpu.wait_indirect_dma semaphore(%arg20 : memref<!tpu.dma_semaphore, #tpu.memory_space<semaphore_mem>>) src(%arg11 : memref<64x128xf32, #tpu.memory_space<vmem>>) dst(%dma_wait3A_655 : memref<10240x128xf32, #tpu.memory_space<vmem_shared>>)
      } else {
      }
      %ge3A_428 = arith.constant 1 : i32
      %ge3A_429 = arith.cmpi sge, %add3A_408, %ge3A_428 : i32
      %add3A_430 = arith.constant 1 : i32
      %add3A_431 = arith.addi %add3A_408, %add3A_430 : i32
      %lt3A_432 = arith.constant 40 : i32
      %lt3A_433 = arith.cmpi slt, %add3A_431, %lt3A_432 : i32
      %and3A_434 = arith.andi %ge3A_429, %lt3A_433 : i1
      %convert_element_type3A_435 = arith.extui %and3A_434 : i1 to i32
      %cond3A_436 = arith.constant 0 : i32
      %cond3A_437 = arith.cmpi ne, %convert_element_type3A_435, %cond3A_436 : i32
      scf.if %cond3A_437 {
        %add3A_649 = arith.constant 1 : i32
        %add3A_650 = arith.addi %add3A_408, %add3A_649 : i32
        %mul3A_651 = arith.constant 8 : i32
        %mul3A_652 = arith.muli %add3A_650, %mul3A_651 : i32
        %add3A_653 = arith.addi %add3A, %mul3A_652 : i32
        %mul3A_654 = arith.constant 8 : i32
        %mul3A_655 = arith.muli %add3A_650, %mul3A_654 : i32
        %add3A_656 = arith.addi %mul3A_4, %mul3A_655 : i32
        %dma_start3A_657 = arith.constant 0 : i32
        %dma_start3A_658 = arith.constant 0 : i32
        %dma_start3A_659 = tpu.memref_slice %arg6[%dma_start3A_657, %dma_start3A_658] : memref<16x64xi32, #tpu.memory_space<vmem>> -> memref<8x64xi32, #tpu.memory_space<vmem>>
        %dma_start3A_660 = arith.constant 0 : i32
        %dma_start3A_661 = tpu.memref_slice %arg2[%add3A_653, %dma_start3A_660] : memref<10240x64xi32, #tpu.memory_space<hbm>> -> memref<8x64xi32, #tpu.memory_space<hbm>>
        %dma_start3A_662 = arith.constant 0 : i32
        %dma_start3A_663 = arith.constant 0 : i32
        %dma_start3A_664 = tpu.memref_slice %arg6[%dma_start3A_662, %dma_start3A_663] : memref<16x64xi32, #tpu.memory_space<vmem>> -> memref<8x64xi32, #tpu.memory_space<vmem>>
        %dma_start3A_665 = arith.constant 0 : i32
        %dma_start3A_666 = tpu.memref_slice %arg2[%add3A_653, %dma_start3A_665] : memref<10240x64xi32, #tpu.memory_space<hbm>> -> memref<8x64xi32, #tpu.memory_space<hbm>>
        tpu.enqueue_dma source(%dma_start3A_666 : memref<8x64xi32, #tpu.memory_space<hbm>>) target(%dma_start3A_664 : memref<8x64xi32, #tpu.memory_space<vmem>>) target_semaphore(%arg21 : memref<!tpu.dma_semaphore, #tpu.memory_space<semaphore_mem>>)
        %dma_start3A_667 = arith.constant 0 : i32
        %dma_start3A_668 = arith.constant 0 : i32
        %dma_start3A_669 = tpu.memref_slice %arg7[%dma_start3A_667, %dma_start3A_668] : memref<16x64xi32, #tpu.memory_space<vmem>> -> memref<8x64xi32, #tpu.memory_space<vmem>>
        %dma_start3A_670 = arith.constant 0 : i32
        %dma_start3A_671 = tpu.memref_slice %arg3[%add3A_656, %dma_start3A_670] : memref<5120x64xi32, #tpu.memory_space<hbm>> -> memref<8x64xi32, #tpu.memory_space<hbm>>
        %dma_start3A_672 = arith.constant 0 : i32
        %dma_start3A_673 = arith.constant 0 : i32
        %dma_start3A_674 = tpu.memref_slice %arg7[%dma_start3A_672, %dma_start3A_673] : memref<16x64xi32, #tpu.memory_space<vmem>> -> memref<8x64xi32, #tpu.memory_space<vmem>>
        %dma_start3A_675 = arith.constant 0 : i32
        %dma_start3A_676 = tpu.memref_slice %arg3[%add3A_656, %dma_start3A_675] : memref<5120x64xi32, #tpu.memory_space<hbm>> -> memref<8x64xi32, #tpu.memory_space<hbm>>
        tpu.enqueue_dma source(%dma_start3A_676 : memref<8x64xi32, #tpu.memory_space<hbm>>) target(%dma_start3A_674 : memref<8x64xi32, #tpu.memory_space<vmem>>) target_semaphore(%arg22 : memref<!tpu.dma_semaphore, #tpu.memory_space<semaphore_mem>>)
      } else {
      }
      %dma_start3A_438 = arith.constant 11 : i32
      %dma_start3A_439 = arith.constant 0 : i32
      %dma_start3A_440 = tpu.memref_slice %arg6[%dma_start3A_438, %dma_start3A_439] : memref<16x64xi32, #tpu.memory_space<vmem>> -> memref<1x64xi32, #tpu.memory_space<vmem>>
      %dma_start3A_441 = tpu.memref_squeeze %dma_start3A_440 : memref<1x64xi32, #tpu.memory_space<vmem>> -> memref<64xi32, #tpu.memory_space<vmem>>
      %dma_start3A_442 = arith.constant 0 : i32
      %dma_start3A_443 = arith.constant 0 : i32
      %dma_start3A_444 = tpu.memref_slice %arg4[%dma_start3A_442, %dma_start3A_443] : memref<20480x128xf32, #tpu.memory_space<hbm>> -> memref<20480x128xf32, #tpu.memory_space<hbm>>
      tpu.enqueue_indirect_dma source(%dma_start3A_444 : memref<20480x128xf32, #tpu.memory_space<hbm>>) target(%arg11 : memref<64x128xf32, #tpu.memory_space<vmem>>) offsets(%dma_start3A_441 : memref<64xi32, #tpu.memory_space<vmem>>) semaphore(%arg16 : memref<!tpu.dma_semaphore, #tpu.memory_space<semaphore_mem>>)
      %dma_wait3A_445 = arith.constant 9 : i32
      %dma_wait3A_446 = arith.constant 0 : i32
      %dma_wait3A_447 = tpu.memref_slice %arg6[%dma_wait3A_445, %dma_wait3A_446] : memref<16x64xi32, #tpu.memory_space<vmem>> -> memref<1x64xi32, #tpu.memory_space<vmem>>
      %dma_wait3A_448 = tpu.memref_squeeze %dma_wait3A_447 : memref<1x64xi32, #tpu.memory_space<vmem>> -> memref<64xi32, #tpu.memory_space<vmem>>
      %dma_wait3A_449 = arith.constant 0 : i32
      %dma_wait3A_450 = arith.constant 0 : i32
      %dma_wait3A_451 = tpu.memref_slice %arg4[%dma_wait3A_449, %dma_wait3A_450] : memref<20480x128xf32, #tpu.memory_space<hbm>> -> memref<20480x128xf32, #tpu.memory_space<hbm>>
      tpu.wait_indirect_dma semaphore(%arg14 : memref<!tpu.dma_semaphore, #tpu.memory_space<semaphore_mem>>) src(%dma_wait3A_451 : memref<20480x128xf32, #tpu.memory_space<hbm>>) dst(%arg9 : memref<64x128xf32, #tpu.memory_space<vmem>>)
      %dma_start3A_452 = arith.constant 9 : i32
      %dma_start3A_453 = arith.constant 0 : i32
      %dma_start3A_454 = tpu.memref_slice %arg7[%dma_start3A_452, %dma_start3A_453] : memref<16x64xi32, #tpu.memory_space<vmem>> -> memref<1x64xi32, #tpu.memory_space<vmem>>
      %dma_start3A_455 = tpu.memref_squeeze %dma_start3A_454 : memref<1x64xi32, #tpu.memory_space<vmem>> -> memref<64xi32, #tpu.memory_space<vmem>>
      %dma_start3A_456 = arith.constant 0 : i32
      %dma_start3A_457 = arith.constant 0 : i32
      %dma_start3A_458 = tpu.memref_slice %arg12[%dma_start3A_456, %dma_start3A_457] : memref<10240x128xf32, #tpu.memory_space<vmem_shared>> -> memref<10240x128xf32, #tpu.memory_space<vmem_shared>>
      tpu.enqueue_indirect_dma source(%arg9 : memref<64x128xf32, #tpu.memory_space<vmem>>) target(%dma_start3A_458 : memref<10240x128xf32, #tpu.memory_space<vmem_shared>>) offsets(%dma_start3A_455 : memref<64xi32, #tpu.memory_space<vmem>>) semaphore(%arg18 : memref<!tpu.dma_semaphore, #tpu.memory_space<semaphore_mem>>) {add = true}
      %dma_wait3A_459 = arith.constant 9 : i32
      %dma_wait3A_460 = arith.constant 0 : i32
      %dma_wait3A_461 = tpu.memref_slice %arg7[%dma_wait3A_459, %dma_wait3A_460] : memref<16x64xi32, #tpu.memory_space<vmem>> -> memref<1x64xi32, #tpu.memory_space<vmem>>
      %dma_wait3A_462 = tpu.memref_squeeze %dma_wait3A_461 : memref<1x64xi32, #tpu.memory_space<vmem>> -> memref<64xi32, #tpu.memory_space<vmem>>
      %dma_wait3A_463 = arith.constant 0 : i32
      %dma_wait3A_464 = arith.constant 0 : i32
      %dma_wait3A_465 = tpu.memref_slice %arg12[%dma_wait3A_463, %dma_wait3A_464] : memref<10240x128xf32, #tpu.memory_space<vmem_shared>> -> memref<10240x128xf32, #tpu.memory_space<vmem_shared>>
      tpu.wait_indirect_dma semaphore(%arg17 : memref<!tpu.dma_semaphore, #tpu.memory_space<semaphore_mem>>) src(%arg8 : memref<64x128xf32, #tpu.memory_space<vmem>>) dst(%dma_wait3A_465 : memref<10240x128xf32, #tpu.memory_space<vmem_shared>>)
      %dma_start3A_466 = arith.constant 12 : i32
      %dma_start3A_467 = arith.constant 0 : i32
      %dma_start3A_468 = tpu.memref_slice %arg6[%dma_start3A_466, %dma_start3A_467] : memref<16x64xi32, #tpu.memory_space<vmem>> -> memref<1x64xi32, #tpu.memory_space<vmem>>
      %dma_start3A_469 = tpu.memref_squeeze %dma_start3A_468 : memref<1x64xi32, #tpu.memory_space<vmem>> -> memref<64xi32, #tpu.memory_space<vmem>>
      %dma_start3A_470 = arith.constant 0 : i32
      %dma_start3A_471 = arith.constant 0 : i32
      %dma_start3A_472 = tpu.memref_slice %arg4[%dma_start3A_470, %dma_start3A_471] : memref<20480x128xf32, #tpu.memory_space<hbm>> -> memref<20480x128xf32, #tpu.memory_space<hbm>>
      tpu.enqueue_indirect_dma source(%dma_start3A_472 : memref<20480x128xf32, #tpu.memory_space<hbm>>) target(%arg8 : memref<64x128xf32, #tpu.memory_space<vmem>>) offsets(%dma_start3A_469 : memref<64xi32, #tpu.memory_space<vmem>>) semaphore(%arg13 : memref<!tpu.dma_semaphore, #tpu.memory_space<semaphore_mem>>)
      %dma_wait3A_473 = arith.constant 10 : i32
      %dma_wait3A_474 = arith.constant 0 : i32
      %dma_wait3A_475 = tpu.memref_slice %arg6[%dma_wait3A_473, %dma_wait3A_474] : memref<16x64xi32, #tpu.memory_space<vmem>> -> memref<1x64xi32, #tpu.memory_space<vmem>>
      %dma_wait3A_476 = tpu.memref_squeeze %dma_wait3A_475 : memref<1x64xi32, #tpu.memory_space<vmem>> -> memref<64xi32, #tpu.memory_space<vmem>>
      %dma_wait3A_477 = arith.constant 0 : i32
      %dma_wait3A_478 = arith.constant 0 : i32
      %dma_wait3A_479 = tpu.memref_slice %arg4[%dma_wait3A_477, %dma_wait3A_478] : memref<20480x128xf32, #tpu.memory_space<hbm>> -> memref<20480x128xf32, #tpu.memory_space<hbm>>
      tpu.wait_indirect_dma semaphore(%arg15 : memref<!tpu.dma_semaphore, #tpu.memory_space<semaphore_mem>>) src(%dma_wait3A_479 : memref<20480x128xf32, #tpu.memory_space<hbm>>) dst(%arg10 : memref<64x128xf32, #tpu.memory_space<vmem>>)
      %dma_start3A_480 = arith.constant 10 : i32
      %dma_start3A_481 = arith.constant 0 : i32
      %dma_start3A_482 = tpu.memref_slice %arg7[%dma_start3A_480, %dma_start3A_481] : memref<16x64xi32, #tpu.memory_space<vmem>> -> memref<1x64xi32, #tpu.memory_space<vmem>>
      %dma_start3A_483 = tpu.memref_squeeze %dma_start3A_482 : memref<1x64xi32, #tpu.memory_space<vmem>> -> memref<64xi32, #tpu.memory_space<vmem>>
      %dma_start3A_484 = arith.constant 0 : i32
      %dma_start3A_485 = arith.constant 0 : i32
      %dma_start3A_486 = tpu.memref_slice %arg12[%dma_start3A_484, %dma_start3A_485] : memref<10240x128xf32, #tpu.memory_space<vmem_shared>> -> memref<10240x128xf32, #tpu.memory_space<vmem_shared>>
      tpu.enqueue_indirect_dma source(%arg10 : memref<64x128xf32, #tpu.memory_space<vmem>>) target(%dma_start3A_486 : memref<10240x128xf32, #tpu.memory_space<vmem_shared>>) offsets(%dma_start3A_483 : memref<64xi32, #tpu.memory_space<vmem>>) semaphore(%arg19 : memref<!tpu.dma_semaphore, #tpu.memory_space<semaphore_mem>>) {add = true}
      %dma_wait3A_487 = arith.constant 10 : i32
      %dma_wait3A_488 = arith.constant 0 : i32
      %dma_wait3A_489 = tpu.memref_slice %arg7[%dma_wait3A_487, %dma_wait3A_488] : memref<16x64xi32, #tpu.memory_space<vmem>> -> memref<1x64xi32, #tpu.memory_space<vmem>>
      %dma_wait3A_490 = tpu.memref_squeeze %dma_wait3A_489 : memref<1x64xi32, #tpu.memory_space<vmem>> -> memref<64xi32, #tpu.memory_space<vmem>>
      %dma_wait3A_491 = arith.constant 0 : i32
      %dma_wait3A_492 = arith.constant 0 : i32
      %dma_wait3A_493 = tpu.memref_slice %arg12[%dma_wait3A_491, %dma_wait3A_492] : memref<10240x128xf32, #tpu.memory_space<vmem_shared>> -> memref<10240x128xf32, #tpu.memory_space<vmem_shared>>
      tpu.wait_indirect_dma semaphore(%arg18 : memref<!tpu.dma_semaphore, #tpu.memory_space<semaphore_mem>>) src(%arg9 : memref<64x128xf32, #tpu.memory_space<vmem>>) dst(%dma_wait3A_493 : memref<10240x128xf32, #tpu.memory_space<vmem_shared>>)
      %dma_start3A_494 = arith.constant 13 : i32
      %dma_start3A_495 = arith.constant 0 : i32
      %dma_start3A_496 = tpu.memref_slice %arg6[%dma_start3A_494, %dma_start3A_495] : memref<16x64xi32, #tpu.memory_space<vmem>> -> memref<1x64xi32, #tpu.memory_space<vmem>>
      %dma_start3A_497 = tpu.memref_squeeze %dma_start3A_496 : memref<1x64xi32, #tpu.memory_space<vmem>> -> memref<64xi32, #tpu.memory_space<vmem>>
      %dma_start3A_498 = arith.constant 0 : i32
      %dma_start3A_499 = arith.constant 0 : i32
      %dma_start3A_500 = tpu.memref_slice %arg4[%dma_start3A_498, %dma_start3A_499] : memref<20480x128xf32, #tpu.memory_space<hbm>> -> memref<20480x128xf32, #tpu.memory_space<hbm>>
      tpu.enqueue_indirect_dma source(%dma_start3A_500 : memref<20480x128xf32, #tpu.memory_space<hbm>>) target(%arg9 : memref<64x128xf32, #tpu.memory_space<vmem>>) offsets(%dma_start3A_497 : memref<64xi32, #tpu.memory_space<vmem>>) semaphore(%arg14 : memref<!tpu.dma_semaphore, #tpu.memory_space<semaphore_mem>>)
      %dma_wait3A_501 = arith.constant 11 : i32
      %dma_wait3A_502 = arith.constant 0 : i32
      %dma_wait3A_503 = tpu.memref_slice %arg6[%dma_wait3A_501, %dma_wait3A_502] : memref<16x64xi32, #tpu.memory_space<vmem>> -> memref<1x64xi32, #tpu.memory_space<vmem>>
      %dma_wait3A_504 = tpu.memref_squeeze %dma_wait3A_503 : memref<1x64xi32, #tpu.memory_space<vmem>> -> memref<64xi32, #tpu.memory_space<vmem>>
      %dma_wait3A_505 = arith.constant 0 : i32
      %dma_wait3A_506 = arith.constant 0 : i32
      %dma_wait3A_507 = tpu.memref_slice %arg4[%dma_wait3A_505, %dma_wait3A_506] : memref<20480x128xf32, #tpu.memory_space<hbm>> -> memref<20480x128xf32, #tpu.memory_space<hbm>>
      tpu.wait_indirect_dma semaphore(%arg16 : memref<!tpu.dma_semaphore, #tpu.memory_space<semaphore_mem>>) src(%dma_wait3A_507 : memref<20480x128xf32, #tpu.memory_space<hbm>>) dst(%arg11 : memref<64x128xf32, #tpu.memory_space<vmem>>)
      %dma_start3A_508 = arith.constant 11 : i32
      %dma_start3A_509 = arith.constant 0 : i32
      %dma_start3A_510 = tpu.memref_slice %arg7[%dma_start3A_508, %dma_start3A_509] : memref<16x64xi32, #tpu.memory_space<vmem>> -> memref<1x64xi32, #tpu.memory_space<vmem>>
      %dma_start3A_511 = tpu.memref_squeeze %dma_start3A_510 : memref<1x64xi32, #tpu.memory_space<vmem>> -> memref<64xi32, #tpu.memory_space<vmem>>
      %dma_start3A_512 = arith.constant 0 : i32
      %dma_start3A_513 = arith.constant 0 : i32
      %dma_start3A_514 = tpu.memref_slice %arg12[%dma_start3A_512, %dma_start3A_513] : memref<10240x128xf32, #tpu.memory_space<vmem_shared>> -> memref<10240x128xf32, #tpu.memory_space<vmem_shared>>
      tpu.enqueue_indirect_dma source(%arg11 : memref<64x128xf32, #tpu.memory_space<vmem>>) target(%dma_start3A_514 : memref<10240x128xf32, #tpu.memory_space<vmem_shared>>) offsets(%dma_start3A_511 : memref<64xi32, #tpu.memory_space<vmem>>) semaphore(%arg20 : memref<!tpu.dma_semaphore, #tpu.memory_space<semaphore_mem>>) {add = true}
      %dma_wait3A_515 = arith.constant 11 : i32
      %dma_wait3A_516 = arith.constant 0 : i32
      %dma_wait3A_517 = tpu.memref_slice %arg7[%dma_wait3A_515, %dma_wait3A_516] : memref<16x64xi32, #tpu.memory_space<vmem>> -> memref<1x64xi32, #tpu.memory_space<vmem>>
      %dma_wait3A_518 = tpu.memref_squeeze %dma_wait3A_517 : memref<1x64xi32, #tpu.memory_space<vmem>> -> memref<64xi32, #tpu.memory_space<vmem>>
      %dma_wait3A_519 = arith.constant 0 : i32
      %dma_wait3A_520 = arith.constant 0 : i32
      %dma_wait3A_521 = tpu.memref_slice %arg12[%dma_wait3A_519, %dma_wait3A_520] : memref<10240x128xf32, #tpu.memory_space<vmem_shared>> -> memref<10240x128xf32, #tpu.memory_space<vmem_shared>>
      tpu.wait_indirect_dma semaphore(%arg19 : memref<!tpu.dma_semaphore, #tpu.memory_space<semaphore_mem>>) src(%arg10 : memref<64x128xf32, #tpu.memory_space<vmem>>) dst(%dma_wait3A_521 : memref<10240x128xf32, #tpu.memory_space<vmem_shared>>)
      %dma_start3A_522 = arith.constant 14 : i32
      %dma_start3A_523 = arith.constant 0 : i32
      %dma_start3A_524 = tpu.memref_slice %arg6[%dma_start3A_522, %dma_start3A_523] : memref<16x64xi32, #tpu.memory_space<vmem>> -> memref<1x64xi32, #tpu.memory_space<vmem>>
      %dma_start3A_525 = tpu.memref_squeeze %dma_start3A_524 : memref<1x64xi32, #tpu.memory_space<vmem>> -> memref<64xi32, #tpu.memory_space<vmem>>
      %dma_start3A_526 = arith.constant 0 : i32
      %dma_start3A_527 = arith.constant 0 : i32
      %dma_start3A_528 = tpu.memref_slice %arg4[%dma_start3A_526, %dma_start3A_527] : memref<20480x128xf32, #tpu.memory_space<hbm>> -> memref<20480x128xf32, #tpu.memory_space<hbm>>
      tpu.enqueue_indirect_dma source(%dma_start3A_528 : memref<20480x128xf32, #tpu.memory_space<hbm>>) target(%arg10 : memref<64x128xf32, #tpu.memory_space<vmem>>) offsets(%dma_start3A_525 : memref<64xi32, #tpu.memory_space<vmem>>) semaphore(%arg15 : memref<!tpu.dma_semaphore, #tpu.memory_space<semaphore_mem>>)
      %dma_wait3A_529 = arith.constant 12 : i32
      %dma_wait3A_530 = arith.constant 0 : i32
      %dma_wait3A_531 = tpu.memref_slice %arg6[%dma_wait3A_529, %dma_wait3A_530] : memref<16x64xi32, #tpu.memory_space<vmem>> -> memref<1x64xi32, #tpu.memory_space<vmem>>
      %dma_wait3A_532 = tpu.memref_squeeze %dma_wait3A_531 : memref<1x64xi32, #tpu.memory_space<vmem>> -> memref<64xi32, #tpu.memory_space<vmem>>
      %dma_wait3A_533 = arith.constant 0 : i32
      %dma_wait3A_534 = arith.constant 0 : i32
      %dma_wait3A_535 = tpu.memref_slice %arg4[%dma_wait3A_533, %dma_wait3A_534] : memref<20480x128xf32, #tpu.memory_space<hbm>> -> memref<20480x128xf32, #tpu.memory_space<hbm>>
      tpu.wait_indirect_dma semaphore(%arg13 : memref<!tpu.dma_semaphore, #tpu.memory_space<semaphore_mem>>) src(%dma_wait3A_535 : memref<20480x128xf32, #tpu.memory_space<hbm>>) dst(%arg8 : memref<64x128xf32, #tpu.memory_space<vmem>>)
      %dma_start3A_536 = arith.constant 12 : i32
      %dma_start3A_537 = arith.constant 0 : i32
      %dma_start3A_538 = tpu.memref_slice %arg7[%dma_start3A_536, %dma_start3A_537] : memref<16x64xi32, #tpu.memory_space<vmem>> -> memref<1x64xi32, #tpu.memory_space<vmem>>
      %dma_start3A_539 = tpu.memref_squeeze %dma_start3A_538 : memref<1x64xi32, #tpu.memory_space<vmem>> -> memref<64xi32, #tpu.memory_space<vmem>>
      %dma_start3A_540 = arith.constant 0 : i32
      %dma_start3A_541 = arith.constant 0 : i32
      %dma_start3A_542 = tpu.memref_slice %arg12[%dma_start3A_540, %dma_start3A_541] : memref<10240x128xf32, #tpu.memory_space<vmem_shared>> -> memref<10240x128xf32, #tpu.memory_space<vmem_shared>>
      tpu.enqueue_indirect_dma source(%arg8 : memref<64x128xf32, #tpu.memory_space<vmem>>) target(%dma_start3A_542 : memref<10240x128xf32, #tpu.memory_space<vmem_shared>>) offsets(%dma_start3A_539 : memref<64xi32, #tpu.memory_space<vmem>>) semaphore(%arg17 : memref<!tpu.dma_semaphore, #tpu.memory_space<semaphore_mem>>) {add = true}
      %dma_wait3A_543 = arith.constant 12 : i32
      %dma_wait3A_544 = arith.constant 0 : i32
      %dma_wait3A_545 = tpu.memref_slice %arg7[%dma_wait3A_543, %dma_wait3A_544] : memref<16x64xi32, #tpu.memory_space<vmem>> -> memref<1x64xi32, #tpu.memory_space<vmem>>
      %dma_wait3A_546 = tpu.memref_squeeze %dma_wait3A_545 : memref<1x64xi32, #tpu.memory_space<vmem>> -> memref<64xi32, #tpu.memory_space<vmem>>
      %dma_wait3A_547 = arith.constant 0 : i32
      %dma_wait3A_548 = arith.constant 0 : i32
      %dma_wait3A_549 = tpu.memref_slice %arg12[%dma_wait3A_547, %dma_wait3A_548] : memref<10240x128xf32, #tpu.memory_space<vmem_shared>> -> memref<10240x128xf32, #tpu.memory_space<vmem_shared>>
      tpu.wait_indirect_dma semaphore(%arg20 : memref<!tpu.dma_semaphore, #tpu.memory_space<semaphore_mem>>) src(%arg11 : memref<64x128xf32, #tpu.memory_space<vmem>>) dst(%dma_wait3A_549 : memref<10240x128xf32, #tpu.memory_space<vmem_shared>>)
      %add3A_550 = arith.constant 1 : i32
      %add3A_551 = arith.addi %add3A_408, %add3A_550 : i32
      %lt3A_552 = arith.constant 40 : i32
      %lt3A_553 = arith.cmpi slt, %add3A_551, %lt3A_552 : i32
      %convert_element_type3A_554 = arith.extui %lt3A_553 : i1 to i32
      %cond3A_555 = arith.constant 0 : i32
      %cond3A_556 = arith.cmpi ne, %convert_element_type3A_554, %cond3A_555 : i32
      scf.if %cond3A_556 {
        %add3A_649 = arith.constant 1 : i32
        %add3A_650 = arith.addi %add3A_408, %add3A_649 : i32
        %mul3A_651 = arith.constant 8 : i32
        %mul3A_652 = arith.muli %add3A_650, %mul3A_651 : i32
        %add3A_653 = arith.addi %add3A, %mul3A_652 : i32
        %mul3A_654 = arith.constant 8 : i32
        %mul3A_655 = arith.muli %add3A_650, %mul3A_654 : i32
        %add3A_656 = arith.addi %mul3A_4, %mul3A_655 : i32
        %dma_wait3A_657 = arith.constant 0 : i32
        %dma_wait3A_658 = arith.constant 0 : i32
        %dma_wait3A_659 = tpu.memref_slice %arg6[%dma_wait3A_657, %dma_wait3A_658] : memref<16x64xi32, #tpu.memory_space<vmem>> -> memref<8x64xi32, #tpu.memory_space<vmem>>
        %dma_wait3A_660 = arith.constant 0 : i32
        %dma_wait3A_661 = tpu.memref_slice %arg2[%add3A_653, %dma_wait3A_660] : memref<10240x64xi32, #tpu.memory_space<hbm>> -> memref<8x64xi32, #tpu.memory_space<hbm>>
        %dma_wait3A_662 = arith.constant 0 : i32
        %dma_wait3A_663 = arith.constant 0 : i32
        %dma_wait3A_664 = tpu.memref_slice %arg6[%dma_wait3A_662, %dma_wait3A_663] : memref<16x64xi32, #tpu.memory_space<vmem>> -> memref<8x64xi32, #tpu.memory_space<vmem>>
        %dma_wait3A_665 = arith.constant 0 : i32
        %dma_wait3A_666 = tpu.memref_slice %arg2[%add3A_653, %dma_wait3A_665] : memref<10240x64xi32, #tpu.memory_space<hbm>> -> memref<8x64xi32, #tpu.memory_space<hbm>>
        tpu.wait_dma2 semaphore(%arg21 : memref<!tpu.dma_semaphore, #tpu.memory_space<semaphore_mem>>) src(%dma_wait3A_666 : memref<8x64xi32, #tpu.memory_space<hbm>>) dst(%dma_wait3A_664 : memref<8x64xi32, #tpu.memory_space<vmem>>)
        %dma_wait3A_667 = arith.constant 0 : i32
        %dma_wait3A_668 = arith.constant 0 : i32
        %dma_wait3A_669 = tpu.memref_slice %arg7[%dma_wait3A_667, %dma_wait3A_668] : memref<16x64xi32, #tpu.memory_space<vmem>> -> memref<8x64xi32, #tpu.memory_space<vmem>>
        %dma_wait3A_670 = arith.constant 0 : i32
        %dma_wait3A_671 = tpu.memref_slice %arg3[%add3A_656, %dma_wait3A_670] : memref<5120x64xi32, #tpu.memory_space<hbm>> -> memref<8x64xi32, #tpu.memory_space<hbm>>
        %dma_wait3A_672 = arith.constant 0 : i32
        %dma_wait3A_673 = arith.constant 0 : i32
        %dma_wait3A_674 = tpu.memref_slice %arg7[%dma_wait3A_672, %dma_wait3A_673] : memref<16x64xi32, #tpu.memory_space<vmem>> -> memref<8x64xi32, #tpu.memory_space<vmem>>
        %dma_wait3A_675 = arith.constant 0 : i32
        %dma_wait3A_676 = tpu.memref_slice %arg3[%add3A_656, %dma_wait3A_675] : memref<5120x64xi32, #tpu.memory_space<hbm>> -> memref<8x64xi32, #tpu.memory_space<hbm>>
        tpu.wait_dma2 semaphore(%arg22 : memref<!tpu.dma_semaphore, #tpu.memory_space<semaphore_mem>>) src(%dma_wait3A_676 : memref<8x64xi32, #tpu.memory_space<hbm>>) dst(%dma_wait3A_674 : memref<8x64xi32, #tpu.memory_space<vmem>>)
      } else {
      }
      %dma_start3A_557 = arith.constant 15 : i32
      %dma_start3A_558 = arith.constant 0 : i32
      %dma_start3A_559 = tpu.memref_slice %arg6[%dma_start3A_557, %dma_start3A_558] : memref<16x64xi32, #tpu.memory_space<vmem>> -> memref<1x64xi32, #tpu.memory_space<vmem>>
      %dma_start3A_560 = tpu.memref_squeeze %dma_start3A_559 : memref<1x64xi32, #tpu.memory_space<vmem>> -> memref<64xi32, #tpu.memory_space<vmem>>
      %dma_start3A_561 = arith.constant 0 : i32
      %dma_start3A_562 = arith.constant 0 : i32
      %dma_start3A_563 = tpu.memref_slice %arg4[%dma_start3A_561, %dma_start3A_562] : memref<20480x128xf32, #tpu.memory_space<hbm>> -> memref<20480x128xf32, #tpu.memory_space<hbm>>
      tpu.enqueue_indirect_dma source(%dma_start3A_563 : memref<20480x128xf32, #tpu.memory_space<hbm>>) target(%arg11 : memref<64x128xf32, #tpu.memory_space<vmem>>) offsets(%dma_start3A_560 : memref<64xi32, #tpu.memory_space<vmem>>) semaphore(%arg16 : memref<!tpu.dma_semaphore, #tpu.memory_space<semaphore_mem>>)
      %dma_wait3A_564 = arith.constant 13 : i32
      %dma_wait3A_565 = arith.constant 0 : i32
      %dma_wait3A_566 = tpu.memref_slice %arg6[%dma_wait3A_564, %dma_wait3A_565] : memref<16x64xi32, #tpu.memory_space<vmem>> -> memref<1x64xi32, #tpu.memory_space<vmem>>
      %dma_wait3A_567 = tpu.memref_squeeze %dma_wait3A_566 : memref<1x64xi32, #tpu.memory_space<vmem>> -> memref<64xi32, #tpu.memory_space<vmem>>
      %dma_wait3A_568 = arith.constant 0 : i32
      %dma_wait3A_569 = arith.constant 0 : i32
      %dma_wait3A_570 = tpu.memref_slice %arg4[%dma_wait3A_568, %dma_wait3A_569] : memref<20480x128xf32, #tpu.memory_space<hbm>> -> memref<20480x128xf32, #tpu.memory_space<hbm>>
      tpu.wait_indirect_dma semaphore(%arg14 : memref<!tpu.dma_semaphore, #tpu.memory_space<semaphore_mem>>) src(%dma_wait3A_570 : memref<20480x128xf32, #tpu.memory_space<hbm>>) dst(%arg9 : memref<64x128xf32, #tpu.memory_space<vmem>>)
      %dma_start3A_571 = arith.constant 13 : i32
      %dma_start3A_572 = arith.constant 0 : i32
      %dma_start3A_573 = tpu.memref_slice %arg7[%dma_start3A_571, %dma_start3A_572] : memref<16x64xi32, #tpu.memory_space<vmem>> -> memref<1x64xi32, #tpu.memory_space<vmem>>
      %dma_start3A_574 = tpu.memref_squeeze %dma_start3A_573 : memref<1x64xi32, #tpu.memory_space<vmem>> -> memref<64xi32, #tpu.memory_space<vmem>>
      %dma_start3A_575 = arith.constant 0 : i32
      %dma_start3A_576 = arith.constant 0 : i32
      %dma_start3A_577 = tpu.memref_slice %arg12[%dma_start3A_575, %dma_start3A_576] : memref<10240x128xf32, #tpu.memory_space<vmem_shared>> -> memref<10240x128xf32, #tpu.memory_space<vmem_shared>>
      tpu.enqueue_indirect_dma source(%arg9 : memref<64x128xf32, #tpu.memory_space<vmem>>) target(%dma_start3A_577 : memref<10240x128xf32, #tpu.memory_space<vmem_shared>>) offsets(%dma_start3A_574 : memref<64xi32, #tpu.memory_space<vmem>>) semaphore(%arg18 : memref<!tpu.dma_semaphore, #tpu.memory_space<semaphore_mem>>) {add = true}
      %dma_wait3A_578 = arith.constant 13 : i32
      %dma_wait3A_579 = arith.constant 0 : i32
      %dma_wait3A_580 = tpu.memref_slice %arg7[%dma_wait3A_578, %dma_wait3A_579] : memref<16x64xi32, #tpu.memory_space<vmem>> -> memref<1x64xi32, #tpu.memory_space<vmem>>
      %dma_wait3A_581 = tpu.memref_squeeze %dma_wait3A_580 : memref<1x64xi32, #tpu.memory_space<vmem>> -> memref<64xi32, #tpu.memory_space<vmem>>
      %dma_wait3A_582 = arith.constant 0 : i32
      %dma_wait3A_583 = arith.constant 0 : i32
      %dma_wait3A_584 = tpu.memref_slice %arg12[%dma_wait3A_582, %dma_wait3A_583] : memref<10240x128xf32, #tpu.memory_space<vmem_shared>> -> memref<10240x128xf32, #tpu.memory_space<vmem_shared>>
      tpu.wait_indirect_dma semaphore(%arg17 : memref<!tpu.dma_semaphore, #tpu.memory_space<semaphore_mem>>) src(%arg8 : memref<64x128xf32, #tpu.memory_space<vmem>>) dst(%dma_wait3A_584 : memref<10240x128xf32, #tpu.memory_space<vmem_shared>>)
      %add3A_585 = arith.constant 1 : i32
      %add3A_586 = arith.addi %add3A_408, %add3A_585 : i32
      %lt3A_587 = arith.constant 40 : i32
      %lt3A_588 = arith.cmpi slt, %add3A_586, %lt3A_587 : i32
      %convert_element_type3A_589 = arith.extui %lt3A_588 : i1 to i32
      %cond3A_590 = arith.constant 0 : i32
      %cond3A_591 = arith.cmpi ne, %convert_element_type3A_589, %cond3A_590 : i32
      scf.if %cond3A_591 {
        %dma_start3A_649 = arith.constant 0 : i32
        %dma_start3A_650 = arith.constant 0 : i32
        %dma_start3A_651 = tpu.memref_slice %arg6[%dma_start3A_649, %dma_start3A_650] : memref<16x64xi32, #tpu.memory_space<vmem>> -> memref<1x64xi32, #tpu.memory_space<vmem>>
        %dma_start3A_652 = tpu.memref_squeeze %dma_start3A_651 : memref<1x64xi32, #tpu.memory_space<vmem>> -> memref<64xi32, #tpu.memory_space<vmem>>
        %dma_start3A_653 = arith.constant 0 : i32
        %dma_start3A_654 = arith.constant 0 : i32
        %dma_start3A_655 = tpu.memref_slice %arg4[%dma_start3A_653, %dma_start3A_654] : memref<20480x128xf32, #tpu.memory_space<hbm>> -> memref<20480x128xf32, #tpu.memory_space<hbm>>
        tpu.enqueue_indirect_dma source(%dma_start3A_655 : memref<20480x128xf32, #tpu.memory_space<hbm>>) target(%arg8 : memref<64x128xf32, #tpu.memory_space<vmem>>) offsets(%dma_start3A_652 : memref<64xi32, #tpu.memory_space<vmem>>) semaphore(%arg13 : memref<!tpu.dma_semaphore, #tpu.memory_space<semaphore_mem>>)
      } else {
      }
      %dma_wait3A_592 = arith.constant 14 : i32
      %dma_wait3A_593 = arith.constant 0 : i32
      %dma_wait3A_594 = tpu.memref_slice %arg6[%dma_wait3A_592, %dma_wait3A_593] : memref<16x64xi32, #tpu.memory_space<vmem>> -> memref<1x64xi32, #tpu.memory_space<vmem>>
      %dma_wait3A_595 = tpu.memref_squeeze %dma_wait3A_594 : memref<1x64xi32, #tpu.memory_space<vmem>> -> memref<64xi32, #tpu.memory_space<vmem>>
      %dma_wait3A_596 = arith.constant 0 : i32
      %dma_wait3A_597 = arith.constant 0 : i32
      %dma_wait3A_598 = tpu.memref_slice %arg4[%dma_wait3A_596, %dma_wait3A_597] : memref<20480x128xf32, #tpu.memory_space<hbm>> -> memref<20480x128xf32, #tpu.memory_space<hbm>>
      tpu.wait_indirect_dma semaphore(%arg15 : memref<!tpu.dma_semaphore, #tpu.memory_space<semaphore_mem>>) src(%dma_wait3A_598 : memref<20480x128xf32, #tpu.memory_space<hbm>>) dst(%arg10 : memref<64x128xf32, #tpu.memory_space<vmem>>)
      %dma_start3A_599 = arith.constant 14 : i32
      %dma_start3A_600 = arith.constant 0 : i32
      %dma_start3A_601 = tpu.memref_slice %arg7[%dma_start3A_599, %dma_start3A_600] : memref<16x64xi32, #tpu.memory_space<vmem>> -> memref<1x64xi32, #tpu.memory_space<vmem>>
      %dma_start3A_602 = tpu.memref_squeeze %dma_start3A_601 : memref<1x64xi32, #tpu.memory_space<vmem>> -> memref<64xi32, #tpu.memory_space<vmem>>
      %dma_start3A_603 = arith.constant 0 : i32
      %dma_start3A_604 = arith.constant 0 : i32
      %dma_start3A_605 = tpu.memref_slice %arg12[%dma_start3A_603, %dma_start3A_604] : memref<10240x128xf32, #tpu.memory_space<vmem_shared>> -> memref<10240x128xf32, #tpu.memory_space<vmem_shared>>
      tpu.enqueue_indirect_dma source(%arg10 : memref<64x128xf32, #tpu.memory_space<vmem>>) target(%dma_start3A_605 : memref<10240x128xf32, #tpu.memory_space<vmem_shared>>) offsets(%dma_start3A_602 : memref<64xi32, #tpu.memory_space<vmem>>) semaphore(%arg19 : memref<!tpu.dma_semaphore, #tpu.memory_space<semaphore_mem>>) {add = true}
      %dma_wait3A_606 = arith.constant 14 : i32
      %dma_wait3A_607 = arith.constant 0 : i32
      %dma_wait3A_608 = tpu.memref_slice %arg7[%dma_wait3A_606, %dma_wait3A_607] : memref<16x64xi32, #tpu.memory_space<vmem>> -> memref<1x64xi32, #tpu.memory_space<vmem>>
      %dma_wait3A_609 = tpu.memref_squeeze %dma_wait3A_608 : memref<1x64xi32, #tpu.memory_space<vmem>> -> memref<64xi32, #tpu.memory_space<vmem>>
      %dma_wait3A_610 = arith.constant 0 : i32
      %dma_wait3A_611 = arith.constant 0 : i32
      %dma_wait3A_612 = tpu.memref_slice %arg12[%dma_wait3A_610, %dma_wait3A_611] : memref<10240x128xf32, #tpu.memory_space<vmem_shared>> -> memref<10240x128xf32, #tpu.memory_space<vmem_shared>>
      tpu.wait_indirect_dma semaphore(%arg18 : memref<!tpu.dma_semaphore, #tpu.memory_space<semaphore_mem>>) src(%arg9 : memref<64x128xf32, #tpu.memory_space<vmem>>) dst(%dma_wait3A_612 : memref<10240x128xf32, #tpu.memory_space<vmem_shared>>)
      %add3A_613 = arith.constant 1 : i32
      %add3A_614 = arith.addi %add3A_408, %add3A_613 : i32
      %lt3A_615 = arith.constant 40 : i32
      %lt3A_616 = arith.cmpi slt, %add3A_614, %lt3A_615 : i32
      %convert_element_type3A_617 = arith.extui %lt3A_616 : i1 to i32
      %cond3A_618 = arith.constant 0 : i32
      %cond3A_619 = arith.cmpi ne, %convert_element_type3A_617, %cond3A_618 : i32
      scf.if %cond3A_619 {
        %dma_start3A_649 = arith.constant 1 : i32
        %dma_start3A_650 = arith.constant 0 : i32
        %dma_start3A_651 = tpu.memref_slice %arg6[%dma_start3A_649, %dma_start3A_650] : memref<16x64xi32, #tpu.memory_space<vmem>> -> memref<1x64xi32, #tpu.memory_space<vmem>>
        %dma_start3A_652 = tpu.memref_squeeze %dma_start3A_651 : memref<1x64xi32, #tpu.memory_space<vmem>> -> memref<64xi32, #tpu.memory_space<vmem>>
        %dma_start3A_653 = arith.constant 0 : i32
        %dma_start3A_654 = arith.constant 0 : i32
        %dma_start3A_655 = tpu.memref_slice %arg4[%dma_start3A_653, %dma_start3A_654] : memref<20480x128xf32, #tpu.memory_space<hbm>> -> memref<20480x128xf32, #tpu.memory_space<hbm>>
        tpu.enqueue_indirect_dma source(%dma_start3A_655 : memref<20480x128xf32, #tpu.memory_space<hbm>>) target(%arg9 : memref<64x128xf32, #tpu.memory_space<vmem>>) offsets(%dma_start3A_652 : memref<64xi32, #tpu.memory_space<vmem>>) semaphore(%arg14 : memref<!tpu.dma_semaphore, #tpu.memory_space<semaphore_mem>>)
      } else {
      }
      %dma_wait3A_620 = arith.constant 15 : i32
      %dma_wait3A_621 = arith.constant 0 : i32
      %dma_wait3A_622 = tpu.memref_slice %arg6[%dma_wait3A_620, %dma_wait3A_621] : memref<16x64xi32, #tpu.memory_space<vmem>> -> memref<1x64xi32, #tpu.memory_space<vmem>>
      %dma_wait3A_623 = tpu.memref_squeeze %dma_wait3A_622 : memref<1x64xi32, #tpu.memory_space<vmem>> -> memref<64xi32, #tpu.memory_space<vmem>>
      %dma_wait3A_624 = arith.constant 0 : i32
      %dma_wait3A_625 = arith.constant 0 : i32
      %dma_wait3A_626 = tpu.memref_slice %arg4[%dma_wait3A_624, %dma_wait3A_625] : memref<20480x128xf32, #tpu.memory_space<hbm>> -> memref<20480x128xf32, #tpu.memory_space<hbm>>
      tpu.wait_indirect_dma semaphore(%arg16 : memref<!tpu.dma_semaphore, #tpu.memory_space<semaphore_mem>>) src(%dma_wait3A_626 : memref<20480x128xf32, #tpu.memory_space<hbm>>) dst(%arg11 : memref<64x128xf32, #tpu.memory_space<vmem>>)
      %dma_start3A_627 = arith.constant 15 : i32
      %dma_start3A_628 = arith.constant 0 : i32
      %dma_start3A_629 = tpu.memref_slice %arg7[%dma_start3A_627, %dma_start3A_628] : memref<16x64xi32, #tpu.memory_space<vmem>> -> memref<1x64xi32, #tpu.memory_space<vmem>>
      %dma_start3A_630 = tpu.memref_squeeze %dma_start3A_629 : memref<1x64xi32, #tpu.memory_space<vmem>> -> memref<64xi32, #tpu.memory_space<vmem>>
      %dma_start3A_631 = arith.constant 0 : i32
      %dma_start3A_632 = arith.constant 0 : i32
      %dma_start3A_633 = tpu.memref_slice %arg12[%dma_start3A_631, %dma_start3A_632] : memref<10240x128xf32, #tpu.memory_space<vmem_shared>> -> memref<10240x128xf32, #tpu.memory_space<vmem_shared>>
      tpu.enqueue_indirect_dma source(%arg11 : memref<64x128xf32, #tpu.memory_space<vmem>>) target(%dma_start3A_633 : memref<10240x128xf32, #tpu.memory_space<vmem_shared>>) offsets(%dma_start3A_630 : memref<64xi32, #tpu.memory_space<vmem>>) semaphore(%arg20 : memref<!tpu.dma_semaphore, #tpu.memory_space<semaphore_mem>>) {add = true}
      %dma_wait3A_634 = arith.constant 15 : i32
      %dma_wait3A_635 = arith.constant 0 : i32
      %dma_wait3A_636 = tpu.memref_slice %arg7[%dma_wait3A_634, %dma_wait3A_635] : memref<16x64xi32, #tpu.memory_space<vmem>> -> memref<1x64xi32, #tpu.memory_space<vmem>>
      %dma_wait3A_637 = tpu.memref_squeeze %dma_wait3A_636 : memref<1x64xi32, #tpu.memory_space<vmem>> -> memref<64xi32, #tpu.memory_space<vmem>>
      %dma_wait3A_638 = arith.constant 0 : i32
      %dma_wait3A_639 = arith.constant 0 : i32
      %dma_wait3A_640 = tpu.memref_slice %arg12[%dma_wait3A_638, %dma_wait3A_639] : memref<10240x128xf32, #tpu.memory_space<vmem_shared>> -> memref<10240x128xf32, #tpu.memory_space<vmem_shared>>
      tpu.wait_indirect_dma semaphore(%arg19 : memref<!tpu.dma_semaphore, #tpu.memory_space<semaphore_mem>>) src(%arg10 : memref<64x128xf32, #tpu.memory_space<vmem>>) dst(%dma_wait3A_640 : memref<10240x128xf32, #tpu.memory_space<vmem_shared>>)
      %add3A_641 = arith.constant 1 : i32
      %add3A_642 = arith.addi %add3A_408, %add3A_641 : i32
      %lt3A_643 = arith.constant 40 : i32
      %lt3A_644 = arith.cmpi slt, %add3A_642, %lt3A_643 : i32
      %convert_element_type3A_645 = arith.extui %lt3A_644 : i1 to i32
      %cond3A_646 = arith.constant 0 : i32
      %cond3A_647 = arith.cmpi ne, %convert_element_type3A_645, %cond3A_646 : i32
      scf.if %cond3A_647 {
        %dma_start3A_649 = arith.constant 2 : i32
        %dma_start3A_650 = arith.constant 0 : i32
        %dma_start3A_651 = tpu.memref_slice %arg6[%dma_start3A_649, %dma_start3A_650] : memref<16x64xi32, #tpu.memory_space<vmem>> -> memref<1x64xi32, #tpu.memory_space<vmem>>
        %dma_start3A_652 = tpu.memref_squeeze %dma_start3A_651 : memref<1x64xi32, #tpu.memory_space<vmem>> -> memref<64xi32, #tpu.memory_space<vmem>>
        %dma_start3A_653 = arith.constant 0 : i32
        %dma_start3A_654 = arith.constant 0 : i32
        %dma_start3A_655 = tpu.memref_slice %arg4[%dma_start3A_653, %dma_start3A_654] : memref<20480x128xf32, #tpu.memory_space<hbm>> -> memref<20480x128xf32, #tpu.memory_space<hbm>>
        tpu.enqueue_indirect_dma source(%dma_start3A_655 : memref<20480x128xf32, #tpu.memory_space<hbm>>) target(%arg10 : memref<64x128xf32, #tpu.memory_space<vmem>>) offsets(%dma_start3A_652 : memref<64xi32, #tpu.memory_space<vmem>>) semaphore(%arg15 : memref<!tpu.dma_semaphore, #tpu.memory_space<semaphore_mem>>)
      } else {
      }
      %scan3A_648 = arith.constant 0 : i32
      scf.yield %scan3A_648 : i32
    }
    %scan3A_149 = arith.constant 20 : i32
    %dma_wait3A_150 = arith.constant 0 : i32
    %dma_wait3A_151 = arith.constant 0 : i32
    %dma_wait3A_152 = tpu.memref_slice %arg7[%dma_wait3A_150, %dma_wait3A_151] : memref<16x64xi32, #tpu.memory_space<vmem>> -> memref<1x64xi32, #tpu.memory_space<vmem>>
    %dma_wait3A_153 = tpu.memref_squeeze %dma_wait3A_152 : memref<1x64xi32, #tpu.memory_space<vmem>> -> memref<64xi32, #tpu.memory_space<vmem>>
    %dma_wait3A_154 = arith.constant 0 : i32
    %dma_wait3A_155 = arith.constant 0 : i32
    %dma_wait3A_156 = tpu.memref_slice %arg12[%dma_wait3A_154, %dma_wait3A_155] : memref<10240x128xf32, #tpu.memory_space<vmem_shared>> -> memref<10240x128xf32, #tpu.memory_space<vmem_shared>>
    tpu.wait_indirect_dma semaphore(%arg20 : memref<!tpu.dma_semaphore, #tpu.memory_space<semaphore_mem>>) src(%arg11 : memref<64x128xf32, #tpu.memory_space<vmem>>) dst(%dma_wait3A_156 : memref<10240x128xf32, #tpu.memory_space<vmem_shared>>)
    %barrier3A_157 = arith.constant 0 : index
    tpu.barrier barrier_id(%barrier3A_157)
    %mul3A_158 = arith.constant 10240 : i32
    %mul3A_159 = arith.muli %arg0, %mul3A_158 : i32
    %mul3A_160 = arith.constant 640 : i32
    %mul3A_161 = arith.muli %arg1, %mul3A_160 : i32
    %add3A_162 = arith.addi %mul3A_159, %mul3A_161 : i32
    %mul3A_163 = arith.constant 640 : i32
    %mul3A_164 = arith.muli %arg1, %mul3A_163 : i32
    "tpu.region"() ({
      %run_scoped3A = tpu.sem_alloc : memref<!tpu.dma_semaphore, #tpu.memory_space<semaphore_mem>>
      %dma_start3A_165 = arith.constant 0 : i32
      %dma_start3A_166 = tpu.memref_slice %arg5[%add3A_162, %dma_start3A_165] : memref<20480x128xf32, #tpu.memory_space<hbm>> -> memref<640x128xf32, #tpu.memory_space<hbm>>
      %dma_start3A_167 = arith.constant 0 : i32
      %dma_start3A_168 = tpu.memref_slice %arg12[%mul3A_164, %dma_start3A_167] : memref<10240x128xf32, #tpu.memory_space<vmem_shared>> -> memref<640x128xf32, #tpu.memory_space<vmem_shared>>
      tpu.enqueue_dma source(%dma_start3A_168 : memref<640x128xf32, #tpu.memory_space<vmem_shared>>) target(%dma_start3A_166 : memref<640x128xf32, #tpu.memory_space<hbm>>) target_semaphore(%run_scoped3A : memref<!tpu.dma_semaphore, #tpu.memory_space<semaphore_mem>>)
      %dma_wait3A_169 = arith.constant 0 : i32
      %dma_wait3A_170 = tpu.memref_slice %arg5[%add3A_162, %dma_wait3A_169] : memref<20480x128xf32, #tpu.memory_space<hbm>> -> memref<640x128xf32, #tpu.memory_space<hbm>>
      %dma_wait3A_171 = arith.constant 0 : i32
      %dma_wait3A_172 = tpu.memref_slice %arg12[%mul3A_164, %dma_wait3A_171] : memref<10240x128xf32, #tpu.memory_space<vmem_shared>> -> memref<640x128xf32, #tpu.memory_space<vmem_shared>>
      tpu.wait_dma2 semaphore(%run_scoped3A : memref<!tpu.dma_semaphore, #tpu.memory_space<semaphore_mem>>) src(%dma_wait3A_172 : memref<640x128xf32, #tpu.memory_space<vmem_shared>>) dst(%dma_wait3A_170 : memref<640x128xf32, #tpu.memory_space<hbm>>)
      tpu.yield
    }) : () -> ()
    return
  }
}

#map = affine_map<(d0, d1) -> (0, 0)>
module attributes {stable_mosaic.version = 14 : i64} {
  func.func @_spmm_body(%arg0: i32, %arg1: i32, %arg2: memref<5120x64xi32, #tpu.memory_space<hbm>>, %arg3: memref<5120x64xi32, #tpu.memory_space<hbm>>, %arg4: memref<10240x128xf32, #tpu.memory_space<hbm>>, %arg5: memref<20480x128xf32, #tpu.memory_space<hbm>>, %arg6: memref<16x64xi32, #tpu.memory_space<vmem>>, %arg7: memref<16x64xi32, #tpu.memory_space<vmem>>, %arg8: memref<64x128xf32, #tpu.memory_space<vmem>>, %arg9: memref<64x128xf32, #tpu.memory_space<vmem>>, %arg10: memref<64x128xf32, #tpu.memory_space<vmem>>, %arg11: memref<64x128xf32, #tpu.memory_space<vmem>>, %arg12: memref<10240x128xf32, #tpu.memory_space<vmem_shared>>, %arg13: memref<!tpu.dma_semaphore, #tpu.memory_space<semaphore_mem>>, %arg14: memref<!tpu.dma_semaphore, #tpu.memory_space<semaphore_mem>>, %arg15: memref<!tpu.dma_semaphore, #tpu.memory_space<semaphore_mem>>, %arg16: memref<!tpu.dma_semaphore, #tpu.memory_space<semaphore_mem>>, %arg17: memref<!tpu.dma_semaphore, #tpu.memory_space<semaphore_mem>>, %arg18: memref<!tpu.dma_semaphore, #tpu.memory_space<semaphore_mem>>, %arg19: memref<!tpu.dma_semaphore, #tpu.memory_space<semaphore_mem>>, %arg20: memref<!tpu.dma_semaphore, #tpu.memory_space<semaphore_mem>>, %arg21: memref<!tpu.dma_semaphore, #tpu.memory_space<semaphore_mem>>, %arg22: memref<!tpu.dma_semaphore, #tpu.memory_space<semaphore_mem>>) attributes {dimension_semantics = [#tpu.dimension_semantics<core_parallel>, #tpu.dimension_semantics<subcore_parallel>], iteration_bounds = array<i64: 2, 16>, scalar_prefetch = 0 : i64, scratch_operands = 17 : i64, tpu.core_type = #tpu.core_type<sc_vector_subcore>, window_params = [{transform_indices = #map}, {transform_indices = #map}, {transform_indices = #map}, {transform_indices = #map}]} {
    %mul3A = arith.constant 16 : i32
    %mul3A_0 = arith.muli %arg0, %mul3A : i32
    %add3A = arith.addi %mul3A_0, %arg1 : i32
    %mul3A_1 = arith.constant 160 : i32
    %mul3A_2 = arith.muli %add3A, %mul3A_1 : i32
    %add3A_3 = arith.constant 0 : i32
    %add3A_4 = arith.addi %mul3A_2, %add3A_3 : i32
    %add3A_5 = arith.constant 0 : i32
    %add3A_6 = arith.addi %mul3A_2, %add3A_5 : i32
    %dma_start3A = arith.constant 0 : i32
    %dma_start3A_7 = arith.constant 0 : i32
    %dma_start3A_8 = tpu.memref_slice %arg6[%dma_start3A, %dma_start3A_7] : memref<16x64xi32, #tpu.memory_space<vmem>> -> memref<8x64xi32, #tpu.memory_space<vmem>>
    %dma_start3A_9 = arith.constant 0 : i32
    %dma_start3A_10 = tpu.memref_slice %arg2[%add3A_4, %dma_start3A_9] : memref<5120x64xi32, #tpu.memory_space<hbm>> -> memref<8x64xi32, #tpu.memory_space<hbm>>
    %dma_start3A_11 = arith.constant 0 : i32
    %dma_start3A_12 = arith.constant 0 : i32
    %dma_start3A_13 = tpu.memref_slice %arg6[%dma_start3A_11, %dma_start3A_12] : memref<16x64xi32, #tpu.memory_space<vmem>> -> memref<8x64xi32, #tpu.memory_space<vmem>>
    %dma_start3A_14 = arith.constant 0 : i32
    %dma_start3A_15 = tpu.memref_slice %arg2[%add3A_4, %dma_start3A_14] : memref<5120x64xi32, #tpu.memory_space<hbm>> -> memref<8x64xi32, #tpu.memory_space<hbm>>
    tpu.enqueue_dma source(%dma_start3A_15 : memref<8x64xi32, #tpu.memory_space<hbm>>) target(%dma_start3A_13 : memref<8x64xi32, #tpu.memory_space<vmem>>) target_semaphore(%arg21 : memref<!tpu.dma_semaphore, #tpu.memory_space<semaphore_mem>>)
    %dma_start3A_16 = arith.constant 0 : i32
    %dma_start3A_17 = arith.constant 0 : i32
    %dma_start3A_18 = tpu.memref_slice %arg7[%dma_start3A_16, %dma_start3A_17] : memref<16x64xi32, #tpu.memory_space<vmem>> -> memref<8x64xi32, #tpu.memory_space<vmem>>
    %dma_start3A_19 = arith.constant 0 : i32
    %dma_start3A_20 = tpu.memref_slice %arg3[%add3A_6, %dma_start3A_19] : memref<5120x64xi32, #tpu.memory_space<hbm>> -> memref<8x64xi32, #tpu.memory_space<hbm>>
    %dma_start3A_21 = arith.constant 0 : i32
    %dma_start3A_22 = arith.constant 0 : i32
    %dma_start3A_23 = tpu.memref_slice %arg7[%dma_start3A_21, %dma_start3A_22] : memref<16x64xi32, #tpu.memory_space<vmem>> -> memref<8x64xi32, #tpu.memory_space<vmem>>
    %dma_start3A_24 = arith.constant 0 : i32
    %dma_start3A_25 = tpu.memref_slice %arg3[%add3A_6, %dma_start3A_24] : memref<5120x64xi32, #tpu.memory_space<hbm>> -> memref<8x64xi32, #tpu.memory_space<hbm>>
    tpu.enqueue_dma source(%dma_start3A_25 : memref<8x64xi32, #tpu.memory_space<hbm>>) target(%dma_start3A_23 : memref<8x64xi32, #tpu.memory_space<vmem>>) target_semaphore(%arg22 : memref<!tpu.dma_semaphore, #tpu.memory_space<semaphore_mem>>)
    %add3A_26 = arith.constant 0 : i32
    %add3A_27 = arith.addi %mul3A_2, %add3A_26 : i32
    %add3A_28 = arith.constant 0 : i32
    %add3A_29 = arith.addi %mul3A_2, %add3A_28 : i32
    %dma_wait3A = arith.constant 0 : i32
    %dma_wait3A_30 = arith.constant 0 : i32
    %dma_wait3A_31 = tpu.memref_slice %arg6[%dma_wait3A, %dma_wait3A_30] : memref<16x64xi32, #tpu.memory_space<vmem>> -> memref<8x64xi32, #tpu.memory_space<vmem>>
    %dma_wait3A_32 = arith.constant 0 : i32
    %dma_wait3A_33 = tpu.memref_slice %arg2[%add3A_27, %dma_wait3A_32] : memref<5120x64xi32, #tpu.memory_space<hbm>> -> memref<8x64xi32, #tpu.memory_space<hbm>>
    %dma_wait3A_34 = arith.constant 0 : i32
    %dma_wait3A_35 = arith.constant 0 : i32
    %dma_wait3A_36 = tpu.memref_slice %arg6[%dma_wait3A_34, %dma_wait3A_35] : memref<16x64xi32, #tpu.memory_space<vmem>> -> memref<8x64xi32, #tpu.memory_space<vmem>>
    %dma_wait3A_37 = arith.constant 0 : i32
    %dma_wait3A_38 = tpu.memref_slice %arg2[%add3A_27, %dma_wait3A_37] : memref<5120x64xi32, #tpu.memory_space<hbm>> -> memref<8x64xi32, #tpu.memory_space<hbm>>
    tpu.wait_dma2 semaphore(%arg21 : memref<!tpu.dma_semaphore, #tpu.memory_space<semaphore_mem>>) src(%dma_wait3A_38 : memref<8x64xi32, #tpu.memory_space<hbm>>) dst(%dma_wait3A_36 : memref<8x64xi32, #tpu.memory_space<vmem>>)
    %dma_wait3A_39 = arith.constant 0 : i32
    %dma_wait3A_40 = arith.constant 0 : i32
    %dma_wait3A_41 = tpu.memref_slice %arg7[%dma_wait3A_39, %dma_wait3A_40] : memref<16x64xi32, #tpu.memory_space<vmem>> -> memref<8x64xi32, #tpu.memory_space<vmem>>
    %dma_wait3A_42 = arith.constant 0 : i32
    %dma_wait3A_43 = tpu.memref_slice %arg3[%add3A_29, %dma_wait3A_42] : memref<5120x64xi32, #tpu.memory_space<hbm>> -> memref<8x64xi32, #tpu.memory_space<hbm>>
    %dma_wait3A_44 = arith.constant 0 : i32
    %dma_wait3A_45 = arith.constant 0 : i32
    %dma_wait3A_46 = tpu.memref_slice %arg7[%dma_wait3A_44, %dma_wait3A_45] : memref<16x64xi32, #tpu.memory_space<vmem>> -> memref<8x64xi32, #tpu.memory_space<vmem>>
    %dma_wait3A_47 = arith.constant 0 : i32
    %dma_wait3A_48 = tpu.memref_slice %arg3[%add3A_29, %dma_wait3A_47] : memref<5120x64xi32, #tpu.memory_space<hbm>> -> memref<8x64xi32, #tpu.memory_space<hbm>>
    tpu.wait_dma2 semaphore(%arg22 : memref<!tpu.dma_semaphore, #tpu.memory_space<semaphore_mem>>) src(%dma_wait3A_48 : memref<8x64xi32, #tpu.memory_space<hbm>>) dst(%dma_wait3A_46 : memref<8x64xi32, #tpu.memory_space<vmem>>)
    %add3A_49 = arith.constant 8 : i32
    %add3A_50 = arith.addi %mul3A_2, %add3A_49 : i32
    %add3A_51 = arith.constant 8 : i32
    %add3A_52 = arith.addi %mul3A_2, %add3A_51 : i32
    %dma_start3A_53 = arith.constant 8 : i32
    %dma_start3A_54 = arith.constant 0 : i32
    %dma_start3A_55 = tpu.memref_slice %arg6[%dma_start3A_53, %dma_start3A_54] : memref<16x64xi32, #tpu.memory_space<vmem>> -> memref<8x64xi32, #tpu.memory_space<vmem>>
    %dma_start3A_56 = arith.constant 0 : i32
    %dma_start3A_57 = tpu.memref_slice %arg2[%add3A_50, %dma_start3A_56] : memref<5120x64xi32, #tpu.memory_space<hbm>> -> memref<8x64xi32, #tpu.memory_space<hbm>>
    %dma_start3A_58 = arith.constant 8 : i32
    %dma_start3A_59 = arith.constant 0 : i32
    %dma_start3A_60 = tpu.memref_slice %arg6[%dma_start3A_58, %dma_start3A_59] : memref<16x64xi32, #tpu.memory_space<vmem>> -> memref<8x64xi32, #tpu.memory_space<vmem>>
    %dma_start3A_61 = arith.constant 0 : i32
    %dma_start3A_62 = tpu.memref_slice %arg2[%add3A_50, %dma_start3A_61] : memref<5120x64xi32, #tpu.memory_space<hbm>> -> memref<8x64xi32, #tpu.memory_space<hbm>>
    tpu.enqueue_dma source(%dma_start3A_62 : memref<8x64xi32, #tpu.memory_space<hbm>>) target(%dma_start3A_60 : memref<8x64xi32, #tpu.memory_space<vmem>>) target_semaphore(%arg21 : memref<!tpu.dma_semaphore, #tpu.memory_space<semaphore_mem>>)
    %dma_start3A_63 = arith.constant 8 : i32
    %dma_start3A_64 = arith.constant 0 : i32
    %dma_start3A_65 = tpu.memref_slice %arg7[%dma_start3A_63, %dma_start3A_64] : memref<16x64xi32, #tpu.memory_space<vmem>> -> memref<8x64xi32, #tpu.memory_space<vmem>>
    %dma_start3A_66 = arith.constant 0 : i32
    %dma_start3A_67 = tpu.memref_slice %arg3[%add3A_52, %dma_start3A_66] : memref<5120x64xi32, #tpu.memory_space<hbm>> -> memref<8x64xi32, #tpu.memory_space<hbm>>
    %dma_start3A_68 = arith.constant 8 : i32
    %dma_start3A_69 = arith.constant 0 : i32
    %dma_start3A_70 = tpu.memref_slice %arg7[%dma_start3A_68, %dma_start3A_69] : memref<16x64xi32, #tpu.memory_space<vmem>> -> memref<8x64xi32, #tpu.memory_space<vmem>>
    %dma_start3A_71 = arith.constant 0 : i32
    %dma_start3A_72 = tpu.memref_slice %arg3[%add3A_52, %dma_start3A_71] : memref<5120x64xi32, #tpu.memory_space<hbm>> -> memref<8x64xi32, #tpu.memory_space<hbm>>
    tpu.enqueue_dma source(%dma_start3A_72 : memref<8x64xi32, #tpu.memory_space<hbm>>) target(%dma_start3A_70 : memref<8x64xi32, #tpu.memory_space<vmem>>) target_semaphore(%arg22 : memref<!tpu.dma_semaphore, #tpu.memory_space<semaphore_mem>>)
    %dma_start3A_73 = arith.constant 0 : i32
    %dma_start3A_74 = arith.constant 0 : i32
    %dma_start3A_75 = tpu.memref_slice %arg6[%dma_start3A_73, %dma_start3A_74] : memref<16x64xi32, #tpu.memory_space<vmem>> -> memref<1x64xi32, #tpu.memory_space<vmem>>
    %dma_start3A_76 = tpu.memref_squeeze %dma_start3A_75 : memref<1x64xi32, #tpu.memory_space<vmem>> -> memref<64xi32, #tpu.memory_space<vmem>>
    %dma_start3A_77 = arith.constant 0 : i32
    %dma_start3A_78 = arith.constant 0 : i32
    %dma_start3A_79 = tpu.memref_slice %arg4[%dma_start3A_77, %dma_start3A_78] : memref<10240x128xf32, #tpu.memory_space<hbm>> -> memref<10240x128xf32, #tpu.memory_space<hbm>>
    tpu.enqueue_indirect_dma source(%dma_start3A_79 : memref<10240x128xf32, #tpu.memory_space<hbm>>) target(%arg8 : memref<64x128xf32, #tpu.memory_space<vmem>>) offsets(%dma_start3A_76 : memref<64xi32, #tpu.memory_space<vmem>>) semaphore(%arg13 : memref<!tpu.dma_semaphore, #tpu.memory_space<semaphore_mem>>)
    %dma_start3A_80 = arith.constant 1 : i32
    %dma_start3A_81 = arith.constant 0 : i32
    %dma_start3A_82 = tpu.memref_slice %arg6[%dma_start3A_80, %dma_start3A_81] : memref<16x64xi32, #tpu.memory_space<vmem>> -> memref<1x64xi32, #tpu.memory_space<vmem>>
    %dma_start3A_83 = tpu.memref_squeeze %dma_start3A_82 : memref<1x64xi32, #tpu.memory_space<vmem>> -> memref<64xi32, #tpu.memory_space<vmem>>
    %dma_start3A_84 = arith.constant 0 : i32
    %dma_start3A_85 = arith.constant 0 : i32
    %dma_start3A_86 = tpu.memref_slice %arg4[%dma_start3A_84, %dma_start3A_85] : memref<10240x128xf32, #tpu.memory_space<hbm>> -> memref<10240x128xf32, #tpu.memory_space<hbm>>
    tpu.enqueue_indirect_dma source(%dma_start3A_86 : memref<10240x128xf32, #tpu.memory_space<hbm>>) target(%arg9 : memref<64x128xf32, #tpu.memory_space<vmem>>) offsets(%dma_start3A_83 : memref<64xi32, #tpu.memory_space<vmem>>) semaphore(%arg14 : memref<!tpu.dma_semaphore, #tpu.memory_space<semaphore_mem>>)
    %dma_start3A_87 = arith.constant 2 : i32
    %dma_start3A_88 = arith.constant 0 : i32
    %dma_start3A_89 = tpu.memref_slice %arg6[%dma_start3A_87, %dma_start3A_88] : memref<16x64xi32, #tpu.memory_space<vmem>> -> memref<1x64xi32, #tpu.memory_space<vmem>>
    %dma_start3A_90 = tpu.memref_squeeze %dma_start3A_89 : memref<1x64xi32, #tpu.memory_space<vmem>> -> memref<64xi32, #tpu.memory_space<vmem>>
    %dma_start3A_91 = arith.constant 0 : i32
    %dma_start3A_92 = arith.constant 0 : i32
    %dma_start3A_93 = tpu.memref_slice %arg4[%dma_start3A_91, %dma_start3A_92] : memref<10240x128xf32, #tpu.memory_space<hbm>> -> memref<10240x128xf32, #tpu.memory_space<hbm>>
    tpu.enqueue_indirect_dma source(%dma_start3A_93 : memref<10240x128xf32, #tpu.memory_space<hbm>>) target(%arg10 : memref<64x128xf32, #tpu.memory_space<vmem>>) offsets(%dma_start3A_90 : memref<64xi32, #tpu.memory_space<vmem>>) semaphore(%arg15 : memref<!tpu.dma_semaphore, #tpu.memory_space<semaphore_mem>>)
    %broadcast_in_dim3A = arith.constant 0.000000e+00 : f32
    %broadcast_in_dim3A_94 = vector.broadcast %broadcast_in_dim3A : f32 to vector<16xf32>
    %scan3A = arith.constant 0 : i32
    %scan3A_95 = arith.constant 0 : i32
    %scan3A_96 = arith.constant 64 : i32
    %scan3A_97 = arith.addi %scan3A_95, %scan3A_96 : i32
    %scan3A_98 = arith.constant 1 : i32
    %scan3A_99 = scf.for %scan3A_163 = %scan3A_95 to %scan3A_97 step %scan3A_98 iter_args(%scan3A_164 = %scan3A) -> (i32)  : i32 {
      %swap3A = arith.index_cast %scan3A_163 : i32 to index
      %swap3A_165 = arith.constant 0 : index
      %swap3A_166 = tpu.vector_load %arg11[%swap3A, %swap3A_165] {strides = array<i32>} : memref<64x128xf32, #tpu.memory_space<vmem>>, vector<1x16xf32>,
      %swap3A_167 = vector.shape_cast %swap3A_166 : vector<1x16xf32> to vector<16xf32>
      %swap3A_168 = vector.shape_cast %broadcast_in_dim3A_94 : vector<16xf32> to vector<1x16xf32>
      tpu.vector_store %arg11[%swap3A, %swap3A_165], %swap3A_168 {strides = array<i32>} : memref<64x128xf32, #tpu.memory_space<vmem>>, vector<1x16xf32>,
      %swap3A_169 = arith.index_cast %scan3A_163 : i32 to index
      %swap3A_170 = arith.constant 16 : index
      %swap3A_171 = tpu.vector_load %arg11[%swap3A_169, %swap3A_170] {strides = array<i32>} : memref<64x128xf32, #tpu.memory_space<vmem>>, vector<1x16xf32>,
      %swap3A_172 = vector.shape_cast %swap3A_171 : vector<1x16xf32> to vector<16xf32>
      %swap3A_173 = vector.shape_cast %broadcast_in_dim3A_94 : vector<16xf32> to vector<1x16xf32>
      tpu.vector_store %arg11[%swap3A_169, %swap3A_170], %swap3A_173 {strides = array<i32>} : memref<64x128xf32, #tpu.memory_space<vmem>>, vector<1x16xf32>,
      %swap3A_174 = arith.index_cast %scan3A_163 : i32 to index
      %swap3A_175 = arith.constant 32 : index
      %swap3A_176 = tpu.vector_load %arg11[%swap3A_174, %swap3A_175] {strides = array<i32>} : memref<64x128xf32, #tpu.memory_space<vmem>>, vector<1x16xf32>,
      %swap3A_177 = vector.shape_cast %swap3A_176 : vector<1x16xf32> to vector<16xf32>
      %swap3A_178 = vector.shape_cast %broadcast_in_dim3A_94 : vector<16xf32> to vector<1x16xf32>
      tpu.vector_store %arg11[%swap3A_174, %swap3A_175], %swap3A_178 {strides = array<i32>} : memref<64x128xf32, #tpu.memory_space<vmem>>, vector<1x16xf32>,
      %swap3A_179 = arith.index_cast %scan3A_163 : i32 to index
      %swap3A_180 = arith.constant 48 : index
      %swap3A_181 = tpu.vector_load %arg11[%swap3A_179, %swap3A_180] {strides = array<i32>} : memref<64x128xf32, #tpu.memory_space<vmem>>, vector<1x16xf32>,
      %swap3A_182 = vector.shape_cast %swap3A_181 : vector<1x16xf32> to vector<16xf32>
      %swap3A_183 = vector.shape_cast %broadcast_in_dim3A_94 : vector<16xf32> to vector<1x16xf32>
      tpu.vector_store %arg11[%swap3A_179, %swap3A_180], %swap3A_183 {strides = array<i32>} : memref<64x128xf32, #tpu.memory_space<vmem>>, vector<1x16xf32>,
      %swap3A_184 = arith.index_cast %scan3A_163 : i32 to index
      %swap3A_185 = arith.constant 64 : index
      %swap3A_186 = tpu.vector_load %arg11[%swap3A_184, %swap3A_185] {strides = array<i32>} : memref<64x128xf32, #tpu.memory_space<vmem>>, vector<1x16xf32>,
      %swap3A_187 = vector.shape_cast %swap3A_186 : vector<1x16xf32> to vector<16xf32>
      %swap3A_188 = vector.shape_cast %broadcast_in_dim3A_94 : vector<16xf32> to vector<1x16xf32>
      tpu.vector_store %arg11[%swap3A_184, %swap3A_185], %swap3A_188 {strides = array<i32>} : memref<64x128xf32, #tpu.memory_space<vmem>>, vector<1x16xf32>,
      %swap3A_189 = arith.index_cast %scan3A_163 : i32 to index
      %swap3A_190 = arith.constant 80 : index
      %swap3A_191 = tpu.vector_load %arg11[%swap3A_189, %swap3A_190] {strides = array<i32>} : memref<64x128xf32, #tpu.memory_space<vmem>>, vector<1x16xf32>,
      %swap3A_192 = vector.shape_cast %swap3A_191 : vector<1x16xf32> to vector<16xf32>
      %swap3A_193 = vector.shape_cast %broadcast_in_dim3A_94 : vector<16xf32> to vector<1x16xf32>
      tpu.vector_store %arg11[%swap3A_189, %swap3A_190], %swap3A_193 {strides = array<i32>} : memref<64x128xf32, #tpu.memory_space<vmem>>, vector<1x16xf32>,
      %swap3A_194 = arith.index_cast %scan3A_163 : i32 to index
      %swap3A_195 = arith.constant 96 : index
      %swap3A_196 = tpu.vector_load %arg11[%swap3A_194, %swap3A_195] {strides = array<i32>} : memref<64x128xf32, #tpu.memory_space<vmem>>, vector<1x16xf32>,
      %swap3A_197 = vector.shape_cast %swap3A_196 : vector<1x16xf32> to vector<16xf32>
      %swap3A_198 = vector.shape_cast %broadcast_in_dim3A_94 : vector<16xf32> to vector<1x16xf32>
      tpu.vector_store %arg11[%swap3A_194, %swap3A_195], %swap3A_198 {strides = array<i32>} : memref<64x128xf32, #tpu.memory_space<vmem>>, vector<1x16xf32>,
      %swap3A_199 = arith.index_cast %scan3A_163 : i32 to index
      %swap3A_200 = arith.constant 112 : index
      %swap3A_201 = tpu.vector_load %arg11[%swap3A_199, %swap3A_200] {strides = array<i32>} : memref<64x128xf32, #tpu.memory_space<vmem>>, vector<1x16xf32>,
      %swap3A_202 = vector.shape_cast %swap3A_201 : vector<1x16xf32> to vector<16xf32>
      %swap3A_203 = vector.shape_cast %broadcast_in_dim3A_94 : vector<16xf32> to vector<1x16xf32>
      tpu.vector_store %arg11[%swap3A_199, %swap3A_200], %swap3A_203 {strides = array<i32>} : memref<64x128xf32, #tpu.memory_space<vmem>>, vector<1x16xf32>,
      %scan3A_204 = arith.constant 0 : i32
      scf.yield %scan3A_204 : i32
    }
    %scan3A_100 = arith.constant 64 : i32
    %mul3A_101 = arith.constant 640 : i32
    %mul3A_102 = arith.muli %arg1, %mul3A_101 : i32
    %add3A_103 = arith.constant 0 : i32
    %add3A_104 = arith.addi %mul3A_102, %add3A_103 : i32
    "tpu.region"() ({
      %run_scoped3A = tpu.sem_alloc : memref<!tpu.dma_semaphore, #tpu.memory_space<semaphore_mem>>
      %dma_start3A_163 = arith.constant 0 : i32
      %dma_start3A_164 = tpu.memref_slice %arg12[%add3A_104, %dma_start3A_163] : memref<10240x128xf32, #tpu.memory_space<vmem_shared>> -> memref<64x128xf32, #tpu.memory_space<vmem_shared>>
      %dma_start3A_165 = arith.constant 0 : i32
      %dma_start3A_166 = tpu.memref_slice %arg12[%add3A_104, %dma_start3A_165] : memref<10240x128xf32, #tpu.memory_space<vmem_shared>> -> memref<64x128xf32, #tpu.memory_space<vmem_shared>>
      tpu.enqueue_dma source(%arg11 : memref<64x128xf32, #tpu.memory_space<vmem>>) target(%dma_start3A_166 : memref<64x128xf32, #tpu.memory_space<vmem_shared>>) target_semaphore(%run_scoped3A : memref<!tpu.dma_semaphore, #tpu.memory_space<semaphore_mem>>)
      %dma_wait3A_167 = arith.constant 0 : i32
      %dma_wait3A_168 = tpu.memref_slice %arg12[%add3A_104, %dma_wait3A_167] : memref<10240x128xf32, #tpu.memory_space<vmem_shared>> -> memref<64x128xf32, #tpu.memory_space<vmem_shared>>
      %dma_wait3A_169 = arith.constant 0 : i32
      %dma_wait3A_170 = tpu.memref_slice %arg12[%add3A_104, %dma_wait3A_169] : memref<10240x128xf32, #tpu.memory_space<vmem_shared>> -> memref<64x128xf32, #tpu.memory_space<vmem_shared>>
      tpu.wait_dma2 semaphore(%run_scoped3A : memref<!tpu.dma_semaphore, #tpu.memory_space<semaphore_mem>>) src(%arg11 : memref<64x128xf32, #tpu.memory_space<vmem>>) dst(%dma_wait3A_170 : memref<64x128xf32, #tpu.memory_space<vmem_shared>>)
      tpu.yield
    }) : () -> ()
    %mul3A_105 = arith.constant 640 : i32
    %mul3A_106 = arith.muli %arg1, %mul3A_105 : i32
    %add3A_107 = arith.constant 64 : i32
    %add3A_108 = arith.addi %mul3A_106, %add3A_107 : i32
    "tpu.region"() ({
      %run_scoped3A = tpu.sem_alloc : memref<!tpu.dma_semaphore, #tpu.memory_space<semaphore_mem>>
      %dma_start3A_163 = arith.constant 0 : i32
      %dma_start3A_164 = tpu.memref_slice %arg12[%add3A_108, %dma_start3A_163] : memref<10240x128xf32, #tpu.memory_space<vmem_shared>> -> memref<64x128xf32, #tpu.memory_space<vmem_shared>>
      %dma_start3A_165 = arith.constant 0 : i32
      %dma_start3A_166 = tpu.memref_slice %arg12[%add3A_108, %dma_start3A_165] : memref<10240x128xf32, #tpu.memory_space<vmem_shared>> -> memref<64x128xf32, #tpu.memory_space<vmem_shared>>
      tpu.enqueue_dma source(%arg11 : memref<64x128xf32, #tpu.memory_space<vmem>>) target(%dma_start3A_166 : memref<64x128xf32, #tpu.memory_space<vmem_shared>>) target_semaphore(%run_scoped3A : memref<!tpu.dma_semaphore, #tpu.memory_space<semaphore_mem>>)
      %dma_wait3A_167 = arith.constant 0 : i32
      %dma_wait3A_168 = tpu.memref_slice %arg12[%add3A_108, %dma_wait3A_167] : memref<10240x128xf32, #tpu.memory_space<vmem_shared>> -> memref<64x128xf32, #tpu.memory_space<vmem_shared>>
      %dma_wait3A_169 = arith.constant 0 : i32
      %dma_wait3A_170 = tpu.memref_slice %arg12[%add3A_108, %dma_wait3A_169] : memref<10240x128xf32, #tpu.memory_space<vmem_shared>> -> memref<64x128xf32, #tpu.memory_space<vmem_shared>>
      tpu.wait_dma2 semaphore(%run_scoped3A : memref<!tpu.dma_semaphore, #tpu.memory_space<semaphore_mem>>) src(%arg11 : memref<64x128xf32, #tpu.memory_space<vmem>>) dst(%dma_wait3A_170 : memref<64x128xf32, #tpu.memory_space<vmem_shared>>)
      tpu.yield
    }) : () -> ()
    %mul3A_109 = arith.constant 640 : i32
    %mul3A_110 = arith.muli %arg1, %mul3A_109 : i32
    %add3A_111 = arith.constant 128 : i32
    %add3A_112 = arith.addi %mul3A_110, %add3A_111 : i32
    "tpu.region"() ({
      %run_scoped3A = tpu.sem_alloc : memref<!tpu.dma_semaphore, #tpu.memory_space<semaphore_mem>>
      %dma_start3A_163 = arith.constant 0 : i32
      %dma_start3A_164 = tpu.memref_slice %arg12[%add3A_112, %dma_start3A_163] : memref<10240x128xf32, #tpu.memory_space<vmem_shared>> -> memref<64x128xf32, #tpu.memory_space<vmem_shared>>
      %dma_start3A_165 = arith.constant 0 : i32
      %dma_start3A_166 = tpu.memref_slice %arg12[%add3A_112, %dma_start3A_165] : memref<10240x128xf32, #tpu.memory_space<vmem_shared>> -> memref<64x128xf32, #tpu.memory_space<vmem_shared>>
      tpu.enqueue_dma source(%arg11 : memref<64x128xf32, #tpu.memory_space<vmem>>) target(%dma_start3A_166 : memref<64x128xf32, #tpu.memory_space<vmem_shared>>) target_semaphore(%run_scoped3A : memref<!tpu.dma_semaphore, #tpu.memory_space<semaphore_mem>>)
      %dma_wait3A_167 = arith.constant 0 : i32
      %dma_wait3A_168 = tpu.memref_slice %arg12[%add3A_112, %dma_wait3A_167] : memref<10240x128xf32, #tpu.memory_space<vmem_shared>> -> memref<64x128xf32, #tpu.memory_space<vmem_shared>>
      %dma_wait3A_169 = arith.constant 0 : i32
      %dma_wait3A_170 = tpu.memref_slice %arg12[%add3A_112, %dma_wait3A_169] : memref<10240x128xf32, #tpu.memory_space<vmem_shared>> -> memref<64x128xf32, #tpu.memory_space<vmem_shared>>
      tpu.wait_dma2 semaphore(%run_scoped3A : memref<!tpu.dma_semaphore, #tpu.memory_space<semaphore_mem>>) src(%arg11 : memref<64x128xf32, #tpu.memory_space<vmem>>) dst(%dma_wait3A_170 : memref<64x128xf32, #tpu.memory_space<vmem_shared>>)
      tpu.yield
    }) : () -> ()
    %mul3A_113 = arith.constant 640 : i32
    %mul3A_114 = arith.muli %arg1, %mul3A_113 : i32
    %add3A_115 = arith.constant 192 : i32
    %add3A_116 = arith.addi %mul3A_114, %add3A_115 : i32
    "tpu.region"() ({
      %run_scoped3A = tpu.sem_alloc : memref<!tpu.dma_semaphore, #tpu.memory_space<semaphore_mem>>
      %dma_start3A_163 = arith.constant 0 : i32
      %dma_start3A_164 = tpu.memref_slice %arg12[%add3A_116, %dma_start3A_163] : memref<10240x128xf32, #tpu.memory_space<vmem_shared>> -> memref<64x128xf32, #tpu.memory_space<vmem_shared>>
      %dma_start3A_165 = arith.constant 0 : i32
      %dma_start3A_166 = tpu.memref_slice %arg12[%add3A_116, %dma_start3A_165] : memref<10240x128xf32, #tpu.memory_space<vmem_shared>> -> memref<64x128xf32, #tpu.memory_space<vmem_shared>>
      tpu.enqueue_dma source(%arg11 : memref<64x128xf32, #tpu.memory_space<vmem>>) target(%dma_start3A_166 : memref<64x128xf32, #tpu.memory_space<vmem_shared>>) target_semaphore(%run_scoped3A : memref<!tpu.dma_semaphore, #tpu.memory_space<semaphore_mem>>)
      %dma_wait3A_167 = arith.constant 0 : i32
      %dma_wait3A_168 = tpu.memref_slice %arg12[%add3A_116, %dma_wait3A_167] : memref<10240x128xf32, #tpu.memory_space<vmem_shared>> -> memref<64x128xf32, #tpu.memory_space<vmem_shared>>
      %dma_wait3A_169 = arith.constant 0 : i32
      %dma_wait3A_170 = tpu.memref_slice %arg12[%add3A_116, %dma_wait3A_169] : memref<10240x128xf32, #tpu.memory_space<vmem_shared>> -> memref<64x128xf32, #tpu.memory_space<vmem_shared>>
      tpu.wait_dma2 semaphore(%run_scoped3A : memref<!tpu.dma_semaphore, #tpu.memory_space<semaphore_mem>>) src(%arg11 : memref<64x128xf32, #tpu.memory_space<vmem>>) dst(%dma_wait3A_170 : memref<64x128xf32, #tpu.memory_space<vmem_shared>>)
      tpu.yield
    }) : () -> ()
    %mul3A_117 = arith.constant 640 : i32
    %mul3A_118 = arith.muli %arg1, %mul3A_117 : i32
    %add3A_119 = arith.constant 256 : i32
    %add3A_120 = arith.addi %mul3A_118, %add3A_119 : i32
    "tpu.region"() ({
      %run_scoped3A = tpu.sem_alloc : memref<!tpu.dma_semaphore, #tpu.memory_space<semaphore_mem>>
      %dma_start3A_163 = arith.constant 0 : i32
      %dma_start3A_164 = tpu.memref_slice %arg12[%add3A_120, %dma_start3A_163] : memref<10240x128xf32, #tpu.memory_space<vmem_shared>> -> memref<64x128xf32, #tpu.memory_space<vmem_shared>>
      %dma_start3A_165 = arith.constant 0 : i32
      %dma_start3A_166 = tpu.memref_slice %arg12[%add3A_120, %dma_start3A_165] : memref<10240x128xf32, #tpu.memory_space<vmem_shared>> -> memref<64x128xf32, #tpu.memory_space<vmem_shared>>
      tpu.enqueue_dma source(%arg11 : memref<64x128xf32, #tpu.memory_space<vmem>>) target(%dma_start3A_166 : memref<64x128xf32, #tpu.memory_space<vmem_shared>>) target_semaphore(%run_scoped3A : memref<!tpu.dma_semaphore, #tpu.memory_space<semaphore_mem>>)
      %dma_wait3A_167 = arith.constant 0 : i32
      %dma_wait3A_168 = tpu.memref_slice %arg12[%add3A_120, %dma_wait3A_167] : memref<10240x128xf32, #tpu.memory_space<vmem_shared>> -> memref<64x128xf32, #tpu.memory_space<vmem_shared>>
      %dma_wait3A_169 = arith.constant 0 : i32
      %dma_wait3A_170 = tpu.memref_slice %arg12[%add3A_120, %dma_wait3A_169] : memref<10240x128xf32, #tpu.memory_space<vmem_shared>> -> memref<64x128xf32, #tpu.memory_space<vmem_shared>>
      tpu.wait_dma2 semaphore(%run_scoped3A : memref<!tpu.dma_semaphore, #tpu.memory_space<semaphore_mem>>) src(%arg11 : memref<64x128xf32, #tpu.memory_space<vmem>>) dst(%dma_wait3A_170 : memref<64x128xf32, #tpu.memory_space<vmem_shared>>)
      tpu.yield
    }) : () -> ()
    %mul3A_121 = arith.constant 640 : i32
    %mul3A_122 = arith.muli %arg1, %mul3A_121 : i32
    %add3A_123 = arith.constant 320 : i32
    %add3A_124 = arith.addi %mul3A_122, %add3A_123 : i32
    "tpu.region"() ({
      %run_scoped3A = tpu.sem_alloc : memref<!tpu.dma_semaphore, #tpu.memory_space<semaphore_mem>>
      %dma_start3A_163 = arith.constant 0 : i32
      %dma_start3A_164 = tpu.memref_slice %arg12[%add3A_124, %dma_start3A_163] : memref<10240x128xf32, #tpu.memory_space<vmem_shared>> -> memref<64x128xf32, #tpu.memory_space<vmem_shared>>
      %dma_start3A_165 = arith.constant 0 : i32
      %dma_start3A_166 = tpu.memref_slice %arg12[%add3A_124, %dma_start3A_165] : memref<10240x128xf32, #tpu.memory_space<vmem_shared>> -> memref<64x128xf32, #tpu.memory_space<vmem_shared>>
      tpu.enqueue_dma source(%arg11 : memref<64x128xf32, #tpu.memory_space<vmem>>) target(%dma_start3A_166 : memref<64x128xf32, #tpu.memory_space<vmem_shared>>) target_semaphore(%run_scoped3A : memref<!tpu.dma_semaphore, #tpu.memory_space<semaphore_mem>>)
      %dma_wait3A_167 = arith.constant 0 : i32
      %dma_wait3A_168 = tpu.memref_slice %arg12[%add3A_124, %dma_wait3A_167] : memref<10240x128xf32, #tpu.memory_space<vmem_shared>> -> memref<64x128xf32, #tpu.memory_space<vmem_shared>>
      %dma_wait3A_169 = arith.constant 0 : i32
      %dma_wait3A_170 = tpu.memref_slice %arg12[%add3A_124, %dma_wait3A_169] : memref<10240x128xf32, #tpu.memory_space<vmem_shared>> -> memref<64x128xf32, #tpu.memory_space<vmem_shared>>
      tpu.wait_dma2 semaphore(%run_scoped3A : memref<!tpu.dma_semaphore, #tpu.memory_space<semaphore_mem>>) src(%arg11 : memref<64x128xf32, #tpu.memory_space<vmem>>) dst(%dma_wait3A_170 : memref<64x128xf32, #tpu.memory_space<vmem_shared>>)
      tpu.yield
    }) : () -> ()
    %mul3A_125 = arith.constant 640 : i32
    %mul3A_126 = arith.muli %arg1, %mul3A_125 : i32
    %add3A_127 = arith.constant 384 : i32
    %add3A_128 = arith.addi %mul3A_126, %add3A_127 : i32
    "tpu.region"() ({
      %run_scoped3A = tpu.sem_alloc : memref<!tpu.dma_semaphore, #tpu.memory_space<semaphore_mem>>
      %dma_start3A_163 = arith.constant 0 : i32
      %dma_start3A_164 = tpu.memref_slice %arg12[%add3A_128, %dma_start3A_163] : memref<10240x128xf32, #tpu.memory_space<vmem_shared>> -> memref<64x128xf32, #tpu.memory_space<vmem_shared>>
      %dma_start3A_165 = arith.constant 0 : i32
      %dma_start3A_166 = tpu.memref_slice %arg12[%add3A_128, %dma_start3A_165] : memref<10240x128xf32, #tpu.memory_space<vmem_shared>> -> memref<64x128xf32, #tpu.memory_space<vmem_shared>>
      tpu.enqueue_dma source(%arg11 : memref<64x128xf32, #tpu.memory_space<vmem>>) target(%dma_start3A_166 : memref<64x128xf32, #tpu.memory_space<vmem_shared>>) target_semaphore(%run_scoped3A : memref<!tpu.dma_semaphore, #tpu.memory_space<semaphore_mem>>)
      %dma_wait3A_167 = arith.constant 0 : i32
      %dma_wait3A_168 = tpu.memref_slice %arg12[%add3A_128, %dma_wait3A_167] : memref<10240x128xf32, #tpu.memory_space<vmem_shared>> -> memref<64x128xf32, #tpu.memory_space<vmem_shared>>
      %dma_wait3A_169 = arith.constant 0 : i32
      %dma_wait3A_170 = tpu.memref_slice %arg12[%add3A_128, %dma_wait3A_169] : memref<10240x128xf32, #tpu.memory_space<vmem_shared>> -> memref<64x128xf32, #tpu.memory_space<vmem_shared>>
      tpu.wait_dma2 semaphore(%run_scoped3A : memref<!tpu.dma_semaphore, #tpu.memory_space<semaphore_mem>>) src(%arg11 : memref<64x128xf32, #tpu.memory_space<vmem>>) dst(%dma_wait3A_170 : memref<64x128xf32, #tpu.memory_space<vmem_shared>>)
      tpu.yield
    }) : () -> ()
    %mul3A_129 = arith.constant 640 : i32
    %mul3A_130 = arith.muli %arg1, %mul3A_129 : i32
    %add3A_131 = arith.constant 448 : i32
    %add3A_132 = arith.addi %mul3A_130, %add3A_131 : i32
    "tpu.region"() ({
      %run_scoped3A = tpu.sem_alloc : memref<!tpu.dma_semaphore, #tpu.memory_space<semaphore_mem>>
      %dma_start3A_163 = arith.constant 0 : i32
      %dma_start3A_164 = tpu.memref_slice %arg12[%add3A_132, %dma_start3A_163] : memref<10240x128xf32, #tpu.memory_space<vmem_shared>> -> memref<64x128xf32, #tpu.memory_space<vmem_shared>>
      %dma_start3A_165 = arith.constant 0 : i32
      %dma_start3A_166 = tpu.memref_slice %arg12[%add3A_132, %dma_start3A_165] : memref<10240x128xf32, #tpu.memory_space<vmem_shared>> -> memref<64x128xf32, #tpu.memory_space<vmem_shared>>
      tpu.enqueue_dma source(%arg11 : memref<64x128xf32, #tpu.memory_space<vmem>>) target(%dma_start3A_166 : memref<64x128xf32, #tpu.memory_space<vmem_shared>>) target_semaphore(%run_scoped3A : memref<!tpu.dma_semaphore, #tpu.memory_space<semaphore_mem>>)
      %dma_wait3A_167 = arith.constant 0 : i32
      %dma_wait3A_168 = tpu.memref_slice %arg12[%add3A_132, %dma_wait3A_167] : memref<10240x128xf32, #tpu.memory_space<vmem_shared>> -> memref<64x128xf32, #tpu.memory_space<vmem_shared>>
      %dma_wait3A_169 = arith.constant 0 : i32
      %dma_wait3A_170 = tpu.memref_slice %arg12[%add3A_132, %dma_wait3A_169] : memref<10240x128xf32, #tpu.memory_space<vmem_shared>> -> memref<64x128xf32, #tpu.memory_space<vmem_shared>>
      tpu.wait_dma2 semaphore(%run_scoped3A : memref<!tpu.dma_semaphore, #tpu.memory_space<semaphore_mem>>) src(%arg11 : memref<64x128xf32, #tpu.memory_space<vmem>>) dst(%dma_wait3A_170 : memref<64x128xf32, #tpu.memory_space<vmem_shared>>)
      tpu.yield
    }) : () -> ()
    %mul3A_133 = arith.constant 640 : i32
    %mul3A_134 = arith.muli %arg1, %mul3A_133 : i32
    %add3A_135 = arith.constant 512 : i32
    %add3A_136 = arith.addi %mul3A_134, %add3A_135 : i32
    "tpu.region"() ({
      %run_scoped3A = tpu.sem_alloc : memref<!tpu.dma_semaphore, #tpu.memory_space<semaphore_mem>>
      %dma_start3A_163 = arith.constant 0 : i32
      %dma_start3A_164 = tpu.memref_slice %arg12[%add3A_136, %dma_start3A_163] : memref<10240x128xf32, #tpu.memory_space<vmem_shared>> -> memref<64x128xf32, #tpu.memory_space<vmem_shared>>
      %dma_start3A_165 = arith.constant 0 : i32
      %dma_start3A_166 = tpu.memref_slice %arg12[%add3A_136, %dma_start3A_165] : memref<10240x128xf32, #tpu.memory_space<vmem_shared>> -> memref<64x128xf32, #tpu.memory_space<vmem_shared>>
      tpu.enqueue_dma source(%arg11 : memref<64x128xf32, #tpu.memory_space<vmem>>) target(%dma_start3A_166 : memref<64x128xf32, #tpu.memory_space<vmem_shared>>) target_semaphore(%run_scoped3A : memref<!tpu.dma_semaphore, #tpu.memory_space<semaphore_mem>>)
      %dma_wait3A_167 = arith.constant 0 : i32
      %dma_wait3A_168 = tpu.memref_slice %arg12[%add3A_136, %dma_wait3A_167] : memref<10240x128xf32, #tpu.memory_space<vmem_shared>> -> memref<64x128xf32, #tpu.memory_space<vmem_shared>>
      %dma_wait3A_169 = arith.constant 0 : i32
      %dma_wait3A_170 = tpu.memref_slice %arg12[%add3A_136, %dma_wait3A_169] : memref<10240x128xf32, #tpu.memory_space<vmem_shared>> -> memref<64x128xf32, #tpu.memory_space<vmem_shared>>
      tpu.wait_dma2 semaphore(%run_scoped3A : memref<!tpu.dma_semaphore, #tpu.memory_space<semaphore_mem>>) src(%arg11 : memref<64x128xf32, #tpu.memory_space<vmem>>) dst(%dma_wait3A_170 : memref<64x128xf32, #tpu.memory_space<vmem_shared>>)
      tpu.yield
    }) : () -> ()
    %mul3A_137 = arith.constant 640 : i32
    %mul3A_138 = arith.muli %arg1, %mul3A_137 : i32
    %add3A_139 = arith.constant 576 : i32
    %add3A_140 = arith.addi %mul3A_138, %add3A_139 : i32
    "tpu.region"() ({
      %run_scoped3A = tpu.sem_alloc : memref<!tpu.dma_semaphore, #tpu.memory_space<semaphore_mem>>
      %dma_start3A_163 = arith.constant 0 : i32
      %dma_start3A_164 = tpu.memref_slice %arg12[%add3A_140, %dma_start3A_163] : memref<10240x128xf32, #tpu.memory_space<vmem_shared>> -> memref<64x128xf32, #tpu.memory_space<vmem_shared>>
      %dma_start3A_165 = arith.constant 0 : i32
      %dma_start3A_166 = tpu.memref_slice %arg12[%add3A_140, %dma_start3A_165] : memref<10240x128xf32, #tpu.memory_space<vmem_shared>> -> memref<64x128xf32, #tpu.memory_space<vmem_shared>>
      tpu.enqueue_dma source(%arg11 : memref<64x128xf32, #tpu.memory_space<vmem>>) target(%dma_start3A_166 : memref<64x128xf32, #tpu.memory_space<vmem_shared>>) target_semaphore(%run_scoped3A : memref<!tpu.dma_semaphore, #tpu.memory_space<semaphore_mem>>)
      %dma_wait3A_167 = arith.constant 0 : i32
      %dma_wait3A_168 = tpu.memref_slice %arg12[%add3A_140, %dma_wait3A_167] : memref<10240x128xf32, #tpu.memory_space<vmem_shared>> -> memref<64x128xf32, #tpu.memory_space<vmem_shared>>
      %dma_wait3A_169 = arith.constant 0 : i32
      %dma_wait3A_170 = tpu.memref_slice %arg12[%add3A_140, %dma_wait3A_169] : memref<10240x128xf32, #tpu.memory_space<vmem_shared>> -> memref<64x128xf32, #tpu.memory_space<vmem_shared>>
      tpu.wait_dma2 semaphore(%run_scoped3A : memref<!tpu.dma_semaphore, #tpu.memory_space<semaphore_mem>>) src(%arg11 : memref<64x128xf32, #tpu.memory_space<vmem>>) dst(%dma_wait3A_170 : memref<64x128xf32, #tpu.memory_space<vmem_shared>>)
      tpu.yield
    }) : () -> ()
    %barrier3A = arith.constant 0 : index
    tpu.barrier barrier_id(%barrier3A)
    %scan3A_141 = arith.constant 0 : i32
    %scan3A_142 = arith.constant 0 : i32
    %scan3A_143 = arith.constant 10 : i32
    %scan3A_144 = arith.addi %scan3A_142, %scan3A_143 : i32
    %scan3A_145 = arith.constant 1 : i32
    %scan3A_146 = scf.for %scan3A_163 = %scan3A_142 to %scan3A_144 step %scan3A_145 iter_args(%scan3A_164 = %scan3A_141) -> (i32)  : i32 {
      %mul3A_165 = arith.constant 2 : i32
      %mul3A_166 = arith.muli %scan3A_163, %mul3A_165 : i32
      %add3A_167 = arith.constant 0 : i32
      %add3A_168 = arith.addi %mul3A_166, %add3A_167 : i32
      %dma_wait3A_169 = arith.constant 0 : i32
      %dma_wait3A_170 = arith.constant 0 : i32
      %dma_wait3A_171 = tpu.memref_slice %arg6[%dma_wait3A_169, %dma_wait3A_170] : memref<16x64xi32, #tpu.memory_space<vmem>> -> memref<1x64xi32, #tpu.memory_space<vmem>>
      %dma_wait3A_172 = tpu.memref_squeeze %dma_wait3A_171 : memref<1x64xi32, #tpu.memory_space<vmem>> -> memref<64xi32, #tpu.memory_space<vmem>>
      %dma_wait3A_173 = arith.constant 0 : i32
      %dma_wait3A_174 = arith.constant 0 : i32
      %dma_wait3A_175 = tpu.memref_slice %arg4[%dma_wait3A_173, %dma_wait3A_174] : memref<10240x128xf32, #tpu.memory_space<hbm>> -> memref<10240x128xf32, #tpu.memory_space<hbm>>
      tpu.wait_indirect_dma semaphore(%arg13 : memref<!tpu.dma_semaphore, #tpu.memory_space<semaphore_mem>>) src(%dma_wait3A_175 : memref<10240x128xf32, #tpu.memory_space<hbm>>) dst(%arg8 : memref<64x128xf32, #tpu.memory_space<vmem>>)
      %dma_start3A_176 = arith.constant 0 : i32
      %dma_start3A_177 = arith.constant 0 : i32
      %dma_start3A_178 = tpu.memref_slice %arg7[%dma_start3A_176, %dma_start3A_177] : memref<16x64xi32, #tpu.memory_space<vmem>> -> memref<1x64xi32, #tpu.memory_space<vmem>>
      %dma_start3A_179 = tpu.memref_squeeze %dma_start3A_178 : memref<1x64xi32, #tpu.memory_space<vmem>> -> memref<64xi32, #tpu.memory_space<vmem>>
      %dma_start3A_180 = arith.constant 0 : i32
      %dma_start3A_181 = arith.constant 0 : i32
      %dma_start3A_182 = tpu.memref_slice %arg12[%dma_start3A_180, %dma_start3A_181] : memref<10240x128xf32, #tpu.memory_space<vmem_shared>> -> memref<10240x128xf32, #tpu.memory_space<vmem_shared>>
      tpu.enqueue_indirect_dma source(%arg8 : memref<64x128xf32, #tpu.memory_space<vmem>>) target(%dma_start3A_182 : memref<10240x128xf32, #tpu.memory_space<vmem_shared>>) offsets(%dma_start3A_179 : memref<64xi32, #tpu.memory_space<vmem>>) semaphore(%arg17 : memref<!tpu.dma_semaphore, #tpu.memory_space<semaphore_mem>>) {add = true}
      %ge3A = arith.constant 1 : i32
      %ge3A_183 = arith.cmpi sge, %add3A_168, %ge3A : i32
      %convert_element_type3A = arith.extui %ge3A_183 : i1 to i32
      %cond3A = arith.constant 0 : i32
      %cond3A_184 = arith.cmpi ne, %convert_element_type3A, %cond3A : i32
      scf.if %cond3A_184 {
        %dma_wait3A_647 = arith.constant 0 : i32
        %dma_wait3A_648 = arith.constant 0 : i32
        %dma_wait3A_649 = tpu.memref_slice %arg7[%dma_wait3A_647, %dma_wait3A_648] : memref<16x64xi32, #tpu.memory_space<vmem>> -> memref<1x64xi32, #tpu.memory_space<vmem>>
        %dma_wait3A_650 = tpu.memref_squeeze %dma_wait3A_649 : memref<1x64xi32, #tpu.memory_space<vmem>> -> memref<64xi32, #tpu.memory_space<vmem>>
        %dma_wait3A_651 = arith.constant 0 : i32
        %dma_wait3A_652 = arith.constant 0 : i32
        %dma_wait3A_653 = tpu.memref_slice %arg12[%dma_wait3A_651, %dma_wait3A_652] : memref<10240x128xf32, #tpu.memory_space<vmem_shared>> -> memref<10240x128xf32, #tpu.memory_space<vmem_shared>>
        tpu.wait_indirect_dma semaphore(%arg20 : memref<!tpu.dma_semaphore, #tpu.memory_space<semaphore_mem>>) src(%arg11 : memref<64x128xf32, #tpu.memory_space<vmem>>) dst(%dma_wait3A_653 : memref<10240x128xf32, #tpu.memory_space<vmem_shared>>)
      } else {
      }
      %ge3A_185 = arith.constant 1 : i32
      %ge3A_186 = arith.cmpi sge, %add3A_168, %ge3A_185 : i32
      %add3A_187 = arith.constant 1 : i32
      %add3A_188 = arith.addi %add3A_168, %add3A_187 : i32
      %lt3A = arith.constant 20 : i32
      %lt3A_189 = arith.cmpi slt, %add3A_188, %lt3A : i32
      %and3A = arith.andi %ge3A_186, %lt3A_189 : i1
      %convert_element_type3A_190 = arith.extui %and3A : i1 to i32
      %cond3A_191 = arith.constant 0 : i32
      %cond3A_192 = arith.cmpi ne, %convert_element_type3A_190, %cond3A_191 : i32
      scf.if %cond3A_192 {
        %add3A_647 = arith.constant 1 : i32
        %add3A_648 = arith.addi %add3A_168, %add3A_647 : i32
        %mul3A_649 = arith.constant 8 : i32
        %mul3A_650 = arith.muli %add3A_648, %mul3A_649 : i32
        %add3A_651 = arith.addi %mul3A_2, %mul3A_650 : i32
        %mul3A_652 = arith.constant 8 : i32
        %mul3A_653 = arith.muli %add3A_648, %mul3A_652 : i32
        %add3A_654 = arith.addi %mul3A_2, %mul3A_653 : i32
        %dma_start3A_655 = arith.constant 8 : i32
        %dma_start3A_656 = arith.constant 0 : i32
        %dma_start3A_657 = tpu.memref_slice %arg6[%dma_start3A_655, %dma_start3A_656] : memref<16x64xi32, #tpu.memory_space<vmem>> -> memref<8x64xi32, #tpu.memory_space<vmem>>
        %dma_start3A_658 = arith.constant 0 : i32
        %dma_start3A_659 = tpu.memref_slice %arg2[%add3A_651, %dma_start3A_658] : memref<5120x64xi32, #tpu.memory_space<hbm>> -> memref<8x64xi32, #tpu.memory_space<hbm>>
        %dma_start3A_660 = arith.constant 8 : i32
        %dma_start3A_661 = arith.constant 0 : i32
        %dma_start3A_662 = tpu.memref_slice %arg6[%dma_start3A_660, %dma_start3A_661] : memref<16x64xi32, #tpu.memory_space<vmem>> -> memref<8x64xi32, #tpu.memory_space<vmem>>
        %dma_start3A_663 = arith.constant 0 : i32
        %dma_start3A_664 = tpu.memref_slice %arg2[%add3A_651, %dma_start3A_663] : memref<5120x64xi32, #tpu.memory_space<hbm>> -> memref<8x64xi32, #tpu.memory_space<hbm>>
        tpu.enqueue_dma source(%dma_start3A_664 : memref<8x64xi32, #tpu.memory_space<hbm>>) target(%dma_start3A_662 : memref<8x64xi32, #tpu.memory_space<vmem>>) target_semaphore(%arg21 : memref<!tpu.dma_semaphore, #tpu.memory_space<semaphore_mem>>)
        %dma_start3A_665 = arith.constant 8 : i32
        %dma_start3A_666 = arith.constant 0 : i32
        %dma_start3A_667 = tpu.memref_slice %arg7[%dma_start3A_665, %dma_start3A_666] : memref<16x64xi32, #tpu.memory_space<vmem>> -> memref<8x64xi32, #tpu.memory_space<vmem>>
        %dma_start3A_668 = arith.constant 0 : i32
        %dma_start3A_669 = tpu.memref_slice %arg3[%add3A_654, %dma_start3A_668] : memref<5120x64xi32, #tpu.memory_space<hbm>> -> memref<8x64xi32, #tpu.memory_space<hbm>>
        %dma_start3A_670 = arith.constant 8 : i32
        %dma_start3A_671 = arith.constant 0 : i32
        %dma_start3A_672 = tpu.memref_slice %arg7[%dma_start3A_670, %dma_start3A_671] : memref<16x64xi32, #tpu.memory_space<vmem>> -> memref<8x64xi32, #tpu.memory_space<vmem>>
        %dma_start3A_673 = arith.constant 0 : i32
        %dma_start3A_674 = tpu.memref_slice %arg3[%add3A_654, %dma_start3A_673] : memref<5120x64xi32, #tpu.memory_space<hbm>> -> memref<8x64xi32, #tpu.memory_space<hbm>>
        tpu.enqueue_dma source(%dma_start3A_674 : memref<8x64xi32, #tpu.memory_space<hbm>>) target(%dma_start3A_672 : memref<8x64xi32, #tpu.memory_space<vmem>>) target_semaphore(%arg22 : memref<!tpu.dma_semaphore, #tpu.memory_space<semaphore_mem>>)
      } else {
      }
      %dma_start3A_193 = arith.constant 3 : i32
      %dma_start3A_194 = arith.constant 0 : i32
      %dma_start3A_195 = tpu.memref_slice %arg6[%dma_start3A_193, %dma_start3A_194] : memref<16x64xi32, #tpu.memory_space<vmem>> -> memref<1x64xi32, #tpu.memory_space<vmem>>
      %dma_start3A_196 = tpu.memref_squeeze %dma_start3A_195 : memref<1x64xi32, #tpu.memory_space<vmem>> -> memref<64xi32, #tpu.memory_space<vmem>>
      %dma_start3A_197 = arith.constant 0 : i32
      %dma_start3A_198 = arith.constant 0 : i32
      %dma_start3A_199 = tpu.memref_slice %arg4[%dma_start3A_197, %dma_start3A_198] : memref<10240x128xf32, #tpu.memory_space<hbm>> -> memref<10240x128xf32, #tpu.memory_space<hbm>>
      tpu.enqueue_indirect_dma source(%dma_start3A_199 : memref<10240x128xf32, #tpu.memory_space<hbm>>) target(%arg11 : memref<64x128xf32, #tpu.memory_space<vmem>>) offsets(%dma_start3A_196 : memref<64xi32, #tpu.memory_space<vmem>>) semaphore(%arg16 : memref<!tpu.dma_semaphore, #tpu.memory_space<semaphore_mem>>)
      %dma_wait3A_200 = arith.constant 1 : i32
      %dma_wait3A_201 = arith.constant 0 : i32
      %dma_wait3A_202 = tpu.memref_slice %arg6[%dma_wait3A_200, %dma_wait3A_201] : memref<16x64xi32, #tpu.memory_space<vmem>> -> memref<1x64xi32, #tpu.memory_space<vmem>>
      %dma_wait3A_203 = tpu.memref_squeeze %dma_wait3A_202 : memref<1x64xi32, #tpu.memory_space<vmem>> -> memref<64xi32, #tpu.memory_space<vmem>>
      %dma_wait3A_204 = arith.constant 0 : i32
      %dma_wait3A_205 = arith.constant 0 : i32
      %dma_wait3A_206 = tpu.memref_slice %arg4[%dma_wait3A_204, %dma_wait3A_205] : memref<10240x128xf32, #tpu.memory_space<hbm>> -> memref<10240x128xf32, #tpu.memory_space<hbm>>
      tpu.wait_indirect_dma semaphore(%arg14 : memref<!tpu.dma_semaphore, #tpu.memory_space<semaphore_mem>>) src(%dma_wait3A_206 : memref<10240x128xf32, #tpu.memory_space<hbm>>) dst(%arg9 : memref<64x128xf32, #tpu.memory_space<vmem>>)
      %dma_start3A_207 = arith.constant 1 : i32
      %dma_start3A_208 = arith.constant 0 : i32
      %dma_start3A_209 = tpu.memref_slice %arg7[%dma_start3A_207, %dma_start3A_208] : memref<16x64xi32, #tpu.memory_space<vmem>> -> memref<1x64xi32, #tpu.memory_space<vmem>>
      %dma_start3A_210 = tpu.memref_squeeze %dma_start3A_209 : memref<1x64xi32, #tpu.memory_space<vmem>> -> memref<64xi32, #tpu.memory_space<vmem>>
      %dma_start3A_211 = arith.constant 0 : i32
      %dma_start3A_212 = arith.constant 0 : i32
      %dma_start3A_213 = tpu.memref_slice %arg12[%dma_start3A_211, %dma_start3A_212] : memref<10240x128xf32, #tpu.memory_space<vmem_shared>> -> memref<10240x128xf32, #tpu.memory_space<vmem_shared>>
      tpu.enqueue_indirect_dma source(%arg9 : memref<64x128xf32, #tpu.memory_space<vmem>>) target(%dma_start3A_213 : memref<10240x128xf32, #tpu.memory_space<vmem_shared>>) offsets(%dma_start3A_210 : memref<64xi32, #tpu.memory_space<vmem>>) semaphore(%arg18 : memref<!tpu.dma_semaphore, #tpu.memory_space<semaphore_mem>>) {add = true}
      %dma_wait3A_214 = arith.constant 1 : i32
      %dma_wait3A_215 = arith.constant 0 : i32
      %dma_wait3A_216 = tpu.memref_slice %arg7[%dma_wait3A_214, %dma_wait3A_215] : memref<16x64xi32, #tpu.memory_space<vmem>> -> memref<1x64xi32, #tpu.memory_space<vmem>>
      %dma_wait3A_217 = tpu.memref_squeeze %dma_wait3A_216 : memref<1x64xi32, #tpu.memory_space<vmem>> -> memref<64xi32, #tpu.memory_space<vmem>>
      %dma_wait3A_218 = arith.constant 0 : i32
      %dma_wait3A_219 = arith.constant 0 : i32
      %dma_wait3A_220 = tpu.memref_slice %arg12[%dma_wait3A_218, %dma_wait3A_219] : memref<10240x128xf32, #tpu.memory_space<vmem_shared>> -> memref<10240x128xf32, #tpu.memory_space<vmem_shared>>
      tpu.wait_indirect_dma semaphore(%arg17 : memref<!tpu.dma_semaphore, #tpu.memory_space<semaphore_mem>>) src(%arg8 : memref<64x128xf32, #tpu.memory_space<vmem>>) dst(%dma_wait3A_220 : memref<10240x128xf32, #tpu.memory_space<vmem_shared>>)
      %dma_start3A_221 = arith.constant 4 : i32
      %dma_start3A_222 = arith.constant 0 : i32
      %dma_start3A_223 = tpu.memref_slice %arg6[%dma_start3A_221, %dma_start3A_222] : memref<16x64xi32, #tpu.memory_space<vmem>> -> memref<1x64xi32, #tpu.memory_space<vmem>>
      %dma_start3A_224 = tpu.memref_squeeze %dma_start3A_223 : memref<1x64xi32, #tpu.memory_space<vmem>> -> memref<64xi32, #tpu.memory_space<vmem>>
      %dma_start3A_225 = arith.constant 0 : i32
      %dma_start3A_226 = arith.constant 0 : i32
      %dma_start3A_227 = tpu.memref_slice %arg4[%dma_start3A_225, %dma_start3A_226] : memref<10240x128xf32, #tpu.memory_space<hbm>> -> memref<10240x128xf32, #tpu.memory_space<hbm>>
      tpu.enqueue_indirect_dma source(%dma_start3A_227 : memref<10240x128xf32, #tpu.memory_space<hbm>>) target(%arg8 : memref<64x128xf32, #tpu.memory_space<vmem>>) offsets(%dma_start3A_224 : memref<64xi32, #tpu.memory_space<vmem>>) semaphore(%arg13 : memref<!tpu.dma_semaphore, #tpu.memory_space<semaphore_mem>>)
      %dma_wait3A_228 = arith.constant 2 : i32
      %dma_wait3A_229 = arith.constant 0 : i32
      %dma_wait3A_230 = tpu.memref_slice %arg6[%dma_wait3A_228, %dma_wait3A_229] : memref<16x64xi32, #tpu.memory_space<vmem>> -> memref<1x64xi32, #tpu.memory_space<vmem>>
      %dma_wait3A_231 = tpu.memref_squeeze %dma_wait3A_230 : memref<1x64xi32, #tpu.memory_space<vmem>> -> memref<64xi32, #tpu.memory_space<vmem>>
      %dma_wait3A_232 = arith.constant 0 : i32
      %dma_wait3A_233 = arith.constant 0 : i32
      %dma_wait3A_234 = tpu.memref_slice %arg4[%dma_wait3A_232, %dma_wait3A_233] : memref<10240x128xf32, #tpu.memory_space<hbm>> -> memref<10240x128xf32, #tpu.memory_space<hbm>>
      tpu.wait_indirect_dma semaphore(%arg15 : memref<!tpu.dma_semaphore, #tpu.memory_space<semaphore_mem>>) src(%dma_wait3A_234 : memref<10240x128xf32, #tpu.memory_space<hbm>>) dst(%arg10 : memref<64x128xf32, #tpu.memory_space<vmem>>)
      %dma_start3A_235 = arith.constant 2 : i32
      %dma_start3A_236 = arith.constant 0 : i32
      %dma_start3A_237 = tpu.memref_slice %arg7[%dma_start3A_235, %dma_start3A_236] : memref<16x64xi32, #tpu.memory_space<vmem>> -> memref<1x64xi32, #tpu.memory_space<vmem>>
      %dma_start3A_238 = tpu.memref_squeeze %dma_start3A_237 : memref<1x64xi32, #tpu.memory_space<vmem>> -> memref<64xi32, #tpu.memory_space<vmem>>
      %dma_start3A_239 = arith.constant 0 : i32
      %dma_start3A_240 = arith.constant 0 : i32
      %dma_start3A_241 = tpu.memref_slice %arg12[%dma_start3A_239, %dma_start3A_240] : memref<10240x128xf32, #tpu.memory_space<vmem_shared>> -> memref<10240x128xf32, #tpu.memory_space<vmem_shared>>
      tpu.enqueue_indirect_dma source(%arg10 : memref<64x128xf32, #tpu.memory_space<vmem>>) target(%dma_start3A_241 : memref<10240x128xf32, #tpu.memory_space<vmem_shared>>) offsets(%dma_start3A_238 : memref<64xi32, #tpu.memory_space<vmem>>) semaphore(%arg19 : memref<!tpu.dma_semaphore, #tpu.memory_space<semaphore_mem>>) {add = true}
      %dma_wait3A_242 = arith.constant 2 : i32
      %dma_wait3A_243 = arith.constant 0 : i32
      %dma_wait3A_244 = tpu.memref_slice %arg7[%dma_wait3A_242, %dma_wait3A_243] : memref<16x64xi32, #tpu.memory_space<vmem>> -> memref<1x64xi32, #tpu.memory_space<vmem>>
      %dma_wait3A_245 = tpu.memref_squeeze %dma_wait3A_244 : memref<1x64xi32, #tpu.memory_space<vmem>> -> memref<64xi32, #tpu.memory_space<vmem>>
      %dma_wait3A_246 = arith.constant 0 : i32
      %dma_wait3A_247 = arith.constant 0 : i32
      %dma_wait3A_248 = tpu.memref_slice %arg12[%dma_wait3A_246, %dma_wait3A_247] : memref<10240x128xf32, #tpu.memory_space<vmem_shared>> -> memref<10240x128xf32, #tpu.memory_space<vmem_shared>>
      tpu.wait_indirect_dma semaphore(%arg18 : memref<!tpu.dma_semaphore, #tpu.memory_space<semaphore_mem>>) src(%arg9 : memref<64x128xf32, #tpu.memory_space<vmem>>) dst(%dma_wait3A_248 : memref<10240x128xf32, #tpu.memory_space<vmem_shared>>)
      %dma_start3A_249 = arith.constant 5 : i32
      %dma_start3A_250 = arith.constant 0 : i32
      %dma_start3A_251 = tpu.memref_slice %arg6[%dma_start3A_249, %dma_start3A_250] : memref<16x64xi32, #tpu.memory_space<vmem>> -> memref<1x64xi32, #tpu.memory_space<vmem>>
      %dma_start3A_252 = tpu.memref_squeeze %dma_start3A_251 : memref<1x64xi32, #tpu.memory_space<vmem>> -> memref<64xi32, #tpu.memory_space<vmem>>
      %dma_start3A_253 = arith.constant 0 : i32
      %dma_start3A_254 = arith.constant 0 : i32
      %dma_start3A_255 = tpu.memref_slice %arg4[%dma_start3A_253, %dma_start3A_254] : memref<10240x128xf32, #tpu.memory_space<hbm>> -> memref<10240x128xf32, #tpu.memory_space<hbm>>
      tpu.enqueue_indirect_dma source(%dma_start3A_255 : memref<10240x128xf32, #tpu.memory_space<hbm>>) target(%arg9 : memref<64x128xf32, #tpu.memory_space<vmem>>) offsets(%dma_start3A_252 : memref<64xi32, #tpu.memory_space<vmem>>) semaphore(%arg14 : memref<!tpu.dma_semaphore, #tpu.memory_space<semaphore_mem>>)
      %dma_wait3A_256 = arith.constant 3 : i32
      %dma_wait3A_257 = arith.constant 0 : i32
      %dma_wait3A_258 = tpu.memref_slice %arg6[%dma_wait3A_256, %dma_wait3A_257] : memref<16x64xi32, #tpu.memory_space<vmem>> -> memref<1x64xi32, #tpu.memory_space<vmem>>
      %dma_wait3A_259 = tpu.memref_squeeze %dma_wait3A_258 : memref<1x64xi32, #tpu.memory_space<vmem>> -> memref<64xi32, #tpu.memory_space<vmem>>
      %dma_wait3A_260 = arith.constant 0 : i32
      %dma_wait3A_261 = arith.constant 0 : i32
      %dma_wait3A_262 = tpu.memref_slice %arg4[%dma_wait3A_260, %dma_wait3A_261] : memref<10240x128xf32, #tpu.memory_space<hbm>> -> memref<10240x128xf32, #tpu.memory_space<hbm>>
      tpu.wait_indirect_dma semaphore(%arg16 : memref<!tpu.dma_semaphore, #tpu.memory_space<semaphore_mem>>) src(%dma_wait3A_262 : memref<10240x128xf32, #tpu.memory_space<hbm>>) dst(%arg11 : memref<64x128xf32, #tpu.memory_space<vmem>>)
      %dma_start3A_263 = arith.constant 3 : i32
      %dma_start3A_264 = arith.constant 0 : i32
      %dma_start3A_265 = tpu.memref_slice %arg7[%dma_start3A_263, %dma_start3A_264] : memref<16x64xi32, #tpu.memory_space<vmem>> -> memref<1x64xi32, #tpu.memory_space<vmem>>
      %dma_start3A_266 = tpu.memref_squeeze %dma_start3A_265 : memref<1x64xi32, #tpu.memory_space<vmem>> -> memref<64xi32, #tpu.memory_space<vmem>>
      %dma_start3A_267 = arith.constant 0 : i32
      %dma_start3A_268 = arith.constant 0 : i32
      %dma_start3A_269 = tpu.memref_slice %arg12[%dma_start3A_267, %dma_start3A_268] : memref<10240x128xf32, #tpu.memory_space<vmem_shared>> -> memref<10240x128xf32, #tpu.memory_space<vmem_shared>>
      tpu.enqueue_indirect_dma source(%arg11 : memref<64x128xf32, #tpu.memory_space<vmem>>) target(%dma_start3A_269 : memref<10240x128xf32, #tpu.memory_space<vmem_shared>>) offsets(%dma_start3A_266 : memref<64xi32, #tpu.memory_space<vmem>>) semaphore(%arg20 : memref<!tpu.dma_semaphore, #tpu.memory_space<semaphore_mem>>) {add = true}
      %dma_wait3A_270 = arith.constant 3 : i32
      %dma_wait3A_271 = arith.constant 0 : i32
      %dma_wait3A_272 = tpu.memref_slice %arg7[%dma_wait3A_270, %dma_wait3A_271] : memref<16x64xi32, #tpu.memory_space<vmem>> -> memref<1x64xi32, #tpu.memory_space<vmem>>
      %dma_wait3A_273 = tpu.memref_squeeze %dma_wait3A_272 : memref<1x64xi32, #tpu.memory_space<vmem>> -> memref<64xi32, #tpu.memory_space<vmem>>
      %dma_wait3A_274 = arith.constant 0 : i32
      %dma_wait3A_275 = arith.constant 0 : i32
      %dma_wait3A_276 = tpu.memref_slice %arg12[%dma_wait3A_274, %dma_wait3A_275] : memref<10240x128xf32, #tpu.memory_space<vmem_shared>> -> memref<10240x128xf32, #tpu.memory_space<vmem_shared>>
      tpu.wait_indirect_dma semaphore(%arg19 : memref<!tpu.dma_semaphore, #tpu.memory_space<semaphore_mem>>) src(%arg10 : memref<64x128xf32, #tpu.memory_space<vmem>>) dst(%dma_wait3A_276 : memref<10240x128xf32, #tpu.memory_space<vmem_shared>>)
      %dma_start3A_277 = arith.constant 6 : i32
      %dma_start3A_278 = arith.constant 0 : i32
      %dma_start3A_279 = tpu.memref_slice %arg6[%dma_start3A_277, %dma_start3A_278] : memref<16x64xi32, #tpu.memory_space<vmem>> -> memref<1x64xi32, #tpu.memory_space<vmem>>
      %dma_start3A_280 = tpu.memref_squeeze %dma_start3A_279 : memref<1x64xi32, #tpu.memory_space<vmem>> -> memref<64xi32, #tpu.memory_space<vmem>>
      %dma_start3A_281 = arith.constant 0 : i32
      %dma_start3A_282 = arith.constant 0 : i32
      %dma_start3A_283 = tpu.memref_slice %arg4[%dma_start3A_281, %dma_start3A_282] : memref<10240x128xf32, #tpu.memory_space<hbm>> -> memref<10240x128xf32, #tpu.memory_space<hbm>>
      tpu.enqueue_indirect_dma source(%dma_start3A_283 : memref<10240x128xf32, #tpu.memory_space<hbm>>) target(%arg10 : memref<64x128xf32, #tpu.memory_space<vmem>>) offsets(%dma_start3A_280 : memref<64xi32, #tpu.memory_space<vmem>>) semaphore(%arg15 : memref<!tpu.dma_semaphore, #tpu.memory_space<semaphore_mem>>)
      %dma_wait3A_284 = arith.constant 4 : i32
      %dma_wait3A_285 = arith.constant 0 : i32
      %dma_wait3A_286 = tpu.memref_slice %arg6[%dma_wait3A_284, %dma_wait3A_285] : memref<16x64xi32, #tpu.memory_space<vmem>> -> memref<1x64xi32, #tpu.memory_space<vmem>>
      %dma_wait3A_287 = tpu.memref_squeeze %dma_wait3A_286 : memref<1x64xi32, #tpu.memory_space<vmem>> -> memref<64xi32, #tpu.memory_space<vmem>>
      %dma_wait3A_288 = arith.constant 0 : i32
      %dma_wait3A_289 = arith.constant 0 : i32
      %dma_wait3A_290 = tpu.memref_slice %arg4[%dma_wait3A_288, %dma_wait3A_289] : memref<10240x128xf32, #tpu.memory_space<hbm>> -> memref<10240x128xf32, #tpu.memory_space<hbm>>
      tpu.wait_indirect_dma semaphore(%arg13 : memref<!tpu.dma_semaphore, #tpu.memory_space<semaphore_mem>>) src(%dma_wait3A_290 : memref<10240x128xf32, #tpu.memory_space<hbm>>) dst(%arg8 : memref<64x128xf32, #tpu.memory_space<vmem>>)
      %dma_start3A_291 = arith.constant 4 : i32
      %dma_start3A_292 = arith.constant 0 : i32
      %dma_start3A_293 = tpu.memref_slice %arg7[%dma_start3A_291, %dma_start3A_292] : memref<16x64xi32, #tpu.memory_space<vmem>> -> memref<1x64xi32, #tpu.memory_space<vmem>>
      %dma_start3A_294 = tpu.memref_squeeze %dma_start3A_293 : memref<1x64xi32, #tpu.memory_space<vmem>> -> memref<64xi32, #tpu.memory_space<vmem>>
      %dma_start3A_295 = arith.constant 0 : i32
      %dma_start3A_296 = arith.constant 0 : i32
      %dma_start3A_297 = tpu.memref_slice %arg12[%dma_start3A_295, %dma_start3A_296] : memref<10240x128xf32, #tpu.memory_space<vmem_shared>> -> memref<10240x128xf32, #tpu.memory_space<vmem_shared>>
      tpu.enqueue_indirect_dma source(%arg8 : memref<64x128xf32, #tpu.memory_space<vmem>>) target(%dma_start3A_297 : memref<10240x128xf32, #tpu.memory_space<vmem_shared>>) offsets(%dma_start3A_294 : memref<64xi32, #tpu.memory_space<vmem>>) semaphore(%arg17 : memref<!tpu.dma_semaphore, #tpu.memory_space<semaphore_mem>>) {add = true}
      %dma_wait3A_298 = arith.constant 4 : i32
      %dma_wait3A_299 = arith.constant 0 : i32
      %dma_wait3A_300 = tpu.memref_slice %arg7[%dma_wait3A_298, %dma_wait3A_299] : memref<16x64xi32, #tpu.memory_space<vmem>> -> memref<1x64xi32, #tpu.memory_space<vmem>>
      %dma_wait3A_301 = tpu.memref_squeeze %dma_wait3A_300 : memref<1x64xi32, #tpu.memory_space<vmem>> -> memref<64xi32, #tpu.memory_space<vmem>>
      %dma_wait3A_302 = arith.constant 0 : i32
      %dma_wait3A_303 = arith.constant 0 : i32
      %dma_wait3A_304 = tpu.memref_slice %arg12[%dma_wait3A_302, %dma_wait3A_303] : memref<10240x128xf32, #tpu.memory_space<vmem_shared>> -> memref<10240x128xf32, #tpu.memory_space<vmem_shared>>
      tpu.wait_indirect_dma semaphore(%arg20 : memref<!tpu.dma_semaphore, #tpu.memory_space<semaphore_mem>>) src(%arg11 : memref<64x128xf32, #tpu.memory_space<vmem>>) dst(%dma_wait3A_304 : memref<10240x128xf32, #tpu.memory_space<vmem_shared>>)
      %add3A_305 = arith.constant 1 : i32
      %add3A_306 = arith.addi %add3A_168, %add3A_305 : i32
      %lt3A_307 = arith.constant 20 : i32
      %lt3A_308 = arith.cmpi slt, %add3A_306, %lt3A_307 : i32
      %convert_element_type3A_309 = arith.extui %lt3A_308 : i1 to i32
      %cond3A_310 = arith.constant 0 : i32
      %cond3A_311 = arith.cmpi ne, %convert_element_type3A_309, %cond3A_310 : i32
      scf.if %cond3A_311 {
        %add3A_647 = arith.constant 1 : i32
        %add3A_648 = arith.addi %add3A_168, %add3A_647 : i32
        %mul3A_649 = arith.constant 8 : i32
        %mul3A_650 = arith.muli %add3A_648, %mul3A_649 : i32
        %add3A_651 = arith.addi %mul3A_2, %mul3A_650 : i32
        %mul3A_652 = arith.constant 8 : i32
        %mul3A_653 = arith.muli %add3A_648, %mul3A_652 : i32
        %add3A_654 = arith.addi %mul3A_2, %mul3A_653 : i32
        %dma_wait3A_655 = arith.constant 8 : i32
        %dma_wait3A_656 = arith.constant 0 : i32
        %dma_wait3A_657 = tpu.memref_slice %arg6[%dma_wait3A_655, %dma_wait3A_656] : memref<16x64xi32, #tpu.memory_space<vmem>> -> memref<8x64xi32, #tpu.memory_space<vmem>>
        %dma_wait3A_658 = arith.constant 0 : i32
        %dma_wait3A_659 = tpu.memref_slice %arg2[%add3A_651, %dma_wait3A_658] : memref<5120x64xi32, #tpu.memory_space<hbm>> -> memref<8x64xi32, #tpu.memory_space<hbm>>
        %dma_wait3A_660 = arith.constant 8 : i32
        %dma_wait3A_661 = arith.constant 0 : i32
        %dma_wait3A_662 = tpu.memref_slice %arg6[%dma_wait3A_660, %dma_wait3A_661] : memref<16x64xi32, #tpu.memory_space<vmem>> -> memref<8x64xi32, #tpu.memory_space<vmem>>
        %dma_wait3A_663 = arith.constant 0 : i32
        %dma_wait3A_664 = tpu.memref_slice %arg2[%add3A_651, %dma_wait3A_663] : memref<5120x64xi32, #tpu.memory_space<hbm>> -> memref<8x64xi32, #tpu.memory_space<hbm>>
        tpu.wait_dma2 semaphore(%arg21 : memref<!tpu.dma_semaphore, #tpu.memory_space<semaphore_mem>>) src(%dma_wait3A_664 : memref<8x64xi32, #tpu.memory_space<hbm>>) dst(%dma_wait3A_662 : memref<8x64xi32, #tpu.memory_space<vmem>>)
        %dma_wait3A_665 = arith.constant 8 : i32
        %dma_wait3A_666 = arith.constant 0 : i32
        %dma_wait3A_667 = tpu.memref_slice %arg7[%dma_wait3A_665, %dma_wait3A_666] : memref<16x64xi32, #tpu.memory_space<vmem>> -> memref<8x64xi32, #tpu.memory_space<vmem>>
        %dma_wait3A_668 = arith.constant 0 : i32
        %dma_wait3A_669 = tpu.memref_slice %arg3[%add3A_654, %dma_wait3A_668] : memref<5120x64xi32, #tpu.memory_space<hbm>> -> memref<8x64xi32, #tpu.memory_space<hbm>>
        %dma_wait3A_670 = arith.constant 8 : i32
        %dma_wait3A_671 = arith.constant 0 : i32
        %dma_wait3A_672 = tpu.memref_slice %arg7[%dma_wait3A_670, %dma_wait3A_671] : memref<16x64xi32, #tpu.memory_space<vmem>> -> memref<8x64xi32, #tpu.memory_space<vmem>>
        %dma_wait3A_673 = arith.constant 0 : i32
        %dma_wait3A_674 = tpu.memref_slice %arg3[%add3A_654, %dma_wait3A_673] : memref<5120x64xi32, #tpu.memory_space<hbm>> -> memref<8x64xi32, #tpu.memory_space<hbm>>
        tpu.wait_dma2 semaphore(%arg22 : memref<!tpu.dma_semaphore, #tpu.memory_space<semaphore_mem>>) src(%dma_wait3A_674 : memref<8x64xi32, #tpu.memory_space<hbm>>) dst(%dma_wait3A_672 : memref<8x64xi32, #tpu.memory_space<vmem>>)
      } else {
      }
      %dma_start3A_312 = arith.constant 7 : i32
      %dma_start3A_313 = arith.constant 0 : i32
      %dma_start3A_314 = tpu.memref_slice %arg6[%dma_start3A_312, %dma_start3A_313] : memref<16x64xi32, #tpu.memory_space<vmem>> -> memref<1x64xi32, #tpu.memory_space<vmem>>
      %dma_start3A_315 = tpu.memref_squeeze %dma_start3A_314 : memref<1x64xi32, #tpu.memory_space<vmem>> -> memref<64xi32, #tpu.memory_space<vmem>>
      %dma_start3A_316 = arith.constant 0 : i32
      %dma_start3A_317 = arith.constant 0 : i32
      %dma_start3A_318 = tpu.memref_slice %arg4[%dma_start3A_316, %dma_start3A_317] : memref<10240x128xf32, #tpu.memory_space<hbm>> -> memref<10240x128xf32, #tpu.memory_space<hbm>>
      tpu.enqueue_indirect_dma source(%dma_start3A_318 : memref<10240x128xf32, #tpu.memory_space<hbm>>) target(%arg11 : memref<64x128xf32, #tpu.memory_space<vmem>>) offsets(%dma_start3A_315 : memref<64xi32, #tpu.memory_space<vmem>>) semaphore(%arg16 : memref<!tpu.dma_semaphore, #tpu.memory_space<semaphore_mem>>)
      %dma_wait3A_319 = arith.constant 5 : i32
      %dma_wait3A_320 = arith.constant 0 : i32
      %dma_wait3A_321 = tpu.memref_slice %arg6[%dma_wait3A_319, %dma_wait3A_320] : memref<16x64xi32, #tpu.memory_space<vmem>> -> memref<1x64xi32, #tpu.memory_space<vmem>>
      %dma_wait3A_322 = tpu.memref_squeeze %dma_wait3A_321 : memref<1x64xi32, #tpu.memory_space<vmem>> -> memref<64xi32, #tpu.memory_space<vmem>>
      %dma_wait3A_323 = arith.constant 0 : i32
      %dma_wait3A_324 = arith.constant 0 : i32
      %dma_wait3A_325 = tpu.memref_slice %arg4[%dma_wait3A_323, %dma_wait3A_324] : memref<10240x128xf32, #tpu.memory_space<hbm>> -> memref<10240x128xf32, #tpu.memory_space<hbm>>
      tpu.wait_indirect_dma semaphore(%arg14 : memref<!tpu.dma_semaphore, #tpu.memory_space<semaphore_mem>>) src(%dma_wait3A_325 : memref<10240x128xf32, #tpu.memory_space<hbm>>) dst(%arg9 : memref<64x128xf32, #tpu.memory_space<vmem>>)
      %dma_start3A_326 = arith.constant 5 : i32
      %dma_start3A_327 = arith.constant 0 : i32
      %dma_start3A_328 = tpu.memref_slice %arg7[%dma_start3A_326, %dma_start3A_327] : memref<16x64xi32, #tpu.memory_space<vmem>> -> memref<1x64xi32, #tpu.memory_space<vmem>>
      %dma_start3A_329 = tpu.memref_squeeze %dma_start3A_328 : memref<1x64xi32, #tpu.memory_space<vmem>> -> memref<64xi32, #tpu.memory_space<vmem>>
      %dma_start3A_330 = arith.constant 0 : i32
      %dma_start3A_331 = arith.constant 0 : i32
      %dma_start3A_332 = tpu.memref_slice %arg12[%dma_start3A_330, %dma_start3A_331] : memref<10240x128xf32, #tpu.memory_space<vmem_shared>> -> memref<10240x128xf32, #tpu.memory_space<vmem_shared>>
      tpu.enqueue_indirect_dma source(%arg9 : memref<64x128xf32, #tpu.memory_space<vmem>>) target(%dma_start3A_332 : memref<10240x128xf32, #tpu.memory_space<vmem_shared>>) offsets(%dma_start3A_329 : memref<64xi32, #tpu.memory_space<vmem>>) semaphore(%arg18 : memref<!tpu.dma_semaphore, #tpu.memory_space<semaphore_mem>>) {add = true}
      %dma_wait3A_333 = arith.constant 5 : i32
      %dma_wait3A_334 = arith.constant 0 : i32
      %dma_wait3A_335 = tpu.memref_slice %arg7[%dma_wait3A_333, %dma_wait3A_334] : memref<16x64xi32, #tpu.memory_space<vmem>> -> memref<1x64xi32, #tpu.memory_space<vmem>>
      %dma_wait3A_336 = tpu.memref_squeeze %dma_wait3A_335 : memref<1x64xi32, #tpu.memory_space<vmem>> -> memref<64xi32, #tpu.memory_space<vmem>>
      %dma_wait3A_337 = arith.constant 0 : i32
      %dma_wait3A_338 = arith.constant 0 : i32
      %dma_wait3A_339 = tpu.memref_slice %arg12[%dma_wait3A_337, %dma_wait3A_338] : memref<10240x128xf32, #tpu.memory_space<vmem_shared>> -> memref<10240x128xf32, #tpu.memory_space<vmem_shared>>
      tpu.wait_indirect_dma semaphore(%arg17 : memref<!tpu.dma_semaphore, #tpu.memory_space<semaphore_mem>>) src(%arg8 : memref<64x128xf32, #tpu.memory_space<vmem>>) dst(%dma_wait3A_339 : memref<10240x128xf32, #tpu.memory_space<vmem_shared>>)
      %add3A_340 = arith.constant 1 : i32
      %add3A_341 = arith.addi %add3A_168, %add3A_340 : i32
      %lt3A_342 = arith.constant 20 : i32
      %lt3A_343 = arith.cmpi slt, %add3A_341, %lt3A_342 : i32
      %convert_element_type3A_344 = arith.extui %lt3A_343 : i1 to i32
      %cond3A_345 = arith.constant 0 : i32
      %cond3A_346 = arith.cmpi ne, %convert_element_type3A_344, %cond3A_345 : i32
      scf.if %cond3A_346 {
        %dma_start3A_647 = arith.constant 8 : i32
        %dma_start3A_648 = arith.constant 0 : i32
        %dma_start3A_649 = tpu.memref_slice %arg6[%dma_start3A_647, %dma_start3A_648] : memref<16x64xi32, #tpu.memory_space<vmem>> -> memref<1x64xi32, #tpu.memory_space<vmem>>
        %dma_start3A_650 = tpu.memref_squeeze %dma_start3A_649 : memref<1x64xi32, #tpu.memory_space<vmem>> -> memref<64xi32, #tpu.memory_space<vmem>>
        %dma_start3A_651 = arith.constant 0 : i32
        %dma_start3A_652 = arith.constant 0 : i32
        %dma_start3A_653 = tpu.memref_slice %arg4[%dma_start3A_651, %dma_start3A_652] : memref<10240x128xf32, #tpu.memory_space<hbm>> -> memref<10240x128xf32, #tpu.memory_space<hbm>>
        tpu.enqueue_indirect_dma source(%dma_start3A_653 : memref<10240x128xf32, #tpu.memory_space<hbm>>) target(%arg8 : memref<64x128xf32, #tpu.memory_space<vmem>>) offsets(%dma_start3A_650 : memref<64xi32, #tpu.memory_space<vmem>>) semaphore(%arg13 : memref<!tpu.dma_semaphore, #tpu.memory_space<semaphore_mem>>)
      } else {
      }
      %dma_wait3A_347 = arith.constant 6 : i32
      %dma_wait3A_348 = arith.constant 0 : i32
      %dma_wait3A_349 = tpu.memref_slice %arg6[%dma_wait3A_347, %dma_wait3A_348] : memref<16x64xi32, #tpu.memory_space<vmem>> -> memref<1x64xi32, #tpu.memory_space<vmem>>
      %dma_wait3A_350 = tpu.memref_squeeze %dma_wait3A_349 : memref<1x64xi32, #tpu.memory_space<vmem>> -> memref<64xi32, #tpu.memory_space<vmem>>
      %dma_wait3A_351 = arith.constant 0 : i32
      %dma_wait3A_352 = arith.constant 0 : i32
      %dma_wait3A_353 = tpu.memref_slice %arg4[%dma_wait3A_351, %dma_wait3A_352] : memref<10240x128xf32, #tpu.memory_space<hbm>> -> memref<10240x128xf32, #tpu.memory_space<hbm>>
      tpu.wait_indirect_dma semaphore(%arg15 : memref<!tpu.dma_semaphore, #tpu.memory_space<semaphore_mem>>) src(%dma_wait3A_353 : memref<10240x128xf32, #tpu.memory_space<hbm>>) dst(%arg10 : memref<64x128xf32, #tpu.memory_space<vmem>>)
      %dma_start3A_354 = arith.constant 6 : i32
      %dma_start3A_355 = arith.constant 0 : i32
      %dma_start3A_356 = tpu.memref_slice %arg7[%dma_start3A_354, %dma_start3A_355] : memref<16x64xi32, #tpu.memory_space<vmem>> -> memref<1x64xi32, #tpu.memory_space<vmem>>
      %dma_start3A_357 = tpu.memref_squeeze %dma_start3A_356 : memref<1x64xi32, #tpu.memory_space<vmem>> -> memref<64xi32, #tpu.memory_space<vmem>>
      %dma_start3A_358 = arith.constant 0 : i32
      %dma_start3A_359 = arith.constant 0 : i32
      %dma_start3A_360 = tpu.memref_slice %arg12[%dma_start3A_358, %dma_start3A_359] : memref<10240x128xf32, #tpu.memory_space<vmem_shared>> -> memref<10240x128xf32, #tpu.memory_space<vmem_shared>>
      tpu.enqueue_indirect_dma source(%arg10 : memref<64x128xf32, #tpu.memory_space<vmem>>) target(%dma_start3A_360 : memref<10240x128xf32, #tpu.memory_space<vmem_shared>>) offsets(%dma_start3A_357 : memref<64xi32, #tpu.memory_space<vmem>>) semaphore(%arg19 : memref<!tpu.dma_semaphore, #tpu.memory_space<semaphore_mem>>) {add = true}
      %dma_wait3A_361 = arith.constant 6 : i32
      %dma_wait3A_362 = arith.constant 0 : i32
      %dma_wait3A_363 = tpu.memref_slice %arg7[%dma_wait3A_361, %dma_wait3A_362] : memref<16x64xi32, #tpu.memory_space<vmem>> -> memref<1x64xi32, #tpu.memory_space<vmem>>
      %dma_wait3A_364 = tpu.memref_squeeze %dma_wait3A_363 : memref<1x64xi32, #tpu.memory_space<vmem>> -> memref<64xi32, #tpu.memory_space<vmem>>
      %dma_wait3A_365 = arith.constant 0 : i32
      %dma_wait3A_366 = arith.constant 0 : i32
      %dma_wait3A_367 = tpu.memref_slice %arg12[%dma_wait3A_365, %dma_wait3A_366] : memref<10240x128xf32, #tpu.memory_space<vmem_shared>> -> memref<10240x128xf32, #tpu.memory_space<vmem_shared>>
      tpu.wait_indirect_dma semaphore(%arg18 : memref<!tpu.dma_semaphore, #tpu.memory_space<semaphore_mem>>) src(%arg9 : memref<64x128xf32, #tpu.memory_space<vmem>>) dst(%dma_wait3A_367 : memref<10240x128xf32, #tpu.memory_space<vmem_shared>>)
      %add3A_368 = arith.constant 1 : i32
      %add3A_369 = arith.addi %add3A_168, %add3A_368 : i32
      %lt3A_370 = arith.constant 20 : i32
      %lt3A_371 = arith.cmpi slt, %add3A_369, %lt3A_370 : i32
      %convert_element_type3A_372 = arith.extui %lt3A_371 : i1 to i32
      %cond3A_373 = arith.constant 0 : i32
      %cond3A_374 = arith.cmpi ne, %convert_element_type3A_372, %cond3A_373 : i32
      scf.if %cond3A_374 {
        %dma_start3A_647 = arith.constant 9 : i32
        %dma_start3A_648 = arith.constant 0 : i32
        %dma_start3A_649 = tpu.memref_slice %arg6[%dma_start3A_647, %dma_start3A_648] : memref<16x64xi32, #tpu.memory_space<vmem>> -> memref<1x64xi32, #tpu.memory_space<vmem>>
        %dma_start3A_650 = tpu.memref_squeeze %dma_start3A_649 : memref<1x64xi32, #tpu.memory_space<vmem>> -> memref<64xi32, #tpu.memory_space<vmem>>
        %dma_start3A_651 = arith.constant 0 : i32
        %dma_start3A_652 = arith.constant 0 : i32
        %dma_start3A_653 = tpu.memref_slice %arg4[%dma_start3A_651, %dma_start3A_652] : memref<10240x128xf32, #tpu.memory_space<hbm>> -> memref<10240x128xf32, #tpu.memory_space<hbm>>
        tpu.enqueue_indirect_dma source(%dma_start3A_653 : memref<10240x128xf32, #tpu.memory_space<hbm>>) target(%arg9 : memref<64x128xf32, #tpu.memory_space<vmem>>) offsets(%dma_start3A_650 : memref<64xi32, #tpu.memory_space<vmem>>) semaphore(%arg14 : memref<!tpu.dma_semaphore, #tpu.memory_space<semaphore_mem>>)
      } else {
      }
      %dma_wait3A_375 = arith.constant 7 : i32
      %dma_wait3A_376 = arith.constant 0 : i32
      %dma_wait3A_377 = tpu.memref_slice %arg6[%dma_wait3A_375, %dma_wait3A_376] : memref<16x64xi32, #tpu.memory_space<vmem>> -> memref<1x64xi32, #tpu.memory_space<vmem>>
      %dma_wait3A_378 = tpu.memref_squeeze %dma_wait3A_377 : memref<1x64xi32, #tpu.memory_space<vmem>> -> memref<64xi32, #tpu.memory_space<vmem>>
      %dma_wait3A_379 = arith.constant 0 : i32
      %dma_wait3A_380 = arith.constant 0 : i32
      %dma_wait3A_381 = tpu.memref_slice %arg4[%dma_wait3A_379, %dma_wait3A_380] : memref<10240x128xf32, #tpu.memory_space<hbm>> -> memref<10240x128xf32, #tpu.memory_space<hbm>>
      tpu.wait_indirect_dma semaphore(%arg16 : memref<!tpu.dma_semaphore, #tpu.memory_space<semaphore_mem>>) src(%dma_wait3A_381 : memref<10240x128xf32, #tpu.memory_space<hbm>>) dst(%arg11 : memref<64x128xf32, #tpu.memory_space<vmem>>)
      %dma_start3A_382 = arith.constant 7 : i32
      %dma_start3A_383 = arith.constant 0 : i32
      %dma_start3A_384 = tpu.memref_slice %arg7[%dma_start3A_382, %dma_start3A_383] : memref<16x64xi32, #tpu.memory_space<vmem>> -> memref<1x64xi32, #tpu.memory_space<vmem>>
      %dma_start3A_385 = tpu.memref_squeeze %dma_start3A_384 : memref<1x64xi32, #tpu.memory_space<vmem>> -> memref<64xi32, #tpu.memory_space<vmem>>
      %dma_start3A_386 = arith.constant 0 : i32
      %dma_start3A_387 = arith.constant 0 : i32
      %dma_start3A_388 = tpu.memref_slice %arg12[%dma_start3A_386, %dma_start3A_387] : memref<10240x128xf32, #tpu.memory_space<vmem_shared>> -> memref<10240x128xf32, #tpu.memory_space<vmem_shared>>
      tpu.enqueue_indirect_dma source(%arg11 : memref<64x128xf32, #tpu.memory_space<vmem>>) target(%dma_start3A_388 : memref<10240x128xf32, #tpu.memory_space<vmem_shared>>) offsets(%dma_start3A_385 : memref<64xi32, #tpu.memory_space<vmem>>) semaphore(%arg20 : memref<!tpu.dma_semaphore, #tpu.memory_space<semaphore_mem>>) {add = true}
      %dma_wait3A_389 = arith.constant 7 : i32
      %dma_wait3A_390 = arith.constant 0 : i32
      %dma_wait3A_391 = tpu.memref_slice %arg7[%dma_wait3A_389, %dma_wait3A_390] : memref<16x64xi32, #tpu.memory_space<vmem>> -> memref<1x64xi32, #tpu.memory_space<vmem>>
      %dma_wait3A_392 = tpu.memref_squeeze %dma_wait3A_391 : memref<1x64xi32, #tpu.memory_space<vmem>> -> memref<64xi32, #tpu.memory_space<vmem>>
      %dma_wait3A_393 = arith.constant 0 : i32
      %dma_wait3A_394 = arith.constant 0 : i32
      %dma_wait3A_395 = tpu.memref_slice %arg12[%dma_wait3A_393, %dma_wait3A_394] : memref<10240x128xf32, #tpu.memory_space<vmem_shared>> -> memref<10240x128xf32, #tpu.memory_space<vmem_shared>>
      tpu.wait_indirect_dma semaphore(%arg19 : memref<!tpu.dma_semaphore, #tpu.memory_space<semaphore_mem>>) src(%arg10 : memref<64x128xf32, #tpu.memory_space<vmem>>) dst(%dma_wait3A_395 : memref<10240x128xf32, #tpu.memory_space<vmem_shared>>)
      %add3A_396 = arith.constant 1 : i32
      %add3A_397 = arith.addi %add3A_168, %add3A_396 : i32
      %lt3A_398 = arith.constant 20 : i32
      %lt3A_399 = arith.cmpi slt, %add3A_397, %lt3A_398 : i32
      %convert_element_type3A_400 = arith.extui %lt3A_399 : i1 to i32
      %cond3A_401 = arith.constant 0 : i32
      %cond3A_402 = arith.cmpi ne, %convert_element_type3A_400, %cond3A_401 : i32
      scf.if %cond3A_402 {
        %dma_start3A_647 = arith.constant 10 : i32
        %dma_start3A_648 = arith.constant 0 : i32
        %dma_start3A_649 = tpu.memref_slice %arg6[%dma_start3A_647, %dma_start3A_648] : memref<16x64xi32, #tpu.memory_space<vmem>> -> memref<1x64xi32, #tpu.memory_space<vmem>>
        %dma_start3A_650 = tpu.memref_squeeze %dma_start3A_649 : memref<1x64xi32, #tpu.memory_space<vmem>> -> memref<64xi32, #tpu.memory_space<vmem>>
        %dma_start3A_651 = arith.constant 0 : i32
        %dma_start3A_652 = arith.constant 0 : i32
        %dma_start3A_653 = tpu.memref_slice %arg4[%dma_start3A_651, %dma_start3A_652] : memref<10240x128xf32, #tpu.memory_space<hbm>> -> memref<10240x128xf32, #tpu.memory_space<hbm>>
        tpu.enqueue_indirect_dma source(%dma_start3A_653 : memref<10240x128xf32, #tpu.memory_space<hbm>>) target(%arg10 : memref<64x128xf32, #tpu.memory_space<vmem>>) offsets(%dma_start3A_650 : memref<64xi32, #tpu.memory_space<vmem>>) semaphore(%arg15 : memref<!tpu.dma_semaphore, #tpu.memory_space<semaphore_mem>>)
      } else {
      }
      %mul3A_403 = arith.constant 2 : i32
      %mul3A_404 = arith.muli %scan3A_163, %mul3A_403 : i32
      %add3A_405 = arith.constant 1 : i32
      %add3A_406 = arith.addi %mul3A_404, %add3A_405 : i32
      %dma_wait3A_407 = arith.constant 8 : i32
      %dma_wait3A_408 = arith.constant 0 : i32
      %dma_wait3A_409 = tpu.memref_slice %arg6[%dma_wait3A_407, %dma_wait3A_408] : memref<16x64xi32, #tpu.memory_space<vmem>> -> memref<1x64xi32, #tpu.memory_space<vmem>>
      %dma_wait3A_410 = tpu.memref_squeeze %dma_wait3A_409 : memref<1x64xi32, #tpu.memory_space<vmem>> -> memref<64xi32, #tpu.memory_space<vmem>>
      %dma_wait3A_411 = arith.constant 0 : i32
      %dma_wait3A_412 = arith.constant 0 : i32
      %dma_wait3A_413 = tpu.memref_slice %arg4[%dma_wait3A_411, %dma_wait3A_412] : memref<10240x128xf32, #tpu.memory_space<hbm>> -> memref<10240x128xf32, #tpu.memory_space<hbm>>
      tpu.wait_indirect_dma semaphore(%arg13 : memref<!tpu.dma_semaphore, #tpu.memory_space<semaphore_mem>>) src(%dma_wait3A_413 : memref<10240x128xf32, #tpu.memory_space<hbm>>) dst(%arg8 : memref<64x128xf32, #tpu.memory_space<vmem>>)
      %dma_start3A_414 = arith.constant 8 : i32
      %dma_start3A_415 = arith.constant 0 : i32
      %dma_start3A_416 = tpu.memref_slice %arg7[%dma_start3A_414, %dma_start3A_415] : memref<16x64xi32, #tpu.memory_space<vmem>> -> memref<1x64xi32, #tpu.memory_space<vmem>>
      %dma_start3A_417 = tpu.memref_squeeze %dma_start3A_416 : memref<1x64xi32, #tpu.memory_space<vmem>> -> memref<64xi32, #tpu.memory_space<vmem>>
      %dma_start3A_418 = arith.constant 0 : i32
      %dma_start3A_419 = arith.constant 0 : i32
      %dma_start3A_420 = tpu.memref_slice %arg12[%dma_start3A_418, %dma_start3A_419] : memref<10240x128xf32, #tpu.memory_space<vmem_shared>> -> memref<10240x128xf32, #tpu.memory_space<vmem_shared>>
      tpu.enqueue_indirect_dma source(%arg8 : memref<64x128xf32, #tpu.memory_space<vmem>>) target(%dma_start3A_420 : memref<10240x128xf32, #tpu.memory_space<vmem_shared>>) offsets(%dma_start3A_417 : memref<64xi32, #tpu.memory_space<vmem>>) semaphore(%arg17 : memref<!tpu.dma_semaphore, #tpu.memory_space<semaphore_mem>>) {add = true}
      %ge3A_421 = arith.constant 1 : i32
      %ge3A_422 = arith.cmpi sge, %add3A_406, %ge3A_421 : i32
      %convert_element_type3A_423 = arith.extui %ge3A_422 : i1 to i32
      %cond3A_424 = arith.constant 0 : i32
      %cond3A_425 = arith.cmpi ne, %convert_element_type3A_423, %cond3A_424 : i32
      scf.if %cond3A_425 {
        %dma_wait3A_647 = arith.constant 8 : i32
        %dma_wait3A_648 = arith.constant 0 : i32
        %dma_wait3A_649 = tpu.memref_slice %arg7[%dma_wait3A_647, %dma_wait3A_648] : memref<16x64xi32, #tpu.memory_space<vmem>> -> memref<1x64xi32, #tpu.memory_space<vmem>>
        %dma_wait3A_650 = tpu.memref_squeeze %dma_wait3A_649 : memref<1x64xi32, #tpu.memory_space<vmem>> -> memref<64xi32, #tpu.memory_space<vmem>>
        %dma_wait3A_651 = arith.constant 0 : i32
        %dma_wait3A_652 = arith.constant 0 : i32
        %dma_wait3A_653 = tpu.memref_slice %arg12[%dma_wait3A_651, %dma_wait3A_652] : memref<10240x128xf32, #tpu.memory_space<vmem_shared>> -> memref<10240x128xf32, #tpu.memory_space<vmem_shared>>
        tpu.wait_indirect_dma semaphore(%arg20 : memref<!tpu.dma_semaphore, #tpu.memory_space<semaphore_mem>>) src(%arg11 : memref<64x128xf32, #tpu.memory_space<vmem>>) dst(%dma_wait3A_653 : memref<10240x128xf32, #tpu.memory_space<vmem_shared>>)
      } else {
      }
      %ge3A_426 = arith.constant 1 : i32
      %ge3A_427 = arith.cmpi sge, %add3A_406, %ge3A_426 : i32
      %add3A_428 = arith.constant 1 : i32
      %add3A_429 = arith.addi %add3A_406, %add3A_428 : i32
      %lt3A_430 = arith.constant 20 : i32
      %lt3A_431 = arith.cmpi slt, %add3A_429, %lt3A_430 : i32
      %and3A_432 = arith.andi %ge3A_427, %lt3A_431 : i1
      %convert_element_type3A_433 = arith.extui %and3A_432 : i1 to i32
      %cond3A_434 = arith.constant 0 : i32
      %cond3A_435 = arith.cmpi ne, %convert_element_type3A_433, %cond3A_434 : i32
      scf.if %cond3A_435 {
        %add3A_647 = arith.constant 1 : i32
        %add3A_648 = arith.addi %add3A_406, %add3A_647 : i32
        %mul3A_649 = arith.constant 8 : i32
        %mul3A_650 = arith.muli %add3A_648, %mul3A_649 : i32
        %add3A_651 = arith.addi %mul3A_2, %mul3A_650 : i32
        %mul3A_652 = arith.constant 8 : i32
        %mul3A_653 = arith.muli %add3A_648, %mul3A_652 : i32
        %add3A_654 = arith.addi %mul3A_2, %mul3A_653 : i32
        %dma_start3A_655 = arith.constant 0 : i32
        %dma_start3A_656 = arith.constant 0 : i32
        %dma_start3A_657 = tpu.memref_slice %arg6[%dma_start3A_655, %dma_start3A_656] : memref<16x64xi32, #tpu.memory_space<vmem>> -> memref<8x64xi32, #tpu.memory_space<vmem>>
        %dma_start3A_658 = arith.constant 0 : i32
        %dma_start3A_659 = tpu.memref_slice %arg2[%add3A_651, %dma_start3A_658] : memref<5120x64xi32, #tpu.memory_space<hbm>> -> memref<8x64xi32, #tpu.memory_space<hbm>>
        %dma_start3A_660 = arith.constant 0 : i32
        %dma_start3A_661 = arith.constant 0 : i32
        %dma_start3A_662 = tpu.memref_slice %arg6[%dma_start3A_660, %dma_start3A_661] : memref<16x64xi32, #tpu.memory_space<vmem>> -> memref<8x64xi32, #tpu.memory_space<vmem>>
        %dma_start3A_663 = arith.constant 0 : i32
        %dma_start3A_664 = tpu.memref_slice %arg2[%add3A_651, %dma_start3A_663] : memref<5120x64xi32, #tpu.memory_space<hbm>> -> memref<8x64xi32, #tpu.memory_space<hbm>>
        tpu.enqueue_dma source(%dma_start3A_664 : memref<8x64xi32, #tpu.memory_space<hbm>>) target(%dma_start3A_662 : memref<8x64xi32, #tpu.memory_space<vmem>>) target_semaphore(%arg21 : memref<!tpu.dma_semaphore, #tpu.memory_space<semaphore_mem>>)
        %dma_start3A_665 = arith.constant 0 : i32
        %dma_start3A_666 = arith.constant 0 : i32
        %dma_start3A_667 = tpu.memref_slice %arg7[%dma_start3A_665, %dma_start3A_666] : memref<16x64xi32, #tpu.memory_space<vmem>> -> memref<8x64xi32, #tpu.memory_space<vmem>>
        %dma_start3A_668 = arith.constant 0 : i32
        %dma_start3A_669 = tpu.memref_slice %arg3[%add3A_654, %dma_start3A_668] : memref<5120x64xi32, #tpu.memory_space<hbm>> -> memref<8x64xi32, #tpu.memory_space<hbm>>
        %dma_start3A_670 = arith.constant 0 : i32
        %dma_start3A_671 = arith.constant 0 : i32
        %dma_start3A_672 = tpu.memref_slice %arg7[%dma_start3A_670, %dma_start3A_671] : memref<16x64xi32, #tpu.memory_space<vmem>> -> memref<8x64xi32, #tpu.memory_space<vmem>>
        %dma_start3A_673 = arith.constant 0 : i32
        %dma_start3A_674 = tpu.memref_slice %arg3[%add3A_654, %dma_start3A_673] : memref<5120x64xi32, #tpu.memory_space<hbm>> -> memref<8x64xi32, #tpu.memory_space<hbm>>
        tpu.enqueue_dma source(%dma_start3A_674 : memref<8x64xi32, #tpu.memory_space<hbm>>) target(%dma_start3A_672 : memref<8x64xi32, #tpu.memory_space<vmem>>) target_semaphore(%arg22 : memref<!tpu.dma_semaphore, #tpu.memory_space<semaphore_mem>>)
      } else {
      }
      %dma_start3A_436 = arith.constant 11 : i32
      %dma_start3A_437 = arith.constant 0 : i32
      %dma_start3A_438 = tpu.memref_slice %arg6[%dma_start3A_436, %dma_start3A_437] : memref<16x64xi32, #tpu.memory_space<vmem>> -> memref<1x64xi32, #tpu.memory_space<vmem>>
      %dma_start3A_439 = tpu.memref_squeeze %dma_start3A_438 : memref<1x64xi32, #tpu.memory_space<vmem>> -> memref<64xi32, #tpu.memory_space<vmem>>
      %dma_start3A_440 = arith.constant 0 : i32
      %dma_start3A_441 = arith.constant 0 : i32
      %dma_start3A_442 = tpu.memref_slice %arg4[%dma_start3A_440, %dma_start3A_441] : memref<10240x128xf32, #tpu.memory_space<hbm>> -> memref<10240x128xf32, #tpu.memory_space<hbm>>
      tpu.enqueue_indirect_dma source(%dma_start3A_442 : memref<10240x128xf32, #tpu.memory_space<hbm>>) target(%arg11 : memref<64x128xf32, #tpu.memory_space<vmem>>) offsets(%dma_start3A_439 : memref<64xi32, #tpu.memory_space<vmem>>) semaphore(%arg16 : memref<!tpu.dma_semaphore, #tpu.memory_space<semaphore_mem>>)
      %dma_wait3A_443 = arith.constant 9 : i32
      %dma_wait3A_444 = arith.constant 0 : i32
      %dma_wait3A_445 = tpu.memref_slice %arg6[%dma_wait3A_443, %dma_wait3A_444] : memref<16x64xi32, #tpu.memory_space<vmem>> -> memref<1x64xi32, #tpu.memory_space<vmem>>
      %dma_wait3A_446 = tpu.memref_squeeze %dma_wait3A_445 : memref<1x64xi32, #tpu.memory_space<vmem>> -> memref<64xi32, #tpu.memory_space<vmem>>
      %dma_wait3A_447 = arith.constant 0 : i32
      %dma_wait3A_448 = arith.constant 0 : i32
      %dma_wait3A_449 = tpu.memref_slice %arg4[%dma_wait3A_447, %dma_wait3A_448] : memref<10240x128xf32, #tpu.memory_space<hbm>> -> memref<10240x128xf32, #tpu.memory_space<hbm>>
      tpu.wait_indirect_dma semaphore(%arg14 : memref<!tpu.dma_semaphore, #tpu.memory_space<semaphore_mem>>) src(%dma_wait3A_449 : memref<10240x128xf32, #tpu.memory_space<hbm>>) dst(%arg9 : memref<64x128xf32, #tpu.memory_space<vmem>>)
      %dma_start3A_450 = arith.constant 9 : i32
      %dma_start3A_451 = arith.constant 0 : i32
      %dma_start3A_452 = tpu.memref_slice %arg7[%dma_start3A_450, %dma_start3A_451] : memref<16x64xi32, #tpu.memory_space<vmem>> -> memref<1x64xi32, #tpu.memory_space<vmem>>
      %dma_start3A_453 = tpu.memref_squeeze %dma_start3A_452 : memref<1x64xi32, #tpu.memory_space<vmem>> -> memref<64xi32, #tpu.memory_space<vmem>>
      %dma_start3A_454 = arith.constant 0 : i32
      %dma_start3A_455 = arith.constant 0 : i32
      %dma_start3A_456 = tpu.memref_slice %arg12[%dma_start3A_454, %dma_start3A_455] : memref<10240x128xf32, #tpu.memory_space<vmem_shared>> -> memref<10240x128xf32, #tpu.memory_space<vmem_shared>>
      tpu.enqueue_indirect_dma source(%arg9 : memref<64x128xf32, #tpu.memory_space<vmem>>) target(%dma_start3A_456 : memref<10240x128xf32, #tpu.memory_space<vmem_shared>>) offsets(%dma_start3A_453 : memref<64xi32, #tpu.memory_space<vmem>>) semaphore(%arg18 : memref<!tpu.dma_semaphore, #tpu.memory_space<semaphore_mem>>) {add = true}
      %dma_wait3A_457 = arith.constant 9 : i32
      %dma_wait3A_458 = arith.constant 0 : i32
      %dma_wait3A_459 = tpu.memref_slice %arg7[%dma_wait3A_457, %dma_wait3A_458] : memref<16x64xi32, #tpu.memory_space<vmem>> -> memref<1x64xi32, #tpu.memory_space<vmem>>
      %dma_wait3A_460 = tpu.memref_squeeze %dma_wait3A_459 : memref<1x64xi32, #tpu.memory_space<vmem>> -> memref<64xi32, #tpu.memory_space<vmem>>
      %dma_wait3A_461 = arith.constant 0 : i32
      %dma_wait3A_462 = arith.constant 0 : i32
      %dma_wait3A_463 = tpu.memref_slice %arg12[%dma_wait3A_461, %dma_wait3A_462] : memref<10240x128xf32, #tpu.memory_space<vmem_shared>> -> memref<10240x128xf32, #tpu.memory_space<vmem_shared>>
      tpu.wait_indirect_dma semaphore(%arg17 : memref<!tpu.dma_semaphore, #tpu.memory_space<semaphore_mem>>) src(%arg8 : memref<64x128xf32, #tpu.memory_space<vmem>>) dst(%dma_wait3A_463 : memref<10240x128xf32, #tpu.memory_space<vmem_shared>>)
      %dma_start3A_464 = arith.constant 12 : i32
      %dma_start3A_465 = arith.constant 0 : i32
      %dma_start3A_466 = tpu.memref_slice %arg6[%dma_start3A_464, %dma_start3A_465] : memref<16x64xi32, #tpu.memory_space<vmem>> -> memref<1x64xi32, #tpu.memory_space<vmem>>
      %dma_start3A_467 = tpu.memref_squeeze %dma_start3A_466 : memref<1x64xi32, #tpu.memory_space<vmem>> -> memref<64xi32, #tpu.memory_space<vmem>>
      %dma_start3A_468 = arith.constant 0 : i32
      %dma_start3A_469 = arith.constant 0 : i32
      %dma_start3A_470 = tpu.memref_slice %arg4[%dma_start3A_468, %dma_start3A_469] : memref<10240x128xf32, #tpu.memory_space<hbm>> -> memref<10240x128xf32, #tpu.memory_space<hbm>>
      tpu.enqueue_indirect_dma source(%dma_start3A_470 : memref<10240x128xf32, #tpu.memory_space<hbm>>) target(%arg8 : memref<64x128xf32, #tpu.memory_space<vmem>>) offsets(%dma_start3A_467 : memref<64xi32, #tpu.memory_space<vmem>>) semaphore(%arg13 : memref<!tpu.dma_semaphore, #tpu.memory_space<semaphore_mem>>)
      %dma_wait3A_471 = arith.constant 10 : i32
      %dma_wait3A_472 = arith.constant 0 : i32
      %dma_wait3A_473 = tpu.memref_slice %arg6[%dma_wait3A_471, %dma_wait3A_472] : memref<16x64xi32, #tpu.memory_space<vmem>> -> memref<1x64xi32, #tpu.memory_space<vmem>>
      %dma_wait3A_474 = tpu.memref_squeeze %dma_wait3A_473 : memref<1x64xi32, #tpu.memory_space<vmem>> -> memref<64xi32, #tpu.memory_space<vmem>>
      %dma_wait3A_475 = arith.constant 0 : i32
      %dma_wait3A_476 = arith.constant 0 : i32
      %dma_wait3A_477 = tpu.memref_slice %arg4[%dma_wait3A_475, %dma_wait3A_476] : memref<10240x128xf32, #tpu.memory_space<hbm>> -> memref<10240x128xf32, #tpu.memory_space<hbm>>
      tpu.wait_indirect_dma semaphore(%arg15 : memref<!tpu.dma_semaphore, #tpu.memory_space<semaphore_mem>>) src(%dma_wait3A_477 : memref<10240x128xf32, #tpu.memory_space<hbm>>) dst(%arg10 : memref<64x128xf32, #tpu.memory_space<vmem>>)
      %dma_start3A_478 = arith.constant 10 : i32
      %dma_start3A_479 = arith.constant 0 : i32
      %dma_start3A_480 = tpu.memref_slice %arg7[%dma_start3A_478, %dma_start3A_479] : memref<16x64xi32, #tpu.memory_space<vmem>> -> memref<1x64xi32, #tpu.memory_space<vmem>>
      %dma_start3A_481 = tpu.memref_squeeze %dma_start3A_480 : memref<1x64xi32, #tpu.memory_space<vmem>> -> memref<64xi32, #tpu.memory_space<vmem>>
      %dma_start3A_482 = arith.constant 0 : i32
      %dma_start3A_483 = arith.constant 0 : i32
      %dma_start3A_484 = tpu.memref_slice %arg12[%dma_start3A_482, %dma_start3A_483] : memref<10240x128xf32, #tpu.memory_space<vmem_shared>> -> memref<10240x128xf32, #tpu.memory_space<vmem_shared>>
      tpu.enqueue_indirect_dma source(%arg10 : memref<64x128xf32, #tpu.memory_space<vmem>>) target(%dma_start3A_484 : memref<10240x128xf32, #tpu.memory_space<vmem_shared>>) offsets(%dma_start3A_481 : memref<64xi32, #tpu.memory_space<vmem>>) semaphore(%arg19 : memref<!tpu.dma_semaphore, #tpu.memory_space<semaphore_mem>>) {add = true}
      %dma_wait3A_485 = arith.constant 10 : i32
      %dma_wait3A_486 = arith.constant 0 : i32
      %dma_wait3A_487 = tpu.memref_slice %arg7[%dma_wait3A_485, %dma_wait3A_486] : memref<16x64xi32, #tpu.memory_space<vmem>> -> memref<1x64xi32, #tpu.memory_space<vmem>>
      %dma_wait3A_488 = tpu.memref_squeeze %dma_wait3A_487 : memref<1x64xi32, #tpu.memory_space<vmem>> -> memref<64xi32, #tpu.memory_space<vmem>>
      %dma_wait3A_489 = arith.constant 0 : i32
      %dma_wait3A_490 = arith.constant 0 : i32
      %dma_wait3A_491 = tpu.memref_slice %arg12[%dma_wait3A_489, %dma_wait3A_490] : memref<10240x128xf32, #tpu.memory_space<vmem_shared>> -> memref<10240x128xf32, #tpu.memory_space<vmem_shared>>
      tpu.wait_indirect_dma semaphore(%arg18 : memref<!tpu.dma_semaphore, #tpu.memory_space<semaphore_mem>>) src(%arg9 : memref<64x128xf32, #tpu.memory_space<vmem>>) dst(%dma_wait3A_491 : memref<10240x128xf32, #tpu.memory_space<vmem_shared>>)
      %dma_start3A_492 = arith.constant 13 : i32
      %dma_start3A_493 = arith.constant 0 : i32
      %dma_start3A_494 = tpu.memref_slice %arg6[%dma_start3A_492, %dma_start3A_493] : memref<16x64xi32, #tpu.memory_space<vmem>> -> memref<1x64xi32, #tpu.memory_space<vmem>>
      %dma_start3A_495 = tpu.memref_squeeze %dma_start3A_494 : memref<1x64xi32, #tpu.memory_space<vmem>> -> memref<64xi32, #tpu.memory_space<vmem>>
      %dma_start3A_496 = arith.constant 0 : i32
      %dma_start3A_497 = arith.constant 0 : i32
      %dma_start3A_498 = tpu.memref_slice %arg4[%dma_start3A_496, %dma_start3A_497] : memref<10240x128xf32, #tpu.memory_space<hbm>> -> memref<10240x128xf32, #tpu.memory_space<hbm>>
      tpu.enqueue_indirect_dma source(%dma_start3A_498 : memref<10240x128xf32, #tpu.memory_space<hbm>>) target(%arg9 : memref<64x128xf32, #tpu.memory_space<vmem>>) offsets(%dma_start3A_495 : memref<64xi32, #tpu.memory_space<vmem>>) semaphore(%arg14 : memref<!tpu.dma_semaphore, #tpu.memory_space<semaphore_mem>>)
      %dma_wait3A_499 = arith.constant 11 : i32
      %dma_wait3A_500 = arith.constant 0 : i32
      %dma_wait3A_501 = tpu.memref_slice %arg6[%dma_wait3A_499, %dma_wait3A_500] : memref<16x64xi32, #tpu.memory_space<vmem>> -> memref<1x64xi32, #tpu.memory_space<vmem>>
      %dma_wait3A_502 = tpu.memref_squeeze %dma_wait3A_501 : memref<1x64xi32, #tpu.memory_space<vmem>> -> memref<64xi32, #tpu.memory_space<vmem>>
      %dma_wait3A_503 = arith.constant 0 : i32
      %dma_wait3A_504 = arith.constant 0 : i32
      %dma_wait3A_505 = tpu.memref_slice %arg4[%dma_wait3A_503, %dma_wait3A_504] : memref<10240x128xf32, #tpu.memory_space<hbm>> -> memref<10240x128xf32, #tpu.memory_space<hbm>>
      tpu.wait_indirect_dma semaphore(%arg16 : memref<!tpu.dma_semaphore, #tpu.memory_space<semaphore_mem>>) src(%dma_wait3A_505 : memref<10240x128xf32, #tpu.memory_space<hbm>>) dst(%arg11 : memref<64x128xf32, #tpu.memory_space<vmem>>)
      %dma_start3A_506 = arith.constant 11 : i32
      %dma_start3A_507 = arith.constant 0 : i32
      %dma_start3A_508 = tpu.memref_slice %arg7[%dma_start3A_506, %dma_start3A_507] : memref<16x64xi32, #tpu.memory_space<vmem>> -> memref<1x64xi32, #tpu.memory_space<vmem>>
      %dma_start3A_509 = tpu.memref_squeeze %dma_start3A_508 : memref<1x64xi32, #tpu.memory_space<vmem>> -> memref<64xi32, #tpu.memory_space<vmem>>
      %dma_start3A_510 = arith.constant 0 : i32
      %dma_start3A_511 = arith.constant 0 : i32
      %dma_start3A_512 = tpu.memref_slice %arg12[%dma_start3A_510, %dma_start3A_511] : memref<10240x128xf32, #tpu.memory_space<vmem_shared>> -> memref<10240x128xf32, #tpu.memory_space<vmem_shared>>
      tpu.enqueue_indirect_dma source(%arg11 : memref<64x128xf32, #tpu.memory_space<vmem>>) target(%dma_start3A_512 : memref<10240x128xf32, #tpu.memory_space<vmem_shared>>) offsets(%dma_start3A_509 : memref<64xi32, #tpu.memory_space<vmem>>) semaphore(%arg20 : memref<!tpu.dma_semaphore, #tpu.memory_space<semaphore_mem>>) {add = true}
      %dma_wait3A_513 = arith.constant 11 : i32
      %dma_wait3A_514 = arith.constant 0 : i32
      %dma_wait3A_515 = tpu.memref_slice %arg7[%dma_wait3A_513, %dma_wait3A_514] : memref<16x64xi32, #tpu.memory_space<vmem>> -> memref<1x64xi32, #tpu.memory_space<vmem>>
      %dma_wait3A_516 = tpu.memref_squeeze %dma_wait3A_515 : memref<1x64xi32, #tpu.memory_space<vmem>> -> memref<64xi32, #tpu.memory_space<vmem>>
      %dma_wait3A_517 = arith.constant 0 : i32
      %dma_wait3A_518 = arith.constant 0 : i32
      %dma_wait3A_519 = tpu.memref_slice %arg12[%dma_wait3A_517, %dma_wait3A_518] : memref<10240x128xf32, #tpu.memory_space<vmem_shared>> -> memref<10240x128xf32, #tpu.memory_space<vmem_shared>>
      tpu.wait_indirect_dma semaphore(%arg19 : memref<!tpu.dma_semaphore, #tpu.memory_space<semaphore_mem>>) src(%arg10 : memref<64x128xf32, #tpu.memory_space<vmem>>) dst(%dma_wait3A_519 : memref<10240x128xf32, #tpu.memory_space<vmem_shared>>)
      %dma_start3A_520 = arith.constant 14 : i32
      %dma_start3A_521 = arith.constant 0 : i32
      %dma_start3A_522 = tpu.memref_slice %arg6[%dma_start3A_520, %dma_start3A_521] : memref<16x64xi32, #tpu.memory_space<vmem>> -> memref<1x64xi32, #tpu.memory_space<vmem>>
      %dma_start3A_523 = tpu.memref_squeeze %dma_start3A_522 : memref<1x64xi32, #tpu.memory_space<vmem>> -> memref<64xi32, #tpu.memory_space<vmem>>
      %dma_start3A_524 = arith.constant 0 : i32
      %dma_start3A_525 = arith.constant 0 : i32
      %dma_start3A_526 = tpu.memref_slice %arg4[%dma_start3A_524, %dma_start3A_525] : memref<10240x128xf32, #tpu.memory_space<hbm>> -> memref<10240x128xf32, #tpu.memory_space<hbm>>
      tpu.enqueue_indirect_dma source(%dma_start3A_526 : memref<10240x128xf32, #tpu.memory_space<hbm>>) target(%arg10 : memref<64x128xf32, #tpu.memory_space<vmem>>) offsets(%dma_start3A_523 : memref<64xi32, #tpu.memory_space<vmem>>) semaphore(%arg15 : memref<!tpu.dma_semaphore, #tpu.memory_space<semaphore_mem>>)
      %dma_wait3A_527 = arith.constant 12 : i32
      %dma_wait3A_528 = arith.constant 0 : i32
      %dma_wait3A_529 = tpu.memref_slice %arg6[%dma_wait3A_527, %dma_wait3A_528] : memref<16x64xi32, #tpu.memory_space<vmem>> -> memref<1x64xi32, #tpu.memory_space<vmem>>
      %dma_wait3A_530 = tpu.memref_squeeze %dma_wait3A_529 : memref<1x64xi32, #tpu.memory_space<vmem>> -> memref<64xi32, #tpu.memory_space<vmem>>
      %dma_wait3A_531 = arith.constant 0 : i32
      %dma_wait3A_532 = arith.constant 0 : i32
      %dma_wait3A_533 = tpu.memref_slice %arg4[%dma_wait3A_531, %dma_wait3A_532] : memref<10240x128xf32, #tpu.memory_space<hbm>> -> memref<10240x128xf32, #tpu.memory_space<hbm>>
      tpu.wait_indirect_dma semaphore(%arg13 : memref<!tpu.dma_semaphore, #tpu.memory_space<semaphore_mem>>) src(%dma_wait3A_533 : memref<10240x128xf32, #tpu.memory_space<hbm>>) dst(%arg8 : memref<64x128xf32, #tpu.memory_space<vmem>>)
      %dma_start3A_534 = arith.constant 12 : i32
      %dma_start3A_535 = arith.constant 0 : i32
      %dma_start3A_536 = tpu.memref_slice %arg7[%dma_start3A_534, %dma_start3A_535] : memref<16x64xi32, #tpu.memory_space<vmem>> -> memref<1x64xi32, #tpu.memory_space<vmem>>
      %dma_start3A_537 = tpu.memref_squeeze %dma_start3A_536 : memref<1x64xi32, #tpu.memory_space<vmem>> -> memref<64xi32, #tpu.memory_space<vmem>>
      %dma_start3A_538 = arith.constant 0 : i32
      %dma_start3A_539 = arith.constant 0 : i32
      %dma_start3A_540 = tpu.memref_slice %arg12[%dma_start3A_538, %dma_start3A_539] : memref<10240x128xf32, #tpu.memory_space<vmem_shared>> -> memref<10240x128xf32, #tpu.memory_space<vmem_shared>>
      tpu.enqueue_indirect_dma source(%arg8 : memref<64x128xf32, #tpu.memory_space<vmem>>) target(%dma_start3A_540 : memref<10240x128xf32, #tpu.memory_space<vmem_shared>>) offsets(%dma_start3A_537 : memref<64xi32, #tpu.memory_space<vmem>>) semaphore(%arg17 : memref<!tpu.dma_semaphore, #tpu.memory_space<semaphore_mem>>) {add = true}
      %dma_wait3A_541 = arith.constant 12 : i32
      %dma_wait3A_542 = arith.constant 0 : i32
      %dma_wait3A_543 = tpu.memref_slice %arg7[%dma_wait3A_541, %dma_wait3A_542] : memref<16x64xi32, #tpu.memory_space<vmem>> -> memref<1x64xi32, #tpu.memory_space<vmem>>
      %dma_wait3A_544 = tpu.memref_squeeze %dma_wait3A_543 : memref<1x64xi32, #tpu.memory_space<vmem>> -> memref<64xi32, #tpu.memory_space<vmem>>
      %dma_wait3A_545 = arith.constant 0 : i32
      %dma_wait3A_546 = arith.constant 0 : i32
      %dma_wait3A_547 = tpu.memref_slice %arg12[%dma_wait3A_545, %dma_wait3A_546] : memref<10240x128xf32, #tpu.memory_space<vmem_shared>> -> memref<10240x128xf32, #tpu.memory_space<vmem_shared>>
      tpu.wait_indirect_dma semaphore(%arg20 : memref<!tpu.dma_semaphore, #tpu.memory_space<semaphore_mem>>) src(%arg11 : memref<64x128xf32, #tpu.memory_space<vmem>>) dst(%dma_wait3A_547 : memref<10240x128xf32, #tpu.memory_space<vmem_shared>>)
      %add3A_548 = arith.constant 1 : i32
      %add3A_549 = arith.addi %add3A_406, %add3A_548 : i32
      %lt3A_550 = arith.constant 20 : i32
      %lt3A_551 = arith.cmpi slt, %add3A_549, %lt3A_550 : i32
      %convert_element_type3A_552 = arith.extui %lt3A_551 : i1 to i32
      %cond3A_553 = arith.constant 0 : i32
      %cond3A_554 = arith.cmpi ne, %convert_element_type3A_552, %cond3A_553 : i32
      scf.if %cond3A_554 {
        %add3A_647 = arith.constant 1 : i32
        %add3A_648 = arith.addi %add3A_406, %add3A_647 : i32
        %mul3A_649 = arith.constant 8 : i32
        %mul3A_650 = arith.muli %add3A_648, %mul3A_649 : i32
        %add3A_651 = arith.addi %mul3A_2, %mul3A_650 : i32
        %mul3A_652 = arith.constant 8 : i32
        %mul3A_653 = arith.muli %add3A_648, %mul3A_652 : i32
        %add3A_654 = arith.addi %mul3A_2, %mul3A_653 : i32
        %dma_wait3A_655 = arith.constant 0 : i32
        %dma_wait3A_656 = arith.constant 0 : i32
        %dma_wait3A_657 = tpu.memref_slice %arg6[%dma_wait3A_655, %dma_wait3A_656] : memref<16x64xi32, #tpu.memory_space<vmem>> -> memref<8x64xi32, #tpu.memory_space<vmem>>
        %dma_wait3A_658 = arith.constant 0 : i32
        %dma_wait3A_659 = tpu.memref_slice %arg2[%add3A_651, %dma_wait3A_658] : memref<5120x64xi32, #tpu.memory_space<hbm>> -> memref<8x64xi32, #tpu.memory_space<hbm>>
        %dma_wait3A_660 = arith.constant 0 : i32
        %dma_wait3A_661 = arith.constant 0 : i32
        %dma_wait3A_662 = tpu.memref_slice %arg6[%dma_wait3A_660, %dma_wait3A_661] : memref<16x64xi32, #tpu.memory_space<vmem>> -> memref<8x64xi32, #tpu.memory_space<vmem>>
        %dma_wait3A_663 = arith.constant 0 : i32
        %dma_wait3A_664 = tpu.memref_slice %arg2[%add3A_651, %dma_wait3A_663] : memref<5120x64xi32, #tpu.memory_space<hbm>> -> memref<8x64xi32, #tpu.memory_space<hbm>>
        tpu.wait_dma2 semaphore(%arg21 : memref<!tpu.dma_semaphore, #tpu.memory_space<semaphore_mem>>) src(%dma_wait3A_664 : memref<8x64xi32, #tpu.memory_space<hbm>>) dst(%dma_wait3A_662 : memref<8x64xi32, #tpu.memory_space<vmem>>)
        %dma_wait3A_665 = arith.constant 0 : i32
        %dma_wait3A_666 = arith.constant 0 : i32
        %dma_wait3A_667 = tpu.memref_slice %arg7[%dma_wait3A_665, %dma_wait3A_666] : memref<16x64xi32, #tpu.memory_space<vmem>> -> memref<8x64xi32, #tpu.memory_space<vmem>>
        %dma_wait3A_668 = arith.constant 0 : i32
        %dma_wait3A_669 = tpu.memref_slice %arg3[%add3A_654, %dma_wait3A_668] : memref<5120x64xi32, #tpu.memory_space<hbm>> -> memref<8x64xi32, #tpu.memory_space<hbm>>
        %dma_wait3A_670 = arith.constant 0 : i32
        %dma_wait3A_671 = arith.constant 0 : i32
        %dma_wait3A_672 = tpu.memref_slice %arg7[%dma_wait3A_670, %dma_wait3A_671] : memref<16x64xi32, #tpu.memory_space<vmem>> -> memref<8x64xi32, #tpu.memory_space<vmem>>
        %dma_wait3A_673 = arith.constant 0 : i32
        %dma_wait3A_674 = tpu.memref_slice %arg3[%add3A_654, %dma_wait3A_673] : memref<5120x64xi32, #tpu.memory_space<hbm>> -> memref<8x64xi32, #tpu.memory_space<hbm>>
        tpu.wait_dma2 semaphore(%arg22 : memref<!tpu.dma_semaphore, #tpu.memory_space<semaphore_mem>>) src(%dma_wait3A_674 : memref<8x64xi32, #tpu.memory_space<hbm>>) dst(%dma_wait3A_672 : memref<8x64xi32, #tpu.memory_space<vmem>>)
      } else {
      }
      %dma_start3A_555 = arith.constant 15 : i32
      %dma_start3A_556 = arith.constant 0 : i32
      %dma_start3A_557 = tpu.memref_slice %arg6[%dma_start3A_555, %dma_start3A_556] : memref<16x64xi32, #tpu.memory_space<vmem>> -> memref<1x64xi32, #tpu.memory_space<vmem>>
      %dma_start3A_558 = tpu.memref_squeeze %dma_start3A_557 : memref<1x64xi32, #tpu.memory_space<vmem>> -> memref<64xi32, #tpu.memory_space<vmem>>
      %dma_start3A_559 = arith.constant 0 : i32
      %dma_start3A_560 = arith.constant 0 : i32
      %dma_start3A_561 = tpu.memref_slice %arg4[%dma_start3A_559, %dma_start3A_560] : memref<10240x128xf32, #tpu.memory_space<hbm>> -> memref<10240x128xf32, #tpu.memory_space<hbm>>
      tpu.enqueue_indirect_dma source(%dma_start3A_561 : memref<10240x128xf32, #tpu.memory_space<hbm>>) target(%arg11 : memref<64x128xf32, #tpu.memory_space<vmem>>) offsets(%dma_start3A_558 : memref<64xi32, #tpu.memory_space<vmem>>) semaphore(%arg16 : memref<!tpu.dma_semaphore, #tpu.memory_space<semaphore_mem>>)
      %dma_wait3A_562 = arith.constant 13 : i32
      %dma_wait3A_563 = arith.constant 0 : i32
      %dma_wait3A_564 = tpu.memref_slice %arg6[%dma_wait3A_562, %dma_wait3A_563] : memref<16x64xi32, #tpu.memory_space<vmem>> -> memref<1x64xi32, #tpu.memory_space<vmem>>
      %dma_wait3A_565 = tpu.memref_squeeze %dma_wait3A_564 : memref<1x64xi32, #tpu.memory_space<vmem>> -> memref<64xi32, #tpu.memory_space<vmem>>
      %dma_wait3A_566 = arith.constant 0 : i32
      %dma_wait3A_567 = arith.constant 0 : i32
      %dma_wait3A_568 = tpu.memref_slice %arg4[%dma_wait3A_566, %dma_wait3A_567] : memref<10240x128xf32, #tpu.memory_space<hbm>> -> memref<10240x128xf32, #tpu.memory_space<hbm>>
      tpu.wait_indirect_dma semaphore(%arg14 : memref<!tpu.dma_semaphore, #tpu.memory_space<semaphore_mem>>) src(%dma_wait3A_568 : memref<10240x128xf32, #tpu.memory_space<hbm>>) dst(%arg9 : memref<64x128xf32, #tpu.memory_space<vmem>>)
      %dma_start3A_569 = arith.constant 13 : i32
      %dma_start3A_570 = arith.constant 0 : i32
      %dma_start3A_571 = tpu.memref_slice %arg7[%dma_start3A_569, %dma_start3A_570] : memref<16x64xi32, #tpu.memory_space<vmem>> -> memref<1x64xi32, #tpu.memory_space<vmem>>
      %dma_start3A_572 = tpu.memref_squeeze %dma_start3A_571 : memref<1x64xi32, #tpu.memory_space<vmem>> -> memref<64xi32, #tpu.memory_space<vmem>>
      %dma_start3A_573 = arith.constant 0 : i32
      %dma_start3A_574 = arith.constant 0 : i32
      %dma_start3A_575 = tpu.memref_slice %arg12[%dma_start3A_573, %dma_start3A_574] : memref<10240x128xf32, #tpu.memory_space<vmem_shared>> -> memref<10240x128xf32, #tpu.memory_space<vmem_shared>>
      tpu.enqueue_indirect_dma source(%arg9 : memref<64x128xf32, #tpu.memory_space<vmem>>) target(%dma_start3A_575 : memref<10240x128xf32, #tpu.memory_space<vmem_shared>>) offsets(%dma_start3A_572 : memref<64xi32, #tpu.memory_space<vmem>>) semaphore(%arg18 : memref<!tpu.dma_semaphore, #tpu.memory_space<semaphore_mem>>) {add = true}
      %dma_wait3A_576 = arith.constant 13 : i32
      %dma_wait3A_577 = arith.constant 0 : i32
      %dma_wait3A_578 = tpu.memref_slice %arg7[%dma_wait3A_576, %dma_wait3A_577] : memref<16x64xi32, #tpu.memory_space<vmem>> -> memref<1x64xi32, #tpu.memory_space<vmem>>
      %dma_wait3A_579 = tpu.memref_squeeze %dma_wait3A_578 : memref<1x64xi32, #tpu.memory_space<vmem>> -> memref<64xi32, #tpu.memory_space<vmem>>
      %dma_wait3A_580 = arith.constant 0 : i32
      %dma_wait3A_581 = arith.constant 0 : i32
      %dma_wait3A_582 = tpu.memref_slice %arg12[%dma_wait3A_580, %dma_wait3A_581] : memref<10240x128xf32, #tpu.memory_space<vmem_shared>> -> memref<10240x128xf32, #tpu.memory_space<vmem_shared>>
      tpu.wait_indirect_dma semaphore(%arg17 : memref<!tpu.dma_semaphore, #tpu.memory_space<semaphore_mem>>) src(%arg8 : memref<64x128xf32, #tpu.memory_space<vmem>>) dst(%dma_wait3A_582 : memref<10240x128xf32, #tpu.memory_space<vmem_shared>>)
      %add3A_583 = arith.constant 1 : i32
      %add3A_584 = arith.addi %add3A_406, %add3A_583 : i32
      %lt3A_585 = arith.constant 20 : i32
      %lt3A_586 = arith.cmpi slt, %add3A_584, %lt3A_585 : i32
      %convert_element_type3A_587 = arith.extui %lt3A_586 : i1 to i32
      %cond3A_588 = arith.constant 0 : i32
      %cond3A_589 = arith.cmpi ne, %convert_element_type3A_587, %cond3A_588 : i32
      scf.if %cond3A_589 {
        %dma_start3A_647 = arith.constant 0 : i32
        %dma_start3A_648 = arith.constant 0 : i32
        %dma_start3A_649 = tpu.memref_slice %arg6[%dma_start3A_647, %dma_start3A_648] : memref<16x64xi32, #tpu.memory_space<vmem>> -> memref<1x64xi32, #tpu.memory_space<vmem>>
        %dma_start3A_650 = tpu.memref_squeeze %dma_start3A_649 : memref<1x64xi32, #tpu.memory_space<vmem>> -> memref<64xi32, #tpu.memory_space<vmem>>
        %dma_start3A_651 = arith.constant 0 : i32
        %dma_start3A_652 = arith.constant 0 : i32
        %dma_start3A_653 = tpu.memref_slice %arg4[%dma_start3A_651, %dma_start3A_652] : memref<10240x128xf32, #tpu.memory_space<hbm>> -> memref<10240x128xf32, #tpu.memory_space<hbm>>
        tpu.enqueue_indirect_dma source(%dma_start3A_653 : memref<10240x128xf32, #tpu.memory_space<hbm>>) target(%arg8 : memref<64x128xf32, #tpu.memory_space<vmem>>) offsets(%dma_start3A_650 : memref<64xi32, #tpu.memory_space<vmem>>) semaphore(%arg13 : memref<!tpu.dma_semaphore, #tpu.memory_space<semaphore_mem>>)
      } else {
      }
      %dma_wait3A_590 = arith.constant 14 : i32
      %dma_wait3A_591 = arith.constant 0 : i32
      %dma_wait3A_592 = tpu.memref_slice %arg6[%dma_wait3A_590, %dma_wait3A_591] : memref<16x64xi32, #tpu.memory_space<vmem>> -> memref<1x64xi32, #tpu.memory_space<vmem>>
      %dma_wait3A_593 = tpu.memref_squeeze %dma_wait3A_592 : memref<1x64xi32, #tpu.memory_space<vmem>> -> memref<64xi32, #tpu.memory_space<vmem>>
      %dma_wait3A_594 = arith.constant 0 : i32
      %dma_wait3A_595 = arith.constant 0 : i32
      %dma_wait3A_596 = tpu.memref_slice %arg4[%dma_wait3A_594, %dma_wait3A_595] : memref<10240x128xf32, #tpu.memory_space<hbm>> -> memref<10240x128xf32, #tpu.memory_space<hbm>>
      tpu.wait_indirect_dma semaphore(%arg15 : memref<!tpu.dma_semaphore, #tpu.memory_space<semaphore_mem>>) src(%dma_wait3A_596 : memref<10240x128xf32, #tpu.memory_space<hbm>>) dst(%arg10 : memref<64x128xf32, #tpu.memory_space<vmem>>)
      %dma_start3A_597 = arith.constant 14 : i32
      %dma_start3A_598 = arith.constant 0 : i32
      %dma_start3A_599 = tpu.memref_slice %arg7[%dma_start3A_597, %dma_start3A_598] : memref<16x64xi32, #tpu.memory_space<vmem>> -> memref<1x64xi32, #tpu.memory_space<vmem>>
      %dma_start3A_600 = tpu.memref_squeeze %dma_start3A_599 : memref<1x64xi32, #tpu.memory_space<vmem>> -> memref<64xi32, #tpu.memory_space<vmem>>
      %dma_start3A_601 = arith.constant 0 : i32
      %dma_start3A_602 = arith.constant 0 : i32
      %dma_start3A_603 = tpu.memref_slice %arg12[%dma_start3A_601, %dma_start3A_602] : memref<10240x128xf32, #tpu.memory_space<vmem_shared>> -> memref<10240x128xf32, #tpu.memory_space<vmem_shared>>
      tpu.enqueue_indirect_dma source(%arg10 : memref<64x128xf32, #tpu.memory_space<vmem>>) target(%dma_start3A_603 : memref<10240x128xf32, #tpu.memory_space<vmem_shared>>) offsets(%dma_start3A_600 : memref<64xi32, #tpu.memory_space<vmem>>) semaphore(%arg19 : memref<!tpu.dma_semaphore, #tpu.memory_space<semaphore_mem>>) {add = true}
      %dma_wait3A_604 = arith.constant 14 : i32
      %dma_wait3A_605 = arith.constant 0 : i32
      %dma_wait3A_606 = tpu.memref_slice %arg7[%dma_wait3A_604, %dma_wait3A_605] : memref<16x64xi32, #tpu.memory_space<vmem>> -> memref<1x64xi32, #tpu.memory_space<vmem>>
      %dma_wait3A_607 = tpu.memref_squeeze %dma_wait3A_606 : memref<1x64xi32, #tpu.memory_space<vmem>> -> memref<64xi32, #tpu.memory_space<vmem>>
      %dma_wait3A_608 = arith.constant 0 : i32
      %dma_wait3A_609 = arith.constant 0 : i32
      %dma_wait3A_610 = tpu.memref_slice %arg12[%dma_wait3A_608, %dma_wait3A_609] : memref<10240x128xf32, #tpu.memory_space<vmem_shared>> -> memref<10240x128xf32, #tpu.memory_space<vmem_shared>>
      tpu.wait_indirect_dma semaphore(%arg18 : memref<!tpu.dma_semaphore, #tpu.memory_space<semaphore_mem>>) src(%arg9 : memref<64x128xf32, #tpu.memory_space<vmem>>) dst(%dma_wait3A_610 : memref<10240x128xf32, #tpu.memory_space<vmem_shared>>)
      %add3A_611 = arith.constant 1 : i32
      %add3A_612 = arith.addi %add3A_406, %add3A_611 : i32
      %lt3A_613 = arith.constant 20 : i32
      %lt3A_614 = arith.cmpi slt, %add3A_612, %lt3A_613 : i32
      %convert_element_type3A_615 = arith.extui %lt3A_614 : i1 to i32
      %cond3A_616 = arith.constant 0 : i32
      %cond3A_617 = arith.cmpi ne, %convert_element_type3A_615, %cond3A_616 : i32
      scf.if %cond3A_617 {
        %dma_start3A_647 = arith.constant 1 : i32
        %dma_start3A_648 = arith.constant 0 : i32
        %dma_start3A_649 = tpu.memref_slice %arg6[%dma_start3A_647, %dma_start3A_648] : memref<16x64xi32, #tpu.memory_space<vmem>> -> memref<1x64xi32, #tpu.memory_space<vmem>>
        %dma_start3A_650 = tpu.memref_squeeze %dma_start3A_649 : memref<1x64xi32, #tpu.memory_space<vmem>> -> memref<64xi32, #tpu.memory_space<vmem>>
        %dma_start3A_651 = arith.constant 0 : i32
        %dma_start3A_652 = arith.constant 0 : i32
        %dma_start3A_653 = tpu.memref_slice %arg4[%dma_start3A_651, %dma_start3A_652] : memref<10240x128xf32, #tpu.memory_space<hbm>> -> memref<10240x128xf32, #tpu.memory_space<hbm>>
        tpu.enqueue_indirect_dma source(%dma_start3A_653 : memref<10240x128xf32, #tpu.memory_space<hbm>>) target(%arg9 : memref<64x128xf32, #tpu.memory_space<vmem>>) offsets(%dma_start3A_650 : memref<64xi32, #tpu.memory_space<vmem>>) semaphore(%arg14 : memref<!tpu.dma_semaphore, #tpu.memory_space<semaphore_mem>>)
      } else {
      }
      %dma_wait3A_618 = arith.constant 15 : i32
      %dma_wait3A_619 = arith.constant 0 : i32
      %dma_wait3A_620 = tpu.memref_slice %arg6[%dma_wait3A_618, %dma_wait3A_619] : memref<16x64xi32, #tpu.memory_space<vmem>> -> memref<1x64xi32, #tpu.memory_space<vmem>>
      %dma_wait3A_621 = tpu.memref_squeeze %dma_wait3A_620 : memref<1x64xi32, #tpu.memory_space<vmem>> -> memref<64xi32, #tpu.memory_space<vmem>>
      %dma_wait3A_622 = arith.constant 0 : i32
      %dma_wait3A_623 = arith.constant 0 : i32
      %dma_wait3A_624 = tpu.memref_slice %arg4[%dma_wait3A_622, %dma_wait3A_623] : memref<10240x128xf32, #tpu.memory_space<hbm>> -> memref<10240x128xf32, #tpu.memory_space<hbm>>
      tpu.wait_indirect_dma semaphore(%arg16 : memref<!tpu.dma_semaphore, #tpu.memory_space<semaphore_mem>>) src(%dma_wait3A_624 : memref<10240x128xf32, #tpu.memory_space<hbm>>) dst(%arg11 : memref<64x128xf32, #tpu.memory_space<vmem>>)
      %dma_start3A_625 = arith.constant 15 : i32
      %dma_start3A_626 = arith.constant 0 : i32
      %dma_start3A_627 = tpu.memref_slice %arg7[%dma_start3A_625, %dma_start3A_626] : memref<16x64xi32, #tpu.memory_space<vmem>> -> memref<1x64xi32, #tpu.memory_space<vmem>>
      %dma_start3A_628 = tpu.memref_squeeze %dma_start3A_627 : memref<1x64xi32, #tpu.memory_space<vmem>> -> memref<64xi32, #tpu.memory_space<vmem>>
      %dma_start3A_629 = arith.constant 0 : i32
      %dma_start3A_630 = arith.constant 0 : i32
      %dma_start3A_631 = tpu.memref_slice %arg12[%dma_start3A_629, %dma_start3A_630] : memref<10240x128xf32, #tpu.memory_space<vmem_shared>> -> memref<10240x128xf32, #tpu.memory_space<vmem_shared>>
      tpu.enqueue_indirect_dma source(%arg11 : memref<64x128xf32, #tpu.memory_space<vmem>>) target(%dma_start3A_631 : memref<10240x128xf32, #tpu.memory_space<vmem_shared>>) offsets(%dma_start3A_628 : memref<64xi32, #tpu.memory_space<vmem>>) semaphore(%arg20 : memref<!tpu.dma_semaphore, #tpu.memory_space<semaphore_mem>>) {add = true}
      %dma_wait3A_632 = arith.constant 15 : i32
      %dma_wait3A_633 = arith.constant 0 : i32
      %dma_wait3A_634 = tpu.memref_slice %arg7[%dma_wait3A_632, %dma_wait3A_633] : memref<16x64xi32, #tpu.memory_space<vmem>> -> memref<1x64xi32, #tpu.memory_space<vmem>>
      %dma_wait3A_635 = tpu.memref_squeeze %dma_wait3A_634 : memref<1x64xi32, #tpu.memory_space<vmem>> -> memref<64xi32, #tpu.memory_space<vmem>>
      %dma_wait3A_636 = arith.constant 0 : i32
      %dma_wait3A_637 = arith.constant 0 : i32
      %dma_wait3A_638 = tpu.memref_slice %arg12[%dma_wait3A_636, %dma_wait3A_637] : memref<10240x128xf32, #tpu.memory_space<vmem_shared>> -> memref<10240x128xf32, #tpu.memory_space<vmem_shared>>
      tpu.wait_indirect_dma semaphore(%arg19 : memref<!tpu.dma_semaphore, #tpu.memory_space<semaphore_mem>>) src(%arg10 : memref<64x128xf32, #tpu.memory_space<vmem>>) dst(%dma_wait3A_638 : memref<10240x128xf32, #tpu.memory_space<vmem_shared>>)
      %add3A_639 = arith.constant 1 : i32
      %add3A_640 = arith.addi %add3A_406, %add3A_639 : i32
      %lt3A_641 = arith.constant 20 : i32
      %lt3A_642 = arith.cmpi slt, %add3A_640, %lt3A_641 : i32
      %convert_element_type3A_643 = arith.extui %lt3A_642 : i1 to i32
      %cond3A_644 = arith.constant 0 : i32
      %cond3A_645 = arith.cmpi ne, %convert_element_type3A_643, %cond3A_644 : i32
      scf.if %cond3A_645 {
        %dma_start3A_647 = arith.constant 2 : i32
        %dma_start3A_648 = arith.constant 0 : i32
        %dma_start3A_649 = tpu.memref_slice %arg6[%dma_start3A_647, %dma_start3A_648] : memref<16x64xi32, #tpu.memory_space<vmem>> -> memref<1x64xi32, #tpu.memory_space<vmem>>
        %dma_start3A_650 = tpu.memref_squeeze %dma_start3A_649 : memref<1x64xi32, #tpu.memory_space<vmem>> -> memref<64xi32, #tpu.memory_space<vmem>>
        %dma_start3A_651 = arith.constant 0 : i32
        %dma_start3A_652 = arith.constant 0 : i32
        %dma_start3A_653 = tpu.memref_slice %arg4[%dma_start3A_651, %dma_start3A_652] : memref<10240x128xf32, #tpu.memory_space<hbm>> -> memref<10240x128xf32, #tpu.memory_space<hbm>>
        tpu.enqueue_indirect_dma source(%dma_start3A_653 : memref<10240x128xf32, #tpu.memory_space<hbm>>) target(%arg10 : memref<64x128xf32, #tpu.memory_space<vmem>>) offsets(%dma_start3A_650 : memref<64xi32, #tpu.memory_space<vmem>>) semaphore(%arg15 : memref<!tpu.dma_semaphore, #tpu.memory_space<semaphore_mem>>)
      } else {
      }
      %scan3A_646 = arith.constant 0 : i32
      scf.yield %scan3A_646 : i32
    }
    %scan3A_147 = arith.constant 10 : i32
    %dma_wait3A_148 = arith.constant 0 : i32
    %dma_wait3A_149 = arith.constant 0 : i32
    %dma_wait3A_150 = tpu.memref_slice %arg7[%dma_wait3A_148, %dma_wait3A_149] : memref<16x64xi32, #tpu.memory_space<vmem>> -> memref<1x64xi32, #tpu.memory_space<vmem>>
    %dma_wait3A_151 = tpu.memref_squeeze %dma_wait3A_150 : memref<1x64xi32, #tpu.memory_space<vmem>> -> memref<64xi32, #tpu.memory_space<vmem>>
    %dma_wait3A_152 = arith.constant 0 : i32
    %dma_wait3A_153 = arith.constant 0 : i32
    %dma_wait3A_154 = tpu.memref_slice %arg12[%dma_wait3A_152, %dma_wait3A_153] : memref<10240x128xf32, #tpu.memory_space<vmem_shared>> -> memref<10240x128xf32, #tpu.memory_space<vmem_shared>>
    tpu.wait_indirect_dma semaphore(%arg20 : memref<!tpu.dma_semaphore, #tpu.memory_space<semaphore_mem>>) src(%arg11 : memref<64x128xf32, #tpu.memory_space<vmem>>) dst(%dma_wait3A_154 : memref<10240x128xf32, #tpu.memory_space<vmem_shared>>)
    %barrier3A_155 = arith.constant 0 : index
    tpu.barrier barrier_id(%barrier3A_155)
    %mul3A_156 = arith.constant 10240 : i32
    %mul3A_157 = arith.muli %arg0, %mul3A_156 : i32
    %mul3A_158 = arith.constant 640 : i32
    %mul3A_159 = arith.muli %arg1, %mul3A_158 : i32
    %add3A_160 = arith.addi %mul3A_157, %mul3A_159 : i32
    %mul3A_161 = arith.constant 640 : i32
    %mul3A_162 = arith.muli %arg1, %mul3A_161 : i32
    "tpu.region"() ({
      %run_scoped3A = tpu.sem_alloc : memref<!tpu.dma_semaphore, #tpu.memory_space<semaphore_mem>>
      %dma_start3A_163 = arith.constant 0 : i32
      %dma_start3A_164 = tpu.memref_slice %arg5[%add3A_160, %dma_start3A_163] : memref<20480x128xf32, #tpu.memory_space<hbm>> -> memref<640x128xf32, #tpu.memory_space<hbm>>
      %dma_start3A_165 = arith.constant 0 : i32
      %dma_start3A_166 = tpu.memref_slice %arg12[%mul3A_162, %dma_start3A_165] : memref<10240x128xf32, #tpu.memory_space<vmem_shared>> -> memref<640x128xf32, #tpu.memory_space<vmem_shared>>
      tpu.enqueue_dma source(%dma_start3A_166 : memref<640x128xf32, #tpu.memory_space<vmem_shared>>) target(%dma_start3A_164 : memref<640x128xf32, #tpu.memory_space<hbm>>) target_semaphore(%run_scoped3A : memref<!tpu.dma_semaphore, #tpu.memory_space<semaphore_mem>>)
      %dma_wait3A_167 = arith.constant 0 : i32
      %dma_wait3A_168 = tpu.memref_slice %arg5[%add3A_160, %dma_wait3A_167] : memref<20480x128xf32, #tpu.memory_space<hbm>> -> memref<640x128xf32, #tpu.memory_space<hbm>>
      %dma_wait3A_169 = arith.constant 0 : i32
      %dma_wait3A_170 = tpu.memref_slice %arg12[%mul3A_162, %dma_wait3A_169] : memref<10240x128xf32, #tpu.memory_space<vmem_shared>> -> memref<640x128xf32, #tpu.memory_space<vmem_shared>>
      tpu.wait_dma2 semaphore(%run_scoped3A : memref<!tpu.dma_semaphore, #tpu.memory_space<semaphore_mem>>) src(%dma_wait3A_170 : memref<640x128xf32, #tpu.memory_space<vmem_shared>>) dst(%dma_wait3A_168 : memref<640x128xf32, #tpu.memory_space<hbm>>)
      tpu.yield
    }) : () -> ()
    return
  }
}

#map = affine_map<(d0, d1) -> (0, 0)>
module attributes {stable_mosaic.version = 14 : i64} {
  func.func @_deg_body(%arg0: i32, %arg1: i32, %arg2: memref<2560x128xi32, #tpu.memory_space<hbm>>, %arg3: memref<32x10240xi32, #tpu.memory_space<hbm>>, %arg4: memref<80x128xi32, #tpu.memory_space<vmem>>, %arg5: memref<10240xi32, #tpu.memory_space<vmem>>) attributes {dimension_semantics = [#tpu.dimension_semantics<core_parallel>, #tpu.dimension_semantics<subcore_parallel>], iteration_bounds = array<i64: 2, 16>, scalar_prefetch = 0 : i64, scratch_operands = 2 : i64, tpu.core_type = #tpu.core_type<sc_vector_subcore>, window_params = [{transform_indices = #map}, {transform_indices = #map}]} {
    %mul3A = arith.constant 16 : i32
    %mul3A_0 = arith.muli %arg0, %mul3A : i32
    %add3A = arith.addi %mul3A_0, %arg1 : i32
    %broadcast_in_dim3A = arith.constant 0 : i32
    %broadcast_in_dim3A_1 = vector.broadcast %broadcast_in_dim3A : i32 to vector<16xi32>
    %scan3A = arith.constant 0 : i32
    %scan3A_2 = arith.constant 0 : i32
    %scan3A_3 = arith.constant 640 : i32
    %scan3A_4 = arith.addi %scan3A_2, %scan3A_3 : i32
    %scan3A_5 = arith.constant 1 : i32
    %scan3A_6 = scf.for %scan3A_30 = %scan3A_2 to %scan3A_4 step %scan3A_5 iter_args(%scan3A_31 = %scan3A) -> (i32)  : i32 {
      %mul3A_32 = arith.constant 16 : i32
      %mul3A_33 = arith.muli %scan3A_30, %mul3A_32 : i32
      %swap3A = arith.index_cast %mul3A_33 : i32 to index
      %swap3A_34 = tpu.vector_load %arg5[%swap3A] {strides = array<i32>} : memref<10240xi32, #tpu.memory_space<vmem>>, vector<16xi32>,
      tpu.vector_store %arg5[%swap3A], %broadcast_in_dim3A_1 {strides = array<i32>} : memref<10240xi32, #tpu.memory_space<vmem>>, vector<16xi32>,
      %scan3A_35 = arith.constant 0 : i32
      scf.yield %scan3A_35 : i32
    }
    %scan3A_7 = arith.constant 640 : i32
    %mul3A_8 = arith.constant 80 : i32
    %mul3A_9 = arith.muli %add3A, %mul3A_8 : i32
    "tpu.region"() ({
      %run_scoped3A = tpu.sem_alloc : memref<!tpu.dma_semaphore, #tpu.memory_space<semaphore_mem>>
      %dma_start3A = arith.constant 0 : i32
      %dma_start3A_30 = tpu.memref_slice %arg2[%mul3A_9, %dma_start3A] : memref<2560x128xi32, #tpu.memory_space<hbm>> -> memref<80x128xi32, #tpu.memory_space<hbm>>
      %dma_start3A_31 = arith.constant 0 : i32
      %dma_start3A_32 = tpu.memref_slice %arg2[%mul3A_9, %dma_start3A_31] : memref<2560x128xi32, #tpu.memory_space<hbm>> -> memref<80x128xi32, #tpu.memory_space<hbm>>
      tpu.enqueue_dma source(%dma_start3A_32 : memref<80x128xi32, #tpu.memory_space<hbm>>) target(%arg4 : memref<80x128xi32, #tpu.memory_space<vmem>>) target_semaphore(%run_scoped3A : memref<!tpu.dma_semaphore, #tpu.memory_space<semaphore_mem>>)
      %dma_wait3A = arith.constant 0 : i32
      %dma_wait3A_33 = tpu.memref_slice %arg2[%mul3A_9, %dma_wait3A] : memref<2560x128xi32, #tpu.memory_space<hbm>> -> memref<80x128xi32, #tpu.memory_space<hbm>>
      %dma_wait3A_34 = arith.constant 0 : i32
      %dma_wait3A_35 = tpu.memref_slice %arg2[%mul3A_9, %dma_wait3A_34] : memref<2560x128xi32, #tpu.memory_space<hbm>> -> memref<80x128xi32, #tpu.memory_space<hbm>>
      tpu.wait_dma2 semaphore(%run_scoped3A : memref<!tpu.dma_semaphore, #tpu.memory_space<semaphore_mem>>) src(%dma_wait3A_35 : memref<80x128xi32, #tpu.memory_space<hbm>>) dst(%arg4 : memref<80x128xi32, #tpu.memory_space<vmem>>)
      tpu.yield
    }) : () -> ()
    %broadcast_in_dim3A_10 = arith.constant 0 : i32
    %broadcast_in_dim3A_11 = vector.broadcast %broadcast_in_dim3A_10 : i32 to vector<16xi32>
    %broadcast_in_dim3A_12 = arith.constant true
    %broadcast_in_dim3A_13 = vector.broadcast %broadcast_in_dim3A_12 : i1 to vector<16xi1>
    %unique3A, %unique3A_14 = tpu.scan_count mask(%broadcast_in_dim3A_13 : vector<16xi1>) value(%broadcast_in_dim3A_11 : vector<16xi32>) : vector<16xi1>, vector<16xi32>
    %reduce_max3A = arith.constant true
    %reduce_max3A_15 = vector.broadcast %reduce_max3A : i1 to vector<16xi1>
    %reduce_max3A_16 = arith.constant -2147483648 : i32
    %reduce_max3A_17 = vector.broadcast %reduce_max3A_16 : i32 to vector<16xi32>
    %reduce_max3A_18 = arith.xori %unique3A_14, %reduce_max3A_17 : vector<16xi32>
    %reduce_max3A_19 = tpu.scan <max>, %reduce_max3A_18 masked %reduce_max3A_15 : vector<16xi32>, vector<16xi1> -> vector<16xi32>
    %reduce_max3A_20 = arith.xori %reduce_max3A_19, %reduce_max3A_17 : vector<16xi32>
    %reduce_max3A_21 = vector.extract %reduce_max3A_20[15] : i32 from vector<16xi32>
    %sub3A = arith.constant 16 : i32
    %sub3A_22 = arith.subi %sub3A, %reduce_max3A_21 : i32
    %scan3A_23 = arith.constant 0 : i32
    %scan3A_24 = arith.constant 0 : i32
    %scan3A_25 = arith.constant 80 : i32
    %scan3A_26 = arith.addi %scan3A_24, %scan3A_25 : i32
    %scan3A_27 = arith.constant 1 : i32
    %scan3A_28 = scf.for %scan3A_30 = %scan3A_24 to %scan3A_26 step %scan3A_27 iter_args(%scan3A_31 = %scan3A_23) -> (i32)  : i32 {
      %get3A = arith.index_cast %scan3A_30 : i32 to index
      %get3A_32 = arith.constant 0 : index
      %get3A_33 = tpu.vector_load %arg4[%get3A, %get3A_32] {strides = array<i32>} : memref<80x128xi32, #tpu.memory_space<vmem>>, vector<16xi32>,
      %get3A_34 = arith.index_cast %scan3A_30 : i32 to index
      %get3A_35 = arith.constant 16 : index
      %get3A_36 = tpu.vector_load %arg4[%get3A_34, %get3A_35] {strides = array<i32>} : memref<80x128xi32, #tpu.memory_space<vmem>>, vector<16xi32>,
      %get3A_37 = arith.index_cast %scan3A_30 : i32 to index
      %get3A_38 = arith.constant 32 : index
      %get3A_39 = tpu.vector_load %arg4[%get3A_37, %get3A_38] {strides = array<i32>} : memref<80x128xi32, #tpu.memory_space<vmem>>, vector<16xi32>,
      %get3A_40 = arith.index_cast %scan3A_30 : i32 to index
      %get3A_41 = arith.constant 48 : index
      %get3A_42 = tpu.vector_load %arg4[%get3A_40, %get3A_41] {strides = array<i32>} : memref<80x128xi32, #tpu.memory_space<vmem>>, vector<16xi32>,
      %get3A_43 = arith.index_cast %scan3A_30 : i32 to index
      %get3A_44 = arith.constant 64 : index
      %get3A_45 = tpu.vector_load %arg4[%get3A_43, %get3A_44] {strides = array<i32>} : memref<80x128xi32, #tpu.memory_space<vmem>>, vector<16xi32>,
      %get3A_46 = arith.index_cast %scan3A_30 : i32 to index
      %get3A_47 = arith.constant 80 : index
      %get3A_48 = tpu.vector_load %arg4[%get3A_46, %get3A_47] {strides = array<i32>} : memref<80x128xi32, #tpu.memory_space<vmem>>, vector<16xi32>,
      %get3A_49 = arith.index_cast %scan3A_30 : i32 to index
      %get3A_50 = arith.constant 96 : index
      %get3A_51 = tpu.vector_load %arg4[%get3A_49, %get3A_50] {strides = array<i32>} : memref<80x128xi32, #tpu.memory_space<vmem>>, vector<16xi32>,
      %get3A_52 = arith.index_cast %scan3A_30 : i32 to index
      %get3A_53 = arith.constant 112 : index
      %get3A_54 = tpu.vector_load %arg4[%get3A_52, %get3A_53] {strides = array<i32>} : memref<80x128xi32, #tpu.memory_space<vmem>>, vector<16xi32>,
      %broadcast_in_dim3A_55 = arith.constant true
      %broadcast_in_dim3A_56 = vector.broadcast %broadcast_in_dim3A_55 : i1 to vector<16xi1>
      %unique3A_57, %unique3A_58 = tpu.scan_count mask(%broadcast_in_dim3A_56 : vector<16xi1>) value(%get3A_33 : vector<16xi32>) : vector<16xi1>, vector<16xi32>
      %broadcast_in_dim3A_59 = arith.constant true
      %broadcast_in_dim3A_60 = vector.broadcast %broadcast_in_dim3A_59 : i1 to vector<16xi1>
      %unique3A_61, %unique3A_62 = tpu.scan_count mask(%broadcast_in_dim3A_60 : vector<16xi1>) value(%get3A_36 : vector<16xi32>) : vector<16xi1>, vector<16xi32>
      %broadcast_in_dim3A_63 = arith.constant true
      %broadcast_in_dim3A_64 = vector.broadcast %broadcast_in_dim3A_63 : i1 to vector<16xi1>
      %unique3A_65, %unique3A_66 = tpu.scan_count mask(%broadcast_in_dim3A_64 : vector<16xi1>) value(%get3A_39 : vector<16xi32>) : vector<16xi1>, vector<16xi32>
      %broadcast_in_dim3A_67 = arith.constant true
      %broadcast_in_dim3A_68 = vector.broadcast %broadcast_in_dim3A_67 : i1 to vector<16xi1>
      %unique3A_69, %unique3A_70 = tpu.scan_count mask(%broadcast_in_dim3A_68 : vector<16xi1>) value(%get3A_42 : vector<16xi32>) : vector<16xi1>, vector<16xi32>
      %broadcast_in_dim3A_71 = arith.constant true
      %broadcast_in_dim3A_72 = vector.broadcast %broadcast_in_dim3A_71 : i1 to vector<16xi1>
      %unique3A_73, %unique3A_74 = tpu.scan_count mask(%broadcast_in_dim3A_72 : vector<16xi1>) value(%get3A_45 : vector<16xi32>) : vector<16xi1>, vector<16xi32>
      %broadcast_in_dim3A_75 = arith.constant true
      %broadcast_in_dim3A_76 = vector.broadcast %broadcast_in_dim3A_75 : i1 to vector<16xi1>
      %unique3A_77, %unique3A_78 = tpu.scan_count mask(%broadcast_in_dim3A_76 : vector<16xi1>) value(%get3A_48 : vector<16xi32>) : vector<16xi1>, vector<16xi32>
      %broadcast_in_dim3A_79 = arith.constant true
      %broadcast_in_dim3A_80 = vector.broadcast %broadcast_in_dim3A_79 : i1 to vector<16xi1>
      %unique3A_81, %unique3A_82 = tpu.scan_count mask(%broadcast_in_dim3A_80 : vector<16xi1>) value(%get3A_51 : vector<16xi32>) : vector<16xi1>, vector<16xi32>
      %broadcast_in_dim3A_83 = arith.constant true
      %broadcast_in_dim3A_84 = vector.broadcast %broadcast_in_dim3A_83 : i1 to vector<16xi1>
      %unique3A_85, %unique3A_86 = tpu.scan_count mask(%broadcast_in_dim3A_84 : vector<16xi1>) value(%get3A_54 : vector<16xi32>) : vector<16xi1>, vector<16xi32>
      %add3A_87 = vector.broadcast %sub3A_22 : i32 to vector<16xi32>
      %add3A_88 = arith.addi %unique3A_58, %add3A_87 : vector<16xi32>
      tpu.vector_store_idx %arg5[%get3A_33], %add3A_88 masked %unique3A_57 {add = true} : memref<10240xi32, #tpu.memory_space<vmem>>[vector<16xi32>], vector<16xi32>, vector<16xi1>
      %add3A_89 = vector.broadcast %sub3A_22 : i32 to vector<16xi32>
      %add3A_90 = arith.addi %unique3A_62, %add3A_89 : vector<16xi32>
      tpu.vector_store_idx %arg5[%get3A_36], %add3A_90 masked %unique3A_61 {add = true} : memref<10240xi32, #tpu.memory_space<vmem>>[vector<16xi32>], vector<16xi32>, vector<16xi1>
      %add3A_91 = vector.broadcast %sub3A_22 : i32 to vector<16xi32>
      %add3A_92 = arith.addi %unique3A_66, %add3A_91 : vector<16xi32>
      tpu.vector_store_idx %arg5[%get3A_39], %add3A_92 masked %unique3A_65 {add = true} : memref<10240xi32, #tpu.memory_space<vmem>>[vector<16xi32>], vector<16xi32>, vector<16xi1>
      %add3A_93 = vector.broadcast %sub3A_22 : i32 to vector<16xi32>
      %add3A_94 = arith.addi %unique3A_70, %add3A_93 : vector<16xi32>
      tpu.vector_store_idx %arg5[%get3A_42], %add3A_94 masked %unique3A_69 {add = true} : memref<10240xi32, #tpu.memory_space<vmem>>[vector<16xi32>], vector<16xi32>, vector<16xi1>
      %add3A_95 = vector.broadcast %sub3A_22 : i32 to vector<16xi32>
      %add3A_96 = arith.addi %unique3A_74, %add3A_95 : vector<16xi32>
      tpu.vector_store_idx %arg5[%get3A_45], %add3A_96 masked %unique3A_73 {add = true} : memref<10240xi32, #tpu.memory_space<vmem>>[vector<16xi32>], vector<16xi32>, vector<16xi1>
      %add3A_97 = vector.broadcast %sub3A_22 : i32 to vector<16xi32>
      %add3A_98 = arith.addi %unique3A_78, %add3A_97 : vector<16xi32>
      tpu.vector_store_idx %arg5[%get3A_48], %add3A_98 masked %unique3A_77 {add = true} : memref<10240xi32, #tpu.memory_space<vmem>>[vector<16xi32>], vector<16xi32>, vector<16xi1>
      %add3A_99 = vector.broadcast %sub3A_22 : i32 to vector<16xi32>
      %add3A_100 = arith.addi %unique3A_82, %add3A_99 : vector<16xi32>
      tpu.vector_store_idx %arg5[%get3A_51], %add3A_100 masked %unique3A_81 {add = true} : memref<10240xi32, #tpu.memory_space<vmem>>[vector<16xi32>], vector<16xi32>, vector<16xi1>
      %add3A_101 = vector.broadcast %sub3A_22 : i32 to vector<16xi32>
      %add3A_102 = arith.addi %unique3A_86, %add3A_101 : vector<16xi32>
      tpu.vector_store_idx %arg5[%get3A_54], %add3A_102 masked %unique3A_85 {add = true} : memref<10240xi32, #tpu.memory_space<vmem>>[vector<16xi32>], vector<16xi32>, vector<16xi1>
      %scan3A_103 = arith.constant 0 : i32
      scf.yield %scan3A_103 : i32
    }
    %scan3A_29 = arith.constant 80 : i32
    "tpu.region"() ({
      %run_scoped3A = tpu.sem_alloc : memref<!tpu.dma_semaphore, #tpu.memory_space<semaphore_mem>>
      %dma_start3A = arith.constant 0 : i32
      %dma_start3A_30 = tpu.memref_slice %arg3[%add3A, %dma_start3A] : memref<32x10240xi32, #tpu.memory_space<hbm>> -> memref<1x10240xi32, #tpu.memory_space<hbm>>
      %dma_start3A_31 = tpu.memref_squeeze %dma_start3A_30 : memref<1x10240xi32, #tpu.memory_space<hbm>> -> memref<10240xi32, #tpu.memory_space<hbm>>
      %dma_start3A_32 = arith.constant 0 : i32
      %dma_start3A_33 = tpu.memref_slice %arg3[%add3A, %dma_start3A_32] : memref<32x10240xi32, #tpu.memory_space<hbm>> -> memref<1x10240xi32, #tpu.memory_space<hbm>>
      %dma_start3A_34 = tpu.memref_squeeze %dma_start3A_33 : memref<1x10240xi32, #tpu.memory_space<hbm>> -> memref<10240xi32, #tpu.memory_space<hbm>>
      tpu.enqueue_dma source(%arg5 : memref<10240xi32, #tpu.memory_space<vmem>>) target(%dma_start3A_34 : memref<10240xi32, #tpu.memory_space<hbm>>) target_semaphore(%run_scoped3A : memref<!tpu.dma_semaphore, #tpu.memory_space<semaphore_mem>>)
      %dma_wait3A = arith.constant 0 : i32
      %dma_wait3A_35 = tpu.memref_slice %arg3[%add3A, %dma_wait3A] : memref<32x10240xi32, #tpu.memory_space<hbm>> -> memref<1x10240xi32, #tpu.memory_space<hbm>>
      %dma_wait3A_36 = tpu.memref_squeeze %dma_wait3A_35 : memref<1x10240xi32, #tpu.memory_space<hbm>> -> memref<10240xi32, #tpu.memory_space<hbm>>
      %dma_wait3A_37 = arith.constant 0 : i32
      %dma_wait3A_38 = tpu.memref_slice %arg3[%add3A, %dma_wait3A_37] : memref<32x10240xi32, #tpu.memory_space<hbm>> -> memref<1x10240xi32, #tpu.memory_space<hbm>>
      %dma_wait3A_39 = tpu.memref_squeeze %dma_wait3A_38 : memref<1x10240xi32, #tpu.memory_space<hbm>> -> memref<10240xi32, #tpu.memory_space<hbm>>
      tpu.wait_dma2 semaphore(%run_scoped3A : memref<!tpu.dma_semaphore, #tpu.memory_space<semaphore_mem>>) src(%arg5 : memref<10240xi32, #tpu.memory_space<vmem>>) dst(%dma_wait3A_39 : memref<10240xi32, #tpu.memory_space<hbm>>)
      tpu.yield
    }) : () -> ()
    return
  }
}

#map = affine_map<(d0, d1) -> (0)>
module attributes {stable_mosaic.version = 14 : i64} {
  func.func @_edge_body(%arg0: i32, %arg1: i32, %arg2: memref<10240xf32, #tpu.memory_space<hbm>>, %arg3: memref<10240xf32, #tpu.memory_space<hbm>>, %arg4: memref<327680xi32, #tpu.memory_space<hbm>>, %arg5: memref<327680xi32, #tpu.memory_space<hbm>>, %arg6: memref<320000xf32, #tpu.memory_space<hbm>>, %arg7: memref<10240xf32, #tpu.memory_space<vmem>>, %arg8: memref<10240xf32, #tpu.memory_space<vmem>>, %arg9: memref<10000xi32, #tpu.memory_space<vmem>>, %arg10: memref<10000xi32, #tpu.memory_space<vmem>>, %arg11: memref<10000xf32, #tpu.memory_space<vmem>>) attributes {dimension_semantics = [#tpu.dimension_semantics<core_parallel>, #tpu.dimension_semantics<subcore_parallel>], iteration_bounds = array<i64: 2, 16>, scalar_prefetch = 0 : i64, scratch_operands = 5 : i64, tpu.core_type = #tpu.core_type<sc_vector_subcore>, window_params = [{transform_indices = #map}, {transform_indices = #map}, {transform_indices = #map}, {transform_indices = #map}, {transform_indices = #map}]} {
    %mul3A = arith.constant 16 : i32
    %mul3A_0 = arith.muli %arg0, %mul3A : i32
    %add3A = arith.addi %mul3A_0, %arg1 : i32
    "tpu.region"() ({
      %run_scoped3A = tpu.sem_alloc : memref<!tpu.dma_semaphore, #tpu.memory_space<semaphore_mem>>
      tpu.enqueue_dma source(%arg2 : memref<10240xf32, #tpu.memory_space<hbm>>) target(%arg7 : memref<10240xf32, #tpu.memory_space<vmem>>) target_semaphore(%run_scoped3A : memref<!tpu.dma_semaphore, #tpu.memory_space<semaphore_mem>>)
      tpu.wait_dma2 semaphore(%run_scoped3A : memref<!tpu.dma_semaphore, #tpu.memory_space<semaphore_mem>>) src(%arg2 : memref<10240xf32, #tpu.memory_space<hbm>>) dst(%arg7 : memref<10240xf32, #tpu.memory_space<vmem>>)
      tpu.yield
    }) : () -> ()
    "tpu.region"() ({
      %run_scoped3A = tpu.sem_alloc : memref<!tpu.dma_semaphore, #tpu.memory_space<semaphore_mem>>
      tpu.enqueue_dma source(%arg3 : memref<10240xf32, #tpu.memory_space<hbm>>) target(%arg8 : memref<10240xf32, #tpu.memory_space<vmem>>) target_semaphore(%run_scoped3A : memref<!tpu.dma_semaphore, #tpu.memory_space<semaphore_mem>>)
      tpu.wait_dma2 semaphore(%run_scoped3A : memref<!tpu.dma_semaphore, #tpu.memory_space<semaphore_mem>>) src(%arg3 : memref<10240xf32, #tpu.memory_space<hbm>>) dst(%arg8 : memref<10240xf32, #tpu.memory_space<vmem>>)
      tpu.yield
    }) : () -> ()
    %mul3A_1 = arith.constant 10000 : i32
    %mul3A_2 = arith.muli %add3A, %mul3A_1 : i32
    "tpu.region"() ({
      %run_scoped3A = tpu.sem_alloc : memref<!tpu.dma_semaphore, #tpu.memory_space<semaphore_mem>>
      %dma_start3A = tpu.memref_slice %arg4[%mul3A_2] : memref<327680xi32, #tpu.memory_space<hbm>> -> memref<10000xi32, #tpu.memory_space<hbm>>
      %dma_start3A_13 = tpu.memref_slice %arg4[%mul3A_2] : memref<327680xi32, #tpu.memory_space<hbm>> -> memref<10000xi32, #tpu.memory_space<hbm>>
      tpu.enqueue_dma source(%dma_start3A_13 : memref<10000xi32, #tpu.memory_space<hbm>>) target(%arg9 : memref<10000xi32, #tpu.memory_space<vmem>>) target_semaphore(%run_scoped3A : memref<!tpu.dma_semaphore, #tpu.memory_space<semaphore_mem>>)
      %dma_wait3A = tpu.memref_slice %arg4[%mul3A_2] : memref<327680xi32, #tpu.memory_space<hbm>> -> memref<10000xi32, #tpu.memory_space<hbm>>
      %dma_wait3A_14 = tpu.memref_slice %arg4[%mul3A_2] : memref<327680xi32, #tpu.memory_space<hbm>> -> memref<10000xi32, #tpu.memory_space<hbm>>
      tpu.wait_dma2 semaphore(%run_scoped3A : memref<!tpu.dma_semaphore, #tpu.memory_space<semaphore_mem>>) src(%dma_wait3A_14 : memref<10000xi32, #tpu.memory_space<hbm>>) dst(%arg9 : memref<10000xi32, #tpu.memory_space<vmem>>)
      tpu.yield
    }) : () -> ()
    %mul3A_3 = arith.constant 10000 : i32
    %mul3A_4 = arith.muli %add3A, %mul3A_3 : i32
    "tpu.region"() ({
      %run_scoped3A = tpu.sem_alloc : memref<!tpu.dma_semaphore, #tpu.memory_space<semaphore_mem>>
      %dma_start3A = tpu.memref_slice %arg5[%mul3A_4] : memref<327680xi32, #tpu.memory_space<hbm>> -> memref<10000xi32, #tpu.memory_space<hbm>>
      %dma_start3A_13 = tpu.memref_slice %arg5[%mul3A_4] : memref<327680xi32, #tpu.memory_space<hbm>> -> memref<10000xi32, #tpu.memory_space<hbm>>
      tpu.enqueue_dma source(%dma_start3A_13 : memref<10000xi32, #tpu.memory_space<hbm>>) target(%arg10 : memref<10000xi32, #tpu.memory_space<vmem>>) target_semaphore(%run_scoped3A : memref<!tpu.dma_semaphore, #tpu.memory_space<semaphore_mem>>)
      %dma_wait3A = tpu.memref_slice %arg5[%mul3A_4] : memref<327680xi32, #tpu.memory_space<hbm>> -> memref<10000xi32, #tpu.memory_space<hbm>>
      %dma_wait3A_14 = tpu.memref_slice %arg5[%mul3A_4] : memref<327680xi32, #tpu.memory_space<hbm>> -> memref<10000xi32, #tpu.memory_space<hbm>>
      tpu.wait_dma2 semaphore(%run_scoped3A : memref<!tpu.dma_semaphore, #tpu.memory_space<semaphore_mem>>) src(%dma_wait3A_14 : memref<10000xi32, #tpu.memory_space<hbm>>) dst(%arg10 : memref<10000xi32, #tpu.memory_space<vmem>>)
      tpu.yield
    }) : () -> ()
    %scan3A = arith.constant 0 : i32
    %scan3A_5 = arith.constant 0 : i32
    %scan3A_6 = arith.constant 125 : i32
    %scan3A_7 = arith.addi %scan3A_5, %scan3A_6 : i32
    %scan3A_8 = arith.constant 1 : i32
    %scan3A_9 = scf.for %scan3A_13 = %scan3A_5 to %scan3A_7 step %scan3A_8 iter_args(%scan3A_14 = %scan3A) -> (i32)  : i32 {
      %mul3A_15 = arith.constant 80 : i32
      %mul3A_16 = arith.muli %scan3A_13, %mul3A_15 : i32
      %add3A_17 = arith.constant 0 : i32
      %add3A_18 = arith.addi %mul3A_16, %add3A_17 : i32
      %get3A = arith.index_cast %add3A_18 : i32 to index
      %get3A_19 = tpu.vector_load %arg9[%get3A] {strides = array<i32>} : memref<10000xi32, #tpu.memory_space<vmem>>, vector<16xi32>,
      %mul3A_20 = arith.constant 80 : i32
      %mul3A_21 = arith.muli %scan3A_13, %mul3A_20 : i32
      %add3A_22 = arith.constant 0 : i32
      %add3A_23 = arith.addi %mul3A_21, %add3A_22 : i32
      %get3A_24 = arith.index_cast %add3A_23 : i32 to index
      %get3A_25 = tpu.vector_load %arg10[%get3A_24] {strides = array<i32>} : memref<10000xi32, #tpu.memory_space<vmem>>, vector<16xi32>,
      %gather3A = tpu.vector_load_idx %arg7[%get3A_19] : memref<10240xf32, #tpu.memory_space<vmem>>[vector<16xi32>], vector<16xf32>,
      %gather3A_26 = tpu.vector_load_idx %arg8[%get3A_25] : memref<10240xf32, #tpu.memory_space<vmem>>[vector<16xi32>], vector<16xf32>,
      %add3A_27 = arith.addf %gather3A, %gather3A_26 : vector<16xf32>
      %mul3A_28 = arith.constant 80 : i32
      %mul3A_29 = arith.muli %scan3A_13, %mul3A_28 : i32
      %add3A_30 = arith.constant 16 : i32
      %add3A_31 = arith.addi %mul3A_29, %add3A_30 : i32
      %get3A_32 = arith.index_cast %add3A_31 : i32 to index
      %get3A_33 = tpu.vector_load %arg9[%get3A_32] {strides = array<i32>} : memref<10000xi32, #tpu.memory_space<vmem>>, vector<16xi32>,
      %mul3A_34 = arith.constant 80 : i32
      %mul3A_35 = arith.muli %scan3A_13, %mul3A_34 : i32
      %add3A_36 = arith.constant 16 : i32
      %add3A_37 = arith.addi %mul3A_35, %add3A_36 : i32
      %get3A_38 = arith.index_cast %add3A_37 : i32 to index
      %get3A_39 = tpu.vector_load %arg10[%get3A_38] {strides = array<i32>} : memref<10000xi32, #tpu.memory_space<vmem>>, vector<16xi32>,
      %gather3A_40 = tpu.vector_load_idx %arg7[%get3A_33] : memref<10240xf32, #tpu.memory_space<vmem>>[vector<16xi32>], vector<16xf32>,
      %gather3A_41 = tpu.vector_load_idx %arg8[%get3A_39] : memref<10240xf32, #tpu.memory_space<vmem>>[vector<16xi32>], vector<16xf32>,
      %add3A_42 = arith.addf %gather3A_40, %gather3A_41 : vector<16xf32>
      %mul3A_43 = arith.constant 80 : i32
      %mul3A_44 = arith.muli %scan3A_13, %mul3A_43 : i32
      %add3A_45 = arith.constant 32 : i32
      %add3A_46 = arith.addi %mul3A_44, %add3A_45 : i32
      %get3A_47 = arith.index_cast %add3A_46 : i32 to index
      %get3A_48 = tpu.vector_load %arg9[%get3A_47] {strides = array<i32>} : memref<10000xi32, #tpu.memory_space<vmem>>, vector<16xi32>,
      %mul3A_49 = arith.constant 80 : i32
      %mul3A_50 = arith.muli %scan3A_13, %mul3A_49 : i32
      %add3A_51 = arith.constant 32 : i32
      %add3A_52 = arith.addi %mul3A_50, %add3A_51 : i32
      %get3A_53 = arith.index_cast %add3A_52 : i32 to index
      %get3A_54 = tpu.vector_load %arg10[%get3A_53] {strides = array<i32>} : memref<10000xi32, #tpu.memory_space<vmem>>, vector<16xi32>,
      %gather3A_55 = tpu.vector_load_idx %arg7[%get3A_48] : memref<10240xf32, #tpu.memory_space<vmem>>[vector<16xi32>], vector<16xf32>,
      %gather3A_56 = tpu.vector_load_idx %arg8[%get3A_54] : memref<10240xf32, #tpu.memory_space<vmem>>[vector<16xi32>], vector<16xf32>,
      %add3A_57 = arith.addf %gather3A_55, %gather3A_56 : vector<16xf32>
      %mul3A_58 = arith.constant 80 : i32
      %mul3A_59 = arith.muli %scan3A_13, %mul3A_58 : i32
      %add3A_60 = arith.constant 48 : i32
      %add3A_61 = arith.addi %mul3A_59, %add3A_60 : i32
      %get3A_62 = arith.index_cast %add3A_61 : i32 to index
      %get3A_63 = tpu.vector_load %arg9[%get3A_62] {strides = array<i32>} : memref<10000xi32, #tpu.memory_space<vmem>>, vector<16xi32>,
      %mul3A_64 = arith.constant 80 : i32
      %mul3A_65 = arith.muli %scan3A_13, %mul3A_64 : i32
      %add3A_66 = arith.constant 48 : i32
      %add3A_67 = arith.addi %mul3A_65, %add3A_66 : i32
      %get3A_68 = arith.index_cast %add3A_67 : i32 to index
      %get3A_69 = tpu.vector_load %arg10[%get3A_68] {strides = array<i32>} : memref<10000xi32, #tpu.memory_space<vmem>>, vector<16xi32>,
      %gather3A_70 = tpu.vector_load_idx %arg7[%get3A_63] : memref<10240xf32, #tpu.memory_space<vmem>>[vector<16xi32>], vector<16xf32>,
      %gather3A_71 = tpu.vector_load_idx %arg8[%get3A_69] : memref<10240xf32, #tpu.memory_space<vmem>>[vector<16xi32>], vector<16xf32>,
      %add3A_72 = arith.addf %gather3A_70, %gather3A_71 : vector<16xf32>
      %mul3A_73 = arith.constant 80 : i32
      %mul3A_74 = arith.muli %scan3A_13, %mul3A_73 : i32
      %add3A_75 = arith.constant 64 : i32
      %add3A_76 = arith.addi %mul3A_74, %add3A_75 : i32
      %get3A_77 = arith.index_cast %add3A_76 : i32 to index
      %get3A_78 = tpu.vector_load %arg9[%get3A_77] {strides = array<i32>} : memref<10000xi32, #tpu.memory_space<vmem>>, vector<16xi32>,
      %mul3A_79 = arith.constant 80 : i32
      %mul3A_80 = arith.muli %scan3A_13, %mul3A_79 : i32
      %add3A_81 = arith.constant 64 : i32
      %add3A_82 = arith.addi %mul3A_80, %add3A_81 : i32
      %get3A_83 = arith.index_cast %add3A_82 : i32 to index
      %get3A_84 = tpu.vector_load %arg10[%get3A_83] {strides = array<i32>} : memref<10000xi32, #tpu.memory_space<vmem>>, vector<16xi32>,
      %gather3A_85 = tpu.vector_load_idx %arg7[%get3A_78] : memref<10240xf32, #tpu.memory_space<vmem>>[vector<16xi32>], vector<16xf32>,
      %gather3A_86 = tpu.vector_load_idx %arg8[%get3A_84] : memref<10240xf32, #tpu.memory_space<vmem>>[vector<16xi32>], vector<16xf32>,
      %add3A_87 = arith.addf %gather3A_85, %gather3A_86 : vector<16xf32>
      %neg3A = arith.constant 0.000000e+00 : f32
      %neg3A_88 = vector.broadcast %neg3A : f32 to vector<16xf32>
      %neg3A_89 = arith.subf %neg3A_88, %add3A_27 : vector<16xf32>
      %exp3A = math.exp %neg3A_89 : vector<16xf32>
      %neg3A_90 = arith.constant 0.000000e+00 : f32
      %neg3A_91 = vector.broadcast %neg3A_90 : f32 to vector<16xf32>
      %neg3A_92 = arith.subf %neg3A_91, %add3A_42 : vector<16xf32>
      %exp3A_93 = math.exp %neg3A_92 : vector<16xf32>
      %neg3A_94 = arith.constant 0.000000e+00 : f32
      %neg3A_95 = vector.broadcast %neg3A_94 : f32 to vector<16xf32>
      %neg3A_96 = arith.subf %neg3A_95, %add3A_57 : vector<16xf32>
      %exp3A_97 = math.exp %neg3A_96 : vector<16xf32>
      %neg3A_98 = arith.constant 0.000000e+00 : f32
      %neg3A_99 = vector.broadcast %neg3A_98 : f32 to vector<16xf32>
      %neg3A_100 = arith.subf %neg3A_99, %add3A_72 : vector<16xf32>
      %exp3A_101 = math.exp %neg3A_100 : vector<16xf32>
      %neg3A_102 = arith.constant 0.000000e+00 : f32
      %neg3A_103 = vector.broadcast %neg3A_102 : f32 to vector<16xf32>
      %neg3A_104 = arith.subf %neg3A_103, %add3A_87 : vector<16xf32>
      %exp3A_105 = math.exp %neg3A_104 : vector<16xf32>
      %add3A_106 = arith.constant 1.000000e+00 : f32
      %add3A_107 = vector.broadcast %add3A_106 : f32 to vector<16xf32>
      %add3A_108 = arith.addf %add3A_107, %exp3A : vector<16xf32>
      %div3A = arith.constant 1.000000e+00 : f32
      %div3A_109 = vector.broadcast %div3A : f32 to vector<16xf32>
      %div3A_110 = arith.divf %div3A_109, %add3A_108 : vector<16xf32>
      %mul3A_111 = arith.constant 80 : i32
      %mul3A_112 = arith.muli %scan3A_13, %mul3A_111 : i32
      %add3A_113 = arith.constant 0 : i32
      %add3A_114 = arith.addi %mul3A_112, %add3A_113 : i32
      %swap3A = arith.index_cast %add3A_114 : i32 to index
      %swap3A_115 = tpu.vector_load %arg11[%swap3A] {strides = array<i32>} : memref<10000xf32, #tpu.memory_space<vmem>>, vector<16xf32>,
      tpu.vector_store %arg11[%swap3A], %div3A_110 {strides = array<i32>} : memref<10000xf32, #tpu.memory_space<vmem>>, vector<16xf32>,
      %add3A_116 = arith.constant 1.000000e+00 : f32
      %add3A_117 = vector.broadcast %add3A_116 : f32 to vector<16xf32>
      %add3A_118 = arith.addf %add3A_117, %exp3A_93 : vector<16xf32>
      %div3A_119 = arith.constant 1.000000e+00 : f32
      %div3A_120 = vector.broadcast %div3A_119 : f32 to vector<16xf32>
      %div3A_121 = arith.divf %div3A_120, %add3A_118 : vector<16xf32>
      %mul3A_122 = arith.constant 80 : i32
      %mul3A_123 = arith.muli %scan3A_13, %mul3A_122 : i32
      %add3A_124 = arith.constant 16 : i32
      %add3A_125 = arith.addi %mul3A_123, %add3A_124 : i32
      %swap3A_126 = arith.index_cast %add3A_125 : i32 to index
      %swap3A_127 = tpu.vector_load %arg11[%swap3A_126] {strides = array<i32>} : memref<10000xf32, #tpu.memory_space<vmem>>, vector<16xf32>,
      tpu.vector_store %arg11[%swap3A_126], %div3A_121 {strides = array<i32>} : memref<10000xf32, #tpu.memory_space<vmem>>, vector<16xf32>,
      %add3A_128 = arith.constant 1.000000e+00 : f32
      %add3A_129 = vector.broadcast %add3A_128 : f32 to vector<16xf32>
      %add3A_130 = arith.addf %add3A_129, %exp3A_97 : vector<16xf32>
      %div3A_131 = arith.constant 1.000000e+00 : f32
      %div3A_132 = vector.broadcast %div3A_131 : f32 to vector<16xf32>
      %div3A_133 = arith.divf %div3A_132, %add3A_130 : vector<16xf32>
      %mul3A_134 = arith.constant 80 : i32
      %mul3A_135 = arith.muli %scan3A_13, %mul3A_134 : i32
      %add3A_136 = arith.constant 32 : i32
      %add3A_137 = arith.addi %mul3A_135, %add3A_136 : i32
      %swap3A_138 = arith.index_cast %add3A_137 : i32 to index
      %swap3A_139 = tpu.vector_load %arg11[%swap3A_138] {strides = array<i32>} : memref<10000xf32, #tpu.memory_space<vmem>>, vector<16xf32>,
      tpu.vector_store %arg11[%swap3A_138], %div3A_133 {strides = array<i32>} : memref<10000xf32, #tpu.memory_space<vmem>>, vector<16xf32>,
      %add3A_140 = arith.constant 1.000000e+00 : f32
      %add3A_141 = vector.broadcast %add3A_140 : f32 to vector<16xf32>
      %add3A_142 = arith.addf %add3A_141, %exp3A_101 : vector<16xf32>
      %div3A_143 = arith.constant 1.000000e+00 : f32
      %div3A_144 = vector.broadcast %div3A_143 : f32 to vector<16xf32>
      %div3A_145 = arith.divf %div3A_144, %add3A_142 : vector<16xf32>
      %mul3A_146 = arith.constant 80 : i32
      %mul3A_147 = arith.muli %scan3A_13, %mul3A_146 : i32
      %add3A_148 = arith.constant 48 : i32
      %add3A_149 = arith.addi %mul3A_147, %add3A_148 : i32
      %swap3A_150 = arith.index_cast %add3A_149 : i32 to index
      %swap3A_151 = tpu.vector_load %arg11[%swap3A_150] {strides = array<i32>} : memref<10000xf32, #tpu.memory_space<vmem>>, vector<16xf32>,
      tpu.vector_store %arg11[%swap3A_150], %div3A_145 {strides = array<i32>} : memref<10000xf32, #tpu.memory_space<vmem>>, vector<16xf32>,
      %add3A_152 = arith.constant 1.000000e+00 : f32
      %add3A_153 = vector.broadcast %add3A_152 : f32 to vector<16xf32>
      %add3A_154 = arith.addf %add3A_153, %exp3A_105 : vector<16xf32>
      %div3A_155 = arith.constant 1.000000e+00 : f32
      %div3A_156 = vector.broadcast %div3A_155 : f32 to vector<16xf32>
      %div3A_157 = arith.divf %div3A_156, %add3A_154 : vector<16xf32>
      %mul3A_158 = arith.constant 80 : i32
      %mul3A_159 = arith.muli %scan3A_13, %mul3A_158 : i32
      %add3A_160 = arith.constant 64 : i32
      %add3A_161 = arith.addi %mul3A_159, %add3A_160 : i32
      %swap3A_162 = arith.index_cast %add3A_161 : i32 to index
      %swap3A_163 = tpu.vector_load %arg11[%swap3A_162] {strides = array<i32>} : memref<10000xf32, #tpu.memory_space<vmem>>, vector<16xf32>,
      tpu.vector_store %arg11[%swap3A_162], %div3A_157 {strides = array<i32>} : memref<10000xf32, #tpu.memory_space<vmem>>, vector<16xf32>,
      %scan3A_164 = arith.constant 0 : i32
      scf.yield %scan3A_164 : i32
    }
    %scan3A_10 = arith.constant 125 : i32
    %mul3A_11 = arith.constant 10000 : i32
    %mul3A_12 = arith.muli %add3A, %mul3A_11 : i32
    "tpu.region"() ({
      %run_scoped3A = tpu.sem_alloc : memref<!tpu.dma_semaphore, #tpu.memory_space<semaphore_mem>>
      %dma_start3A = tpu.memref_slice %arg6[%mul3A_12] : memref<320000xf32, #tpu.memory_space<hbm>> -> memref<10000xf32, #tpu.memory_space<hbm>>
      %dma_start3A_13 = tpu.memref_slice %arg6[%mul3A_12] : memref<320000xf32, #tpu.memory_space<hbm>> -> memref<10000xf32, #tpu.memory_space<hbm>>
      tpu.enqueue_dma source(%arg11 : memref<10000xf32, #tpu.memory_space<vmem>>) target(%dma_start3A_13 : memref<10000xf32, #tpu.memory_space<hbm>>) target_semaphore(%run_scoped3A : memref<!tpu.dma_semaphore, #tpu.memory_space<semaphore_mem>>)
      %dma_wait3A = tpu.memref_slice %arg6[%mul3A_12] : memref<320000xf32, #tpu.memory_space<hbm>> -> memref<10000xf32, #tpu.memory_space<hbm>>
      %dma_wait3A_14 = tpu.memref_slice %arg6[%mul3A_12] : memref<320000xf32, #tpu.memory_space<hbm>> -> memref<10000xf32, #tpu.memory_space<hbm>>
      tpu.wait_dma2 semaphore(%run_scoped3A : memref<!tpu.dma_semaphore, #tpu.memory_space<semaphore_mem>>) src(%arg11 : memref<10000xf32, #tpu.memory_space<vmem>>) dst(%dma_wait3A_14 : memref<10000xf32, #tpu.memory_space<hbm>>)
      tpu.yield
    }) : () -> ()
    return
  }
}

module attributes {stable_mosaic.version = 14 : i64} {
  func.func @_tc1_body(%arg0: i32, %arg1: memref<1024x128xf32, #tpu.memory_space<vmem>>, %arg2: memref<128x256xf32, #tpu.memory_space<vmem>>, %arg3: memref<256xf32, #tpu.memory_space<vmem>>, %arg4: memref<256x256xf32, #tpu.memory_space<vmem>>, %arg5: memref<32x1024xi32, #tpu.memory_space<vmem>>, %arg6: memref<2x1024x128xf32, #tpu.memory_space<vmem>>) attributes {dimension_semantics = [#tpu.dimension_semantics<arbitrary>], iteration_bounds = array<i64: 10>, scalar_prefetch = 0 : i64, scratch_operands = 0 : i64, tpu.core_type = #tpu.core_type<tc>, window_params = [{transform_indices = @transform_0, window_bounds = array<i64: 1024, 128>}, {pipeline_mode = #tpu.pipeline_mode<synchronous>, transform_indices = @transform_1, window_bounds = array<i64: 128, 256>}, {pipeline_mode = #tpu.pipeline_mode<synchronous>, transform_indices = @transform_2, window_bounds = array<i64: 256>}, {pipeline_mode = #tpu.pipeline_mode<synchronous>, transform_indices = @transform_3, window_bounds = array<i64: 256, 256>}, {transform_indices = @transform_4, window_bounds = array<i64: 32, 1024>}, {transform_indices = @transform_5, window_bounds = array<i64: 2, 1024, 128>}]} {
    %get3A = arith.constant 0 : index
    %get3A_0 = arith.constant 0 : index
    %get3A_1 = vector.load %arg1[%get3A, %get3A_0] : memref<1024x128xf32, #tpu.memory_space<vmem>>, vector<1024x128xf32>
    %get3A_2 = arith.constant 0 : index
    %get3A_3 = arith.constant 0 : index
    %get3A_4 = vector.load %arg2[%get3A_2, %get3A_3] : memref<128x256xf32, #tpu.memory_space<vmem>>, vector<128x256xf32>
    %dot_general3A = arith.constant dense<0.000000e+00> : vector<1024x256xf32>
    %dot_general3A_5 = tpu.matmul %get3A_1, %get3A_4, %dot_general3A {dimension_numbers = #tpu.dot_dimension_numbers<[1], [0], [0], [1], [0, 0, 1, 1], [], []>, transpose_lhs_hint = false} : vector<1024x128xf32>, vector<128x256xf32>, vector<1024x256xf32> -> vector<1024x256xf32>
    %get3A_6 = arith.constant 0 : index
    %get3A_7 = vector.load %arg3[%get3A_6] : memref<256xf32, #tpu.memory_space<vmem>>, vector<256xf32>
    %broadcast_in_dim3A = vector.shape_cast %get3A_7 : vector<256xf32> to vector<1x256xf32>
    %add3A = vector.broadcast %broadcast_in_dim3A : vector<1x256xf32> to vector<1024x256xf32>
    %add3A_8 = arith.addf %dot_general3A_5, %add3A : vector<1024x256xf32>
    %max3A = arith.constant 0.000000e+00 : f32
    %max3A_9 = vector.broadcast %max3A : f32 to vector<1024x256xf32>
    %max3A_10 = arith.maximumf %add3A_8, %max3A_9 : vector<1024x256xf32>
    %get3A_11 = arith.constant 0 : index
    %get3A_12 = arith.constant 0 : index
    %get3A_13 = vector.load %arg4[%get3A_11, %get3A_12] : memref<256x256xf32, #tpu.memory_space<vmem>>, vector<256x256xf32>
    %dot_general3A_14 = arith.constant dense<0.000000e+00> : vector<1024x256xf32>
    %dot_general3A_15 = tpu.matmul %max3A_10, %get3A_13, %dot_general3A_14 {dimension_numbers = #tpu.dot_dimension_numbers<[1], [0], [0], [1], [0, 0, 1, 1], [], []>, transpose_lhs_hint = false} : vector<1024x256xf32>, vector<256x256xf32>, vector<1024x256xf32> -> vector<1024x256xf32>
    %get3A_16 = arith.constant 0 : index
    %get3A_17 = arith.constant 0 : index
    %get3A_18 = vector.load %arg5[%get3A_16, %get3A_17] : memref<32x1024xi32, #tpu.memory_space<vmem>>, vector<32x1024xi32>
    %reduce_sum3A = arith.constant dense<0> : vector<1024xi32>
    %reduce_sum3A_19 = vector.multi_reduction <add>, %get3A_18, %reduce_sum3A [0] : vector<32x1024xi32> to vector<1024xi32>
    %convert_element_type3A = arith.sitofp %reduce_sum3A_19 : vector<1024xi32> to vector<1024xf32>
    %broadcast_in_dim3A_20 = vector.shape_cast %convert_element_type3A : vector<1024xf32> to vector<1024x1xf32>
    %add3A_21 = arith.constant 1.000000e+00 : f32
    %add3A_22 = vector.broadcast %add3A_21 : f32 to vector<1024x1xf32>
    %add3A_23 = arith.addf %broadcast_in_dim3A_20, %add3A_22 : vector<1024x1xf32>
    %mul3A = arith.constant 1024 : i32
    %mul3A_24 = arith.muli %arg0, %mul3A : i32
    %iota3A = tpu.iota {dimensions = array<i32: 0>} : vector<1024x1xi32>
    %add3A_25 = vector.broadcast %mul3A_24 : i32 to vector<1024x1xi32>
    %add3A_26 = arith.addi %add3A_25, %iota3A : vector<1024x1xi32>
    %lt3A = arith.constant 10000 : i32
    %lt3A_27 = vector.broadcast %lt3A : i32 to vector<1024x1xi32>
    %lt3A_28 = arith.cmpi slt, %add3A_26, %lt3A_27 : vector<1024x1xi32>
    %rsqrt3A = math.rsqrt %add3A_23 : vector<1024x1xf32>
    %jit3A = arith.constant 0.000000e+00 : f32
    %broadcast_in_dim3A_29 = vector.broadcast %jit3A : f32 to vector<1024x1xf32>
    %select_n3A = arith.select %lt3A_28, %rsqrt3A, %broadcast_in_dim3A_29 : vector<1024x1xi1>, vector<1024x1xf32>
    %mul3A_30 = vector.broadcast %select_n3A : vector<1024x1xf32> to vector<1024x256xf32>
    %mul3A_31 = arith.mulf %mul3A_30, %dot_general3A_15 : vector<1024x256xf32>
    %slice3A = vector.extract_strided_slice %mul3A_31 {offsets = [0, 0], sizes = [1024, 128], strides = [1, 1]} : vector<1024x256xf32> to vector<1024x128xf32>
    %swap3A = arith.constant 0 : index
    %swap3A_32 = arith.constant 0 : index
    %swap3A_33 = arith.constant 0 : index
    %swap3A_34 = vector.load %arg6[%swap3A, %swap3A_32, %swap3A_33] : memref<2x1024x128xf32, #tpu.memory_space<vmem>>, vector<1x1024x128xf32>
    %swap3A_35 = vector.shape_cast %swap3A_34 : vector<1x1024x128xf32> to vector<1024x128xf32>
    %swap3A_36 = vector.shape_cast %slice3A : vector<1024x128xf32> to vector<1x1024x128xf32>
    tpu.vector_store %arg6[%swap3A, %swap3A_32, %swap3A_33], %swap3A_36 {strides = array<i32>} : memref<2x1024x128xf32, #tpu.memory_space<vmem>>, vector<1x1024x128xf32>,
    %slice3A_37 = vector.extract_strided_slice %mul3A_31 {offsets = [0, 128], sizes = [1024, 128], strides = [1, 1]} : vector<1024x256xf32> to vector<1024x128xf32>
    %swap3A_38 = arith.constant 1 : index
    %swap3A_39 = arith.constant 0 : index
    %swap3A_40 = arith.constant 0 : index
    %swap3A_41 = vector.load %arg6[%swap3A_38, %swap3A_39, %swap3A_40] : memref<2x1024x128xf32, #tpu.memory_space<vmem>>, vector<1x1024x128xf32>
    %swap3A_42 = vector.shape_cast %swap3A_41 : vector<1x1024x128xf32> to vector<1024x128xf32>
    %swap3A_43 = vector.shape_cast %slice3A_37 : vector<1024x128xf32> to vector<1x1024x128xf32>
    tpu.vector_store %arg6[%swap3A_38, %swap3A_39, %swap3A_40], %swap3A_43 {strides = array<i32>} : memref<2x1024x128xf32, #tpu.memory_space<vmem>>, vector<1x1024x128xf32>,
    return
  }
  func.func @transform_0(%arg0: i32) -> (i32, i32) {
    %c0_i32 = arith.constant 0 : i32
    %c0_i32_0 = arith.constant 0 : i32
    return %arg0, %c0_i32 : i32, i32
  }
  func.func @transform_1(%arg0: i32) -> (i32, i32) {
    %c0_i32 = arith.constant 0 : i32
    %c0_i32_0 = arith.constant 0 : i32
    %c0_i32_1 = arith.constant 0 : i32
    return %c0_i32, %c0_i32_0 : i32, i32
  }
  func.func @transform_2(%arg0: i32) -> i32 {
    %c0_i32 = arith.constant 0 : i32
    %c0_i32_0 = arith.constant 0 : i32
    return %c0_i32 : i32
  }
  func.func @transform_3(%arg0: i32) -> (i32, i32) {
    %c0_i32 = arith.constant 0 : i32
    %c0_i32_0 = arith.constant 0 : i32
    %c0_i32_1 = arith.constant 0 : i32
    return %c0_i32, %c0_i32_0 : i32, i32
  }
  func.func @transform_4(%arg0: i32) -> (i32, i32) {
    %c0_i32 = arith.constant 0 : i32
    %c0_i32_0 = arith.constant 0 : i32
    return %c0_i32, %arg0 : i32, i32
  }
  func.func @transform_5(%arg0: i32) -> (i32, i32, i32) {
    %c0_i32 = arith.constant 0 : i32
    %c0_i32_0 = arith.constant 0 : i32
    %c0_i32_1 = arith.constant 0 : i32
    return %c0_i32, %arg0, %c0_i32_0 : i32, i32, i32
  }
}

module attributes {stable_mosaic.version = 14 : i64} {
  func.func @_tc2_body(%arg0: i32, %arg1: memref<2x1024x128xf32, #tpu.memory_space<vmem>>, %arg2: memref<2x1024x128xf32, #tpu.memory_space<vmem>>, %arg3: memref<32x1024xi32, #tpu.memory_space<vmem>>, %arg4: memref<256xf32, #tpu.memory_space<vmem>>, %arg5: memref<256x128xf32, #tpu.memory_space<vmem>>, %arg6: memref<1024x128xf32, #tpu.memory_space<vmem>>) attributes {dimension_semantics = [#tpu.dimension_semantics<arbitrary>], iteration_bounds = array<i64: 10>, scalar_prefetch = 0 : i64, scratch_operands = 0 : i64, tpu.core_type = #tpu.core_type<tc>, window_params = [{transform_indices = @transform_0, window_bounds = array<i64: 2, 1024, 128>}, {transform_indices = @transform_1, window_bounds = array<i64: 2, 1024, 128>}, {transform_indices = @transform_2, window_bounds = array<i64: 32, 1024>}, {pipeline_mode = #tpu.pipeline_mode<synchronous>, transform_indices = @transform_3, window_bounds = array<i64: 256>}, {pipeline_mode = #tpu.pipeline_mode<synchronous>, transform_indices = @transform_4, window_bounds = array<i64: 256, 128>}, {transform_indices = @transform_5, window_bounds = array<i64: 1024, 128>}]} {
    %get3A = arith.constant 0 : index
    %get3A_0 = arith.constant 0 : index
    %get3A_1 = vector.load %arg3[%get3A, %get3A_0] : memref<32x1024xi32, #tpu.memory_space<vmem>>, vector<32x1024xi32>
    %reduce_sum3A = arith.constant dense<0> : vector<1024xi32>
    %reduce_sum3A_2 = vector.multi_reduction <add>, %get3A_1, %reduce_sum3A [0] : vector<32x1024xi32> to vector<1024xi32>
    %convert_element_type3A = arith.sitofp %reduce_sum3A_2 : vector<1024xi32> to vector<1024xf32>
    %broadcast_in_dim3A = vector.shape_cast %convert_element_type3A : vector<1024xf32> to vector<1024x1xf32>
    %add3A = arith.constant 1.000000e+00 : f32
    %add3A_3 = vector.broadcast %add3A : f32 to vector<1024x1xf32>
    %add3A_4 = arith.addf %broadcast_in_dim3A, %add3A_3 : vector<1024x1xf32>
    %mul3A = arith.constant 1024 : i32
    %mul3A_5 = arith.muli %arg0, %mul3A : i32
    %iota3A = tpu.iota {dimensions = array<i32: 0>} : vector<1024x1xi32>
    %add3A_6 = vector.broadcast %mul3A_5 : i32 to vector<1024x1xi32>
    %add3A_7 = arith.addi %add3A_6, %iota3A : vector<1024x1xi32>
    %lt3A = arith.constant 10000 : i32
    %lt3A_8 = vector.broadcast %lt3A : i32 to vector<1024x1xi32>
    %lt3A_9 = arith.cmpi slt, %add3A_7, %lt3A_8 : vector<1024x1xi32>
    %rsqrt3A = math.rsqrt %add3A_4 : vector<1024x1xf32>
    %jit3A = arith.constant 0.000000e+00 : f32
    %broadcast_in_dim3A_10 = vector.broadcast %jit3A : f32 to vector<1024x1xf32>
    %select_n3A = arith.select %lt3A_9, %rsqrt3A, %broadcast_in_dim3A_10 : vector<1024x1xi1>, vector<1024x1xf32>
    %get3A_11 = arith.constant 0 : index
    %get3A_12 = arith.constant 0 : index
    %get3A_13 = arith.constant 0 : index
    %get3A_14 = vector.load %arg1[%get3A_11, %get3A_12, %get3A_13] : memref<2x1024x128xf32, #tpu.memory_space<vmem>>, vector<2x1024x128xf32>
    %get3A_15 = arith.constant 0 : index
    %get3A_16 = arith.constant 0 : index
    %get3A_17 = arith.constant 0 : index
    %get3A_18 = vector.load %arg2[%get3A_15, %get3A_16, %get3A_17] : memref<2x1024x128xf32, #tpu.memory_space<vmem>>, vector<2x1024x128xf32>
    %add3A_19 = arith.addf %get3A_14, %get3A_18 : vector<2x1024x128xf32>
    %slice3A = vector.extract_strided_slice %add3A_19 {offsets = [0, 0, 0], sizes = [1, 1024, 128], strides = [1, 1, 1]} : vector<2x1024x128xf32> to vector<1x1024x128xf32>
    %squeeze3A = vector.shape_cast %slice3A : vector<1x1024x128xf32> to vector<1024x128xf32>
    %slice3A_20 = vector.extract_strided_slice %add3A_19 {offsets = [1, 0, 0], sizes = [1, 1024, 128], strides = [1, 1, 1]} : vector<2x1024x128xf32> to vector<1x1024x128xf32>
    %squeeze3A_21 = vector.shape_cast %slice3A_20 : vector<1x1024x128xf32> to vector<1024x128xf32>
    %concatenate3A = tpu.concatenate %squeeze3A, %squeeze3A_21 in 1 : vector<1024x128xf32>, vector<1024x128xf32> -> vector<1024x256xf32>
    %mul3A_22 = vector.broadcast %select_n3A : vector<1024x1xf32> to vector<1024x256xf32>
    %mul3A_23 = arith.mulf %mul3A_22, %concatenate3A : vector<1024x256xf32>
    %get3A_24 = arith.constant 0 : index
    %get3A_25 = vector.load %arg4[%get3A_24] : memref<256xf32, #tpu.memory_space<vmem>>, vector<256xf32>
    %broadcast_in_dim3A_26 = vector.shape_cast %get3A_25 : vector<256xf32> to vector<1x256xf32>
    %add3A_27 = vector.broadcast %broadcast_in_dim3A_26 : vector<1x256xf32> to vector<1024x256xf32>
    %add3A_28 = arith.addf %mul3A_23, %add3A_27 : vector<1024x256xf32>
    %max3A = arith.constant 0.000000e+00 : f32
    %max3A_29 = vector.broadcast %max3A : f32 to vector<1024x256xf32>
    %max3A_30 = arith.maximumf %add3A_28, %max3A_29 : vector<1024x256xf32>
    %get3A_31 = arith.constant 0 : index
    %get3A_32 = arith.constant 0 : index
    %get3A_33 = vector.load %arg5[%get3A_31, %get3A_32] : memref<256x128xf32, #tpu.memory_space<vmem>>, vector<256x128xf32>
    %dot_general3A = arith.constant dense<0.000000e+00> : vector<1024x128xf32>
    %dot_general3A_34 = tpu.matmul %max3A_30, %get3A_33, %dot_general3A {dimension_numbers = #tpu.dot_dimension_numbers<[1], [0], [0], [1], [0, 0, 1, 1], [], []>, transpose_lhs_hint = false} : vector<1024x256xf32>, vector<256x128xf32>, vector<1024x128xf32> -> vector<1024x128xf32>
    %mul3A_35 = vector.broadcast %select_n3A : vector<1024x1xf32> to vector<1024x128xf32>
    %mul3A_36 = arith.mulf %mul3A_35, %dot_general3A_34 : vector<1024x128xf32>
    %swap3A = arith.constant 0 : index
    %swap3A_37 = arith.constant 0 : index
    %swap3A_38 = vector.load %arg6[%swap3A, %swap3A_37] : memref<1024x128xf32, #tpu.memory_space<vmem>>, vector<1024x128xf32>
    tpu.vector_store %arg6[%swap3A, %swap3A_37], %mul3A_36 {strides = array<i32>} : memref<1024x128xf32, #tpu.memory_space<vmem>>, vector<1024x128xf32>,
    return
  }
  func.func @transform_0(%arg0: i32) -> (i32, i32, i32) {
    %c0_i32 = arith.constant 0 : i32
    %c0_i32_0 = arith.constant 0 : i32
    %c0_i32_1 = arith.constant 0 : i32
    return %c0_i32, %arg0, %c0_i32_0 : i32, i32, i32
  }
  func.func @transform_1(%arg0: i32) -> (i32, i32, i32) {
    %c0_i32 = arith.constant 0 : i32
    %c0_i32_0 = arith.constant 0 : i32
    %c0_i32_1 = arith.constant 0 : i32
    return %c0_i32, %arg0, %c0_i32_0 : i32, i32, i32
  }
  func.func @transform_2(%arg0: i32) -> (i32, i32) {
    %c0_i32 = arith.constant 0 : i32
    %c0_i32_0 = arith.constant 0 : i32
    return %c0_i32, %arg0 : i32, i32
  }
  func.func @transform_3(%arg0: i32) -> i32 {
    %c0_i32 = arith.constant 0 : i32
    %c0_i32_0 = arith.constant 0 : i32
    return %c0_i32 : i32
  }
  func.func @transform_4(%arg0: i32) -> (i32, i32) {
    %c0_i32 = arith.constant 0 : i32
    %c0_i32_0 = arith.constant 0 : i32
    %c0_i32_1 = arith.constant 0 : i32
    return %c0_i32, %c0_i32_0 : i32, i32
  }
  func.func @transform_5(%arg0: i32) -> (i32, i32) {
    %c0_i32 = arith.constant 0 : i32
    %c0_i32_0 = arith.constant 0 : i32
    return %arg0, %c0_i32 : i32, i32
  }
}

module attributes {stable_mosaic.version = 14 : i64} {
  func.func @_tc3_body(%arg0: i32, %arg1: memref<2x1024x128xf32, #tpu.memory_space<vmem>>, %arg2: memref<1024x128xf32, #tpu.memory_space<vmem>>, %arg3: memref<32x1024xi32, #tpu.memory_space<vmem>>, %arg4: memref<128xf32, #tpu.memory_space<vmem>>, %arg5: memref<256x1xf32, #tpu.memory_space<vmem>>, %arg6: memref<1xf32, #tpu.memory_space<vmem>>, %arg7: memref<128x1xf32, #tpu.memory_space<vmem>>, %arg8: memref<1xf32, #tpu.memory_space<vmem>>, %arg9: memref<2x1024x1xf32, #tpu.memory_space<vmem>>, %arg10: memref<1024x1xf32, #tpu.memory_space<vmem>>) attributes {dimension_semantics = [#tpu.dimension_semantics<arbitrary>], iteration_bounds = array<i64: 10>, scalar_prefetch = 0 : i64, scratch_operands = 0 : i64, tpu.core_type = #tpu.core_type<tc>, window_params = [{transform_indices = @transform_0, window_bounds = array<i64: 2, 1024, 128>}, {transform_indices = @transform_1, window_bounds = array<i64: 1024, 128>}, {transform_indices = @transform_2, window_bounds = array<i64: 32, 1024>}, {pipeline_mode = #tpu.pipeline_mode<synchronous>, transform_indices = @transform_3, window_bounds = array<i64: 128>}, {pipeline_mode = #tpu.pipeline_mode<synchronous>, transform_indices = @transform_4, window_bounds = array<i64: 256, 1>}, {pipeline_mode = #tpu.pipeline_mode<synchronous>, transform_indices = @transform_5, window_bounds = array<i64: 1>}, {pipeline_mode = #tpu.pipeline_mode<synchronous>, transform_indices = @transform_6, window_bounds = array<i64: 128, 1>}, {pipeline_mode = #tpu.pipeline_mode<synchronous>, transform_indices = @transform_7, window_bounds = array<i64: 1>}, {transform_indices = @transform_8, window_bounds = array<i64: 2, 1024, 1>}, {transform_indices = @transform_9, window_bounds = array<i64: 1024, 1>}]} {
    %get3A = arith.constant 0 : index
    %get3A_0 = arith.constant 0 : index
    %get3A_1 = vector.load %arg3[%get3A, %get3A_0] : memref<32x1024xi32, #tpu.memory_space<vmem>>, vector<32x1024xi32>
    %reduce_sum3A = arith.constant dense<0> : vector<1024xi32>
    %reduce_sum3A_2 = vector.multi_reduction <add>, %get3A_1, %reduce_sum3A [0] : vector<32x1024xi32> to vector<1024xi32>
    %convert_element_type3A = arith.sitofp %reduce_sum3A_2 : vector<1024xi32> to vector<1024xf32>
    %broadcast_in_dim3A = vector.shape_cast %convert_element_type3A : vector<1024xf32> to vector<1024x1xf32>
    %add3A = arith.constant 1.000000e+00 : f32
    %add3A_3 = vector.broadcast %add3A : f32 to vector<1024x1xf32>
    %add3A_4 = arith.addf %broadcast_in_dim3A, %add3A_3 : vector<1024x1xf32>
    %mul3A = arith.constant 1024 : i32
    %mul3A_5 = arith.muli %arg0, %mul3A : i32
    %iota3A = tpu.iota {dimensions = array<i32: 0>} : vector<1024x1xi32>
    %add3A_6 = vector.broadcast %mul3A_5 : i32 to vector<1024x1xi32>
    %add3A_7 = arith.addi %add3A_6, %iota3A : vector<1024x1xi32>
    %lt3A = arith.constant 10000 : i32
    %lt3A_8 = vector.broadcast %lt3A : i32 to vector<1024x1xi32>
    %lt3A_9 = arith.cmpi slt, %add3A_7, %lt3A_8 : vector<1024x1xi32>
    %rsqrt3A = math.rsqrt %add3A_4 : vector<1024x1xf32>
    %jit3A = arith.constant 0.000000e+00 : f32
    %broadcast_in_dim3A_10 = vector.broadcast %jit3A : f32 to vector<1024x1xf32>
    %select_n3A = arith.select %lt3A_9, %rsqrt3A, %broadcast_in_dim3A_10 : vector<1024x1xi1>, vector<1024x1xf32>
    %get3A_11 = arith.constant 0 : index
    %get3A_12 = arith.constant 0 : index
    %get3A_13 = arith.constant 0 : index
    %get3A_14 = vector.load %arg1[%get3A_11, %get3A_12, %get3A_13] : memref<2x1024x128xf32, #tpu.memory_space<vmem>>, vector<1x1024x128xf32>
    %get3A_15 = vector.shape_cast %get3A_14 : vector<1x1024x128xf32> to vector<1024x128xf32>
    %get3A_16 = arith.constant 1 : index
    %get3A_17 = arith.constant 0 : index
    %get3A_18 = arith.constant 0 : index
    %get3A_19 = vector.load %arg1[%get3A_16, %get3A_17, %get3A_18] : memref<2x1024x128xf32, #tpu.memory_space<vmem>>, vector<1x1024x128xf32>
    %get3A_20 = vector.shape_cast %get3A_19 : vector<1x1024x128xf32> to vector<1024x128xf32>
    %add3A_21 = arith.addf %get3A_15, %get3A_20 : vector<1024x128xf32>
    %get3A_22 = arith.constant 0 : index
    %get3A_23 = arith.constant 0 : index
    %get3A_24 = vector.load %arg2[%get3A_22, %get3A_23] : memref<1024x128xf32, #tpu.memory_space<vmem>>, vector<1024x128xf32>
    %add3A_25 = arith.addf %add3A_21, %get3A_24 : vector<1024x128xf32>
    %mul3A_26 = vector.broadcast %select_n3A : vector<1024x1xf32> to vector<1024x128xf32>
    %mul3A_27 = arith.mulf %mul3A_26, %add3A_25 : vector<1024x128xf32>
    %get3A_28 = arith.constant 0 : index
    %get3A_29 = vector.load %arg4[%get3A_28] : memref<128xf32, #tpu.memory_space<vmem>>, vector<128xf32>
    %broadcast_in_dim3A_30 = vector.shape_cast %get3A_29 : vector<128xf32> to vector<1x128xf32>
    %add3A_31 = vector.broadcast %broadcast_in_dim3A_30 : vector<1x128xf32> to vector<1024x128xf32>
    %add3A_32 = arith.addf %mul3A_27, %add3A_31 : vector<1024x128xf32>
    %max3A = arith.constant 0.000000e+00 : f32
    %max3A_33 = vector.broadcast %max3A : f32 to vector<1024x128xf32>
    %max3A_34 = arith.maximumf %add3A_32, %max3A_33 : vector<1024x128xf32>
    %get3A_35 = arith.constant 0 : index
    %get3A_36 = arith.constant 0 : index
    %get3A_37 = vector.load %arg5[%get3A_35, %get3A_36] : memref<256x1xf32, #tpu.memory_space<vmem>>, vector<128x1xf32>
    %dot_general3A = arith.constant dense<0.000000e+00> : vector<1024x1xf32>
    %dot_general3A_38 = tpu.matmul %max3A_34, %get3A_37, %dot_general3A {dimension_numbers = #tpu.dot_dimension_numbers<[1], [0], [0], [1], [0, 0, 1, 1], [], []>, transpose_lhs_hint = false} : vector<1024x128xf32>, vector<128x1xf32>, vector<1024x1xf32> -> vector<1024x1xf32>
    %get3A_39 = arith.constant 0 : index
    %get3A_40 = vector.load %arg6[%get3A_39] : memref<1xf32, #tpu.memory_space<vmem>>, vector<1xf32>
    %broadcast_in_dim3A_41 = vector.shape_cast %get3A_40 : vector<1xf32> to vector<1x1xf32>
    %add3A_42 = vector.broadcast %broadcast_in_dim3A_41 : vector<1x1xf32> to vector<1024x1xf32>
    %add3A_43 = arith.addf %dot_general3A_38, %add3A_42 : vector<1024x1xf32>
    %get3A_44 = arith.constant 128 : index
    %get3A_45 = arith.constant 0 : index
    %get3A_46 = vector.load %arg5[%get3A_44, %get3A_45] : memref<256x1xf32, #tpu.memory_space<vmem>>, vector<128x1xf32>
    %dot_general3A_47 = arith.constant dense<0.000000e+00> : vector<1024x1xf32>
    %dot_general3A_48 = tpu.matmul %max3A_34, %get3A_46, %dot_general3A_47 {dimension_numbers = #tpu.dot_dimension_numbers<[1], [0], [0], [1], [0, 0, 1, 1], [], []>, transpose_lhs_hint = false} : vector<1024x128xf32>, vector<128x1xf32>, vector<1024x1xf32> -> vector<1024x1xf32>
    %get3A_49 = arith.constant 0 : index
    %get3A_50 = arith.constant 0 : index
    %get3A_51 = vector.load %arg7[%get3A_49, %get3A_50] : memref<128x1xf32, #tpu.memory_space<vmem>>, vector<128x1xf32>
    %dot_general3A_52 = arith.constant dense<0.000000e+00> : vector<1024x1xf32>
    %dot_general3A_53 = tpu.matmul %max3A_34, %get3A_51, %dot_general3A_52 {dimension_numbers = #tpu.dot_dimension_numbers<[1], [0], [0], [1], [0, 0, 1, 1], [], []>, transpose_lhs_hint = false} : vector<1024x128xf32>, vector<128x1xf32>, vector<1024x1xf32> -> vector<1024x1xf32>
    %get3A_54 = arith.constant 0 : index
    %get3A_55 = vector.load %arg8[%get3A_54] : memref<1xf32, #tpu.memory_space<vmem>>, vector<1xf32>
    %broadcast_in_dim3A_56 = vector.shape_cast %get3A_55 : vector<1xf32> to vector<1x1xf32>
    %add3A_57 = vector.broadcast %broadcast_in_dim3A_56 : vector<1x1xf32> to vector<1024x1xf32>
    %add3A_58 = arith.addf %dot_general3A_53, %add3A_57 : vector<1024x1xf32>
    %logistic3A = arith.negf %add3A_58 : vector<1024x1xf32>
    %logistic3A_59 = math.exp %logistic3A : vector<1024x1xf32>
    %logistic3A_60 = arith.constant 1.000000e+00 : f32
    %logistic3A_61 = vector.broadcast %logistic3A_60 : f32 to vector<1024x1xf32>
    %logistic3A_62 = arith.addf %logistic3A_61, %logistic3A_59 : vector<1024x1xf32>
    %logistic3A_63 = arith.divf %logistic3A_61, %logistic3A_62 : vector<1024x1xf32>
    %mul3A_64 = arith.constant 2.000000e-01 : f32
    %mul3A_65 = vector.broadcast %mul3A_64 : f32 to vector<1024x1xf32>
    %mul3A_66 = arith.mulf %mul3A_65, %logistic3A_63 : vector<1024x1xf32>
    %add3A_67 = arith.constant 0.899999976 : f32
    %add3A_68 = vector.broadcast %add3A_67 : f32 to vector<1024x1xf32>
    %add3A_69 = arith.addf %add3A_68, %mul3A_66 : vector<1024x1xf32>
    %swap3A = arith.constant 0 : index
    %swap3A_70 = arith.constant 0 : index
    %swap3A_71 = arith.constant 0 : index
    %swap3A_72 = vector.load %arg9[%swap3A, %swap3A_70, %swap3A_71] : memref<2x1024x1xf32, #tpu.memory_space<vmem>>, vector<1x1024x1xf32>
    %swap3A_73 = vector.shape_cast %swap3A_72 : vector<1x1024x1xf32> to vector<1024x1xf32>
    %swap3A_74 = vector.shape_cast %add3A_43 : vector<1024x1xf32> to vector<1x1024x1xf32>
    tpu.vector_store %arg9[%swap3A, %swap3A_70, %swap3A_71], %swap3A_74 {strides = array<i32>} : memref<2x1024x1xf32, #tpu.memory_space<vmem>>, vector<1x1024x1xf32>,
    %swap3A_75 = arith.constant 1 : index
    %swap3A_76 = arith.constant 0 : index
    %swap3A_77 = arith.constant 0 : index
    %swap3A_78 = vector.load %arg9[%swap3A_75, %swap3A_76, %swap3A_77] : memref<2x1024x1xf32, #tpu.memory_space<vmem>>, vector<1x1024x1xf32>
    %swap3A_79 = vector.shape_cast %swap3A_78 : vector<1x1024x1xf32> to vector<1024x1xf32>
    %swap3A_80 = vector.shape_cast %dot_general3A_48 : vector<1024x1xf32> to vector<1x1024x1xf32>
    tpu.vector_store %arg9[%swap3A_75, %swap3A_76, %swap3A_77], %swap3A_80 {strides = array<i32>} : memref<2x1024x1xf32, #tpu.memory_space<vmem>>, vector<1x1024x1xf32>,
    %mul3A_81 = arith.mulf %add3A_69, %add3A_69 : vector<1024x1xf32>
    %swap3A_82 = arith.constant 0 : index
    %swap3A_83 = arith.constant 0 : index
    %swap3A_84 = vector.load %arg10[%swap3A_82, %swap3A_83] : memref<1024x1xf32, #tpu.memory_space<vmem>>, vector<1024x1xf32>
    tpu.vector_store %arg10[%swap3A_82, %swap3A_83], %mul3A_81 {strides = array<i32>} : memref<1024x1xf32, #tpu.memory_space<vmem>>, vector<1024x1xf32>,
    return
  }
  func.func @transform_0(%arg0: i32) -> (i32, i32, i32) {
    %c0_i32 = arith.constant 0 : i32
    %c0_i32_0 = arith.constant 0 : i32
    %c0_i32_1 = arith.constant 0 : i32
    return %c0_i32, %arg0, %c0_i32_0 : i32, i32, i32
  }
  func.func @transform_1(%arg0: i32) -> (i32, i32) {
    %c0_i32 = arith.constant 0 : i32
    %c0_i32_0 = arith.constant 0 : i32
    return %arg0, %c0_i32 : i32, i32
  }
  func.func @transform_2(%arg0: i32) -> (i32, i32) {
    %c0_i32 = arith.constant 0 : i32
    %c0_i32_0 = arith.constant 0 : i32
    return %c0_i32, %arg0 : i32, i32
  }
  func.func @transform_3(%arg0: i32) -> i32 {
    %c0_i32 = arith.constant 0 : i32
    %c0_i32_0 = arith.constant 0 : i32
    return %c0_i32 : i32
  }
  func.func @transform_4(%arg0: i32) -> (i32, i32) {
    %c0_i32 = arith.constant 0 : i32
    %c0_i32_0 = arith.constant 0 : i32
    %c0_i32_1 = arith.constant 0 : i32
    return %c0_i32, %c0_i32_0 : i32, i32
  }
  func.func @transform_5(%arg0: i32) -> i32 {
    %c0_i32 = arith.constant 0 : i32
    %c0_i32_0 = arith.constant 0 : i32
    return %c0_i32 : i32
  }
  func.func @transform_6(%arg0: i32) -> (i32, i32) {
    %c0_i32 = arith.constant 0 : i32
    %c0_i32_0 = arith.constant 0 : i32
    %c0_i32_1 = arith.constant 0 : i32
    return %c0_i32, %c0_i32_0 : i32, i32
  }
  func.func @transform_7(%arg0: i32) -> i32 {
    %c0_i32 = arith.constant 0 : i32
    %c0_i32_0 = arith.constant 0 : i32
    return %c0_i32 : i32
  }
  func.func @transform_8(%arg0: i32) -> (i32, i32, i32) {
    %c0_i32 = arith.constant 0 : i32
    %c0_i32_0 = arith.constant 0 : i32
    %c0_i32_1 = arith.constant 0 : i32
    return %c0_i32, %arg0, %c0_i32_0 : i32, i32, i32
  }
  func.func @transform_9(%arg0: i32) -> (i32, i32) {
    %c0_i32 = arith.constant 0 : i32
    %c0_i32_0 = arith.constant 0 : i32
    return %arg0, %c0_i32 : i32, i32
  }
}

</mosaic_0001>

<sc_bundles>
// kernel: kernel.12.cloned.1.call-start
scs
__scs_entry_jumppad:
0x0: {  	(pc) =	sbr.rel $0x88, $3  }
0x1: {  	(tag) =	ssettag $0x0;
	lr =	simm.s32 $0x1  }
0x2: {  	[smem:$0x3F95] =	sst lr;
	_ =	strace $0xD0000000  }
0x3: {  	_ = 	snop  }
0x4: {  	_ = 	snop  }
0x5: {  	_ = 	snop  }
0x6: {  	_ = 	snop  }
0x7: {  	_ = 	snop  }
__scs_overlays_trampoline_lowered:
0x8: {  	[smem:$0x3FA4] =	sst s0  }
0x9: {  	[smem:$0x3FA5] =	sst s1  }
0xa: {  	[smem:$0x3FA6] =	sst s2  }
0xb: {  	[smem:$0x3FA7] =	sst s3  }
0xc: {  	[smem:$0x3FA8] =	sst s4  }
0xd: {  	[smem:$0x3FA9] =	sst s5  }
0xe: {  	[smem:$0x3FAA] =	sst s6  }
0xf: {  	[smem:$0x3FAB] =	sst s7  }
0x10: {  	[smem:$0x3FAC] =	sst s8  }
0x11: {  	[smem:$0x3FAD] =	sst s9;
	s0 =	simm.s32 @!p0 $0x0  }
0x12: {  	s1 =	sld [smem:$0x3F93];
	s0 =	simm.s32 @p0 $0x1  }
0x13: {  	[smem:$0x3FAE] =	sst s0;
	s0 =	simm.s32 @!p1 $0x0  }
0x14: {  	s2 =	sld [smem:$0x3F92];
	s0 =	simm.s32 @p1 $0x1  }
0x15: {  	[smem:$0x3FAF] =	sst s0;
	s0 =	simm.s32 @!p2 $0x0  }
0x16: {  	s3 =	sld [smem:$0x3FDB];
	s0 =	simm.s32 @p2 $0x1  }
0x17: {  	s4 =	simm.s32 $0x1BF5;
	[smem:$0x3FB1] =	sst s0  }
0x18: {  	s0 =	sld [smem:$0x3F94];
	_ =	swait.ge [sflag:s4], $0x0  }
0x19: {  	s7 =	sld [smem:$0x3F95]  }
0x1a: {  	s8 =	sadd.s32 $0xFFFFE003, lr  }
0x1b: {  	s9 =	sadd.s32 $0xFFFFFEF7, lr;
	s5 =	simm.s32 $0xFFFFFFFF;
	p2 =	slt.u32 s8, $0xFFFFF086  }
0x1c: {  	p1 =	slt.u32 s9, $0xF7A;
	s5 =	simm.s32 @!p2 $0x0  }
0x1d: {  	s5 =	simm.s32 @p1 $0x1;
	p0 =	seq.s32 s7, s2  }
0x1e: {  	s7 =	smul.u32 @!p0 $0xF7A, s2;
	p2 =	seq.s32 @!p0 s5, $0x0  }
0x1f: {  	s9 =	smul.u32 $0xF7A, s1;
	s8 =	simm.s32 @!p0 $0x1BF5;
	p2 =	por !p2, p0  }
0x20: {  	[sflag:s8] =	ssyncset.s32 @!p0 $0xFFFFF086;
	s6 =	sadd.s32 @!p0 s3, s7;
	s7 =	simm.s32 @!p0 $0x108  }
0x21: {  	s3 =	sadd.s32 s3, s9;
	s6 =	sadd.s32 @!p0 $0x88, s6;
	s7 =	simm.s32 @p2 $0x1082  }
0x22: {  	[simem:s7], [sflag:s8] =	dma.local @!p0 [hbm:s6], $0xF7A  }
0x23: {  	s9 =	sor.u32 $0xD0000000, s2;
	s6 =	simm.s32 $0x108;
	_ =	swait.ge @!p0 [sflag:s8], $0x0  }
0x24: {  	s3 =	sadd.s32 $0x88, s3;
	s6 =	simm.s32 @!p1 $0x1082;
	[sflag:s4] =	ssyncset.s32 $0xFFFFF086  }
0x25: {  	[simem:s6], [sflag:s4] =	dma.local [hbm:s3], $0xF7A  }
0x26: {  	[smem:$0x3F95] =	sst s1;
	(tag) =	ssettag s2;
	_ =	strace s9  }
0x27: {  	s1 =	sld [smem:$0x3FA5]  }
0x28: {  	s2 =	sld [smem:$0x3FA6]  }
0x29: {  	s4 =	sld [smem:$0x3FA8]  }
0x2a: {  	p0 =	seq.s32 s5, $0x0;
	s5 =	sld [smem:$0x3FA9]  }
0x2b: {  	s6 =	sld [smem:$0x3FAA]  }
0x2c: {  	s7 =	sld [smem:$0x3FAB]  }
0x2d: {  	s3 =	simm.s32 $0x108;
	s8 =	sld [smem:$0x3FAC]  }
0x2e: {  	s3 =	simm.s32 @!p0 $0x1082;
	s9 =	sld [smem:$0x3FAD]  }
0x2f: {  	lr =	sadd.s32 s0, s3;
	s0 =	sld [smem:$0x3FA4]  }
0x30: {  	s3 =	sld [smem:$0x3FA7]  }
0x31: {  	[smem:$0x3FB0] =	sst s10  }
0x32: {  	s10 =	sld [smem:$0x3FAE];
	_ =	sdelay $0x3  }
0x33: {  	p0 =	seq.s32 s10, $0x1;
	s10 =	sld [smem:$0x3FB0];
	_ =	sdelay $0x3  }
0x34: {  	[smem:$0x3FB0] =	sst s10  }
0x35: {  	s10 =	sld [smem:$0x3FAF];
	_ =	sdelay $0x3  }
0x36: {  	p1 =	seq.s32 s10, $0x1;
	s10 =	sld [smem:$0x3FB0];
	_ =	sdelay $0x3  }
0x37: {  	[smem:$0x3FB0] =	sst s10  }
0x38: {  	s10 =	sld [smem:$0x3FB1]  }
0x39: {  	_ = 	snop;
	(pc) =	sbr.ind lr, $3  }
0x3a: {  	_ = 	snop  }
0x3b: {  	_ = 	snop  }
0x3c: {  	p2 =	seq.s32 s10, $0x1;
	s10 =	sld [smem:$0x3FB0]  }
0x3d: {  	_ =	shalt  }
0x3e: {  	_ =	shalt  }
0x3f: {  	_ =	shalt  }
0x40: {  	_ =	shalt  }
0x41: {  	_ =	shalt  }
0x42: {  	_ =	shalt  }
0x43: {  	_ =	shalt  }
0x44: {  	_ =	shalt  }
0x45: {  	_ =	shalt  }
0x46: {  	_ =	shalt  }
0x47: {  	_ =	shalt  }
0x48: {  	_ =	shalt  }
0x49: {  	_ =	shalt  }
0x4a: {  	_ =	shalt  }
0x4b: {  	_ =	shalt  }
0x4c: {  	_ =	shalt  }
0x4d: {  	_ =	shalt  }
0x4e: {  	_ =	shalt  }
0x4f: {  	_ =	shalt  }
0x50: {  	_ =	shalt  }
0x51: {  	_ =	shalt  }
0x52: {  	_ =	shalt  }
0x53: {  	_ =	shalt  }
0x54: {  	_ =	shalt  }
0x55: {  	_ =	shalt  }
0x56: {  	_ =	shalt  }
0x57: {  	_ =	shalt  }
0x58: {  	_ =	shalt  }
0x59: {  	_ =	shalt  }
0x5a: {  	_ =	shalt  }
0x5b: {  	_ =	shalt  }
0x5c: {  	_ =	shalt  }
0x5d: {  	_ =	shalt  }
0x5e: {  	_ =	shalt  }
0x5f: {  	_ =	shalt  }
0x60: {  	_ =	shalt  }
0x61: {  	_ =	shalt  }
0x62: {  	_ =	shalt  }
0x63: {  	_ =	shalt  }
0x64: {  	_ =	shalt  }
0x65: {  	_ =	shalt  }
0x66: {  	_ =	shalt  }
0x67: {  	_ =	shalt  }
0x68: {  	_ =	shalt  }
0x69: {  	_ =	shalt  }
0x6a: {  	_ =	shalt  }
0x6b: {  	_ =	shalt  }
0x6c: {  	_ =	shalt  }
0x6d: {  	_ =	shalt  }
0x6e: {  	_ =	shalt  }
0x6f: {  	_ =	shalt  }
0x70: {  	_ =	shalt  }
0x71: {  	_ =	shalt  }
0x72: {  	_ =	shalt  }
0x73: {  	_ =	shalt  }
0x74: {  	_ =	shalt  }
0x75: {  	_ =	shalt  }
0x76: {  	_ =	shalt  }
0x77: {  	_ =	shalt  }
0x78: {  	_ =	shalt  }
0x79: {  	_ =	shalt  }
0x7a: {  	_ =	shalt  }
0x7b: {  	_ =	shalt  }
0x7c: {  	_ =	shalt  }
0x7d: {  	_ =	shalt  }
0x7e: {  	_ =	shalt  }
0x7f: {  	_ =	shalt  }
0x80: {  	_ =	shalt  }
0x81: {  	_ =	shalt  }
0x82: {  	_ =	shalt  }
0x83: {  	_ =	shalt  }
0x84: {  	_ =	shalt  }
0x85: {  	_ =	shalt  }
0x86: {  	_ =	shalt  }
0x87: {  	_ =	shalt  }
.Lfunc_end0:
.L_simem_size_0:
called_computation.1_lowered:
.L_overlay_start_0:
0x88: {  	s2 =	sld [smem:$0x3FD9]  }
0x89: {  	s3 =	sld [smem:$0x3FFE];
	_ =	sdelay $0x1  }
0x8a: {  	s1 =	srdreg.scid  }
0x8b: {  	s0 =	sand.u32 $0x1, s1  }
0x8c: {  	s16 =	sshll.u32 s0, $0xA;
	s2 =	sadd.s32 s3, s2  }
0x8d: {  	s2 =	sadd.s32 s2, s16  }
0x8e: {  	[smem:$0x3FBC] =	sst s2  }
0x8f: {  	_ = 	snop  }
0x90: {  	(tm) =	ssettm $0x1  }
0x91: {  	s17 =	sld [smem:$0x3FFB];
	_ =	sdelay $0x3  }
0x92: {  	_ =	strace s17  }
0x93: {  	s2 =	sld [smem:$0x3FFC];
	_ =	sdelay $0x3  }
0x94: {  	_ =	strace s2  }
0x95: {  	s2 =	sld [smem:$0x3FFD];
	_ =	sdelay $0x3  }
0x96: {  	_ =	strace s2  }
0x97: {  	_ =	strace $0x8FFFFFFF  }
0x98: {  	s18 =	sld [smem:$0x3FDB];
	_ =	sdelay $0x1  }
0x99: {  	s19 =	simm.s32 $_scs_section_size  }
0x9a: {  	s4 =	simm.s32 $_size__tile_overlayer_lowered;
	s5 =	simm.s32 $_tile_overlayer_lowered  }
0x9b: {  	s22 =	simm.s32 $0x1BFF;
	s21 =	sshll.u32 s5, $0x1;
	s2 =	sadd.s32 s19, s18  }
0x9c: {  	s6 =	simm.s32 $0x0;
	s20 =	sshll.u32 s4, $0x1;
	s4 =	sadd.s32 s21, s2  }
0x9d: {  	[timem:s6], [sflag:s22] =	dma.local [hbm:s4], s20  }
0x9e: {  	_ =	swait.ge [sflag:s22], s20  }
0x9f: {  	s3 =	ssub.s32 $0x0, s20;
	[sflag:s22] =	ssyncset.done $0x0  }
0xa0: {  	[sflag:s22] =	ssyncadd.s32 s3;
	_ =	sdelay $0x1  }
0xa1: {  	s23 =	simm.s32 $0x1B8B  }
0xa2: {  	_ =	swait.ge [sflag:s23], $0x1  }
0xa3: {  	[sflag:s23] =	ssyncset.done $0x0  }
0xa4: {  	s25 =	simm.s32 $0x1B8E;
	s24 =	sld [smem:$0x3FFE];
	[sflag:s23] =	ssyncadd.s32 $0xFFFFFFFF  }
0xa5: {  	s26 =	simm.s32 $execute0_lowered;
	[smem:$0x3FD2] =	sst s25  }
0xa6: {  	s4 =	sshll.u32 s26, $0x1;
	_ =	strace $0x80000049;
	[dreg:$0x1] =	wrdreg $0xFFFFFFFF  }
0xa7: {  	s28 =	simm.s32 $_size_execute0_lowered;
	s2 =	sadd.s32 s2, s4;
	[dreg:$0x0] =	wrdreg $0x0  }
0xa8: {  	s4 =	sshll.u32 s28, $0x1;
	[dreg:$0x2] =	wrdreg s2  }
0xa9: {  	[dreg:$0x3] =	wrdreg s4  }
0xaa: {  	[dreg:$0x4] =	wrdreg $0xC0  }
0xab: {  	_ =	task [dreg:s6], $0x5FFFF  }
0xac: {  	[dreg:$0x1] =	wrdreg $0xFFFFFFFF  }
0xad: {  	[dreg:$0x0] =	wrdreg $0x60  }
0xae: {  	[dreg:$0x2] =	wrdreg s24  }
0xaf: {  	[dreg:$0x3] =	wrdreg $0x90000  }
0xb0: {  	[dreg:$0x4] =	wrdreg $0x9  }
0xb1: {  	_ =	task.clear_ibuf [dreg:s6], $0x5FFFF;
	_ =	strace $0x90000049  }
0xb2: {  	s29 =	simm.s32 $0x9;
	_ =	strace $0x8000004B  }
0xb3: {  	_ =	swait.ge [sflag:s29], $0x1  }
0xb4: {  	[sflag:s29] =	ssyncadd.s32 $0xFFFFFFFF  }
0xb5: {  	_ =	strace $0x9000004B  }
0xb6: {  	_ =	sfence  }
0xb7: {  	s30 =	sld [smem:$0x0];
	_ =	sdelay $0x2  }
0xb8: {  	s31 =	sshll.u32 s1, $0xD;
	s1 =	sshrl.u32 s1, $0x2  }
0xb9: {  	s3 =	sand.u32 $0x4000, s31;
	s1 =	sadd.s32 s1, s30  }
0xba: {  	s0 =	sor.u32 s3, s0;
	s1 =	sshll.u32 s1, $0x11  }
0xbb: {  	s0 =	sor.u32 s1, s0  }
0xbc: {  	s0 =	sadd.s32 $0x8F2B, s0  }
0xbd: {  	[sflag:s0] =	ssyncadd.remote.s32 $0x1  }
0xbe: {  	_ =	sfence.sel $0xFFFF  }
0xbf: {  	[dreg:$0x0] =	wrdreg $0xFFFFFFFF;
	(pc) =	sbr.abs _section_cstart, $3  }
0xc0: {  	[dreg:$0x1] =	wrdreg $0xFFFFFFFF  }
0xc1: {  	_ =	task.clear_ibuf [dreg:s6], $0x2FFFF;
	_ =	strace $0x9FFFFFFF  }
0xc2: {  	(tm) =	ssettm $0x7FFFFFFF  }
0xc3: {  	_ =	shalt  }
tec
execute0_lowered:
.L_overlay_start_1:
0x0: {  	(tag) =	ssettag $0x1  }
0x1: {  	s0 =	rddreg [dreg:$0x0]  }
0x2: {  	s2 =	rddreg [dreg:$0x1];
	s12 =	stileid.u32  }
0x3: {  	s3 =	srdreg.scid;
	s4 =	simm.s32 $0x0;
	s1 =	smul.u32 $0x1400, s12  }
0x4: {  	s28 =	simm.s32 $0x40;
	s29 =	simm.s32 $0x1000;
	s5 =	smul.u32 $0x2800, s12  }
0x5: {  	s31 =	simm.s32 $0x3000;
	s30 =	simm.s32 $0xD80;
	s10 =	smul.u32 $0x140, s12  }
0x6: {  	s3 =	sand.u32 $0x1, s3;
	[smem:$0x7FF] =	sst s4;
	s26 =	smul.u32 $0x50000, s12  }
0x7: {  	s8 =	sadd.s32 $0x48400, s0;
	s4 =	sadd.s32 $0x70400, s0;
	s6 =	smul.u32 $0x28000, s3  }
0x8: {  	_ =	strace $0x8000004A;
	s7 =	smul.u32 $0x1400, s3;
	s25 =	ssub.s32 $0x2, s3  }
0x9: {  	s3 =	smul.u32 $0x14000, s3;
	s9 =	sadd.s32 s1, s0;
	s11 =	sshrl.u32 s25, $0x1  }
0xa: {  	s15 =	sshrl.u32 s26, $0x2;
	s5 =	sadd.s32 s5, s6;
	s7 =	sadd.s32 s10, s7  }
0xb: {  	s12 =	ssub.s32 s25, s11;
	s6 =	sadd.s32 $0x20400, s9;
	s9 =	sadd.s32 $0x20480, s9  }
0xc: {  	s13 =	sshll.u32 s7, $0x4;
	[dreg:$0x5] =	wrdreg s9;
	s26 =	smax.u32 s12, $0x1  }
0xd: {  	s0 =	sadd.s32 s5, s0;
	s14 =	sadd.s32 s8, s13;
	[dreg:$0x11] =	wrdreg s26  }
0xe: {  	s25 =	sadd.s32 s3, s8;
	s0 =	sadd.s32 $0xC0400, s0;
	[dreg:$0x3] =	wrdreg s14  }
0xf: {  	s10 =	simm.s32 $0x1;
	s16 =	sadd.s32 $0x80, s14;
	[dreg:$0x10] =	wrdreg s0  }
0x10: {  	s3 =	simm.s32 $0x680;
	[dreg:$0x4] =	wrdreg s16;
	s16 =	sadd.s32 s15, s2  }
0x11: {  	s11 =	simm.s32 $0xE00;
	s7 =	sadd.s32 $0x2000, s16;
	[dreg:$0x6] =	wrdreg s16  }
0x12: {  	s12 =	simm.s32 $0x2;
	s17 =	sadd.s32 $0x4000, s16;
	[dreg:$0x7] =	wrdreg s7  }
0x13: {  	s9 =	simm.s32 $0x7;
	s18 =	sadd.s32 $0x6000, s16;
	[dreg:$0x8] =	wrdreg s17  }
0x14: {  	s26 =	simm.s32 $0xF80;
	s19 =	sadd.s32 $0x8000, s16;
	[dreg:$0x9] =	wrdreg s18  }
0x15: {  	s8 =	simm.s32 $0x0;
	s20 =	sadd.s32 $0xA000, s16;
	[dreg:$0xa] =	wrdreg s19  }
0x16: {  	s14 =	simm.s32 $0x5;
	s21 =	sadd.s32 $0xC000, s16;
	[dreg:$0xb] =	wrdreg s20  }
0x17: {  	s0 =	simm.s32 $0x8;
	s22 =	sadd.s32 $0xE000, s16;
	[dreg:$0xc] =	wrdreg s21  }
0x18: {  	s15 =	simm.s32 $0x3;
	s23 =	sadd.s32 $0x10000, s16;
	[dreg:$0xd] =	wrdreg s22  }
.Ltmp0:
0x19: {  	s24 =	sadd.s32 $0x12000, s16;
	[dreg:$0xe] =	wrdreg s23;
	(pc) =	sbr.rel .LBB2_1-.Ltmp0, $4  }
0x1a: {  	[dreg:$0xf] =	wrdreg s24;
	s21 =	sadd.s32 s1, s25;
	s23 =	simm.s32 $0x9  }
0x1b: {  	s24 =	simm.s32 $0xA;
	s1 =	simm.s32 $0x5000;
	s7 =	simm.s32 $0x7000  }
0x1c: {  	s18 =	simm.s32 $0xB;
	s17 =	simm.s32 $0x6;
	s19 =	simm.s32 $0x4  }
0x1d: {  	v0 =	vimm.f32 $0.0e+00;
	s20 =	simm.s32 $0xD00;
	s22 =	simm.s32 $0x700;
	s25 =	simm.s32 $0xF00  }
.LBB2_6:
0x1e: {  	_ =	swait.ge [sflag:s19], $0x2000  }
0x1f: {  	[sflag:s19] =	ssyncset.done $0x0  }
0x20: {  	[sflag:s19] =	ssyncadd.s32 $0xFFFFE000  }
0x21: {  	[spmem:s2] =	stream.indirect.scatter.add.f32 [tilespmem:s7], [sflag:$0x8], $0x80, s26, s28, $0xb8;
	[tilespmem:$0x1D000] =	vst v63  }
0x22: {  	_ =	swait.ge [sflag:s9], $0x2000  }
0x23: {  	[sflag:s9] =	ssyncset.done $0x0  }
0x24: {  	[sflag:s9] =	ssyncadd.s32 $0xFFFFE000  }
0x25: {  	_ =	swait.ge [sflag:s0], $0x2000  }
0x26: {  	[sflag:s0] =	ssyncset.done $0x0  }
0x27: {  	[sflag:s0] =	ssyncadd.s32 $0xFFFFE000  }
0x28: {  	s5 =	stileid.u32;
	[bflag:$0x0] =	sbarrier.arrive $0xFFFF  }
0x29: {  	s18 =	simm.s32 $0xB;
	s5 =	sshll.u32 s5, $0x6;
	s16 =	rddreg [dreg:$0x6]  }
0x2a: {  	s5 =	sor.u32 $0x1C0B, s5;
	s13 =	rddreg [dreg:$0x10];
	s8 =	sshrl.u32 s16, $0x3  }
0x2b: {  	[hbm:s13], [sflag:s5] =	dma.local [spmem:s8], $0x2800  }
0x2c: {  	_ =	swait.ge [sflag:s18], $0x2800  }
0x2d: {  	s5 =	rddreg [dreg:$0x12]  }
0x2e: {  	s13 =	rddreg [dreg:$0x11];
	s8 =	sadd.s32 $0x1, s5  }
0x2f: {  	p0 =	sne.s32 s8, s13  }
.Ltmp1:
0x30: {  	_ = 	snop;
	(pc) =	sbr.rel @!p0 .LBB2_7-.Ltmp1, $3  }
0x31: {  	_ =	sdelay $0x1  }
0x32: {  	[sflag:s18] =	ssyncset.done $0x0  }
0x33: {  	[sflag:s18] =	ssyncadd.s32 $0xFFFFD800  }
.LBB2_1:
0x34: {  	s5 =	simm.s32 $0x0;
	s13 =	rddreg [dreg:$0x3]  }
0x35: {  	[tilespmem:s5], [sflag:$0x9] =	stream.linear.gather [hbm4b:s13+s5], $0x400, $0x38;
	[tilespmem:$0x1D000] =	vst v63  }
0x36: {  	[dreg:$0x12] =	wrdreg s8;
	s13 =	simm.s32 $0x800  }
0x37: {  	[tilespmem:s13], [sflag:$0xA] =	stream.linear.gather [hbm4b:s6+s5], $0x400, $0x38;
	[tilespmem:$0x1D000] =	vst v63  }
0x38: {  	_ =	swait.ge [sflag:s23], $0x400  }
0x39: {  	[sflag:s23] =	ssyncset.done $0x0  }
0x3a: {  	[sflag:s23] =	ssyncadd.s32 $0xFFFFFC00  }
0x3b: {  	_ =	swait.ge [sflag:s24], $0x400  }
0x3c: {  	[sflag:s24] =	ssyncset.done $0x0  }
0x3d: {  	s13 =	simm.s32 $0x400;
	s8 =	rddreg [dreg:$0x4];
	[sflag:s24] =	ssyncadd.s32 $0xFFFFFC00  }
0x3e: {  	[tilespmem:s13], [sflag:$0x9] =	stream.linear.gather [hbm4b:s8+s5], $0x400, $0x38;
	[tilespmem:$0x1D000] =	vst v63  }
0x3f: {  	s8 =	rddreg [dreg:$0x5];
	s13 =	simm.s32 $0xC00  }
0x40: {  	[tilespmem:s13], [sflag:$0xA] =	stream.linear.gather [hbm4b:s8+s5], $0x400, $0x38;
	[tilespmem:$0x1D000] =	vst v63  }
0x41: {  	_ = 	snop  }
0x42: {  	[tilespmem:s29], [sflag:$0x1] =	stream.indirect.gather [hbm4b:s4+s28], $0x80, s5, s28, $0xb8;
	[tilespmem:$0x1D000] =	vst v63  }
0x43: {  	s8 =	simm.s32 $0x80  }
0x44: {  	[tilespmem:s31], [sflag:$0x2] =	stream.indirect.gather [hbm4b:s4+s28], $0x80, s8, s28, $0xb8;
	[tilespmem:$0x1D000] =	vst v63  }
0x45: {  	s13 =	simm.s32 $0x100  }
0x46: {  	[tilespmem:s1], [sflag:$0x3] =	stream.indirect.gather [hbm4b:s4+s28], $0x80, s13, s28, $0xb8;
	[tilespmem:$0x1D000] =	vst v63  }
0x47: {  	s5 =	simm.s32 $0x0;
	s13 =	simm.s32 $0x200  }
.LBB2_2:
0x48: {  	p0 =	sne.s32 s13, $0x7E00;
	[tilespmem:s5+$0x7070] =	vst v0  }
0x49: {  	[tilespmem:s5+$0x7000] =	vst v0  }
0x4a: {  	[tilespmem:s5+$0x7010] =	vst v0  }
.Ltmp2:
0x4b: {  	[tilespmem:s5+$0x7020] =	vst v0;
	(pc) =	sbr.rel @p0 .LBB2_2-.Ltmp2, $4  }
0x4c: {  	[tilespmem:s5+$0x7030] =	vst v0  }
0x4d: {  	[tilespmem:s5+$0x7040] =	vst v0  }
0x4e: {  	[tilespmem:s5+$0x7050] =	vst v0  }
0x4f: {  	[tilespmem:s5+$0x7060] =	vst v0;
	s5 =	sshra.s32 s13, $0x2;
	s13 =	sadd.s32 $0x200, s13  }
0x50: {  	[tilespmem:s5+$0x7070] =	vst v0  }
0x51: {  	[tilespmem:s5+$0x7000] =	vst v0  }
0x52: {  	[tilespmem:s5+$0x7010] =	vst v0  }
0x53: {  	[tilespmem:s5+$0x7020] =	vst v0  }
0x54: {  	[tilespmem:s5+$0x7030] =	vst v0  }
0x55: {  	[tilespmem:s5+$0x7040] =	vst v0  }
0x56: {  	[tilespmem:s5+$0x7050] =	vst v0  }
0x57: {  	[tilespmem:s5+$0x7060] =	vst v0  }
0x58: {  	[spmem:s16] =	stream.linear.scatter [tilespmem:s7], [sflag:$0xB], $0x2000, $0x38;
	[tilespmem:$0x1D000] =	vst v63  }
0x59: {  	_ =	swait.ge [sflag:s18], $0x2000  }
0x5a: {  	[sflag:s18] =	ssyncset.done $0x0  }
0x5b: {  	s8 =	rddreg [dreg:$0x7];
	[sflag:s18] =	ssyncadd.s32 $0xFFFFE000  }
0x5c: {  	[spmem:s8] =	stream.linear.scatter [tilespmem:s7], [sflag:$0xB], $0x2000, $0x38;
	[tilespmem:$0x1D000] =	vst v63  }
0x5d: {  	_ =	swait.ge [sflag:s18], $0x2000  }
0x5e: {  	[sflag:s18] =	ssyncset.done $0x0  }
0x5f: {  	s13 =	rddreg [dreg:$0x8];
	[sflag:s18] =	ssyncadd.s32 $0xFFFFE000  }
0x60: {  	[spmem:s13] =	stream.linear.scatter [tilespmem:s7], [sflag:$0xB], $0x2000, $0x38;
	[tilespmem:$0x1D000] =	vst v63  }
0x61: {  	_ =	swait.ge [sflag:s18], $0x2000  }
0x62: {  	[sflag:s18] =	ssyncset.done $0x0  }
0x63: {  	s16 =	rddreg [dreg:$0x9];
	[sflag:s18] =	ssyncadd.s32 $0xFFFFE000  }
0x64: {  	[spmem:s16] =	stream.linear.scatter [tilespmem:s7], [sflag:$0xB], $0x2000, $0x38;
	[tilespmem:$0x1D000] =	vst v63  }
0x65: {  	_ =	swait.ge [sflag:s18], $0x2000  }
0x66: {  	[sflag:s18] =	ssyncset.done $0x0  }
0x67: {  	s8 =	rddreg [dreg:$0xa];
	[sflag:s18] =	ssyncadd.s32 $0xFFFFE000  }
0x68: {  	[spmem:s8] =	stream.linear.scatter [tilespmem:s7], [sflag:$0xB], $0x2000, $0x38;
	[tilespmem:$0x1D000] =	vst v63  }
0x69: {  	_ =	swait.ge [sflag:s18], $0x2000  }
0x6a: {  	[sflag:s18] =	ssyncset.done $0x0  }
0x6b: {  	s13 =	rddreg [dreg:$0xb];
	[sflag:s18] =	ssyncadd.s32 $0xFFFFE000  }
0x6c: {  	[spmem:s13] =	stream.linear.scatter [tilespmem:s7], [sflag:$0xB], $0x2000, $0x38;
	[tilespmem:$0x1D000] =	vst v63  }
0x6d: {  	_ =	swait.ge [sflag:s18], $0x2000  }
0x6e: {  	[sflag:s18] =	ssyncset.done $0x0  }
0x6f: {  	s16 =	rddreg [dreg:$0xc];
	[sflag:s18] =	ssyncadd.s32 $0xFFFFE000  }
0x70: {  	[spmem:s16] =	stream.linear.scatter [tilespmem:s7], [sflag:$0xB], $0x2000, $0x38;
	[tilespmem:$0x1D000] =	vst v63  }
0x71: {  	_ =	swait.ge [sflag:s18], $0x2000  }
0x72: {  	[sflag:s18] =	ssyncset.done $0x0  }
0x73: {  	s8 =	rddreg [dreg:$0xd];
	[sflag:s18] =	ssyncadd.s32 $0xFFFFE000  }
0x74: {  	[spmem:s8] =	stream.linear.scatter [tilespmem:s7], [sflag:$0xB], $0x2000, $0x38;
	[tilespmem:$0x1D000] =	vst v63  }
0x75: {  	_ =	swait.ge [sflag:s18], $0x2000  }
0x76: {  	[sflag:s18] =	ssyncset.done $0x0  }
0x77: {  	s13 =	rddreg [dreg:$0xe];
	[sflag:s18] =	ssyncadd.s32 $0xFFFFE000  }
0x78: {  	[spmem:s13] =	stream.linear.scatter [tilespmem:s7], [sflag:$0xB], $0x2000, $0x38;
	[tilespmem:$0x1D000] =	vst v63  }
0x79: {  	_ =	swait.ge [sflag:s18], $0x2000  }
0x7a: {  	[sflag:s18] =	ssyncset.done $0x0  }
0x7b: {  	s16 =	rddreg [dreg:$0xf];
	[sflag:s18] =	ssyncadd.s32 $0xFFFFE000  }
0x7c: {  	[spmem:s16] =	stream.linear.scatter [tilespmem:s7], [sflag:$0xB], $0x2000, $0x38;
	[tilespmem:$0x1D000] =	vst v63  }
0x7d: {  	_ =	swait.ge [sflag:s18], $0x2000  }
0x7e: {  	[sflag:s18] =	ssyncset.done $0x0  }
0x7f: {  	[sflag:s18] =	ssyncadd.s32 $0xFFFFE000  }
0x80: {  	s13 =	simm.s32 $0x0;
	[bflag:$0x0] =	sbarrier.arrive $0xFFFF  }
.LBB2_4:
0x81: {  	_ =	swait.ge [sflag:s10], $0x2000  }
0x82: {  	[sflag:s10] =	ssyncset.done $0x0  }
0x83: {  	s5 =	simm.s32 $0x800;
	p0 =	seq.s32 s13, $0x0;
	[sflag:s10] =	ssyncadd.s32 $0xFFFFE000  }
0x84: {  	[spmem:s2] =	stream.indirect.scatter.add.f32 [tilespmem:s29], [sflag:$0x5], $0x80, s5, s28, $0xb8;
	[tilespmem:$0x1D000] =	vst v63  }
0x85: {  	s5 =	simm.s32 @!p0 $0x8  }
0x86: {  	_ =	swait.ge @!p0 [sflag:s5], $0x2000  }
0x87: {  	[sflag:s5] =	ssyncset.done @!p0 $0x0  }
0x88: {  	[sflag:s5] =	ssyncadd.s32 @!p0 $0xFFFFE000;
	s5 =	sadd.s32 @!p0 s13, s21  }
0x89: {  	s16 =	simm.s32 @!p0 $0x0;
	s18 =	simm.s32 @!p0 $0x400;
	s5 =	sadd.s32 @!p0 $0x80, s5  }
0x8a: {  	[tilespmem:s18], [sflag:$0x9] =	stream.linear.gather @!p0 [hbm4b:s5+s16], $0x400, $0x38;
	[tilespmem:$0x1D000] =	vst v63  }
0x8b: {  	s5 =	sadd.s32 @!p0 s13, s6  }
0x8c: {  	s18 =	simm.s32 @!p0 $0xC00;
	s5 =	sadd.s32 @!p0 $0x80, s5  }
0x8d: {  	[tilespmem:s18], [sflag:$0xA] =	stream.linear.gather @!p0 [hbm4b:s5+s16], $0x400, $0x38;
	[tilespmem:$0x1D000] =	vst v63  }
0x8e: {  	s8 =	simm.s32 $0x180  }
0x8f: {  	[tilespmem:s7], [sflag:$0x4] =	stream.indirect.gather [hbm4b:s4+s28], $0x80, s8, s28, $0xb8;
	[tilespmem:$0x1D000] =	vst v63  }
0x90: {  	_ =	swait.ge [sflag:s12], $0x2000  }
0x91: {  	[sflag:s12] =	ssyncset.done $0x0  }
0x92: {  	s16 =	simm.s32 $0x880;
	[sflag:s12] =	ssyncadd.s32 $0xFFFFE000  }
0x93: {  	[spmem:s2] =	stream.indirect.scatter.add.f32 [tilespmem:s31], [sflag:$0x6], $0x80, s16, s28, $0xb8;
	[tilespmem:$0x1D000] =	vst v63  }
0x94: {  	_ =	swait.ge [sflag:s14], $0x2000  }
0x95: {  	[sflag:s14] =	ssyncset.done $0x0  }
0x96: {  	s18 =	simm.s32 $0x200;
	[sflag:s14] =	ssyncadd.s32 $0xFFFFE000  }
0x97: {  	[tilespmem:s29], [sflag:$0x1] =	stream.indirect.gather [hbm4b:s4+s28], $0x80, s18, s28, $0xb8;
	[tilespmem:$0x1D000] =	vst v63  }
0x98: {  	_ =	swait.ge [sflag:s15], $0x2000  }
0x99: {  	[sflag:s15] =	ssyncset.done $0x0  }
0x9a: {  	s8 =	simm.s32 $0x900;
	[sflag:s15] =	ssyncadd.s32 $0xFFFFE000  }
0x9b: {  	[spmem:s2] =	stream.indirect.scatter.add.f32 [tilespmem:s1], [sflag:$0x7], $0x80, s8, s28, $0xb8;
	[tilespmem:$0x1D000] =	vst v63  }
0x9c: {  	_ =	swait.ge [sflag:s17], $0x2000  }
0x9d: {  	[sflag:s17] =	ssyncset.done $0x0  }
0x9e: {  	s16 =	simm.s32 $0x280;
	[sflag:s17] =	ssyncadd.s32 $0xFFFFE000  }
0x9f: {  	[tilespmem:s31], [sflag:$0x2] =	stream.indirect.gather [hbm4b:s4+s28], $0x80, s16, s28, $0xb8;
	[tilespmem:$0x1D000] =	vst v63  }
0xa0: {  	_ =	swait.ge [sflag:s19], $0x2000  }
0xa1: {  	[sflag:s19] =	ssyncset.done $0x0  }
0xa2: {  	s18 =	simm.s32 $0x980;
	[sflag:s19] =	ssyncadd.s32 $0xFFFFE000  }
0xa3: {  	[spmem:s2] =	stream.indirect.scatter.add.f32 [tilespmem:s7], [sflag:$0x8], $0x80, s18, s28, $0xb8;
	[tilespmem:$0x1D000] =	vst v63  }
0xa4: {  	_ =	swait.ge [sflag:s9], $0x2000  }
0xa5: {  	[sflag:s9] =	ssyncset.done $0x0  }
0xa6: {  	s8 =	simm.s32 $0x300;
	[sflag:s9] =	ssyncadd.s32 $0xFFFFE000  }
0xa7: {  	[tilespmem:s1], [sflag:$0x3] =	stream.indirect.gather [hbm4b:s4+s28], $0x80, s8, s28, $0xb8;
	[tilespmem:$0x1D000] =	vst v63  }
0xa8: {  	_ =	swait.ge [sflag:s10], $0x2000  }
0xa9: {  	[sflag:s10] =	ssyncset.done $0x0  }
0xaa: {  	s16 =	simm.s32 $0xA00;
	[sflag:s10] =	ssyncadd.s32 $0xFFFFE000  }
0xab: {  	[spmem:s2] =	stream.indirect.scatter.add.f32 [tilespmem:s29], [sflag:$0x5], $0x80, s16, s28, $0xb8;
	[tilespmem:$0x1D000] =	vst v63  }
0xac: {  	_ =	swait.ge [sflag:s0], $0x2000  }
0xad: {  	[sflag:s0] =	ssyncset.done $0x0  }
0xae: {  	[sflag:s0] =	ssyncadd.s32 $0xFFFFE000  }
0xaf: {  	_ =	swait.ge [sflag:s23], $0x400  }
0xb0: {  	[sflag:s23] =	ssyncset.done $0x0  }
0xb1: {  	[sflag:s23] =	ssyncadd.s32 $0xFFFFFC00  }
0xb2: {  	_ =	swait.ge [sflag:s24], $0x400  }
0xb3: {  	[sflag:s24] =	ssyncset.done $0x0  }
0xb4: {  	s18 =	simm.s32 $0x380;
	[sflag:s24] =	ssyncadd.s32 $0xFFFFFC00  }
0xb5: {  	[tilespmem:s7], [sflag:$0x4] =	stream.indirect.gather [hbm4b:s4+s28], $0x80, s18, s28, $0xb8;
	[tilespmem:$0x1D000] =	vst v63  }
0xb6: {  	_ =	swait.ge [sflag:s12], $0x2000  }
0xb7: {  	[sflag:s12] =	ssyncset.done $0x0  }
0xb8: {  	s8 =	simm.s32 $0xA80;
	[sflag:s12] =	ssyncadd.s32 $0xFFFFE000  }
0xb9: {  	[spmem:s2] =	stream.indirect.scatter.add.f32 [tilespmem:s31], [sflag:$0x6], $0x80, s8, s28, $0xb8;
	[tilespmem:$0x1D000] =	vst v63  }
0xba: {  	_ =	swait.ge [sflag:s14], $0x2000  }
0xbb: {  	[sflag:s14] =	ssyncset.done $0x0  }
0xbc: {  	s16 =	simm.s32 $0x400;
	[sflag:s14] =	ssyncadd.s32 $0xFFFFE000  }
0xbd: {  	[tilespmem:s29], [sflag:$0x1] =	stream.indirect.gather [hbm4b:s4+s28], $0x80, s16, s28, $0xb8;
	[tilespmem:$0x1D000] =	vst v63  }
0xbe: {  	_ =	swait.ge [sflag:s15], $0x2000  }
0xbf: {  	[sflag:s15] =	ssyncset.done $0x0  }
0xc0: {  	s18 =	simm.s32 $0xB00;
	[sflag:s15] =	ssyncadd.s32 $0xFFFFE000  }
0xc1: {  	[spmem:s2] =	stream.indirect.scatter.add.f32 [tilespmem:s1], [sflag:$0x7], $0x80, s18, s28, $0xb8;
	[tilespmem:$0x1D000] =	vst v63  }
0xc2: {  	_ =	swait.ge [sflag:s17], $0x2000  }
0xc3: {  	[sflag:s17] =	ssyncset.done $0x0  }
0xc4: {  	s8 =	simm.s32 $0x480;
	[sflag:s17] =	ssyncadd.s32 $0xFFFFE000  }
0xc5: {  	[tilespmem:s31], [sflag:$0x2] =	stream.indirect.gather [hbm4b:s4+s28], $0x80, s8, s28, $0xb8;
	[tilespmem:$0x1D000] =	vst v63  }
0xc6: {  	_ =	swait.ge [sflag:s19], $0x2000  }
0xc7: {  	[sflag:s19] =	ssyncset.done $0x0  }
0xc8: {  	s16 =	simm.s32 $0xB80;
	[sflag:s19] =	ssyncadd.s32 $0xFFFFE000  }
0xc9: {  	[spmem:s2] =	stream.indirect.scatter.add.f32 [tilespmem:s7], [sflag:$0x8], $0x80, s16, s28, $0xb8;
	[tilespmem:$0x1D000] =	vst v63  }
0xca: {  	_ =	swait.ge [sflag:s9], $0x2000  }
0xcb: {  	[sflag:s9] =	ssyncset.done $0x0  }
0xcc: {  	s18 =	simm.s32 $0x500;
	[sflag:s9] =	ssyncadd.s32 $0xFFFFE000  }
0xcd: {  	[tilespmem:s1], [sflag:$0x3] =	stream.indirect.gather [hbm4b:s4+s28], $0x80, s18, s28, $0xb8;
	[tilespmem:$0x1D000] =	vst v63  }
0xce: {  	_ =	swait.ge [sflag:s10], $0x2000  }
0xcf: {  	[sflag:s10] =	ssyncset.done $0x0  }
0xd0: {  	s8 =	simm.s32 $0xC00;
	[sflag:s10] =	ssyncadd.s32 $0xFFFFE000  }
0xd1: {  	[spmem:s2] =	stream.indirect.scatter.add.f32 [tilespmem:s29], [sflag:$0x5], $0x80, s8, s28, $0xb8;
	[tilespmem:$0x1D000] =	vst v63  }
0xd2: {  	p0 =	seq.s32 s13, $0x1300;
	_ =	swait.ge [sflag:s0], $0x2000  }
0xd3: {  	s5 =	sadd.s32 @!p0 s13, s21;
	[sflag:s0] =	ssyncset.done $0x0  }
0xd4: {  	s16 =	sadd.s32 @!p0 $0x100, s5;
	s5 =	simm.s32 @!p0 $0x0;
	[sflag:s0] =	ssyncadd.s32 $0xFFFFE000  }
0xd5: {  	[tilespmem:s5], [sflag:$0x9] =	stream.linear.gather @!p0 [hbm4b:s16+s5], $0x400, $0x38;
	[tilespmem:$0x1D000] =	vst v63  }
0xd6: {  	s16 =	sadd.s32 @!p0 s13, s6  }
0xd7: {  	s18 =	simm.s32 @!p0 $0x800;
	s16 =	sadd.s32 @!p0 $0x100, s16  }
0xd8: {  	[tilespmem:s18], [sflag:$0xA] =	stream.linear.gather @!p0 [hbm4b:s16+s5], $0x400, $0x38;
	[tilespmem:$0x1D000] =	vst v63  }
0xd9: {  	s8 =	simm.s32 $0x580  }
0xda: {  	[tilespmem:s7], [sflag:$0x4] =	stream.indirect.gather [hbm4b:s4+s28], $0x80, s8, s28, $0xb8;
	[tilespmem:$0x1D000] =	vst v63  }
0xdb: {  	_ =	swait.ge [sflag:s12], $0x2000  }
0xdc: {  	[sflag:s12] =	ssyncset.done $0x0  }
0xdd: {  	s16 =	simm.s32 $0xC80;
	[sflag:s12] =	ssyncadd.s32 $0xFFFFE000  }
0xde: {  	[spmem:s2] =	stream.indirect.scatter.add.f32 [tilespmem:s31], [sflag:$0x6], $0x80, s16, s28, $0xb8;
	[tilespmem:$0x1D000] =	vst v63  }
0xdf: {  	_ =	swait.ge [sflag:s14], $0x2000  }
0xe0: {  	[sflag:s14] =	ssyncset.done $0x0  }
0xe1: {  	s18 =	simm.s32 $0x600;
	[sflag:s14] =	ssyncadd.s32 $0xFFFFE000  }
0xe2: {  	[tilespmem:s29], [sflag:$0x1] =	stream.indirect.gather [hbm4b:s4+s28], $0x80, s18, s28, $0xb8;
	[tilespmem:$0x1D000] =	vst v63  }
0xe3: {  	_ =	swait.ge [sflag:s15], $0x2000  }
0xe4: {  	[sflag:s15] =	ssyncset.done $0x0  }
0xe5: {  	[sflag:s15] =	ssyncadd.s32 $0xFFFFE000  }
0xe6: {  	[spmem:s2] =	stream.indirect.scatter.add.f32 [tilespmem:s1], [sflag:$0x7], $0x80, s20, s28, $0xb8;
	[tilespmem:$0x1D000] =	vst v63  }
0xe7: {  	_ =	swait.ge [sflag:s17], $0x2000  }
0xe8: {  	[sflag:s17] =	ssyncset.done $0x0  }
0xe9: {  	[sflag:s17] =	ssyncadd.s32 $0xFFFFE000  }
0xea: {  	[tilespmem:s31], [sflag:$0x2] =	stream.indirect.gather [hbm4b:s4+s28], $0x80, s3, s28, $0xb8;
	[tilespmem:$0x1D000] =	vst v63  }
0xeb: {  	_ =	swait.ge [sflag:s19], $0x2000  }
0xec: {  	[sflag:s19] =	ssyncset.done $0x0  }
0xed: {  	[sflag:s19] =	ssyncadd.s32 $0xFFFFE000  }
0xee: {  	[spmem:s2] =	stream.indirect.scatter.add.f32 [tilespmem:s7], [sflag:$0x8], $0x80, s30, s28, $0xb8;
	[tilespmem:$0x1D000] =	vst v63  }
0xef: {  	_ =	swait.ge [sflag:s9], $0x2000  }
0xf0: {  	[sflag:s9] =	ssyncset.done $0x0  }
0xf1: {  	[sflag:s9] =	ssyncadd.s32 $0xFFFFE000  }
0xf2: {  	[tilespmem:s1], [sflag:$0x3] =	stream.indirect.gather [hbm4b:s4+s28], $0x80, s22, s28, $0xb8;
	[tilespmem:$0x1D000] =	vst v63  }
0xf3: {  	_ =	swait.ge [sflag:s10], $0x2000  }
0xf4: {  	[sflag:s10] =	ssyncset.done $0x0  }
0xf5: {  	[sflag:s10] =	ssyncadd.s32 $0xFFFFE000  }
0xf6: {  	[spmem:s2] =	stream.indirect.scatter.add.f32 [tilespmem:s29], [sflag:$0x5], $0x80, s11, s28, $0xb8;
	[tilespmem:$0x1D000] =	vst v63  }
0xf7: {  	_ =	swait.ge [sflag:s0], $0x2000  }
0xf8: {  	s8 =	simm.s32 @p0 $0x7000;
	[sflag:s0] =	ssyncset.done $0x0  }
0xf9: {  	s16 =	simm.s32 @p0 $0x40;
	s18 =	simm.s32 @p0 $0x780;
	[sflag:s0] =	ssyncadd.s32 $0xFFFFE000  }
0xfa: {  	[tilespmem:s8], [sflag:$0x4] =	stream.indirect.gather @p0 [hbm4b:s4+s16], $0x80, s18, s16, $0xb8;
	[tilespmem:$0x1D000] =	vst v63  }
0xfb: {  	s8 =	simm.s32 @p0 $0x2  }
0xfc: {  	_ =	swait.ge @p0 [sflag:s8], $0x2000  }
0xfd: {  	[sflag:s8] =	ssyncset.done @p0 $0x0  }
0xfe: {  	s18 =	simm.s32 @p0 $0x3000;
	[sflag:s8] =	ssyncadd.s32 @p0 $0xFFFFE000;
	s8 =	simm.s32 @p0 $0xE80  }
0xff: {  	[spmem:s2] =	stream.indirect.scatter.add.f32 @p0 [tilespmem:s18], [sflag:$0x6], $0x80, s8, s16, $0xb8;
	[tilespmem:$0x1D000] =	vst v63  }
0x100: {  	s8 =	simm.s32 @p0 $0x5  }
0x101: {  	_ =	swait.ge @p0 [sflag:s8], $0x2000  }
0x102: {  	[sflag:s8] =	ssyncset.done @p0 $0x0  }
0x103: {  	[sflag:s8] =	ssyncadd.s32 @p0 $0xFFFFE000;
	s8 =	simm.s32 @!p0 $0x9  }
0x104: {  	_ =	swait.ge @!p0 [sflag:s8], $0x400  }
0x105: {  	[sflag:s8] =	ssyncset.done @!p0 $0x0  }
0x106: {  	[sflag:s8] =	ssyncadd.s32 @!p0 $0xFFFFFC00;
	s8 =	simm.s32 @!p0 $0xA  }
0x107: {  	_ =	swait.ge @!p0 [sflag:s8], $0x400  }
0x108: {  	s16 =	simm.s32 @!p0 $0x780;
	[sflag:s8] =	ssyncset.done @!p0 $0x0  }
0x109: {  	s18 =	simm.s32 @!p0 $0x7000;
	[sflag:s8] =	ssyncadd.s32 @!p0 $0xFFFFFC00;
	s8 =	simm.s32 @!p0 $0x40  }
0x10a: {  	[tilespmem:s18], [sflag:$0x4] =	stream.indirect.gather @!p0 [hbm4b:s4+s8], $0x80, s16, s8, $0xb8;
	[tilespmem:$0x1D000] =	vst v63  }
0x10b: {  	s16 =	simm.s32 @!p0 $0x2  }
0x10c: {  	_ =	swait.ge @!p0 [sflag:s16], $0x2000  }
0x10d: {  	[sflag:s16] =	ssyncset.done @!p0 $0x0  }
0x10e: {  	s18 =	simm.s32 @!p0 $0x3000;
	[sflag:s16] =	ssyncadd.s32 @!p0 $0xFFFFE000;
	s16 =	simm.s32 @!p0 $0xE80  }
0x10f: {  	[spmem:s2] =	stream.indirect.scatter.add.f32 @!p0 [tilespmem:s18], [sflag:$0x6], $0x80, s16, s8, $0xb8;
	[tilespmem:$0x1D000] =	vst v63  }
0x110: {  	s16 =	simm.s32 @!p0 $0x5  }
0x111: {  	_ =	swait.ge @!p0 [sflag:s16], $0x2000  }
0x112: {  	[sflag:s16] =	ssyncset.done @!p0 $0x0  }
0x113: {  	[sflag:s16] =	ssyncadd.s32 @!p0 $0xFFFFE000;
	s16 =	simm.s32 @!p0 $0x1000  }
0x114: {  	[tilespmem:s16], [sflag:$0x1] =	stream.indirect.gather @!p0 [hbm4b:s4+s8], $0x80, s5, s8, $0xb8;
	[tilespmem:$0x1D000] =	vst v63  }
0x115: {  	_ =	swait.ge [sflag:s15], $0x2000  }
0x116: {  	[sflag:s15] =	ssyncset.done $0x0  }
.Ltmp3:
0x117: {  	[sflag:s15] =	ssyncadd.s32 $0xFFFFE000;
	(pc) =	sbr.rel @p0 .LBB2_6-.Ltmp3, $4  }
0x118: {  	[spmem:s2] =	stream.indirect.scatter.add.f32 [tilespmem:s1], [sflag:$0x7], $0x80, s25, s28, $0xb8;
	[tilespmem:$0x1D000] =	vst v63  }
0x119: {  	_ =	swait.ge [sflag:s17], $0x2000  }
0x11a: {  	[sflag:s17] =	ssyncset.done $0x0  }
0x11b: {  	[sflag:s17] =	ssyncadd.s32 $0xFFFFE000  }
0x11c: {  	s5 =	simm.s32 $0x80  }
0x11d: {  	[tilespmem:s31], [sflag:$0x2] =	stream.indirect.gather [hbm4b:s4+s28], $0x80, s5, s28, $0xb8;
	[tilespmem:$0x1D000] =	vst v63  }
0x11e: {  	_ =	swait.ge [sflag:s19], $0x2000  }
0x11f: {  	[sflag:s19] =	ssyncset.done $0x0  }
0x120: {  	[sflag:s19] =	ssyncadd.s32 $0xFFFFE000  }
0x121: {  	[spmem:s2] =	stream.indirect.scatter.add.f32 [tilespmem:s7], [sflag:$0x8], $0x80, s26, s28, $0xb8;
	[tilespmem:$0x1D000] =	vst v63  }
.Ltmp4:
0x122: {  	_ = 	snop;
	(pc) =	sbr.rel .LBB2_4-.Ltmp4, $4  }
0x123: {  	_ =	swait.ge [sflag:s9], $0x2000  }
0x124: {  	[sflag:s9] =	ssyncset.done $0x0  }
0x125: {  	s18 =	simm.s32 $0x100;
	s13 =	sadd.s32 $0x100, s13;
	[sflag:s9] =	ssyncadd.s32 $0xFFFFE000  }
0x126: {  	[tilespmem:s1], [sflag:$0x3] =	stream.indirect.gather [hbm4b:s4+s28], $0x80, s18, s28, $0xb8;
	[tilespmem:$0x1D000] =	vst v63  }
.LBB2_7:
0x127: {  	_ =	sfence.sel $0x180000  }
0x128: {  	[bflag:$0x0] =	sbarrier.arrive $0xFFFF  }
0x129: {  	_ =	strace $0x9000004A  }
0x12a: {  	s0 =	stileid.u32;
	[bflag:$0x2] =	sbarrier.arrive $0xFFFF  }
0x12b: {  	p0 =	sne.s32 s0, $0x0;
	s0 =	rddreg [dreg:$0x2]  }
0x12c: {  	s0 =	sadd.s32 @!p0 $0x100000, s0  }
0x12d: {  	[sflag:s0] =	ssyncadd.tile.s32 @!p0 $0x1;
	_ =	shalt  }
.Lfunc_end2:
_tile_overlayer_lowered:
.L_overlay_start_2:
0x12e: {  	(tag) =	ssettag $0x2  }
0x12f: {  	s0 =	rddreg [dreg:$0x0];
	s2 =	stileid.u32  }
0x130: {  	s1 =	rddreg [dreg:$0x1];
	p0 =	sne.s32 s2, $0x0  }
0x131: {  	s3 =	rddreg [dreg:$0x2];
	[bflag:$0x3] =	sbarrier.arrive $0xFFFF;
	s2 =	simm.s32 @!p0 $0x1C0B  }
0x132: {  	[timem:s3], [sflag:s2] =	dma.local @!p0 [hbm:s0], s1  }
0x133: {  	s0 =	simm.s32 @!p0 $0xB  }
0x134: {  	_ =	swait.ge @!p0 [sflag:s0], s1  }
0x135: {  	s1 =	ssub.s32 @!p0 $0x0, s1;
	[sflag:s0] =	ssyncset.done @!p0 $0x0  }
0x136: {  	[sflag:s0] =	ssyncadd.s32 @!p0 s1  }
0x137: {  	[bflag:$0x3] =	sbarrier.arrive $0xFFFF  }
0x138: {  	_ =	shalt  }

// kernel: kernel.15.cloned.1.call-start
scs
__scs_entry_jumppad:
0x0: {  	(pc) =	sbr.rel $0x88, $3  }
0x1: {  	(tag) =	ssettag $0x0;
	lr =	simm.s32 $0x1  }
0x2: {  	[smem:$0x3F95] =	sst lr;
	_ =	strace $0xD0000000  }
0x3: {  	_ = 	snop  }
0x4: {  	_ = 	snop  }
0x5: {  	_ = 	snop  }
0x6: {  	_ = 	snop  }
0x7: {  	_ = 	snop  }
__scs_overlays_trampoline_lowered:
0x8: {  	[smem:$0x3FA4] =	sst s0  }
0x9: {  	[smem:$0x3FA5] =	sst s1  }
0xa: {  	[smem:$0x3FA6] =	sst s2  }
0xb: {  	[smem:$0x3FA7] =	sst s3  }
0xc: {  	[smem:$0x3FA8] =	sst s4  }
0xd: {  	[smem:$0x3FA9] =	sst s5  }
0xe: {  	[smem:$0x3FAA] =	sst s6  }
0xf: {  	[smem:$0x3FAB] =	sst s7  }
0x10: {  	[smem:$0x3FAC] =	sst s8  }
0x11: {  	[smem:$0x3FAD] =	sst s9;
	s0 =	simm.s32 @!p0 $0x0  }
0x12: {  	s1 =	sld [smem:$0x3F93];
	s0 =	simm.s32 @p0 $0x1  }
0x13: {  	[smem:$0x3FAE] =	sst s0;
	s0 =	simm.s32 @!p1 $0x0  }
0x14: {  	s2 =	sld [smem:$0x3F92];
	s0 =	simm.s32 @p1 $0x1  }
0x15: {  	[smem:$0x3FAF] =	sst s0;
	s0 =	simm.s32 @!p2 $0x0  }
0x16: {  	s3 =	sld [smem:$0x3FDB];
	s0 =	simm.s32 @p2 $0x1  }
0x17: {  	s4 =	simm.s32 $0x1BF5;
	[smem:$0x3FB1] =	sst s0  }
0x18: {  	s0 =	sld [smem:$0x3F94];
	_ =	swait.ge [sflag:s4], $0x0  }
0x19: {  	s7 =	sld [smem:$0x3F95]  }
0x1a: {  	s8 =	sadd.s32 $0xFFFFE003, lr  }
0x1b: {  	s9 =	sadd.s32 $0xFFFFFEF7, lr;
	s5 =	simm.s32 $0xFFFFFFFF;
	p2 =	slt.u32 s8, $0xFFFFF086  }
0x1c: {  	p1 =	slt.u32 s9, $0xF7A;
	s5 =	simm.s32 @!p2 $0x0  }
0x1d: {  	s5 =	simm.s32 @p1 $0x1;
	p0 =	seq.s32 s7, s2  }
0x1e: {  	s7 =	smul.u32 @!p0 $0xF7A, s2;
	p2 =	seq.s32 @!p0 s5, $0x0  }
0x1f: {  	s9 =	smul.u32 $0xF7A, s1;
	s8 =	simm.s32 @!p0 $0x1BF5;
	p2 =	por !p2, p0  }
0x20: {  	[sflag:s8] =	ssyncset.s32 @!p0 $0xFFFFF086;
	s6 =	sadd.s32 @!p0 s3, s7;
	s7 =	simm.s32 @!p0 $0x108  }
0x21: {  	s3 =	sadd.s32 s3, s9;
	s6 =	sadd.s32 @!p0 $0x88, s6;
	s7 =	simm.s32 @p2 $0x1082  }
0x22: {  	[simem:s7], [sflag:s8] =	dma.local @!p0 [hbm:s6], $0xF7A  }
0x23: {  	s9 =	sor.u32 $0xD0000000, s2;
	s6 =	simm.s32 $0x108;
	_ =	swait.ge @!p0 [sflag:s8], $0x0  }
0x24: {  	s3 =	sadd.s32 $0x88, s3;
	s6 =	simm.s32 @!p1 $0x1082;
	[sflag:s4] =	ssyncset.s32 $0xFFFFF086  }
0x25: {  	[simem:s6], [sflag:s4] =	dma.local [hbm:s3], $0xF7A  }
0x26: {  	[smem:$0x3F95] =	sst s1;
	(tag) =	ssettag s2;
	_ =	strace s9  }
0x27: {  	s1 =	sld [smem:$0x3FA5]  }
0x28: {  	s2 =	sld [smem:$0x3FA6]  }
0x29: {  	s4 =	sld [smem:$0x3FA8]  }
0x2a: {  	p0 =	seq.s32 s5, $0x0;
	s5 =	sld [smem:$0x3FA9]  }
0x2b: {  	s6 =	sld [smem:$0x3FAA]  }
0x2c: {  	s7 =	sld [smem:$0x3FAB]  }
0x2d: {  	s3 =	simm.s32 $0x108;
	s8 =	sld [smem:$0x3FAC]  }
0x2e: {  	s3 =	simm.s32 @!p0 $0x1082;
	s9 =	sld [smem:$0x3FAD]  }
0x2f: {  	lr =	sadd.s32 s0, s3;
	s0 =	sld [smem:$0x3FA4]  }
0x30: {  	s3 =	sld [smem:$0x3FA7]  }
0x31: {  	[smem:$0x3FB0] =	sst s10  }
0x32: {  	s10 =	sld [smem:$0x3FAE];
	_ =	sdelay $0x3  }
0x33: {  	p0 =	seq.s32 s10, $0x1;
	s10 =	sld [smem:$0x3FB0];
	_ =	sdelay $0x3  }
0x34: {  	[smem:$0x3FB0] =	sst s10  }
0x35: {  	s10 =	sld [smem:$0x3FAF];
	_ =	sdelay $0x3  }
0x36: {  	p1 =	seq.s32 s10, $0x1;
	s10 =	sld [smem:$0x3FB0];
	_ =	sdelay $0x3  }
0x37: {  	[smem:$0x3FB0] =	sst s10  }
0x38: {  	s10 =	sld [smem:$0x3FB1]  }
0x39: {  	_ = 	snop;
	(pc) =	sbr.ind lr, $3  }
0x3a: {  	_ = 	snop  }
0x3b: {  	_ = 	snop  }
0x3c: {  	p2 =	seq.s32 s10, $0x1;
	s10 =	sld [smem:$0x3FB0]  }
0x3d: {  	_ =	shalt  }
0x3e: {  	_ =	shalt  }
0x3f: {  	_ =	shalt  }
0x40: {  	_ =	shalt  }
0x41: {  	_ =	shalt  }
0x42: {  	_ =	shalt  }
0x43: {  	_ =	shalt  }
0x44: {  	_ =	shalt  }
0x45: {  	_ =	shalt  }
0x46: {  	_ =	shalt  }
0x47: {  	_ =	shalt  }
0x48: {  	_ =	shalt  }
0x49: {  	_ =	shalt  }
0x4a: {  	_ =	shalt  }
0x4b: {  	_ =	shalt  }
0x4c: {  	_ =	shalt  }
0x4d: {  	_ =	shalt  }
0x4e: {  	_ =	shalt  }
0x4f: {  	_ =	shalt  }
0x50: {  	_ =	shalt  }
0x51: {  	_ =	shalt  }
0x52: {  	_ =	shalt  }
0x53: {  	_ =	shalt  }
0x54: {  	_ =	shalt  }
0x55: {  	_ =	shalt  }
0x56: {  	_ =	shalt  }
0x57: {  	_ =	shalt  }
0x58: {  	_ =	shalt  }
0x59: {  	_ =	shalt  }
0x5a: {  	_ =	shalt  }
0x5b: {  	_ =	shalt  }
0x5c: {  	_ =	shalt  }
0x5d: {  	_ =	shalt  }
0x5e: {  	_ =	shalt  }
0x5f: {  	_ =	shalt  }
0x60: {  	_ =	shalt  }
0x61: {  	_ =	shalt  }
0x62: {  	_ =	shalt  }
0x63: {  	_ =	shalt  }
0x64: {  	_ =	shalt  }
0x65: {  	_ =	shalt  }
0x66: {  	_ =	shalt  }
0x67: {  	_ =	shalt  }
0x68: {  	_ =	shalt  }
0x69: {  	_ =	shalt  }
0x6a: {  	_ =	shalt  }
0x6b: {  	_ =	shalt  }
0x6c: {  	_ =	shalt  }
0x6d: {  	_ =	shalt  }
0x6e: {  	_ =	shalt  }
0x6f: {  	_ =	shalt  }
0x70: {  	_ =	shalt  }
0x71: {  	_ =	shalt  }
0x72: {  	_ =	shalt  }
0x73: {  	_ =	shalt  }
0x74: {  	_ =	shalt  }
0x75: {  	_ =	shalt  }
0x76: {  	_ =	shalt  }
0x77: {  	_ =	shalt  }
0x78: {  	_ =	shalt  }
0x79: {  	_ =	shalt  }
0x7a: {  	_ =	shalt  }
0x7b: {  	_ =	shalt  }
0x7c: {  	_ =	shalt  }
0x7d: {  	_ =	shalt  }
0x7e: {  	_ =	shalt  }
0x7f: {  	_ =	shalt  }
0x80: {  	_ =	shalt  }
0x81: {  	_ =	shalt  }
0x82: {  	_ =	shalt  }
0x83: {  	_ =	shalt  }
0x84: {  	_ =	shalt  }
0x85: {  	_ =	shalt  }
0x86: {  	_ =	shalt  }
0x87: {  	_ =	shalt  }
.Lfunc_end0:
.L_simem_size_0:
called_computation.2_lowered:
.L_overlay_start_0:
0x88: {  	s2 =	sld [smem:$0x3FD9]  }
0x89: {  	s3 =	sld [smem:$0x3FFE];
	_ =	sdelay $0x1  }
0x8a: {  	s1 =	srdreg.scid  }
0x8b: {  	s0 =	sand.u32 $0x1, s1  }
0x8c: {  	s16 =	sshll.u32 s0, $0xA;
	s2 =	sadd.s32 s3, s2  }
0x8d: {  	s2 =	sadd.s32 s2, s16  }
0x8e: {  	[smem:$0x3FBC] =	sst s2  }
0x8f: {  	_ = 	snop  }
0x90: {  	(tm) =	ssettm $0x1  }
0x91: {  	s17 =	sld [smem:$0x3FFB];
	_ =	sdelay $0x3  }
0x92: {  	_ =	strace s17  }
0x93: {  	s2 =	sld [smem:$0x3FFC];
	_ =	sdelay $0x3  }
0x94: {  	_ =	strace s2  }
0x95: {  	s2 =	sld [smem:$0x3FFD];
	_ =	sdelay $0x3  }
0x96: {  	_ =	strace s2  }
0x97: {  	_ =	strace $0x8FFFFFFF  }
0x98: {  	s18 =	sld [smem:$0x3FDB];
	_ =	sdelay $0x1  }
0x99: {  	s19 =	simm.s32 $_scs_section_size  }
0x9a: {  	s4 =	simm.s32 $_size__tile_overlayer_lowered;
	s5 =	simm.s32 $_tile_overlayer_lowered  }
0x9b: {  	s22 =	simm.s32 $0x1BFF;
	s21 =	sshll.u32 s5, $0x1;
	s2 =	sadd.s32 s19, s18  }
0x9c: {  	s6 =	simm.s32 $0x0;
	s20 =	sshll.u32 s4, $0x1;
	s4 =	sadd.s32 s21, s2  }
0x9d: {  	[timem:s6], [sflag:s22] =	dma.local [hbm:s4], s20  }
0x9e: {  	_ =	swait.ge [sflag:s22], s20  }
0x9f: {  	s3 =	ssub.s32 $0x0, s20;
	[sflag:s22] =	ssyncset.done $0x0  }
0xa0: {  	[sflag:s22] =	ssyncadd.s32 s3;
	_ =	sdelay $0x1  }
0xa1: {  	s23 =	simm.s32 $0x1B8B  }
0xa2: {  	_ =	swait.ge [sflag:s23], $0x1  }
0xa3: {  	[sflag:s23] =	ssyncset.done $0x0  }
0xa4: {  	s25 =	simm.s32 $0x1B8E;
	s24 =	sld [smem:$0x3FFE];
	[sflag:s23] =	ssyncadd.s32 $0xFFFFFFFF  }
0xa5: {  	s26 =	simm.s32 $execute0_lowered;
	[smem:$0x3FD2] =	sst s25  }
0xa6: {  	s4 =	sshll.u32 s26, $0x1;
	_ =	strace $0x8000004C;
	[dreg:$0x1] =	wrdreg $0xFFFFFFFF  }
0xa7: {  	s28 =	simm.s32 $_size_execute0_lowered;
	s2 =	sadd.s32 s2, s4;
	[dreg:$0x0] =	wrdreg $0x0  }
0xa8: {  	s4 =	sshll.u32 s28, $0x1;
	[dreg:$0x2] =	wrdreg s2  }
0xa9: {  	[dreg:$0x3] =	wrdreg s4  }
0xaa: {  	[dreg:$0x4] =	wrdreg $0xC0  }
0xab: {  	_ =	task [dreg:s6], $0x5FFFF  }
0xac: {  	[dreg:$0x1] =	wrdreg $0xFFFFFFFF  }
0xad: {  	[dreg:$0x0] =	wrdreg $0x60  }
0xae: {  	[dreg:$0x2] =	wrdreg s24  }
0xaf: {  	[dreg:$0x3] =	wrdreg $0x90000  }
0xb0: {  	[dreg:$0x4] =	wrdreg $0x9  }
0xb1: {  	_ =	task.clear_ibuf [dreg:s6], $0x5FFFF;
	_ =	strace $0x9000004C  }
0xb2: {  	s29 =	simm.s32 $0x9;
	_ =	strace $0x8000004E  }
0xb3: {  	_ =	swait.ge [sflag:s29], $0x1  }
0xb4: {  	[sflag:s29] =	ssyncadd.s32 $0xFFFFFFFF  }
0xb5: {  	_ =	strace $0x9000004E  }
0xb6: {  	_ =	sfence  }
0xb7: {  	s30 =	sld [smem:$0x0];
	_ =	sdelay $0x2  }
0xb8: {  	s31 =	sshll.u32 s1, $0xD;
	s1 =	sshrl.u32 s1, $0x2  }
0xb9: {  	s3 =	sand.u32 $0x4000, s31;
	s1 =	sadd.s32 s1, s30  }
0xba: {  	s0 =	sor.u32 s3, s0;
	s1 =	sshll.u32 s1, $0x11  }
0xbb: {  	s0 =	sor.u32 s1, s0  }
0xbc: {  	s0 =	sadd.s32 $0x8F2B, s0  }
0xbd: {  	[sflag:s0] =	ssyncadd.remote.s32 $0x1  }
0xbe: {  	_ =	sfence.sel $0xFFFF  }
0xbf: {  	[dreg:$0x0] =	wrdreg $0xFFFFFFFF;
	(pc) =	sbr.abs _section_cstart, $3  }
0xc0: {  	[dreg:$0x1] =	wrdreg $0xFFFFFFFF  }
0xc1: {  	_ =	task.clear_ibuf [dreg:s6], $0x2FFFF;
	_ =	strace $0x9FFFFFFF  }
0xc2: {  	(tm) =	ssettm $0x7FFFFFFF  }
0xc3: {  	_ =	shalt  }
tec
execute0_lowered:
.L_overlay_start_1:
0x0: {  	(tag) =	ssettag $0x1  }
0x1: {  	s0 =	rddreg [dreg:$0x0]  }
0x2: {  	s1 =	rddreg [dreg:$0x1];
	s2 =	simm.s32 $0x0;
	s11 =	stileid.u32  }
0x3: {  	s21 =	srdreg.scid;
	s28 =	simm.s32 $0xA;
	s5 =	smul.u32 $0x2800, s11  }
0x4: {  	s31 =	simm.s32 $0x40;
	s29 =	simm.s32 $0xB;
	s10 =	smul.u32 $0x50000, s11  }
0x5: {  	[smem:$0x7FF] =	sst s2;
	s2 =	sand.u32 $0x1, s21;
	s12 =	smul.u32 $0x14, s11  }
0x6: {  	s30 =	simm.s32 $0xD80;
	s3 =	sadd.s32 $0x34400, s0;
	s7 =	smul.u32 $0x28000, s2  }
0x7: {  	s6 =	sadd.s32 $0x20400, s0;
	_ =	strace $0x8000004D;
	s26 =	smul.u32 $0x140, s2  }
0x8: {  	s4 =	sshll.u32 s2, $0x4;
	s9 =	ssub.s32 $0x2, s2;
	s2 =	smul.u32 $0xA000, s2  }
0x9: {  	s8 =	sor.u32 s11, s4;
	s4 =	sadd.s32 $0x48400, s0;
	s22 =	sshrl.u32 s9, $0x1  }
0xa: {  	s25 =	sshrl.u32 s10, $0x2;
	s8 =	smul.u32 $0xA00, s8;
	s5 =	sadd.s32 s5, s7  }
0xb: {  	s25 =	sadd.s32 s25, s1;
	s7 =	sadd.s32 s12, s26;
	s12 =	simm.s32 $0x8  }
0xc: {  	s0 =	sadd.s32 s5, s0;
	s14 =	sadd.s32 $0x2000, s25;
	[dreg:$0x5] =	wrdreg s25  }
0xd: {  	s5 =	ssub.s32 s9, s22;
	s15 =	sadd.s32 $0x4000, s25;
	[dreg:$0x8] =	wrdreg s14  }
0xe: {  	s16 =	sadd.s32 $0x6000, s25;
	s17 =	sadd.s32 $0x8000, s25;
	[dreg:$0x9] =	wrdreg s15  }
0xf: {  	s18 =	sadd.s32 $0xA000, s25;
	s7 =	sshll.u32 s7, $0x7;
	[dreg:$0xa] =	wrdreg s16  }
0x10: {  	s19 =	sadd.s32 $0xC000, s25;
	s20 =	sadd.s32 $0xE000, s25;
	[dreg:$0xb] =	wrdreg s17  }
0x11: {  	s21 =	sadd.s32 $0x10000, s25;
	s22 =	smul.u32 $0xA00, s11;
	[dreg:$0xc] =	wrdreg s18  }
0x12: {  	s9 =	simm.s32 $0x7000;
	s11 =	simm.s32 $0x1;
	[dreg:$0xd] =	wrdreg s19  }
0x13: {  	s23 =	sadd.s32 s3, s8;
	s24 =	sadd.s32 s6, s8;
	[dreg:$0xe] =	wrdreg s20  }
0x14: {  	s8 =	sor.u32 $0x80, s8;
	s7 =	sor.u32 $0x100, s7;
	[dreg:$0xf] =	wrdreg s21  }
0x15: {  	s0 =	sadd.s32 $0x70400, s0;
	s15 =	simm.s32 $0x5;
	s17 =	simm.s32 $0x3  }
0x16: {  	s21 =	simm.s32 $0x6;
	s14 =	simm.s32 $0x700;
	[dreg:$0x3] =	wrdreg s23  }
0x17: {  	s16 =	simm.s32 $0xE00;
	s20 =	simm.s32 $0xF00;
	[dreg:$0x4] =	wrdreg s24  }
0x18: {  	s13 =	sadd.s32 s3, s8;
	s8 =	sadd.s32 s6, s8;
	s18 =	sadd.s32 s7, s3  }
0x19: {  	s19 =	sadd.s32 s7, s6;
	s6 =	sadd.s32 s2, s6;
	[dreg:$0x11] =	wrdreg s0  }
0x1a: {  	s2 =	sadd.s32 s2, s3;
	s23 =	sadd.s32 $0x12000, s25;
	[dreg:$0x6] =	wrdreg s13  }
0x1b: {  	s24 =	smax.u32 s5, $0x1;
	s0 =	simm.s32 $0x1000;
	[dreg:$0x7] =	wrdreg s8  }
.Ltmp0:
0x1c: {  	s5 =	simm.s32 $0x3000;
	[dreg:$0x10] =	wrdreg s23;
	(pc) =	sbr.rel .LBB2_1-.Ltmp0, $4  }
0x1d: {  	s7 =	simm.s32 $0x4;
	[dreg:$0x12] =	wrdreg s24;
	s26 =	sadd.s32 s22, s6  }
0x1e: {  	s2 =	sadd.s32 s22, s2;
	s8 =	simm.s32 $0x5000;
	s13 =	simm.s32 $0x2  }
0x1f: {  	s22 =	simm.s32 $0xF80;
	s6 =	simm.s32 $0x0;
	s23 =	sadd.s32 $0x80, s26  }
0x20: {  	v0 =	vimm.f32 $0.0e+00;
	s24 =	sadd.s32 $0x80, s2;
	s26 =	simm.s32 $0x9;
	s2 =	simm.s32 $0x7  }
.LBB2_6:
0x21: {  	_ =	swait.ge [sflag:s7], $0x2000  }
0x22: {  	[sflag:s7] =	ssyncset.done $0x0  }
0x23: {  	[sflag:s7] =	ssyncadd.s32 $0xFFFFE000  }
0x24: {  	[spmem:s1] =	stream.indirect.scatter.add.f32 [tilespmem:s9], [sflag:$0x8], $0x80, s22, s31, $0xb8;
	[tilespmem:$0x1D000] =	vst v63  }
0x25: {  	_ =	swait.ge [sflag:s2], $0x2000  }
0x26: {  	[sflag:s2] =	ssyncset.done $0x0  }
0x27: {  	[sflag:s2] =	ssyncadd.s32 $0xFFFFE000  }
0x28: {  	_ =	swait.ge [sflag:s12], $0x2000  }
0x29: {  	[sflag:s12] =	ssyncset.done $0x0  }
0x2a: {  	[sflag:s12] =	ssyncadd.s32 $0xFFFFE000  }
0x2b: {  	s3 =	stileid.u32;
	[bflag:$0x0] =	sbarrier.arrive $0xFFFF  }
0x2c: {  	s29 =	simm.s32 $0xB;
	s3 =	sshll.u32 s3, $0x6;
	s25 =	rddreg [dreg:$0x5]  }
0x2d: {  	s3 =	sor.u32 $0x1C0B, s3;
	s10 =	rddreg [dreg:$0x11];
	s6 =	sshrl.u32 s25, $0x3  }
0x2e: {  	[hbm:s10], [sflag:s3] =	dma.local [spmem:s6], $0x2800  }
0x2f: {  	_ =	swait.ge [sflag:s29], $0x2800  }
0x30: {  	s3 =	rddreg [dreg:$0x13]  }
0x31: {  	s10 =	rddreg [dreg:$0x12];
	s6 =	sadd.s32 $0x1, s3  }
0x32: {  	p0 =	sne.s32 s6, s10  }
.Ltmp1:
0x33: {  	_ = 	snop;
	(pc) =	sbr.rel @!p0 .LBB2_7-.Ltmp1, $3  }
0x34: {  	_ =	sdelay $0x1  }
0x35: {  	[sflag:s29] =	ssyncset.done $0x0  }
0x36: {  	[sflag:s29] =	ssyncadd.s32 $0xFFFFD800  }
.LBB2_1:
0x37: {  	[dreg:$0x13] =	wrdreg s6  }
0x38: {  	s3 =	simm.s32 $0x0;
	s10 =	rddreg [dreg:$0x3]  }
0x39: {  	[tilespmem:s3], [sflag:$0x9] =	stream.linear.gather [hbm4b:s10+s3], $0x400, $0x38;
	[tilespmem:$0x1D000] =	vst v63  }
0x3a: {  	s6 =	rddreg [dreg:$0x4];
	s10 =	simm.s32 $0x800  }
0x3b: {  	[tilespmem:s10], [sflag:$0xA] =	stream.linear.gather [hbm4b:s6+s3], $0x400, $0x38;
	[tilespmem:$0x1D000] =	vst v63  }
0x3c: {  	_ =	swait.ge [sflag:s26], $0x400  }
0x3d: {  	[sflag:s26] =	ssyncset.done $0x0  }
0x3e: {  	[sflag:s26] =	ssyncadd.s32 $0xFFFFFC00  }
0x3f: {  	_ =	swait.ge [sflag:s28], $0x400  }
0x40: {  	[sflag:s28] =	ssyncset.done $0x0  }
0x41: {  	s10 =	simm.s32 $0x400;
	s6 =	rddreg [dreg:$0x6];
	[sflag:s28] =	ssyncadd.s32 $0xFFFFFC00  }
0x42: {  	[tilespmem:s10], [sflag:$0x9] =	stream.linear.gather [hbm4b:s6+s3], $0x400, $0x38;
	[tilespmem:$0x1D000] =	vst v63  }
0x43: {  	s6 =	rddreg [dreg:$0x7];
	s10 =	simm.s32 $0xC00  }
0x44: {  	[tilespmem:s10], [sflag:$0xA] =	stream.linear.gather [hbm4b:s6+s3], $0x400, $0x38;
	[tilespmem:$0x1D000] =	vst v63  }
0x45: {  	_ = 	snop  }
0x46: {  	[tilespmem:s0], [sflag:$0x1] =	stream.indirect.gather [hbm4b:s4+s31], $0x80, s3, s31, $0xb8;
	[tilespmem:$0x1D000] =	vst v63  }
0x47: {  	s6 =	simm.s32 $0x80  }
0x48: {  	[tilespmem:s5], [sflag:$0x2] =	stream.indirect.gather [hbm4b:s4+s31], $0x80, s6, s31, $0xb8;
	[tilespmem:$0x1D000] =	vst v63  }
0x49: {  	s10 =	simm.s32 $0x100  }
0x4a: {  	[tilespmem:s8], [sflag:$0x3] =	stream.indirect.gather [hbm4b:s4+s31], $0x80, s10, s31, $0xb8;
	[tilespmem:$0x1D000] =	vst v63  }
0x4b: {  	s3 =	simm.s32 $0x0;
	s10 =	simm.s32 $0x200  }
.LBB2_2:
0x4c: {  	p0 =	sne.s32 s10, $0x7E00;
	[tilespmem:s3+$0x7070] =	vst v0  }
0x4d: {  	[tilespmem:s3+$0x7000] =	vst v0  }
0x4e: {  	[tilespmem:s3+$0x7010] =	vst v0  }
.Ltmp2:
0x4f: {  	[tilespmem:s3+$0x7020] =	vst v0;
	(pc) =	sbr.rel @p0 .LBB2_2-.Ltmp2, $4  }
0x50: {  	[tilespmem:s3+$0x7030] =	vst v0  }
0x51: {  	[tilespmem:s3+$0x7040] =	vst v0  }
0x52: {  	[tilespmem:s3+$0x7050] =	vst v0  }
0x53: {  	[tilespmem:s3+$0x7060] =	vst v0;
	s3 =	sshra.s32 s10, $0x2;
	s10 =	sadd.s32 $0x200, s10  }
0x54: {  	[tilespmem:s3+$0x7070] =	vst v0  }
0x55: {  	[tilespmem:s3+$0x7000] =	vst v0  }
0x56: {  	[tilespmem:s3+$0x7010] =	vst v0  }
0x57: {  	[tilespmem:s3+$0x7020] =	vst v0  }
0x58: {  	[tilespmem:s3+$0x7030] =	vst v0  }
0x59: {  	[tilespmem:s3+$0x7040] =	vst v0  }
0x5a: {  	[tilespmem:s3+$0x7050] =	vst v0  }
0x5b: {  	[tilespmem:s3+$0x7060] =	vst v0  }
0x5c: {  	[spmem:s25] =	stream.linear.scatter [tilespmem:s9], [sflag:$0xB], $0x2000, $0x38;
	[tilespmem:$0x1D000] =	vst v63  }
0x5d: {  	_ =	swait.ge [sflag:s29], $0x2000  }
0x5e: {  	[sflag:s29] =	ssyncset.done $0x0  }
0x5f: {  	s6 =	rddreg [dreg:$0x8];
	[sflag:s29] =	ssyncadd.s32 $0xFFFFE000  }
0x60: {  	[spmem:s6] =	stream.linear.scatter [tilespmem:s9], [sflag:$0xB], $0x2000, $0x38;
	[tilespmem:$0x1D000] =	vst v63  }
0x61: {  	_ =	swait.ge [sflag:s29], $0x2000  }
0x62: {  	[sflag:s29] =	ssyncset.done $0x0  }
0x63: {  	s10 =	rddreg [dreg:$0x9];
	[sflag:s29] =	ssyncadd.s32 $0xFFFFE000  }
0x64: {  	[spmem:s10] =	stream.linear.scatter [tilespmem:s9], [sflag:$0xB], $0x2000, $0x38;
	[tilespmem:$0x1D000] =	vst v63  }
0x65: {  	_ =	swait.ge [sflag:s29], $0x2000  }
0x66: {  	[sflag:s29] =	ssyncset.done $0x0  }
0x67: {  	s25 =	rddreg [dreg:$0xa];
	[sflag:s29] =	ssyncadd.s32 $0xFFFFE000  }
0x68: {  	[spmem:s25] =	stream.linear.scatter [tilespmem:s9], [sflag:$0xB], $0x2000, $0x38;
	[tilespmem:$0x1D000] =	vst v63  }
0x69: {  	_ =	swait.ge [sflag:s29], $0x2000  }
0x6a: {  	[sflag:s29] =	ssyncset.done $0x0  }
0x6b: {  	s6 =	rddreg [dreg:$0xb];
	[sflag:s29] =	ssyncadd.s32 $0xFFFFE000  }
0x6c: {  	[spmem:s6] =	stream.linear.scatter [tilespmem:s9], [sflag:$0xB], $0x2000, $0x38;
	[tilespmem:$0x1D000] =	vst v63  }
0x6d: {  	_ =	swait.ge [sflag:s29], $0x2000  }
0x6e: {  	[sflag:s29] =	ssyncset.done $0x0  }
0x6f: {  	s10 =	rddreg [dreg:$0xc];
	[sflag:s29] =	ssyncadd.s32 $0xFFFFE000  }
0x70: {  	[spmem:s10] =	stream.linear.scatter [tilespmem:s9], [sflag:$0xB], $0x2000, $0x38;
	[tilespmem:$0x1D000] =	vst v63  }
0x71: {  	_ =	swait.ge [sflag:s29], $0x2000  }
0x72: {  	[sflag:s29] =	ssyncset.done $0x0  }
0x73: {  	s25 =	rddreg [dreg:$0xd];
	[sflag:s29] =	ssyncadd.s32 $0xFFFFE000  }
0x74: {  	[spmem:s25] =	stream.linear.scatter [tilespmem:s9], [sflag:$0xB], $0x2000, $0x38;
	[tilespmem:$0x1D000] =	vst v63  }
0x75: {  	_ =	swait.ge [sflag:s29], $0x2000  }
0x76: {  	[sflag:s29] =	ssyncset.done $0x0  }
0x77: {  	s6 =	rddreg [dreg:$0xe];
	[sflag:s29] =	ssyncadd.s32 $0xFFFFE000  }
0x78: {  	[spmem:s6] =	stream.linear.scatter [tilespmem:s9], [sflag:$0xB], $0x2000, $0x38;
	[tilespmem:$0x1D000] =	vst v63  }
0x79: {  	_ =	swait.ge [sflag:s29], $0x2000  }
0x7a: {  	[sflag:s29] =	ssyncset.done $0x0  }
0x7b: {  	s10 =	rddreg [dreg:$0xf];
	[sflag:s29] =	ssyncadd.s32 $0xFFFFE000  }
0x7c: {  	[spmem:s10] =	stream.linear.scatter [tilespmem:s9], [sflag:$0xB], $0x2000, $0x38;
	[tilespmem:$0x1D000] =	vst v63  }
0x7d: {  	_ =	swait.ge [sflag:s29], $0x2000  }
0x7e: {  	[sflag:s29] =	ssyncset.done $0x0  }
0x7f: {  	s25 =	rddreg [dreg:$0x10];
	[sflag:s29] =	ssyncadd.s32 $0xFFFFE000  }
0x80: {  	[spmem:s25] =	stream.linear.scatter [tilespmem:s9], [sflag:$0xB], $0x2000, $0x38;
	[tilespmem:$0x1D000] =	vst v63  }
0x81: {  	_ =	swait.ge [sflag:s29], $0x2000  }
0x82: {  	[sflag:s29] =	ssyncset.done $0x0  }
0x83: {  	[sflag:s29] =	ssyncadd.s32 $0xFFFFE000  }
0x84: {  	s10 =	simm.s32 $0x0;
	[bflag:$0x0] =	sbarrier.arrive $0xFFFF  }
.LBB2_4:
0x85: {  	_ =	swait.ge [sflag:s11], $0x2000  }
0x86: {  	[sflag:s11] =	ssyncset.done $0x0  }
0x87: {  	s3 =	simm.s32 $0x800;
	p0 =	seq.s32 s10, $0x0;
	[sflag:s11] =	ssyncadd.s32 $0xFFFFE000  }
0x88: {  	[spmem:s1] =	stream.indirect.scatter.add.f32 [tilespmem:s0], [sflag:$0x5], $0x80, s3, s31, $0xb8;
	[tilespmem:$0x1D000] =	vst v63  }
0x89: {  	s3 =	simm.s32 @!p0 $0x8  }
0x8a: {  	_ =	swait.ge @!p0 [sflag:s3], $0x2000  }
0x8b: {  	s6 =	simm.s32 @!p0 $0x0;
	[sflag:s3] =	ssyncset.done @!p0 $0x0  }
0x8c: {  	s25 =	simm.s32 @!p0 $0x400;
	[sflag:s3] =	ssyncadd.s32 @!p0 $0xFFFFE000;
	s3 =	sadd.s32 @!p0 s10, s24  }
0x8d: {  	[tilespmem:s25], [sflag:$0x9] =	stream.linear.gather @!p0 [hbm4b:s3+s6], $0x400, $0x38;
	[tilespmem:$0x1D000] =	vst v63  }
0x8e: {  	s3 =	sadd.s32 @!p0 s10, s23;
	s25 =	simm.s32 @!p0 $0xC00  }
0x8f: {  	[tilespmem:s25], [sflag:$0xA] =	stream.linear.gather @!p0 [hbm4b:s3+s6], $0x400, $0x38;
	[tilespmem:$0x1D000] =	vst v63  }
0x90: {  	s25 =	simm.s32 $0x180  }
0x91: {  	[tilespmem:s9], [sflag:$0x4] =	stream.indirect.gather [hbm4b:s4+s31], $0x80, s25, s31, $0xb8;
	[tilespmem:$0x1D000] =	vst v63  }
0x92: {  	_ =	swait.ge [sflag:s13], $0x2000  }
0x93: {  	[sflag:s13] =	ssyncset.done $0x0  }
0x94: {  	s29 =	simm.s32 $0x880;
	[sflag:s13] =	ssyncadd.s32 $0xFFFFE000  }
0x95: {  	[spmem:s1] =	stream.indirect.scatter.add.f32 [tilespmem:s5], [sflag:$0x6], $0x80, s29, s31, $0xb8;
	[tilespmem:$0x1D000] =	vst v63  }
0x96: {  	_ =	swait.ge [sflag:s15], $0x2000  }
0x97: {  	[sflag:s15] =	ssyncset.done $0x0  }
0x98: {  	s6 =	simm.s32 $0x200;
	[sflag:s15] =	ssyncadd.s32 $0xFFFFE000  }
0x99: {  	[tilespmem:s0], [sflag:$0x1] =	stream.indirect.gather [hbm4b:s4+s31], $0x80, s6, s31, $0xb8;
	[tilespmem:$0x1D000] =	vst v63  }
0x9a: {  	_ =	swait.ge [sflag:s17], $0x2000  }
0x9b: {  	[sflag:s17] =	ssyncset.done $0x0  }
0x9c: {  	s25 =	simm.s32 $0x900;
	[sflag:s17] =	ssyncadd.s32 $0xFFFFE000  }
0x9d: {  	[spmem:s1] =	stream.indirect.scatter.add.f32 [tilespmem:s8], [sflag:$0x7], $0x80, s25, s31, $0xb8;
	[tilespmem:$0x1D000] =	vst v63  }
0x9e: {  	_ =	swait.ge [sflag:s21], $0x2000  }
0x9f: {  	[sflag:s21] =	ssyncset.done $0x0  }
0xa0: {  	s29 =	simm.s32 $0x280;
	[sflag:s21] =	ssyncadd.s32 $0xFFFFE000  }
0xa1: {  	[tilespmem:s5], [sflag:$0x2] =	stream.indirect.gather [hbm4b:s4+s31], $0x80, s29, s31, $0xb8;
	[tilespmem:$0x1D000] =	vst v63  }
0xa2: {  	_ =	swait.ge [sflag:s7], $0x2000  }
0xa3: {  	[sflag:s7] =	ssyncset.done $0x0  }
0xa4: {  	s6 =	simm.s32 $0x980;
	[sflag:s7] =	ssyncadd.s32 $0xFFFFE000  }
0xa5: {  	[spmem:s1] =	stream.indirect.scatter.add.f32 [tilespmem:s9], [sflag:$0x8], $0x80, s6, s31, $0xb8;
	[tilespmem:$0x1D000] =	vst v63  }
0xa6: {  	_ =	swait.ge [sflag:s2], $0x2000  }
0xa7: {  	[sflag:s2] =	ssyncset.done $0x0  }
0xa8: {  	s25 =	simm.s32 $0x300;
	[sflag:s2] =	ssyncadd.s32 $0xFFFFE000  }
0xa9: {  	[tilespmem:s8], [sflag:$0x3] =	stream.indirect.gather [hbm4b:s4+s31], $0x80, s25, s31, $0xb8;
	[tilespmem:$0x1D000] =	vst v63  }
0xaa: {  	_ =	swait.ge [sflag:s11], $0x2000  }
0xab: {  	[sflag:s11] =	ssyncset.done $0x0  }
0xac: {  	s29 =	simm.s32 $0xA00;
	[sflag:s11] =	ssyncadd.s32 $0xFFFFE000  }
0xad: {  	[spmem:s1] =	stream.indirect.scatter.add.f32 [tilespmem:s0], [sflag:$0x5], $0x80, s29, s31, $0xb8;
	[tilespmem:$0x1D000] =	vst v63  }
0xae: {  	_ =	swait.ge [sflag:s12], $0x2000  }
0xaf: {  	[sflag:s12] =	ssyncset.done $0x0  }
0xb0: {  	[sflag:s12] =	ssyncadd.s32 $0xFFFFE000  }
0xb1: {  	_ =	swait.ge [sflag:s26], $0x400  }
0xb2: {  	[sflag:s26] =	ssyncset.done $0x0  }
0xb3: {  	[sflag:s26] =	ssyncadd.s32 $0xFFFFFC00  }
0xb4: {  	_ =	swait.ge [sflag:s28], $0x400  }
0xb5: {  	[sflag:s28] =	ssyncset.done $0x0  }
0xb6: {  	s6 =	simm.s32 $0x380;
	[sflag:s28] =	ssyncadd.s32 $0xFFFFFC00  }
0xb7: {  	[tilespmem:s9], [sflag:$0x4] =	stream.indirect.gather [hbm4b:s4+s31], $0x80, s6, s31, $0xb8;
	[tilespmem:$0x1D000] =	vst v63  }
0xb8: {  	_ =	swait.ge [sflag:s13], $0x2000  }
0xb9: {  	[sflag:s13] =	ssyncset.done $0x0  }
0xba: {  	s25 =	simm.s32 $0xA80;
	[sflag:s13] =	ssyncadd.s32 $0xFFFFE000  }
0xbb: {  	[spmem:s1] =	stream.indirect.scatter.add.f32 [tilespmem:s5], [sflag:$0x6], $0x80, s25, s31, $0xb8;
	[tilespmem:$0x1D000] =	vst v63  }
0xbc: {  	_ =	swait.ge [sflag:s15], $0x2000  }
0xbd: {  	[sflag:s15] =	ssyncset.done $0x0  }
0xbe: {  	s29 =	simm.s32 $0x400;
	[sflag:s15] =	ssyncadd.s32 $0xFFFFE000  }
0xbf: {  	[tilespmem:s0], [sflag:$0x1] =	stream.indirect.gather [hbm4b:s4+s31], $0x80, s29, s31, $0xb8;
	[tilespmem:$0x1D000] =	vst v63  }
0xc0: {  	_ =	swait.ge [sflag:s17], $0x2000  }
0xc1: {  	[sflag:s17] =	ssyncset.done $0x0  }
0xc2: {  	s6 =	simm.s32 $0xB00;
	[sflag:s17] =	ssyncadd.s32 $0xFFFFE000  }
0xc3: {  	[spmem:s1] =	stream.indirect.scatter.add.f32 [tilespmem:s8], [sflag:$0x7], $0x80, s6, s31, $0xb8;
	[tilespmem:$0x1D000] =	vst v63  }
0xc4: {  	_ =	swait.ge [sflag:s21], $0x2000  }
0xc5: {  	[sflag:s21] =	ssyncset.done $0x0  }
0xc6: {  	s25 =	simm.s32 $0x480;
	[sflag:s21] =	ssyncadd.s32 $0xFFFFE000  }
0xc7: {  	[tilespmem:s5], [sflag:$0x2] =	stream.indirect.gather [hbm4b:s4+s31], $0x80, s25, s31, $0xb8;
	[tilespmem:$0x1D000] =	vst v63  }
0xc8: {  	_ =	swait.ge [sflag:s7], $0x2000  }
0xc9: {  	[sflag:s7] =	ssyncset.done $0x0  }
0xca: {  	s29 =	simm.s32 $0xB80;
	[sflag:s7] =	ssyncadd.s32 $0xFFFFE000  }
0xcb: {  	[spmem:s1] =	stream.indirect.scatter.add.f32 [tilespmem:s9], [sflag:$0x8], $0x80, s29, s31, $0xb8;
	[tilespmem:$0x1D000] =	vst v63  }
0xcc: {  	_ =	swait.ge [sflag:s2], $0x2000  }
0xcd: {  	[sflag:s2] =	ssyncset.done $0x0  }
0xce: {  	s6 =	simm.s32 $0x500;
	[sflag:s2] =	ssyncadd.s32 $0xFFFFE000  }
0xcf: {  	[tilespmem:s8], [sflag:$0x3] =	stream.indirect.gather [hbm4b:s4+s31], $0x80, s6, s31, $0xb8;
	[tilespmem:$0x1D000] =	vst v63  }
0xd0: {  	_ =	swait.ge [sflag:s11], $0x2000  }
0xd1: {  	[sflag:s11] =	ssyncset.done $0x0  }
0xd2: {  	s25 =	simm.s32 $0xC00;
	[sflag:s11] =	ssyncadd.s32 $0xFFFFE000  }
0xd3: {  	[spmem:s1] =	stream.indirect.scatter.add.f32 [tilespmem:s0], [sflag:$0x5], $0x80, s25, s31, $0xb8;
	[tilespmem:$0x1D000] =	vst v63  }
0xd4: {  	_ =	swait.ge [sflag:s12], $0x2000  }
0xd5: {  	p0 =	seq.s32 s10, $0x900;
	[sflag:s12] =	ssyncset.done $0x0  }
0xd6: {  	s3 =	simm.s32 @!p0 $0x0;
	s6 =	sadd.s32 @!p0 s10, s18;
	[sflag:s12] =	ssyncadd.s32 $0xFFFFE000  }
0xd7: {  	[tilespmem:s3], [sflag:$0x9] =	stream.linear.gather @!p0 [hbm4b:s6+s3], $0x400, $0x38;
	[tilespmem:$0x1D000] =	vst v63  }
0xd8: {  	s25 =	simm.s32 @!p0 $0x800;
	s6 =	sadd.s32 @!p0 s10, s19  }
0xd9: {  	[tilespmem:s25], [sflag:$0xA] =	stream.linear.gather @!p0 [hbm4b:s6+s3], $0x400, $0x38;
	[tilespmem:$0x1D000] =	vst v63  }
0xda: {  	s29 =	simm.s32 $0x580  }
0xdb: {  	[tilespmem:s9], [sflag:$0x4] =	stream.indirect.gather [hbm4b:s4+s31], $0x80, s29, s31, $0xb8;
	[tilespmem:$0x1D000] =	vst v63  }
0xdc: {  	_ =	swait.ge [sflag:s13], $0x2000  }
0xdd: {  	[sflag:s13] =	ssyncset.done $0x0  }
0xde: {  	s25 =	simm.s32 $0xC80;
	[sflag:s13] =	ssyncadd.s32 $0xFFFFE000  }
0xdf: {  	[spmem:s1] =	stream.indirect.scatter.add.f32 [tilespmem:s5], [sflag:$0x6], $0x80, s25, s31, $0xb8;
	[tilespmem:$0x1D000] =	vst v63  }
0xe0: {  	_ =	swait.ge [sflag:s15], $0x2000  }
0xe1: {  	[sflag:s15] =	ssyncset.done $0x0  }
0xe2: {  	s29 =	simm.s32 $0x600;
	[sflag:s15] =	ssyncadd.s32 $0xFFFFE000  }
0xe3: {  	[tilespmem:s0], [sflag:$0x1] =	stream.indirect.gather [hbm4b:s4+s31], $0x80, s29, s31, $0xb8;
	[tilespmem:$0x1D000] =	vst v63  }
0xe4: {  	_ =	swait.ge [sflag:s17], $0x2000  }
0xe5: {  	[sflag:s17] =	ssyncset.done $0x0  }
0xe6: {  	s25 =	simm.s32 $0xD00;
	[sflag:s17] =	ssyncadd.s32 $0xFFFFE000  }
0xe7: {  	[spmem:s1] =	stream.indirect.scatter.add.f32 [tilespmem:s8], [sflag:$0x7], $0x80, s25, s31, $0xb8;
	[tilespmem:$0x1D000] =	vst v63  }
0xe8: {  	_ =	swait.ge [sflag:s21], $0x2000  }
0xe9: {  	[sflag:s21] =	ssyncset.done $0x0  }
0xea: {  	s29 =	simm.s32 $0x680;
	[sflag:s21] =	ssyncadd.s32 $0xFFFFE000  }
0xeb: {  	[tilespmem:s5], [sflag:$0x2] =	stream.indirect.gather [hbm4b:s4+s31], $0x80, s29, s31, $0xb8;
	[tilespmem:$0x1D000] =	vst v63  }
0xec: {  	_ =	swait.ge [sflag:s7], $0x2000  }
0xed: {  	[sflag:s7] =	ssyncset.done $0x0  }
0xee: {  	[sflag:s7] =	ssyncadd.s32 $0xFFFFE000  }
0xef: {  	[spmem:s1] =	stream.indirect.scatter.add.f32 [tilespmem:s9], [sflag:$0x8], $0x80, s30, s31, $0xb8;
	[tilespmem:$0x1D000] =	vst v63  }
0xf0: {  	_ =	swait.ge [sflag:s2], $0x2000  }
0xf1: {  	[sflag:s2] =	ssyncset.done $0x0  }
0xf2: {  	[sflag:s2] =	ssyncadd.s32 $0xFFFFE000  }
0xf3: {  	[tilespmem:s8], [sflag:$0x3] =	stream.indirect.gather [hbm4b:s4+s31], $0x80, s14, s31, $0xb8;
	[tilespmem:$0x1D000] =	vst v63  }
0xf4: {  	_ =	swait.ge [sflag:s11], $0x2000  }
0xf5: {  	[sflag:s11] =	ssyncset.done $0x0  }
0xf6: {  	[sflag:s11] =	ssyncadd.s32 $0xFFFFE000  }
0xf7: {  	[spmem:s1] =	stream.indirect.scatter.add.f32 [tilespmem:s0], [sflag:$0x5], $0x80, s16, s31, $0xb8;
	[tilespmem:$0x1D000] =	vst v63  }
0xf8: {  	_ =	swait.ge [sflag:s12], $0x2000  }
0xf9: {  	s6 =	simm.s32 @p0 $0x40;
	[sflag:s12] =	ssyncset.done $0x0  }
0xfa: {  	s25 =	simm.s32 @p0 $0x780;
	s29 =	simm.s32 @p0 $0x7000;
	[sflag:s12] =	ssyncadd.s32 $0xFFFFE000  }
0xfb: {  	[tilespmem:s29], [sflag:$0x4] =	stream.indirect.gather @p0 [hbm4b:s4+s6], $0x80, s25, s6, $0xb8;
	[tilespmem:$0x1D000] =	vst v63  }
0xfc: {  	s25 =	simm.s32 @p0 $0x2  }
0xfd: {  	_ =	swait.ge @p0 [sflag:s25], $0x2000  }
0xfe: {  	[sflag:s25] =	ssyncset.done @p0 $0x0  }
0xff: {  	s29 =	simm.s32 @p0 $0x3000;
	[sflag:s25] =	ssyncadd.s32 @p0 $0xFFFFE000;
	s25 =	simm.s32 @p0 $0xE80  }
0x100: {  	[spmem:s1] =	stream.indirect.scatter.add.f32 @p0 [tilespmem:s29], [sflag:$0x6], $0x80, s25, s6, $0xb8;
	[tilespmem:$0x1D000] =	vst v63  }
0x101: {  	s6 =	simm.s32 @p0 $0x5  }
0x102: {  	_ =	swait.ge @p0 [sflag:s6], $0x2000  }
0x103: {  	[sflag:s6] =	ssyncset.done @p0 $0x0  }
0x104: {  	[sflag:s6] =	ssyncadd.s32 @p0 $0xFFFFE000;
	s6 =	simm.s32 @!p0 $0x9  }
0x105: {  	_ =	swait.ge @!p0 [sflag:s6], $0x400  }
0x106: {  	[sflag:s6] =	ssyncset.done @!p0 $0x0  }
0x107: {  	[sflag:s6] =	ssyncadd.s32 @!p0 $0xFFFFFC00;
	s6 =	simm.s32 @!p0 $0xA  }
0x108: {  	_ =	swait.ge @!p0 [sflag:s6], $0x400  }
0x109: {  	s25 =	simm.s32 @!p0 $0x780;
	[sflag:s6] =	ssyncset.done @!p0 $0x0  }
0x10a: {  	s29 =	simm.s32 @!p0 $0x7000;
	[sflag:s6] =	ssyncadd.s32 @!p0 $0xFFFFFC00;
	s6 =	simm.s32 @!p0 $0x40  }
0x10b: {  	[tilespmem:s29], [sflag:$0x4] =	stream.indirect.gather @!p0 [hbm4b:s4+s6], $0x80, s25, s6, $0xb8;
	[tilespmem:$0x1D000] =	vst v63  }
0x10c: {  	s25 =	simm.s32 @!p0 $0x2  }
0x10d: {  	_ =	swait.ge @!p0 [sflag:s25], $0x2000  }
0x10e: {  	[sflag:s25] =	ssyncset.done @!p0 $0x0  }
0x10f: {  	s29 =	simm.s32 @!p0 $0x3000;
	[sflag:s25] =	ssyncadd.s32 @!p0 $0xFFFFE000;
	s25 =	simm.s32 @!p0 $0xE80  }
0x110: {  	[spmem:s1] =	stream.indirect.scatter.add.f32 @!p0 [tilespmem:s29], [sflag:$0x6], $0x80, s25, s6, $0xb8;
	[tilespmem:$0x1D000] =	vst v63  }
0x111: {  	s25 =	simm.s32 @!p0 $0x5  }
0x112: {  	_ =	swait.ge @!p0 [sflag:s25], $0x2000  }
0x113: {  	[sflag:s25] =	ssyncset.done @!p0 $0x0  }
0x114: {  	[sflag:s25] =	ssyncadd.s32 @!p0 $0xFFFFE000;
	s25 =	simm.s32 @!p0 $0x1000  }
0x115: {  	[tilespmem:s25], [sflag:$0x1] =	stream.indirect.gather @!p0 [hbm4b:s4+s6], $0x80, s3, s6, $0xb8;
	[tilespmem:$0x1D000] =	vst v63  }
0x116: {  	_ =	swait.ge [sflag:s17], $0x2000  }
0x117: {  	[sflag:s17] =	ssyncset.done $0x0  }
.Ltmp3:
0x118: {  	[sflag:s17] =	ssyncadd.s32 $0xFFFFE000;
	(pc) =	sbr.rel @p0 .LBB2_6-.Ltmp3, $4  }
0x119: {  	[spmem:s1] =	stream.indirect.scatter.add.f32 [tilespmem:s8], [sflag:$0x7], $0x80, s20, s31, $0xb8;
	[tilespmem:$0x1D000] =	vst v63  }
0x11a: {  	_ =	swait.ge [sflag:s21], $0x2000  }
0x11b: {  	[sflag:s21] =	ssyncset.done $0x0  }
0x11c: {  	[sflag:s21] =	ssyncadd.s32 $0xFFFFE000  }
0x11d: {  	s3 =	simm.s32 $0x80  }
0x11e: {  	[tilespmem:s5], [sflag:$0x2] =	stream.indirect.gather [hbm4b:s4+s31], $0x80, s3, s31, $0xb8;
	[tilespmem:$0x1D000] =	vst v63  }
0x11f: {  	_ =	swait.ge [sflag:s7], $0x2000  }
0x120: {  	[sflag:s7] =	ssyncset.done $0x0  }
0x121: {  	[sflag:s7] =	ssyncadd.s32 $0xFFFFE000  }
0x122: {  	[spmem:s1] =	stream.indirect.scatter.add.f32 [tilespmem:s9], [sflag:$0x8], $0x80, s22, s31, $0xb8;
	[tilespmem:$0x1D000] =	vst v63  }
.Ltmp4:
0x123: {  	_ = 	snop;
	(pc) =	sbr.rel .LBB2_4-.Ltmp4, $4  }
0x124: {  	_ =	swait.ge [sflag:s2], $0x2000  }
0x125: {  	[sflag:s2] =	ssyncset.done $0x0  }
0x126: {  	s29 =	simm.s32 $0x100;
	s10 =	sadd.s32 $0x100, s10;
	[sflag:s2] =	ssyncadd.s32 $0xFFFFE000  }
0x127: {  	[tilespmem:s8], [sflag:$0x3] =	stream.indirect.gather [hbm4b:s4+s31], $0x80, s29, s31, $0xb8;
	[tilespmem:$0x1D000] =	vst v63  }
.LBB2_7:
0x128: {  	_ =	sfence.sel $0x180000  }
0x129: {  	[bflag:$0x0] =	sbarrier.arrive $0xFFFF  }
0x12a: {  	_ =	strace $0x9000004D  }
0x12b: {  	s0 =	stileid.u32;
	[bflag:$0x2] =	sbarrier.arrive $0xFFFF  }
0x12c: {  	p0 =	sne.s32 s0, $0x0;
	s0 =	rddreg [dreg:$0x2]  }
0x12d: {  	s0 =	sadd.s32 @!p0 $0x100000, s0  }
0x12e: {  	[sflag:s0] =	ssyncadd.tile.s32 @!p0 $0x1;
	_ =	shalt  }
.Lfunc_end2:
_tile_overlayer_lowered:
.L_overlay_start_2:
0x12f: {  	(tag) =	ssettag $0x2  }
0x130: {  	s0 =	rddreg [dreg:$0x0];
	s2 =	stileid.u32  }
0x131: {  	s1 =	rddreg [dreg:$0x1];
	p0 =	sne.s32 s2, $0x0  }
0x132: {  	s3 =	rddreg [dreg:$0x2];
	[bflag:$0x3] =	sbarrier.arrive $0xFFFF;
	s2 =	simm.s32 @!p0 $0x1C0B  }
0x133: {  	[timem:s3], [sflag:s2] =	dma.local @!p0 [hbm:s0], s1  }
0x134: {  	s0 =	simm.s32 @!p0 $0xB  }
0x135: {  	_ =	swait.ge @!p0 [sflag:s0], s1  }
0x136: {  	s1 =	ssub.s32 @!p0 $0x0, s1;
	[sflag:s0] =	ssyncset.done @!p0 $0x0  }
0x137: {  	[sflag:s0] =	ssyncadd.s32 @!p0 s1  }
0x138: {  	[bflag:$0x3] =	sbarrier.arrive $0xFFFF  }
0x139: {  	_ =	shalt  }

// kernel: kernel.18.cloned.1.call-start
scs
__scs_entry_jumppad:
0x0: {  	(pc) =	sbr.rel $0x88, $3  }
0x1: {  	(tag) =	ssettag $0x0;
	lr =	simm.s32 $0x1  }
0x2: {  	[smem:$0x3F95] =	sst lr;
	_ =	strace $0xD0000000  }
0x3: {  	_ = 	snop  }
0x4: {  	_ = 	snop  }
0x5: {  	_ = 	snop  }
0x6: {  	_ = 	snop  }
0x7: {  	_ = 	snop  }
__scs_overlays_trampoline_lowered:
0x8: {  	[smem:$0x3FA4] =	sst s0  }
0x9: {  	[smem:$0x3FA5] =	sst s1  }
0xa: {  	[smem:$0x3FA6] =	sst s2  }
0xb: {  	[smem:$0x3FA7] =	sst s3  }
0xc: {  	[smem:$0x3FA8] =	sst s4  }
0xd: {  	[smem:$0x3FA9] =	sst s5  }
0xe: {  	[smem:$0x3FAA] =	sst s6  }
0xf: {  	[smem:$0x3FAB] =	sst s7  }
0x10: {  	[smem:$0x3FAC] =	sst s8  }
0x11: {  	[smem:$0x3FAD] =	sst s9;
	s0 =	simm.s32 @!p0 $0x0  }
0x12: {  	s1 =	sld [smem:$0x3F93];
	s0 =	simm.s32 @p0 $0x1  }
0x13: {  	[smem:$0x3FAE] =	sst s0;
	s0 =	simm.s32 @!p1 $0x0  }
0x14: {  	s2 =	sld [smem:$0x3F92];
	s0 =	simm.s32 @p1 $0x1  }
0x15: {  	[smem:$0x3FAF] =	sst s0;
	s0 =	simm.s32 @!p2 $0x0  }
0x16: {  	s3 =	sld [smem:$0x3FDB];
	s0 =	simm.s32 @p2 $0x1  }
0x17: {  	s4 =	simm.s32 $0x1BF5;
	[smem:$0x3FB1] =	sst s0  }
0x18: {  	s0 =	sld [smem:$0x3F94];
	_ =	swait.ge [sflag:s4], $0x0  }
0x19: {  	s7 =	sld [smem:$0x3F95]  }
0x1a: {  	s8 =	sadd.s32 $0xFFFFE003, lr  }
0x1b: {  	s9 =	sadd.s32 $0xFFFFFEF7, lr;
	s5 =	simm.s32 $0xFFFFFFFF;
	p2 =	slt.u32 s8, $0xFFFFF086  }
0x1c: {  	p1 =	slt.u32 s9, $0xF7A;
	s5 =	simm.s32 @!p2 $0x0  }
0x1d: {  	s5 =	simm.s32 @p1 $0x1;
	p0 =	seq.s32 s7, s2  }
0x1e: {  	s7 =	smul.u32 @!p0 $0xF7A, s2;
	p2 =	seq.s32 @!p0 s5, $0x0  }
0x1f: {  	s9 =	smul.u32 $0xF7A, s1;
	s8 =	simm.s32 @!p0 $0x1BF5;
	p2 =	por !p2, p0  }
0x20: {  	[sflag:s8] =	ssyncset.s32 @!p0 $0xFFFFF086;
	s6 =	sadd.s32 @!p0 s3, s7;
	s7 =	simm.s32 @!p0 $0x108  }
0x21: {  	s3 =	sadd.s32 s3, s9;
	s6 =	sadd.s32 @!p0 $0x88, s6;
	s7 =	simm.s32 @p2 $0x1082  }
0x22: {  	[simem:s7], [sflag:s8] =	dma.local @!p0 [hbm:s6], $0xF7A  }
0x23: {  	s9 =	sor.u32 $0xD0000000, s2;
	s6 =	simm.s32 $0x108;
	_ =	swait.ge @!p0 [sflag:s8], $0x0  }
0x24: {  	s3 =	sadd.s32 $0x88, s3;
	s6 =	simm.s32 @!p1 $0x1082;
	[sflag:s4] =	ssyncset.s32 $0xFFFFF086  }
0x25: {  	[simem:s6], [sflag:s4] =	dma.local [hbm:s3], $0xF7A  }
0x26: {  	[smem:$0x3F95] =	sst s1;
	(tag) =	ssettag s2;
	_ =	strace s9  }
0x27: {  	s1 =	sld [smem:$0x3FA5]  }
0x28: {  	s2 =	sld [smem:$0x3FA6]  }
0x29: {  	s4 =	sld [smem:$0x3FA8]  }
0x2a: {  	p0 =	seq.s32 s5, $0x0;
	s5 =	sld [smem:$0x3FA9]  }
0x2b: {  	s6 =	sld [smem:$0x3FAA]  }
0x2c: {  	s7 =	sld [smem:$0x3FAB]  }
0x2d: {  	s3 =	simm.s32 $0x108;
	s8 =	sld [smem:$0x3FAC]  }
0x2e: {  	s3 =	simm.s32 @!p0 $0x1082;
	s9 =	sld [smem:$0x3FAD]  }
0x2f: {  	lr =	sadd.s32 s0, s3;
	s0 =	sld [smem:$0x3FA4]  }
0x30: {  	s3 =	sld [smem:$0x3FA7]  }
0x31: {  	[smem:$0x3FB0] =	sst s10  }
0x32: {  	s10 =	sld [smem:$0x3FAE];
	_ =	sdelay $0x3  }
0x33: {  	p0 =	seq.s32 s10, $0x1;
	s10 =	sld [smem:$0x3FB0];
	_ =	sdelay $0x3  }
0x34: {  	[smem:$0x3FB0] =	sst s10  }
0x35: {  	s10 =	sld [smem:$0x3FAF];
	_ =	sdelay $0x3  }
0x36: {  	p1 =	seq.s32 s10, $0x1;
	s10 =	sld [smem:$0x3FB0];
	_ =	sdelay $0x3  }
0x37: {  	[smem:$0x3FB0] =	sst s10  }
0x38: {  	s10 =	sld [smem:$0x3FB1]  }
0x39: {  	_ = 	snop;
	(pc) =	sbr.ind lr, $3  }
0x3a: {  	_ = 	snop  }
0x3b: {  	_ = 	snop  }
0x3c: {  	p2 =	seq.s32 s10, $0x1;
	s10 =	sld [smem:$0x3FB0]  }
0x3d: {  	_ =	shalt  }
0x3e: {  	_ =	shalt  }
0x3f: {  	_ =	shalt  }
0x40: {  	_ =	shalt  }
0x41: {  	_ =	shalt  }
0x42: {  	_ =	shalt  }
0x43: {  	_ =	shalt  }
0x44: {  	_ =	shalt  }
0x45: {  	_ =	shalt  }
0x46: {  	_ =	shalt  }
0x47: {  	_ =	shalt  }
0x48: {  	_ =	shalt  }
0x49: {  	_ =	shalt  }
0x4a: {  	_ =	shalt  }
0x4b: {  	_ =	shalt  }
0x4c: {  	_ =	shalt  }
0x4d: {  	_ =	shalt  }
0x4e: {  	_ =	shalt  }
0x4f: {  	_ =	shalt  }
0x50: {  	_ =	shalt  }
0x51: {  	_ =	shalt  }
0x52: {  	_ =	shalt  }
0x53: {  	_ =	shalt  }
0x54: {  	_ =	shalt  }
0x55: {  	_ =	shalt  }
0x56: {  	_ =	shalt  }
0x57: {  	_ =	shalt  }
0x58: {  	_ =	shalt  }
0x59: {  	_ =	shalt  }
0x5a: {  	_ =	shalt  }
0x5b: {  	_ =	shalt  }
0x5c: {  	_ =	shalt  }
0x5d: {  	_ =	shalt  }
0x5e: {  	_ =	shalt  }
0x5f: {  	_ =	shalt  }
0x60: {  	_ =	shalt  }
0x61: {  	_ =	shalt  }
0x62: {  	_ =	shalt  }
0x63: {  	_ =	shalt  }
0x64: {  	_ =	shalt  }
0x65: {  	_ =	shalt  }
0x66: {  	_ =	shalt  }
0x67: {  	_ =	shalt  }
0x68: {  	_ =	shalt  }
0x69: {  	_ =	shalt  }
0x6a: {  	_ =	shalt  }
0x6b: {  	_ =	shalt  }
0x6c: {  	_ =	shalt  }
0x6d: {  	_ =	shalt  }
0x6e: {  	_ =	shalt  }
0x6f: {  	_ =	shalt  }
0x70: {  	_ =	shalt  }
0x71: {  	_ =	shalt  }
0x72: {  	_ =	shalt  }
0x73: {  	_ =	shalt  }
0x74: {  	_ =	shalt  }
0x75: {  	_ =	shalt  }
0x76: {  	_ =	shalt  }
0x77: {  	_ =	shalt  }
0x78: {  	_ =	shalt  }
0x79: {  	_ =	shalt  }
0x7a: {  	_ =	shalt  }
0x7b: {  	_ =	shalt  }
0x7c: {  	_ =	shalt  }
0x7d: {  	_ =	shalt  }
0x7e: {  	_ =	shalt  }
0x7f: {  	_ =	shalt  }
0x80: {  	_ =	shalt  }
0x81: {  	_ =	shalt  }
0x82: {  	_ =	shalt  }
0x83: {  	_ =	shalt  }
0x84: {  	_ =	shalt  }
0x85: {  	_ =	shalt  }
0x86: {  	_ =	shalt  }
0x87: {  	_ =	shalt  }
.Lfunc_end0:
.L_simem_size_0:
called_computation.3_lowered:
.L_overlay_start_0:
0x88: {  	s2 =	sld [smem:$0x3FD9]  }
0x89: {  	s3 =	sld [smem:$0x3FFE];
	_ =	sdelay $0x1  }
0x8a: {  	s1 =	srdreg.scid  }
0x8b: {  	s0 =	sand.u32 $0x1, s1  }
0x8c: {  	s14 =	sshll.u32 s0, $0xA;
	s2 =	sadd.s32 s3, s2  }
0x8d: {  	s2 =	sadd.s32 s2, s14  }
0x8e: {  	[smem:$0x3FBC] =	sst s2  }
0x8f: {  	_ = 	snop  }
0x90: {  	s2 =	sld [smem:$0x3FD0];
	_ =	sdelay $0x2  }
0x91: {  	s15 =	simm.s32 $0xA;
	s4 =	simm.s32 $0x10  }
0x92: {  	[smem:s4], [sflag:s15] =	dma.local [hbm:s2], $0x1  }
0x93: {  	_ =	swait.eq [sflag:s15], $0x1  }
0x94: {  	[sflag:s15] =	ssyncset.done $0x0  }
0x95: {  	[sflag:s15] =	ssyncadd.s32 $0xFFFFFFFF  }
0x96: {  	s16 =	sld [smem:$0x10];
	(tm) =	ssettm $0x1  }
0x97: {  	s17 =	sld [smem:$0x3FFB];
	_ =	sdelay $0x3  }
0x98: {  	_ =	strace s17  }
0x99: {  	s3 =	sld [smem:$0x3FFC];
	_ =	sdelay $0x3  }
0x9a: {  	_ =	strace s3  }
0x9b: {  	s3 =	sld [smem:$0x3FFD];
	_ =	sdelay $0x3  }
0x9c: {  	_ =	strace s3  }
0x9d: {  	_ =	strace $0x8FFFFFFF  }
0x9e: {  	s18 =	sld [smem:$0x3FDB];
	_ =	sdelay $0x1  }
0x9f: {  	s19 =	simm.s32 $_scs_section_size  }
0xa0: {  	s5 =	simm.s32 $_size__tile_overlayer_lowered;
	s6 =	simm.s32 $_tile_overlayer_lowered  }
0xa1: {  	s22 =	simm.s32 $0x1BFF;
	s21 =	sshll.u32 s6, $0x1;
	s3 =	sadd.s32 s19, s18  }
0xa2: {  	s7 =	simm.s32 $0x0;
	s20 =	sshll.u32 s5, $0x1;
	s5 =	sadd.s32 s21, s3  }
0xa3: {  	[timem:s7], [sflag:s22] =	dma.local [hbm:s5], s20  }
0xa4: {  	_ =	swait.ge [sflag:s22], s20  }
0xa5: {  	s4 =	ssub.s32 $0x0, s20;
	[sflag:s22] =	ssyncset.done $0x0  }
0xa6: {  	[sflag:s22] =	ssyncadd.s32 s4;
	_ =	sdelay $0x1  }
0xa7: {  	s23 =	simm.s32 $0x1B8B  }
0xa8: {  	_ =	swait.ge [sflag:s23], $0x1  }
0xa9: {  	[sflag:s23] =	ssyncset.done $0x0  }
0xaa: {  	s25 =	simm.s32 $0x1B8E;
	s24 =	sld [smem:$0x3FFE];
	[sflag:s23] =	ssyncadd.s32 $0xFFFFFFFF  }
0xab: {  	s26 =	simm.s32 $execute0_lowered;
	[smem:$0x3FD2] =	sst s25  }
0xac: {  	s5 =	sshll.u32 s26, $0x1;
	_ =	strace $0x8000004F;
	[dreg:$0x1] =	wrdreg $0xFFFFFFFF  }
0xad: {  	s28 =	simm.s32 $_size_execute0_lowered;
	s3 =	sadd.s32 s3, s5;
	[dreg:$0x0] =	wrdreg $0x0  }
0xae: {  	s5 =	sshll.u32 s28, $0x1;
	[dreg:$0x2] =	wrdreg s3  }
0xaf: {  	[dreg:$0x3] =	wrdreg s5  }
0xb0: {  	[dreg:$0x4] =	wrdreg $0xC0  }
0xb1: {  	_ =	task [dreg:s7], $0x5FFFF  }
0xb2: {  	[dreg:$0x1] =	wrdreg $0xFFFFFFFF  }
0xb3: {  	[dreg:$0x0] =	wrdreg $0x60  }
0xb4: {  	[dreg:$0x2] =	wrdreg s24  }
0xb5: {  	[dreg:$0x3] =	wrdreg s16  }
0xb6: {  	[dreg:$0x4] =	wrdreg $0x9  }
0xb7: {  	_ =	task.clear_ibuf [dreg:s7], $0x5FFFF;
	_ =	strace $0x9000004F  }
0xb8: {  	s29 =	simm.s32 $0x9;
	_ =	strace $0x80000051  }
0xb9: {  	_ =	swait.ge [sflag:s29], $0x1  }
0xba: {  	[sflag:s29] =	ssyncadd.s32 $0xFFFFFFFF  }
0xbb: {  	_ =	strace $0x90000051  }
0xbc: {  	_ =	sfence  }
0xbd: {  	s30 =	sld [smem:$0x0];
	_ =	sdelay $0x2  }
0xbe: {  	s31 =	sshll.u32 s1, $0xD;
	s1 =	sshrl.u32 s1, $0x2  }
0xbf: {  	s3 =	sand.u32 $0x4000, s31;
	s1 =	sadd.s32 s1, s30  }
0xc0: {  	s0 =	sor.u32 s3, s0;
	s1 =	sshll.u32 s1, $0x11  }
0xc1: {  	s0 =	sor.u32 s1, s0  }
0xc2: {  	s0 =	sadd.s32 $0x8F2B, s0  }
0xc3: {  	[sflag:s0] =	ssyncadd.remote.s32 $0x1  }
0xc4: {  	_ =	sfence.sel $0xFFFF  }
0xc5: {  	[dreg:$0x0] =	wrdreg $0xFFFFFFFF;
	(pc) =	sbr.abs _section_cstart, $3  }
0xc6: {  	[dreg:$0x1] =	wrdreg $0xFFFFFFFF  }
0xc7: {  	_ =	task.clear_ibuf [dreg:s7], $0x2FFFF;
	_ =	strace $0x9FFFFFFF  }
0xc8: {  	(tm) =	ssettm $0x7FFFFFFF  }
0xc9: {  	_ =	shalt  }
tec
execute0_lowered:
.L_overlay_start_1:
0x0: {  	(tag) =	ssettag $0x1  }
0x1: {  	s0 =	srdreg.scid;
	s4 =	rddreg [dreg:$0x0]  }
0x2: {  	s7 =	rddreg [dreg:$0x1];
	s1 =	stileid.u32  }
0x3: {  	s2 =	simm.s32 $0x0;
	s10 =	simm.s32 $0x2800;
	s3 =	sand.u32 $0x1, s0  }
0x4: {  	s11 =	simm.s32 $0x5000;
	s12 =	simm.s32 $0x7780;
	s5 =	sshll.u32 s3, $0x4  }
0x5: {  	s13 =	simm.s32 $0x9F00;
	s14 =	simm.s32 $0x0;
	s5 =	sor.u32 s1, s5  }
0x6: {  	[smem:$0x7FF] =	sst s2;
	s31 =	ssub.s32 $0x2, s3;
	s8 =	smul.u32 $0x4E2, s5  }
0x7: {  	s0 =	rddreg [dreg:$0x2];
	_ =	strace $0x80000050;
	s9 =	sshrl.u32 s31, $0x1  }
0x8: {  	s3 =	sadd.s32 $0x16A00, s4;
	s9 =	ssub.s32 s31, s9;
	s6 =	sadd.s32 s8, s4  }
0x9: {  	s4 =	sadd.s32 $0x16400, s4;
	s7 =	sadd.s32 s7, s8;
	s8 =	smax.u32 s9, $0x1  }
0xa: {  	s9 =	simm.s32 $0x1;
	s5 =	sadd.s32 $0xC400, s6;
	s6 =	sadd.s32 $0x2400, s6  }
.LBB2_1:
0xb: {  	[tilespmem:s2], [sflag:$0x1] =	stream.linear.gather [hbm4b:s3+s2], $0x2800, $0x38;
	[tilespmem:$0xC680] =	vst v63  }
0xc: {  	_ =	swait.ge [sflag:s9], $0x2800  }
0xd: {  	[sflag:s9] =	ssyncset.done $0x0  }
0xe: {  	[sflag:s9] =	ssyncadd.s32 $0xFFFFD800  }
0xf: {  	[tilespmem:s10], [sflag:$0x1] =	stream.linear.gather [hbm4b:s4+s2], $0x2800, $0x38;
	[tilespmem:$0xC680] =	vst v63  }
0x10: {  	_ =	swait.ge [sflag:s9], $0x2800  }
0x11: {  	[sflag:s9] =	ssyncset.done $0x0  }
0x12: {  	[sflag:s9] =	ssyncadd.s32 $0xFFFFD800  }
0x13: {  	[tilespmem:s11], [sflag:$0x1] =	stream.linear.gather [hbm4b:s5+s2], $0x2710, $0x38;
	[tilespmem:$0xC680] =	vst v63  }
0x14: {  	_ =	swait.ge [sflag:s9], $0x2710  }
0x15: {  	[sflag:s9] =	ssyncset.done $0x0  }
0x16: {  	[sflag:s9] =	ssyncadd.s32 $0xFFFFD8F0  }
0x17: {  	[tilespmem:s12], [sflag:$0x1] =	stream.linear.gather [hbm4b:s6+s2], $0x2710, $0x38;
	[tilespmem:$0xC680] =	vst v63  }
0x18: {  	_ =	swait.ge [sflag:s9], $0x2710  }
0x19: {  	[sflag:s9] =	ssyncset.done $0x0  }
0x1a: {  	s15 =	simm.s32 $0x0;
	[sflag:s9] =	ssyncadd.s32 $0xFFFFD8F0  }
0x1b: {  	v0 =	vld [tilespmem:s15+$0x77C0]  }
0x1c: {  	v1 =	vld [tilespmem:s15+$0x77A0]  }
0x1d: {  	v2 =	vld [tilespmem:s15+$0x77B0]  }
0x1e: {  	v3 =	vld [tilespmem:s15+$0x7790]  }
0x1f: {  	v4 =	vld [tilespmem:s15+$0x7780]  }
0x20: {  	v5 =	vld [tilespmem:s15+$0x5030]  }
0x21: {  	v6 =	vld [tilespmem:s15+$0x5040]  }
0x22: {  	v7 =	vld [tilespmem:s15+$0x5000]  }
0x23: {  	v8 =	vld [tilespmem:s15+$0x5010]  }
0x24: {  	v9 =	vld [tilespmem:s15+$0x5020]  }
0x25: {  	v2 =	vld.idx.msk [tilespmem:v2+s10+$0x0], $0xffff  }
0x26: {  	v0 =	vld.idx.msk [tilespmem:v0+s10+$0x0], $0xffff  }
0x27: {  	v4 =	vld.idx.msk [tilespmem:v4+s10+$0x0], $0xffff  }
0x28: {  	v5 =	vld.idx.msk [tilespmem:v5+s2+$0x0], $0xffff  }
0x29: {  	v1 =	vld.idx.msk [tilespmem:v1+s10+$0x0], $0xffff  }
0x2a: {  	v7 =	vld.idx.msk [tilespmem:v7+s2+$0x0], $0xffff  }
0x2b: {  	v6 =	vld.idx.msk [tilespmem:v6+s2+$0x0], $0xffff  }
0x2c: {  	v9 =	vld.idx.msk [tilespmem:v9+s2+$0x0], $0xffff  }
0x2d: {  	v8 =	vld.idx.msk [tilespmem:v8+s2+$0x0], $0xffff;
	v2 =	vadd.f32 v2, v5  }
0x2e: {  	v3 =	vld.idx.msk [tilespmem:v3+s10+$0x0], $0xffff  }
0x2f: {  	v2 =	vsub.f32 $0.0e+00, v2  }
0x30: {  	v4 =	vadd.f32 v4, v7  }
0x31: {  	v0 =	vadd.f32 v0, v6;
	v2 =	vmul.f32 $1.442695020e+00, v2  }
0x32: {  	v1 =	vadd.f32 v1, v9;
	v4 =	vsub.f32 $0.0e+00, v4  }
0x33: {  	v3 =	vadd.f32 v3, v8;
	v0 =	vsub.f32 $0.0e+00, v0;
	(erf) = vpow2.f32 v2  }
0x34: {  	v1 =	vsub.f32 $0.0e+00, v1;
	v4 =	vmul.f32 $1.442695020e+00, v4  }
0x35: {  	v63 =	vsub.f32 $0.0e+00, v3;
	v0 =	vmul.f32 $1.442695020e+00, v0  }
0x36: {  	v1 =	vmul.f32 $1.442695020e+00, v1;
	(erf) = vpow2.f32 v4  }
0x37: {  	v2 =	vmul.f32 $1.442695020e+00, v63;
	(erf) = vpow2.f32 v0  }
0x38: {  	(erf) = vpow2.f32 v1  }
0x39: {  	s16 =	simm.s32 $0x140;
	(erf) = vpow2.f32 v2  }
.LBB2_2:
0x3a: {  	_ = 	snop  }
0x3b: {  	p0 =	sne.s32 s16, $0x9B00;
	s17 =	smov.u32 s16;
	s16 =	sadd.s32 $0x140, s16  }
0x3c: {  	s17 =	sshra.s32 s17, $0x2;
	v0 =	vpop (erf)  }
0x3d: {  	v1 =	vld [tilespmem:s17+$0x77C0];
	v0 =	vadd.f32 $1.000000000e+00, v0  }
0x3e: {  	v2 =	vld [tilespmem:s17+$0x77A0]  }
0x3f: {  	v3 =	vld [tilespmem:s17+$0x77B0];
	v4 =	vpop (erf);
	(erf) = vrcp.f32 v0  }
0x40: {  	v0 =	vld [tilespmem:s17+$0x7790];
	v4 =	vadd.f32 $1.000000000e+00, v4;
	v5 =	vpop (erf)  }
0x41: {  	v6 =	vld [tilespmem:s17+$0x7780];
	v5 =	vadd.f32 $1.000000000e+00, v5;
	v7 =	vpop (erf)  }
0x42: {  	v8 =	vld [tilespmem:s17+$0x5040];
	v7 =	vadd.f32 $1.000000000e+00, v7;
	v9 =	vpop (erf);
	(erf) = vrcp.f32 v4  }
0x43: {  	v4 =	vld [tilespmem:s17+$0x5030];
	v9 =	vadd.f32 $1.000000000e+00, v9;
	(erf) = vrcp.f32 v5  }
0x44: {  	v5 =	vld [tilespmem:s17+$0x5000];
	(erf) = vrcp.f32 v7  }
0x45: {  	(erf) = vrcp.f32 v9;
	_ =	sdelay $0x2  }
0x46: {  	v7 =	vpop (erf)  }
0x47: {  	[tilespmem:s15+$0x9F30] =	vst v7;
	_ =	sdelay $0x1  }
0x48: {  	v7 =	vpop (erf)  }
0x49: {  	[tilespmem:s15+$0x9F00] =	vst v7;
	v7 =	vpop (erf)  }
0x4a: {  	[tilespmem:s15+$0x9F40] =	vst v7;
	v7 =	vpop (erf)  }
0x4b: {  	v9 =	vld [tilespmem:s17+$0x5010];
	[tilespmem:s15+$0x9F20] =	vst v7;
	v7 =	vpop (erf)  }
0x4c: {  	v10 =	vld [tilespmem:s17+$0x5020];
	[tilespmem:s15+$0x9F10] =	vst v7;
	s15 =	smov.u32 s17  }
0x4d: {  	v3 =	vld.idx.msk [tilespmem:v3+s10+$0x0], $0xffff  }
0x4e: {  	v1 =	vld.idx.msk [tilespmem:v1+s10+$0x0], $0xffff  }
0x4f: {  	v6 =	vld.idx.msk [tilespmem:v6+s10+$0x0], $0xffff  }
0x50: {  	v4 =	vld.idx.msk [tilespmem:v4+s2+$0x0], $0xffff  }
0x51: {  	v2 =	vld.idx.msk [tilespmem:v2+s10+$0x0], $0xffff  }
0x52: {  	v5 =	vld.idx.msk [tilespmem:v5+s2+$0x0], $0xffff  }
0x53: {  	v7 =	vld.idx.msk [tilespmem:v8+s2+$0x0], $0xffff  }
0x54: {  	v8 =	vld.idx.msk [tilespmem:v10+s2+$0x0], $0xffff  }
0x55: {  	v9 =	vld.idx.msk [tilespmem:v9+s2+$0x0], $0xffff  }
0x56: {  	v3 =	vadd.f32 v3, v4;
	v0 =	vld.idx.msk [tilespmem:v0+s10+$0x0], $0xffff;
	_ =	sdelay $0x1  }
0x57: {  	v3 =	vsub.f32 $0.0e+00, v3  }
0x58: {  	v4 =	vadd.f32 v6, v5  }
0x59: {  	v1 =	vadd.f32 v1, v7;
	v3 =	vmul.f32 $1.442695020e+00, v3  }
0x5a: {  	v2 =	vadd.f32 v2, v8;
	v4 =	vsub.f32 $0.0e+00, v4  }
0x5b: {  	v1 =	vsub.f32 $0.0e+00, v1;
	v0 =	vadd.f32 v0, v9;
	(erf) = vpow2.f32 v3  }
0x5c: {  	v2 =	vsub.f32 $0.0e+00, v2;
	v3 =	vmul.f32 $1.442695020e+00, v4  }
.Ltmp0:
0x5d: {  	v1 =	vmul.f32 $1.442695020e+00, v1;
	v0 =	vsub.f32 $0.0e+00, v0;
	(pc) =	sbr.rel @p0 .LBB2_2-.Ltmp0, $4  }
0x5e: {  	v2 =	vmul.f32 $1.442695020e+00, v2;
	(erf) = vpow2.f32 v3  }
0x5f: {  	v0 =	vmul.f32 $1.442695020e+00, v0;
	(erf) = vpow2.f32 v1  }
0x60: {  	(erf) = vpow2.f32 v2  }
0x61: {  	(erf) = vpow2.f32 v0  }
0x62: {  	_ =	sdelay $0x3  }
0x63: {  	v0 =	vpop (erf)  }
0x64: {  	v0 =	vadd.f32 $1.000000000e+00, v0;
	v1 =	vpop (erf)  }
0x65: {  	v1 =	vadd.f32 $1.000000000e+00, v1;
	v2 =	vpop (erf)  }
0x66: {  	(erf) = vrcp.f32 v0;
	v56 =	vadd.f32 $1.000000000e+00, v2;
	v57 =	vpop (erf)  }
0x67: {  	v2 =	vadd.f32 $1.000000000e+00, v57;
	v3 =	vpop (erf);
	(erf) = vrcp.f32 v1  }
0x68: {  	v58 =	vadd.f32 $1.000000000e+00, v3;
	(erf) = vrcp.f32 v56  }
0x69: {  	(erf) = vrcp.f32 v2  }
0x6a: {  	(erf) = vrcp.f32 v58;
	_ =	sdelay $0x4  }
0x6b: {  	v59 =	vpop (erf)  }
0x6c: {  	[tilespmem:s15+$0x9F30] =	vst v59;
	v60 =	vpop (erf)  }
0x6d: {  	[tilespmem:s15+$0x9F00] =	vst v60;
	v61 =	vpop (erf)  }
0x6e: {  	s14 =	sadd.s32 $0x1, s14;
	[tilespmem:s15+$0x9F40] =	vst v61;
	v62 =	vpop (erf)  }
0x6f: {  	p0 =	sne.s32 s14, s8;
	[tilespmem:s15+$0x9F20] =	vst v62;
	v63 =	vpop (erf)  }
.Ltmp1:
0x70: {  	[tilespmem:s15+$0x9F10] =	vst v63;
	(pc) =	sbr.rel @p0 .LBB2_1-.Ltmp1, $4  }
0x71: {  	[hbm4b:s7+s2] =	stream.linear.scatter [tilespmem:s13], [sflag:$0x1], $0x2710, $0x38;
	[tilespmem:$0xC680] =	vst v63  }
0x72: {  	_ =	swait.ge [sflag:s9], $0x2710  }
0x73: {  	[sflag:s9] =	ssyncset.done $0x0  }
0x74: {  	[sflag:s9] =	ssyncadd.s32 $0xFFFFD8F0  }
0x75: {  	_ =	sfence.sel $0x180000  }
0x76: {  	[bflag:$0x0] =	sbarrier.arrive $0xFFFF  }
0x77: {  	p0 =	sne.s32 s1, $0x0;
	_ =	strace $0x90000050  }
0x78: {  	s0 =	sadd.s32 @!p0 $0x100000, s0;
	[bflag:$0x2] =	sbarrier.arrive $0xFFFF  }
0x79: {  	[sflag:s0] =	ssyncadd.tile.s32 @!p0 $0x1;
	_ =	shalt  }
.Lfunc_end2:
_tile_overlayer_lowered:
.L_overlay_start_2:
0x7a: {  	(tag) =	ssettag $0x2  }
0x7b: {  	s0 =	rddreg [dreg:$0x0];
	s2 =	stileid.u32  }
0x7c: {  	s1 =	rddreg [dreg:$0x1];
	p0 =	sne.s32 s2, $0x0  }
0x7d: {  	s3 =	rddreg [dreg:$0x2];
	[bflag:$0x3] =	sbarrier.arrive $0xFFFF;
	s2 =	simm.s32 @!p0 $0x1C01  }
0x7e: {  	[timem:s3], [sflag:s2] =	dma.local @!p0 [hbm:s0], s1  }
0x7f: {  	s0 =	simm.s32 @!p0 $0x1  }
0x80: {  	_ =	swait.ge @!p0 [sflag:s0], s1  }
0x81: {  	s1 =	ssub.s32 @!p0 $0x0, s1;
	[sflag:s0] =	ssyncset.done @!p0 $0x0  }
0x82: {  	[sflag:s0] =	ssyncadd.s32 @!p0 s1  }
0x83: {  	[bflag:$0x3] =	sbarrier.arrive $0xFFFF  }
0x84: {  	_ =	shalt  }

// kernel: kernel.9.cloned.1.call-start
scs
__scs_entry_jumppad:
0x0: {  	(pc) =	sbr.rel $0x88, $3  }
0x1: {  	(tag) =	ssettag $0x0;
	lr =	simm.s32 $0x1  }
0x2: {  	[smem:$0x3F95] =	sst lr;
	_ =	strace $0xD0000000  }
0x3: {  	_ = 	snop  }
0x4: {  	_ = 	snop  }
0x5: {  	_ = 	snop  }
0x6: {  	_ = 	snop  }
0x7: {  	_ = 	snop  }
__scs_overlays_trampoline_lowered:
0x8: {  	[smem:$0x3FA4] =	sst s0  }
0x9: {  	[smem:$0x3FA5] =	sst s1  }
0xa: {  	[smem:$0x3FA6] =	sst s2  }
0xb: {  	[smem:$0x3FA7] =	sst s3  }
0xc: {  	[smem:$0x3FA8] =	sst s4  }
0xd: {  	[smem:$0x3FA9] =	sst s5  }
0xe: {  	[smem:$0x3FAA] =	sst s6  }
0xf: {  	[smem:$0x3FAB] =	sst s7  }
0x10: {  	[smem:$0x3FAC] =	sst s8  }
0x11: {  	[smem:$0x3FAD] =	sst s9;
	s0 =	simm.s32 @!p0 $0x0  }
0x12: {  	s1 =	sld [smem:$0x3F93];
	s0 =	simm.s32 @p0 $0x1  }
0x13: {  	[smem:$0x3FAE] =	sst s0;
	s0 =	simm.s32 @!p1 $0x0  }
0x14: {  	s2 =	sld [smem:$0x3F92];
	s0 =	simm.s32 @p1 $0x1  }
0x15: {  	[smem:$0x3FAF] =	sst s0;
	s0 =	simm.s32 @!p2 $0x0  }
0x16: {  	s3 =	sld [smem:$0x3FDB];
	s0 =	simm.s32 @p2 $0x1  }
0x17: {  	s4 =	simm.s32 $0x1BF5;
	[smem:$0x3FB1] =	sst s0  }
0x18: {  	s0 =	sld [smem:$0x3F94];
	_ =	swait.ge [sflag:s4], $0x0  }
0x19: {  	s7 =	sld [smem:$0x3F95]  }
0x1a: {  	s8 =	sadd.s32 $0xFFFFE003, lr  }
0x1b: {  	s9 =	sadd.s32 $0xFFFFFEF7, lr;
	s5 =	simm.s32 $0xFFFFFFFF;
	p2 =	slt.u32 s8, $0xFFFFF086  }
0x1c: {  	p1 =	slt.u32 s9, $0xF7A;
	s5 =	simm.s32 @!p2 $0x0  }
0x1d: {  	s5 =	simm.s32 @p1 $0x1;
	p0 =	seq.s32 s7, s2  }
0x1e: {  	s7 =	smul.u32 @!p0 $0xF7A, s2;
	p2 =	seq.s32 @!p0 s5, $0x0  }
0x1f: {  	s9 =	smul.u32 $0xF7A, s1;
	s8 =	simm.s32 @!p0 $0x1BF5;
	p2 =	por !p2, p0  }
0x20: {  	[sflag:s8] =	ssyncset.s32 @!p0 $0xFFFFF086;
	s6 =	sadd.s32 @!p0 s3, s7;
	s7 =	simm.s32 @!p0 $0x108  }
0x21: {  	s3 =	sadd.s32 s3, s9;
	s6 =	sadd.s32 @!p0 $0x88, s6;
	s7 =	simm.s32 @p2 $0x1082  }
0x22: {  	[simem:s7], [sflag:s8] =	dma.local @!p0 [hbm:s6], $0xF7A  }
0x23: {  	s9 =	sor.u32 $0xD0000000, s2;
	s6 =	simm.s32 $0x108;
	_ =	swait.ge @!p0 [sflag:s8], $0x0  }
0x24: {  	s3 =	sadd.s32 $0x88, s3;
	s6 =	simm.s32 @!p1 $0x1082;
	[sflag:s4] =	ssyncset.s32 $0xFFFFF086  }
0x25: {  	[simem:s6], [sflag:s4] =	dma.local [hbm:s3], $0xF7A  }
0x26: {  	[smem:$0x3F95] =	sst s1;
	(tag) =	ssettag s2;
	_ =	strace s9  }
0x27: {  	s1 =	sld [smem:$0x3FA5]  }
0x28: {  	s2 =	sld [smem:$0x3FA6]  }
0x29: {  	s4 =	sld [smem:$0x3FA8]  }
0x2a: {  	p0 =	seq.s32 s5, $0x0;
	s5 =	sld [smem:$0x3FA9]  }
0x2b: {  	s6 =	sld [smem:$0x3FAA]  }
0x2c: {  	s7 =	sld [smem:$0x3FAB]  }
0x2d: {  	s3 =	simm.s32 $0x108;
	s8 =	sld [smem:$0x3FAC]  }
0x2e: {  	s3 =	simm.s32 @!p0 $0x1082;
	s9 =	sld [smem:$0x3FAD]  }
0x2f: {  	lr =	sadd.s32 s0, s3;
	s0 =	sld [smem:$0x3FA4]  }
0x30: {  	s3 =	sld [smem:$0x3FA7]  }
0x31: {  	[smem:$0x3FB0] =	sst s10  }
0x32: {  	s10 =	sld [smem:$0x3FAE];
	_ =	sdelay $0x3  }
0x33: {  	p0 =	seq.s32 s10, $0x1;
	s10 =	sld [smem:$0x3FB0];
	_ =	sdelay $0x3  }
0x34: {  	[smem:$0x3FB0] =	sst s10  }
0x35: {  	s10 =	sld [smem:$0x3FAF];
	_ =	sdelay $0x3  }
0x36: {  	p1 =	seq.s32 s10, $0x1;
	s10 =	sld [smem:$0x3FB0];
	_ =	sdelay $0x3  }
0x37: {  	[smem:$0x3FB0] =	sst s10  }
0x38: {  	s10 =	sld [smem:$0x3FB1]  }
0x39: {  	_ = 	snop;
	(pc) =	sbr.ind lr, $3  }
0x3a: {  	_ = 	snop  }
0x3b: {  	_ = 	snop  }
0x3c: {  	p2 =	seq.s32 s10, $0x1;
	s10 =	sld [smem:$0x3FB0]  }
0x3d: {  	_ =	shalt  }
0x3e: {  	_ =	shalt  }
0x3f: {  	_ =	shalt  }
0x40: {  	_ =	shalt  }
0x41: {  	_ =	shalt  }
0x42: {  	_ =	shalt  }
0x43: {  	_ =	shalt  }
0x44: {  	_ =	shalt  }
0x45: {  	_ =	shalt  }
0x46: {  	_ =	shalt  }
0x47: {  	_ =	shalt  }
0x48: {  	_ =	shalt  }
0x49: {  	_ =	shalt  }
0x4a: {  	_ =	shalt  }
0x4b: {  	_ =	shalt  }
0x4c: {  	_ =	shalt  }
0x4d: {  	_ =	shalt  }
0x4e: {  	_ =	shalt  }
0x4f: {  	_ =	shalt  }
0x50: {  	_ =	shalt  }
0x51: {  	_ =	shalt  }
0x52: {  	_ =	shalt  }
0x53: {  	_ =	shalt  }
0x54: {  	_ =	shalt  }
0x55: {  	_ =	shalt  }
0x56: {  	_ =	shalt  }
0x57: {  	_ =	shalt  }
0x58: {  	_ =	shalt  }
0x59: {  	_ =	shalt  }
0x5a: {  	_ =	shalt  }
0x5b: {  	_ =	shalt  }
0x5c: {  	_ =	shalt  }
0x5d: {  	_ =	shalt  }
0x5e: {  	_ =	shalt  }
0x5f: {  	_ =	shalt  }
0x60: {  	_ =	shalt  }
0x61: {  	_ =	shalt  }
0x62: {  	_ =	shalt  }
0x63: {  	_ =	shalt  }
0x64: {  	_ =	shalt  }
0x65: {  	_ =	shalt  }
0x66: {  	_ =	shalt  }
0x67: {  	_ =	shalt  }
0x68: {  	_ =	shalt  }
0x69: {  	_ =	shalt  }
0x6a: {  	_ =	shalt  }
0x6b: {  	_ =	shalt  }
0x6c: {  	_ =	shalt  }
0x6d: {  	_ =	shalt  }
0x6e: {  	_ =	shalt  }
0x6f: {  	_ =	shalt  }
0x70: {  	_ =	shalt  }
0x71: {  	_ =	shalt  }
0x72: {  	_ =	shalt  }
0x73: {  	_ =	shalt  }
0x74: {  	_ =	shalt  }
0x75: {  	_ =	shalt  }
0x76: {  	_ =	shalt  }
0x77: {  	_ =	shalt  }
0x78: {  	_ =	shalt  }
0x79: {  	_ =	shalt  }
0x7a: {  	_ =	shalt  }
0x7b: {  	_ =	shalt  }
0x7c: {  	_ =	shalt  }
0x7d: {  	_ =	shalt  }
0x7e: {  	_ =	shalt  }
0x7f: {  	_ =	shalt  }
0x80: {  	_ =	shalt  }
0x81: {  	_ =	shalt  }
0x82: {  	_ =	shalt  }
0x83: {  	_ =	shalt  }
0x84: {  	_ =	shalt  }
0x85: {  	_ =	shalt  }
0x86: {  	_ =	shalt  }
0x87: {  	_ =	shalt  }
.Lfunc_end0:
.L_simem_size_0:
called_computation_lowered:
.L_overlay_start_0:
0x88: {  	s2 =	sld [smem:$0x3FD9]  }
0x89: {  	s3 =	sld [smem:$0x3FFE];
	_ =	sdelay $0x1  }
0x8a: {  	s1 =	srdreg.scid  }
0x8b: {  	s0 =	sand.u32 $0x1, s1  }
0x8c: {  	s16 =	sshll.u32 s0, $0xA;
	s2 =	sadd.s32 s3, s2  }
0x8d: {  	s2 =	sadd.s32 s2, s16  }
0x8e: {  	[smem:$0x3FBC] =	sst s2  }
0x8f: {  	_ = 	snop  }
0x90: {  	(tm) =	ssettm $0x1  }
0x91: {  	s17 =	sld [smem:$0x3FFB];
	_ =	sdelay $0x3  }
0x92: {  	_ =	strace s17  }
0x93: {  	s2 =	sld [smem:$0x3FFC];
	_ =	sdelay $0x3  }
0x94: {  	_ =	strace s2  }
0x95: {  	s2 =	sld [smem:$0x3FFD];
	_ =	sdelay $0x3  }
0x96: {  	_ =	strace s2  }
0x97: {  	_ =	strace $0x8FFFFFFF  }
0x98: {  	s18 =	sld [smem:$0x3FDB];
	_ =	sdelay $0x1  }
0x99: {  	s19 =	simm.s32 $_scs_section_size  }
0x9a: {  	s4 =	simm.s32 $_size__tile_overlayer_lowered;
	s5 =	simm.s32 $_tile_overlayer_lowered  }
0x9b: {  	s22 =	simm.s32 $0x1BFF;
	s21 =	sshll.u32 s5, $0x1;
	s2 =	sadd.s32 s19, s18  }
0x9c: {  	s6 =	simm.s32 $0x0;
	s20 =	sshll.u32 s4, $0x1;
	s4 =	sadd.s32 s21, s2  }
0x9d: {  	[timem:s6], [sflag:s22] =	dma.local [hbm:s4], s20  }
0x9e: {  	_ =	swait.ge [sflag:s22], s20  }
0x9f: {  	s3 =	ssub.s32 $0x0, s20;
	[sflag:s22] =	ssyncset.done $0x0  }
0xa0: {  	[sflag:s22] =	ssyncadd.s32 s3;
	_ =	sdelay $0x1  }
0xa1: {  	s23 =	simm.s32 $0x1B8B  }
0xa2: {  	_ =	swait.ge [sflag:s23], $0x1  }
0xa3: {  	[sflag:s23] =	ssyncset.done $0x0  }
0xa4: {  	s25 =	simm.s32 $0x1B8E;
	s24 =	sld [smem:$0x3FFE];
	[sflag:s23] =	ssyncadd.s32 $0xFFFFFFFF  }
0xa5: {  	s26 =	simm.s32 $execute0_lowered;
	[smem:$0x3FD2] =	sst s25  }
0xa6: {  	s4 =	sshll.u32 s26, $0x1;
	_ =	strace $0x80000046;
	[dreg:$0x1] =	wrdreg $0xFFFFFFFF  }
0xa7: {  	s28 =	simm.s32 $_size_execute0_lowered;
	s2 =	sadd.s32 s2, s4;
	[dreg:$0x0] =	wrdreg $0x0  }
0xa8: {  	s4 =	sshll.u32 s28, $0x1;
	[dreg:$0x2] =	wrdreg s2  }
0xa9: {  	[dreg:$0x3] =	wrdreg s4  }
0xaa: {  	[dreg:$0x4] =	wrdreg $0xC0  }
0xab: {  	_ =	task [dreg:s6], $0x5FFFF  }
0xac: {  	[dreg:$0x1] =	wrdreg $0xFFFFFFFF  }
0xad: {  	[dreg:$0x0] =	wrdreg $0x60  }
0xae: {  	[dreg:$0x2] =	wrdreg s24  }
0xaf: {  	[dreg:$0x3] =	wrdreg $0x9  }
0xb0: {  	_ =	task.clear_ibuf [dreg:s6], $0x4FFFF;
	_ =	strace $0x90000046  }
0xb1: {  	s29 =	simm.s32 $0x9;
	_ =	strace $0x80000048  }
0xb2: {  	_ =	swait.ge [sflag:s29], $0x1  }
0xb3: {  	[sflag:s29] =	ssyncadd.s32 $0xFFFFFFFF  }
0xb4: {  	_ =	strace $0x90000048  }
0xb5: {  	_ =	sfence  }
0xb6: {  	s30 =	sld [smem:$0x0];
	_ =	sdelay $0x2  }
0xb7: {  	s31 =	sshll.u32 s1, $0xD;
	s1 =	sshrl.u32 s1, $0x2  }
0xb8: {  	s3 =	sand.u32 $0x4000, s31;
	s1 =	sadd.s32 s1, s30  }
0xb9: {  	s0 =	sor.u32 s3, s0;
	s1 =	sshll.u32 s1, $0x11  }
0xba: {  	s0 =	sor.u32 s1, s0  }
0xbb: {  	s0 =	sadd.s32 $0x8F2B, s0  }
0xbc: {  	[sflag:s0] =	ssyncadd.remote.s32 $0x1  }
0xbd: {  	_ =	sfence.sel $0xFFFF  }
0xbe: {  	[dreg:$0x0] =	wrdreg $0xFFFFFFFF;
	(pc) =	sbr.abs _section_cstart, $3  }
0xbf: {  	[dreg:$0x1] =	wrdreg $0xFFFFFFFF  }
0xc0: {  	_ =	task.clear_ibuf [dreg:s6], $0x2FFFF;
	_ =	strace $0x9FFFFFFF  }
0xc1: {  	(tm) =	ssettm $0x7FFFFFFF  }
tec
execute0_lowered:
.L_overlay_start_1:
0x0: {  	(tag) =	ssettag $0x1  }
0x1: {  	s3 =	rddreg [dreg:$0x0];
	s1 =	simm.s32 $0x0  }
0x2: {  	[smem:$0x7FF] =	sst s1  }
0x3: {  	s0 =	rddreg [dreg:$0x1];
	v0 =	vimm.s32 $0x0;
	_ =	strace $0x80000047  }
0x4: {  	(xrf1) =	vunique.msk.u32 $0xffff, v0;
	_ =	sdelay $0xd  }
0x5: {  	_, v1, _ =	vpop (xrf1)  }
0x6: {  	v1 =	vxor.u32 $0x80000000, v1  }
0x7: {  	(xrf0) =	vmax.scan.msk.u32 $0xffff, v1;
	_ =	sdelay $0x5  }
0x8: {  	v1, _, _ =	vpop (xrf0)  }
0x9: {  	(v2sf) =	vpush v1, $0xF;
	_ =	sdelay $0x6  }
0xa: {  	s2 =	srdreg.scid  }
0xb: {  	s4 =	sand.u32 $0x1, s2  }
0xc: {  	s2 =	stileid.u32;
	s5 =	sshll.u32 s4, $0x4  }
0xd: {  	s5 =	sor.u32 s2, s5  }
0xe: {  	s6 =	smul.u32 $0x500, s5;
	s5 =	sshrl.u32 s5, $0x3  }
0xf: {  	s7 =	sshll.u32 s2, $0x7;
	s4 =	ssub.s32 $0x2, s4;
	s5 =	smul.u32 $0x14000, s5  }
0x10: {  	s7 =	sand.u32 $0x380, s7;
	s31 =	sshrl.u32 s4, $0x1  }
0x11: {  	s9 =	simm.s32 $0x400;
	s8 =	ssub.s32 s4, s31;
	s5 =	sor.u32 s7, s5  }
0x12: {  	s6 =	sadd.s32 s6, s3;
	s5 =	sshrl.u32 s5, $0x3;
	s30 =	spop (v2sf)  }
0x13: {  	s5 =	sadd.s32 s5, s3;
	s3 =	sadd.s32 $0x2400, s6;
	s7 =	sxor.u32 $0x80000000, s30  }
0x14: {  	s6 =	simm.s32 $0x1;
	s4 =	sadd.s32 $0x16400, s5;
	s7 =	ssub.s32 $0x10, s7  }
0x15: {  	s5 =	smax.u32 s8, $0x1;
	s8 =	simm.s32 $0x80;
	v1 =	vmov s7;
	s7 =	simm.s32 $0x2800  }
.LBB2_1:
0x16: {  	s10 =	simm.s32 $0x40;
	s11 =	simm.s32 $0x0  }
.LBB2_2:
0x17: {  	p0 =	sne.s32 s10, $0x9FC0;
	[tilespmem:s11+$0x2800] =	vst v0;
	s11 =	smov.u32 s10;
	s10 =	sadd.s32 $0x40, s10  }
.Ltmp0:
0x18: {  	(pc) =	sbr.rel @p0 .LBB2_2-.Ltmp0, $2  }
0x19: {  	_ =	sdelay $0x2  }
0x1a: {  	s11 =	sshra.s32 s11, $0x2  }
0x1b: {  	[tilespmem:s11+$0x2800] =	vst v0;
	s10 =	simm.s32 $0x0  }
0x1c: {  	[tilespmem:s10], [sflag:$0x1] =	stream.linear.gather [hbm4b:s3+s10], $0x2800, $0x38;
	[tilespmem:$0x5000] =	vst v63  }
0x1d: {  	_ =	swait.ge [sflag:s6], $0x2800  }
0x1e: {  	[sflag:s6] =	ssyncset.done $0x0  }
0x1f: {  	s31 =	simm.s32 $0x0;
	[sflag:s6] =	ssyncadd.s32 $0xFFFFD800  }
0x20: {  	v3 =	vld [tilespmem:s31+$0x0]  }
0x21: {  	v4 =	vld [tilespmem:s31+$0x10]  }
0x22: {  	v5 =	vld [tilespmem:s31+$0x20]  }
0x23: {  	v6 =	vld [tilespmem:s31+$0x30]  }
0x24: {  	v7 =	vld [tilespmem:s31+$0x40]  }
0x25: {  	v8 =	vld [tilespmem:s31+$0x50];
	(xrf1) =	vunique.msk.u32 $0xffff, v3  }
0x26: {  	v9 =	vld [tilespmem:s31+$0x60];
	(xrf1) =	vunique.msk.u32 $0xffff, v4  }
0x27: {  	(xrf1) =	vunique.msk.u32 $0xffff, v5  }
0x28: {  	v2 =	vld [tilespmem:s31+$0x70];
	(xrf1) =	vunique.msk.u32 $0xffff, v6  }
0x29: {  	(xrf1) =	vunique.msk.u32 $0xffff, v7  }
0x2a: {  	(xrf1) =	vunique.msk.u32 $0xffff, v8  }
0x2b: {  	(xrf1) =	vunique.msk.u32 $0xffff, v9;
	_ =	sdelay $0x1  }
0x2c: {  	(xrf1) =	vunique.msk.u32 $0xffff, v2;
	_ =	sdelay $0x5  }
0x2d: {  	_, v10, vm0 =	vpop (xrf1)  }
0x2e: {  	_, v11, vm1 =	vpop (xrf1)  }
0x2f: {  	_, v12, vm2 =	vpop (xrf1)  }
0x30: {  	_, v13, vm3 =	vpop (xrf1)  }
0x31: {  	_, v14, vm4 =	vpop (xrf1)  }
0x32: {  	v10 =	vadd.s32 v1, v10;
	_, v15, vm5 =	vpop (xrf1)  }
0x33: {  	[tilespmem:v3+s7+$0x0] =	vst.idx.add.s32.msk vm0, v10;
	v3 =	vadd.s32 v1, v11;
	_, v63, vm6 =	vpop (xrf1)  }
0x34: {  	[tilespmem:v4+s7+$0x0] =	vst.idx.add.s32.msk vm1, v3;
	v3 =	vadd.s32 v1, v12  }
0x35: {  	_, v4, vm0 =	vpop (xrf1);
	[tilespmem:v5+s7+$0x0] =	vst.idx.add.s32.msk vm2, v3;
	v3 =	vadd.s32 v1, v13  }
0x36: {  	[tilespmem:v6+s7+$0x0] =	vst.idx.add.s32.msk vm3, v3;
	v3 =	vadd.s32 v1, v14  }
0x37: {  	[tilespmem:v7+s7+$0x0] =	vst.idx.add.s32.msk vm4, v3;
	v3 =	vadd.s32 v1, v15  }
0x38: {  	[tilespmem:v8+s7+$0x0] =	vst.idx.add.s32.msk vm5, v3;
	v3 =	vadd.s32 v1, v63  }
0x39: {  	s11 =	simm.s32 $0x400;
	s10 =	simm.s32 $0x200;
	[tilespmem:v9+s7+$0x0] =	vst.idx.add.s32.msk vm6, v3;
	v3 =	vadd.s32 v1, v4  }
.LBB2_4:
0x3a: {  	p0 =	sne.s32 s11, $0x9E00  }
0x3b: {  	s12 =	sshra.s32 s10, $0x2;
	[tilespmem:v2+s7+$0x0] =	vst.idx.add.s32.msk vm0, v3;
	s10 =	smov.u32 s11;
	s11 =	sadd.s32 $0x200, s11  }
0x3c: {  	v3 =	vld [tilespmem:s12+$0x0]  }
0x3d: {  	v4 =	vld [tilespmem:s12+$0x10]  }
0x3e: {  	v5 =	vld [tilespmem:s12+$0x20]  }
0x3f: {  	v6 =	vld [tilespmem:s12+$0x30]  }
0x40: {  	v7 =	vld [tilespmem:s12+$0x40]  }
0x41: {  	v8 =	vld [tilespmem:s12+$0x50];
	(xrf1) =	vunique.msk.u32 $0xffff, v3  }
0x42: {  	v9 =	vld [tilespmem:s12+$0x60];
	(xrf1) =	vunique.msk.u32 $0xffff, v4  }
0x43: {  	v2 =	vld [tilespmem:s12+$0x70];
	(xrf1) =	vunique.msk.u32 $0xffff, v5  }
0x44: {  	(xrf1) =	vunique.msk.u32 $0xffff, v6  }
0x45: {  	(xrf1) =	vunique.msk.u32 $0xffff, v7  }
0x46: {  	(xrf1) =	vunique.msk.u32 $0xffff, v8  }
0x47: {  	(xrf1) =	vunique.msk.u32 $0xffff, v9  }
0x48: {  	(xrf1) =	vunique.msk.u32 $0xffff, v2;
	_ =	sdelay $0x6  }
0x49: {  	_, v10, vm0 =	vpop (xrf1)  }
0x4a: {  	_, v11, vm1 =	vpop (xrf1)  }
0x4b: {  	_, v12, vm2 =	vpop (xrf1)  }
0x4c: {  	_, v13, vm3 =	vpop (xrf1)  }
0x4d: {  	_, v14, vm4 =	vpop (xrf1)  }
0x4e: {  	v16 =	vadd.s32 v1, v10;
	_, v15, vm5 =	vpop (xrf1)  }
0x4f: {  	[tilespmem:v3+s7+$0x0] =	vst.idx.add.s32.msk vm0, v16;
	v3 =	vadd.s32 v1, v11;
	_, v10, vm6 =	vpop (xrf1)  }
0x50: {  	[tilespmem:v4+s7+$0x0] =	vst.idx.add.s32.msk vm1, v3;
	v3 =	vadd.s32 v1, v12;
	_, v4, vm0 =	vpop (xrf1)  }
.Ltmp1:
0x51: {  	[tilespmem:v5+s7+$0x0] =	vst.idx.add.s32.msk vm2, v3;
	v3 =	vadd.s32 v1, v13;
	(pc) =	sbr.rel @p0 .LBB2_4-.Ltmp1, $4  }
0x52: {  	[tilespmem:v6+s7+$0x0] =	vst.idx.add.s32.msk vm3, v3;
	v3 =	vadd.s32 v1, v14  }
0x53: {  	[tilespmem:v7+s7+$0x0] =	vst.idx.add.s32.msk vm4, v3;
	v3 =	vadd.s32 v1, v15  }
0x54: {  	[tilespmem:v8+s7+$0x0] =	vst.idx.add.s32.msk vm5, v3;
	v3 =	vadd.s32 v1, v10  }
0x55: {  	[tilespmem:v9+s7+$0x0] =	vst.idx.add.s32.msk vm6, v3;
	v3 =	vadd.s32 v1, v4  }
0x56: {  	_ =	sdelay $0x4  }
0x57: {  	s10 =	sshra.s32 s10, $0x2;
	[tilespmem:v2+s7+$0x0] =	vst.idx.add.s32.msk vm0, v3  }
0x58: {  	v2 =	vld [tilespmem:s10+$0x0]  }
0x59: {  	v3 =	vld [tilespmem:s10+$0x10]  }
0x5a: {  	v4 =	vld [tilespmem:s10+$0x20]  }
0x5b: {  	v5 =	vld [tilespmem:s10+$0x30]  }
0x5c: {  	v6 =	vld [tilespmem:s10+$0x40]  }
0x5d: {  	v7 =	vld [tilespmem:s10+$0x50];
	(xrf1) =	vunique.msk.u32 $0xffff, v2  }
0x5e: {  	v8 =	vld [tilespmem:s10+$0x60];
	(xrf1) =	vunique.msk.u32 $0xffff, v3  }
0x5f: {  	v9 =	vld [tilespmem:s10+$0x70];
	(xrf1) =	vunique.msk.u32 $0xffff, v4  }
0x60: {  	(xrf1) =	vunique.msk.u32 $0xffff, v5  }
0x61: {  	(xrf1) =	vunique.msk.u32 $0xffff, v6  }
0x62: {  	(xrf1) =	vunique.msk.u32 $0xffff, v7  }
0x63: {  	(xrf1) =	vunique.msk.u32 $0xffff, v8  }
0x64: {  	(xrf1) =	vunique.msk.u32 $0xffff, v9;
	_ =	sdelay $0x6  }
0x65: {  	_, v10, vm15 =	vpop (xrf1)  }
0x66: {  	_, v11, vm1 =	vpop (xrf1)  }
0x67: {  	v10 =	vadd.s32 v1, v10;
	_, v12, vm2 =	vpop (xrf1)  }
0x68: {  	_, v13, vm3 =	vpop (xrf1)  }
0x69: {  	_, v14, vm4 =	vpop (xrf1)  }
0x6a: {  	_, v15, vm5 =	vpop (xrf1)  }
0x6b: {  	[tilespmem:v2+s7+$0x0] =	vst.idx.add.s32.msk vm15, v10;
	v2 =	vadd.s32 v1, v11;
	_, v10, vm0 =	vpop (xrf1)  }
0x6c: {  	[tilespmem:v3+s7+$0x0] =	vst.idx.add.s32.msk vm1, v2;
	v2 =	vadd.s32 v1, v12;
	_, v3, vm1 =	vpop (xrf1)  }
0x6d: {  	[tilespmem:v4+s7+$0x0] =	vst.idx.add.s32.msk vm2, v2;
	v2 =	vadd.s32 v1, v13  }
0x6e: {  	[tilespmem:v5+s7+$0x0] =	vst.idx.add.s32.msk vm3, v2;
	v2 =	vadd.s32 v1, v14  }
0x6f: {  	[tilespmem:v6+s7+$0x0] =	vst.idx.add.s32.msk vm4, v2;
	v2 =	vadd.s32 v1, v15  }
0x70: {  	s1 =	sadd.s32 $0x1, s1;
	[tilespmem:v7+s7+$0x0] =	vst.idx.add.s32.msk vm5, v2;
	v2 =	vadd.s32 v1, v10  }
0x71: {  	p0 =	sne.s32 s1, s5;
	[tilespmem:v8+s7+$0x0] =	vst.idx.add.s32.msk vm0, v2;
	v2 =	vadd.s32 v1, v3  }
.Ltmp2:
0x72: {  	[tilespmem:v9+s7+$0x0] =	vst.idx.add.s32.msk vm1, v2;
	(pc) =	sbr.rel @p0 .LBB2_1-.Ltmp2, $4  }
0x73: {  	[hbm4b:s4+s8] =	stream.strided.scatter [tilespmem:s7], [sflag:$0x1], $0x2800, s9, s8, $0x38;
	[tilespmem:$0x5000] =	vst v63  }
0x74: {  	_ =	swait.ge [sflag:s6], $0x2800  }
0x75: {  	[sflag:s6] =	ssyncset.done $0x0  }
0x76: {  	[sflag:s6] =	ssyncadd.s32 $0xFFFFD800  }
0x77: {  	_ =	sfence.sel $0x180000  }
0x78: {  	[bflag:$0x0] =	sbarrier.arrive $0xFFFF  }
0x79: {  	p0 =	sne.s32 s2, $0x0;
	_ =	strace $0x90000047  }
0x7a: {  	s0 =	sadd.s32 @!p0 $0x100000, s0;
	[bflag:$0x2] =	sbarrier.arrive $0xFFFF  }
0x7b: {  	[sflag:s0] =	ssyncadd.tile.s32 @!p0 $0x1;
	_ =	shalt  }
.Lfunc_end2:
_tile_overlayer_lowered:
.L_overlay_start_2:
0x7c: {  	(tag) =	ssettag $0x2  }
0x7d: {  	s0 =	rddreg [dreg:$0x0];
	s2 =	stileid.u32  }
0x7e: {  	s1 =	rddreg [dreg:$0x1];
	p0 =	sne.s32 s2, $0x0  }
0x7f: {  	s3 =	rddreg [dreg:$0x2];
	[bflag:$0x3] =	sbarrier.arrive $0xFFFF;
	s2 =	simm.s32 @!p0 $0x1C01  }
0x80: {  	[timem:s3], [sflag:s2] =	dma.local @!p0 [hbm:s0], s1  }
0x81: {  	s0 =	simm.s32 @!p0 $0x1  }
0x82: {  	_ =	swait.ge @!p0 [sflag:s0], s1  }
0x83: {  	s1 =	ssub.s32 @!p0 $0x0, s1;
	[sflag:s0] =	ssyncset.done @!p0 $0x0  }
0x84: {  	[sflag:s0] =	ssyncadd.s32 @!p0 s1  }
0x85: {  	[bflag:$0x3] =	sbarrier.arrive $0xFFFF  }
0x86: {  	_ =	shalt  }

</sc_bundles>
